<compile_context>
chip_gen: v7x
topology: tpu7x:2x2x1
jax: 0.10.2.dev20260603
libtpu: 0.0.44.dev20260713+nightly
codegen_flags: <defaults>
</compile_context>

<pallas_src>
import functools

import jax
import jax.numpy as jnp
from jax import lax
from jax.experimental import pallas as pl
from jax.experimental.pallas import tpu as pltpu
from jax.experimental.pallas import tpu_sc as plsc

B = 4
T = 4096
V = 8192
D = 1024
NC = 2
NS = 16
L = 16
NW = NC * NS
CH = 32
NJ = 8
NBUF = 3

_mesh = plsc.VectorSubcoreMesh(
    core_axis_name="c", subcore_axis_name="s", num_cores=NC, num_subcores=NS
)


@functools.partial(
    pl.kernel,
    out_type=jax.ShapeDtypeStruct((B * T, D), jnp.float32),
    mesh=_mesh,
    compiler_params=pltpu.CompilerParams(
        needs_layout_passes=False,
        disable_bounds_checks=True,
        disable_semaphore_checks=True,
        skip_device_barrier=True,
    ),
    scratch_types=[
        pltpu.VMEM((L,), jnp.int32),
        pltpu.VMEM((NBUF * B, CH), jnp.int32),
        [pltpu.VMEM((CH, D), jnp.float32)] * NBUF,
        pltpu.VMEM((L, D), jnp.float32),
        [pltpu.SemaphoreType.DMA] * NBUF,
        [pltpu.SemaphoreType.DMA] * (NBUF * B),
        [pltpu.SemaphoreType.DMA] * 2,
    ],
)
def _sc_gather(off_hbm, weight_hbm, out_hbm, off_v, idxw, bufs, bufp, sg, ss, sp):
    wid = lax.axis_index("s") * NC + lax.axis_index("c")

    pltpu.sync_copy(off_hbm, off_v.at[pl.ds(0, B)])
    off_vec = off_v[...]
    lane = lax.iota(jnp.int32, L)
    offs = [jnp.sum(jnp.where(lane == b, off_vec, 0)) for b in range(B)]
    o_min = jnp.min(jnp.where(lane < B, off_vec, V))
    o_max = jnp.max(jnp.where(lane < B, off_vec, 0))
    gstart = pl.multiple_of(o_min - o_min % 8, 8)
    gend = o_max + T
    ramp = lax.iota(jnp.int32, L)

    def chunk_conds(jj):
        c0 = gstart + (wid + jj * NW) * CH
        act = jnp.logical_and(c0 + CH <= V, c0 < gend)
        cov = [
            jnp.logical_and(act, jnp.logical_and(offs[b] <= c0, c0 + CH <= offs[b] + T))
            for b in range(B)
        ]
        return c0, act, cov

    is_patch = wid < 16
    pb = wid // 4
    e = wid % 4
    ps = (e % 2) * L + (e // 2) * (T - 2 * L)
    ob = jnp.sum(jnp.where(lane == pb, off_vec, 0))
    patch_src = jnp.full((L,), ob + ps, jnp.int32) + ramp
    patch_g = pltpu.make_async_copy(weight_hbm.at[patch_src], bufp, sp[0])
    patch_s = pltpu.make_async_copy(
        bufp, out_hbm.at[pl.ds(pl.multiple_of(pb * T + ps, 8), L)], sp[1]
    )
    pl.when(is_patch)(patch_g.start)

    gathers = [None] * NJ
    scatters = [[None] * B for _ in range(NJ)]

    LAG = 2

    for jj in range(NJ + LAG):
        p = jj % NBUF
        if jj < NJ:
            c0, act, cov = chunk_conds(jj)
            if jj >= NBUF:
                _, _, covp = chunk_conds(jj - NBUF)
                for b in range(B):
                    pl.when(covp[b])(scatters[jj - NBUF][b].wait)
            for b in range(B):
                dest0 = b * T + (c0 - offs[b])
                for h in range(CH // L):
                    idxw[p * B + b, pl.ds(h * L, L)] = (
                        jnp.full((L,), dest0 + h * L, jnp.int32) + ramp
                    )
            gathers[jj] = pltpu.make_async_copy(
                weight_hbm.at[pl.ds(pl.multiple_of(c0, 8), CH)], bufs[p], sg[p]
            )
            pl.when(act)(gathers[jj].start)
        if jj >= LAG:
            q = (jj - LAG) % NBUF
            _, actq, covq = chunk_conds(jj - LAG)
            pl.when(actq)(gathers[jj - LAG].wait)
            for b in range(B):
                scatters[jj - LAG][b] = pltpu.make_async_copy(
                    bufs[q], out_hbm.at[idxw.at[q * B + b]], ss[q * B + b]
                )
                pl.when(covq[b])(scatters[jj - LAG][b].start)
    @pl.when(is_patch)
    def _patch_scatter():
        patch_g.wait()
        patch_s.start()

    for jj in range(NJ - NBUF, NJ):
        _, _, cov = chunk_conds(jj)
        for b in range(B):
            pl.when(cov[b])(scatters[jj][b].wait)
    pl.when(is_patch)(patch_s.wait)


def kernel(length, offset, weight):
    del length
    out = _sc_gather(jnp.ravel(offset).astype(jnp.int32), weight)
    return out.reshape(B, T, D)

# --- scband reference (transcript-rebuilt; emitter-appended) ---
"""Pipeline reference for scband-sinusoidal-positional-embedding-89223650607334 (READ-ONLY COPY).

The authoritative reference and input builder live on the scoring server;
editing this copy changes nothing except your own understanding.
"""

import math
import jax, jax.numpy as jnp
import numpy as np

NUM_EMBEDDINGS = 8192
EMBEDDING_DIM = 1024
SHIFT = 0
LENGTH = 4096


def _build_weight(num_embeddings, embedding_dim, shift):
    num_embeddings = num_embeddings + shift
    half_dim = embedding_dim // 2
    w = math.log(10000) / (half_dim - 1)
    w = jnp.exp(jnp.arange(half_dim, dtype=jnp.float32) * -w)
    w = jnp.arange(num_embeddings, dtype=jnp.float32)[:, None] * w[None, :]
    w = jnp.concatenate([jnp.sin(w), jnp.cos(w)], axis=1).reshape(num_embeddings, -1)
    if embedding_dim % 2 == 1:
        w = jnp.concatenate([w, jnp.zeros((num_embeddings, 1), dtype=jnp.float32)], axis=1)
    return w


def setup_inputs(seed: int = 0) -> dict:
    key = jax.random.key(seed)
    length = 4096  # python int scalar
    offset = jax.random.randint(jax.random.fold_in(key, 1), (4,), 0, 4096, dtype=jnp.int32)
    weight = _build_weight(NUM_EMBEDDINGS, EMBEDDING_DIM, SHIFT)
    return {"length": length, "offset": offset, "weight": weight}


def reference(length, offset, weight):
    # positions: (B, T)
    positions = jnp.arange(LENGTH, dtype=jnp.int32)[None, :] + SHIFT
    positions = positions + jnp.asarray(length, dtype=jnp.int32) * 0
    if offset.ndim == 1:
        offset = offset[:, None]
    positions = positions + offset
    out = jnp.take(weight, positions.reshape(-1), axis=0)
    return out.reshape(-1, LENGTH, EMBEDDING_DIM)

if __name__ == "__main__":
    import jax
    _d = setup_inputs()
    print(jax.jit(kernel)(*tuple(_d.values())))

</pallas_src>

<mosaic_0001>
#map = affine_map<(d0, d1) -> (0)>
#map1 = affine_map<(d0, d1) -> (0, 0)>
module attributes {stable_mosaic.version = 14 : i64} {
  func.func @_sc_gather(%arg0: i32, %arg1: i32, %arg2: memref<4xi32, #tpu.memory_space<hbm>>, %arg3: memref<8192x1024xf32, #tpu.memory_space<hbm>>, %arg4: memref<16384x1024xf32, #tpu.memory_space<hbm>>, %arg5: memref<16xi32, #tpu.memory_space<vmem>>, %arg6: memref<12x32xi32, #tpu.memory_space<vmem>>, %arg7: memref<32x1024xf32, #tpu.memory_space<vmem>>, %arg8: memref<32x1024xf32, #tpu.memory_space<vmem>>, %arg9: memref<32x1024xf32, #tpu.memory_space<vmem>>, %arg10: memref<16x1024xf32, #tpu.memory_space<vmem>>, %arg11: memref<!tpu.dma_semaphore, #tpu.memory_space<semaphore_mem>>, %arg12: memref<!tpu.dma_semaphore, #tpu.memory_space<semaphore_mem>>, %arg13: memref<!tpu.dma_semaphore, #tpu.memory_space<semaphore_mem>>, %arg14: memref<!tpu.dma_semaphore, #tpu.memory_space<semaphore_mem>>, %arg15: memref<!tpu.dma_semaphore, #tpu.memory_space<semaphore_mem>>, %arg16: memref<!tpu.dma_semaphore, #tpu.memory_space<semaphore_mem>>, %arg17: memref<!tpu.dma_semaphore, #tpu.memory_space<semaphore_mem>>, %arg18: memref<!tpu.dma_semaphore, #tpu.memory_space<semaphore_mem>>, %arg19: memref<!tpu.dma_semaphore, #tpu.memory_space<semaphore_mem>>, %arg20: memref<!tpu.dma_semaphore, #tpu.memory_space<semaphore_mem>>, %arg21: memref<!tpu.dma_semaphore, #tpu.memory_space<semaphore_mem>>, %arg22: memref<!tpu.dma_semaphore, #tpu.memory_space<semaphore_mem>>, %arg23: memref<!tpu.dma_semaphore, #tpu.memory_space<semaphore_mem>>, %arg24: memref<!tpu.dma_semaphore, #tpu.memory_space<semaphore_mem>>, %arg25: memref<!tpu.dma_semaphore, #tpu.memory_space<semaphore_mem>>, %arg26: memref<!tpu.dma_semaphore, #tpu.memory_space<semaphore_mem>>, %arg27: memref<!tpu.dma_semaphore, #tpu.memory_space<semaphore_mem>>) attributes {dimension_semantics = [#tpu.dimension_semantics<core_parallel>, #tpu.dimension_semantics<subcore_parallel>], iteration_bounds = array<i64: 2, 16>, scalar_prefetch = 0 : i64, scratch_operands = 23 : i64, tpu.core_type = #tpu.core_type<sc_vector_subcore>, window_params = [{transform_indices = #map}, {transform_indices = #map1}, {transform_indices = #map1}]} {
    %mul3A = arith.constant 2 : i32
    %mul3A_0 = arith.muli %arg1, %mul3A : i32
    %add3A = arith.addi %mul3A_0, %arg0 : i32
    "tpu.region"() ({
      %run_scoped3A = tpu.sem_alloc : memref<!tpu.dma_semaphore, #tpu.memory_space<semaphore_mem>>
      %dma_start3A = arith.constant 0 : i32
      %dma_start3A_2136 = tpu.memref_slice %arg5[%dma_start3A] : memref<16xi32, #tpu.memory_space<vmem>> -> memref<4xi32, #tpu.memory_space<vmem>>
      %dma_start3A_2137 = arith.constant 0 : i32
      %dma_start3A_2138 = tpu.memref_slice %arg5[%dma_start3A_2137] : memref<16xi32, #tpu.memory_space<vmem>> -> memref<4xi32, #tpu.memory_space<vmem>>
      tpu.enqueue_dma source(%arg2 : memref<4xi32, #tpu.memory_space<hbm>>) target(%dma_start3A_2138 : memref<4xi32, #tpu.memory_space<vmem>>) target_semaphore(%run_scoped3A : memref<!tpu.dma_semaphore, #tpu.memory_space<semaphore_mem>>)
      %dma_wait3A = arith.constant 0 : i32
      %dma_wait3A_2139 = tpu.memref_slice %arg5[%dma_wait3A] : memref<16xi32, #tpu.memory_space<vmem>> -> memref<4xi32, #tpu.memory_space<vmem>>
      %dma_wait3A_2140 = arith.constant 0 : i32
      %dma_wait3A_2141 = tpu.memref_slice %arg5[%dma_wait3A_2140] : memref<16xi32, #tpu.memory_space<vmem>> -> memref<4xi32, #tpu.memory_space<vmem>>
      tpu.wait_dma2 semaphore(%run_scoped3A : memref<!tpu.dma_semaphore, #tpu.memory_space<semaphore_mem>>) src(%arg2 : memref<4xi32, #tpu.memory_space<hbm>>) dst(%dma_wait3A_2141 : memref<4xi32, #tpu.memory_space<vmem>>)
      tpu.yield
    }) : () -> ()
    %get3A = arith.constant 0 : index
    %get3A_1 = tpu.vector_load %arg5[%get3A] {strides = array<i32>} : memref<16xi32, #tpu.memory_space<vmem>>, vector<16xi32>,
    %iota3A = tpu.iota {dimensions = array<i32: 0>} : vector<16xi32>
    %eq3A = arith.constant 0 : i32
    %eq3A_2 = vector.broadcast %eq3A : i32 to vector<16xi32>
    %eq3A_3 = arith.cmpi eq, %iota3A, %eq3A_2 : vector<16xi32>
    %jit3A = arith.constant 0 : i32
    %broadcast_in_dim3A = vector.broadcast %jit3A : i32 to vector<16xi32>
    %select_n3A = arith.select %eq3A_3, %get3A_1, %broadcast_in_dim3A : vector<16xi1>, vector<16xi32>
    %reduce_sum3A = arith.constant true
    %reduce_sum3A_4 = vector.broadcast %reduce_sum3A : i1 to vector<16xi1>
    %reduce_sum3A_5 = tpu.scan <sum>, %select_n3A masked %reduce_sum3A_4 : vector<16xi32>, vector<16xi1> -> vector<16xi32>
    %reduce_sum3A_6 = vector.extract %reduce_sum3A_5[15] : i32 from vector<16xi32>
    %eq3A_7 = arith.constant 1 : i32
    %eq3A_8 = vector.broadcast %eq3A_7 : i32 to vector<16xi32>
    %eq3A_9 = arith.cmpi eq, %iota3A, %eq3A_8 : vector<16xi32>
    %jit3A_10 = arith.constant 0 : i32
    %broadcast_in_dim3A_11 = vector.broadcast %jit3A_10 : i32 to vector<16xi32>
    %select_n3A_12 = arith.select %eq3A_9, %get3A_1, %broadcast_in_dim3A_11 : vector<16xi1>, vector<16xi32>
    %reduce_sum3A_13 = arith.constant true
    %reduce_sum3A_14 = vector.broadcast %reduce_sum3A_13 : i1 to vector<16xi1>
    %reduce_sum3A_15 = tpu.scan <sum>, %select_n3A_12 masked %reduce_sum3A_14 : vector<16xi32>, vector<16xi1> -> vector<16xi32>
    %reduce_sum3A_16 = vector.extract %reduce_sum3A_15[15] : i32 from vector<16xi32>
    %eq3A_17 = arith.constant 2 : i32
    %eq3A_18 = vector.broadcast %eq3A_17 : i32 to vector<16xi32>
    %eq3A_19 = arith.cmpi eq, %iota3A, %eq3A_18 : vector<16xi32>
    %jit3A_20 = arith.constant 0 : i32
    %broadcast_in_dim3A_21 = vector.broadcast %jit3A_20 : i32 to vector<16xi32>
    %select_n3A_22 = arith.select %eq3A_19, %get3A_1, %broadcast_in_dim3A_21 : vector<16xi1>, vector<16xi32>
    %reduce_sum3A_23 = arith.constant true
    %reduce_sum3A_24 = vector.broadcast %reduce_sum3A_23 : i1 to vector<16xi1>
    %reduce_sum3A_25 = tpu.scan <sum>, %select_n3A_22 masked %reduce_sum3A_24 : vector<16xi32>, vector<16xi1> -> vector<16xi32>
    %reduce_sum3A_26 = vector.extract %reduce_sum3A_25[15] : i32 from vector<16xi32>
    %eq3A_27 = arith.constant 3 : i32
    %eq3A_28 = vector.broadcast %eq3A_27 : i32 to vector<16xi32>
    %eq3A_29 = arith.cmpi eq, %iota3A, %eq3A_28 : vector<16xi32>
    %jit3A_30 = arith.constant 0 : i32
    %broadcast_in_dim3A_31 = vector.broadcast %jit3A_30 : i32 to vector<16xi32>
    %select_n3A_32 = arith.select %eq3A_29, %get3A_1, %broadcast_in_dim3A_31 : vector<16xi1>, vector<16xi32>
    %reduce_sum3A_33 = arith.constant true
    %reduce_sum3A_34 = vector.broadcast %reduce_sum3A_33 : i1 to vector<16xi1>
    %reduce_sum3A_35 = tpu.scan <sum>, %select_n3A_32 masked %reduce_sum3A_34 : vector<16xi32>, vector<16xi1> -> vector<16xi32>
    %reduce_sum3A_36 = vector.extract %reduce_sum3A_35[15] : i32 from vector<16xi32>
    %lt3A = arith.constant 4 : i32
    %lt3A_37 = vector.broadcast %lt3A : i32 to vector<16xi32>
    %lt3A_38 = arith.cmpi slt, %iota3A, %lt3A_37 : vector<16xi32>
    %jit3A_39 = arith.constant 8192 : i32
    %broadcast_in_dim3A_40 = vector.broadcast %jit3A_39 : i32 to vector<16xi32>
    %select_n3A_41 = arith.select %lt3A_38, %get3A_1, %broadcast_in_dim3A_40 : vector<16xi1>, vector<16xi32>
    %reduce_min3A = arith.constant true
    %reduce_min3A_42 = vector.broadcast %reduce_min3A : i1 to vector<16xi1>
    %reduce_min3A_43 = arith.constant -2147483648 : i32
    %reduce_min3A_44 = vector.broadcast %reduce_min3A_43 : i32 to vector<16xi32>
    %reduce_min3A_45 = arith.xori %select_n3A_41, %reduce_min3A_44 : vector<16xi32>
    %reduce_min3A_46 = tpu.scan <min>, %reduce_min3A_45 masked %reduce_min3A_42 : vector<16xi32>, vector<16xi1> -> vector<16xi32>
    %reduce_min3A_47 = arith.xori %reduce_min3A_46, %reduce_min3A_44 : vector<16xi32>
    %reduce_min3A_48 = vector.extract %reduce_min3A_47[15] : i32 from vector<16xi32>
    %lt3A_49 = arith.constant 4 : i32
    %lt3A_50 = vector.broadcast %lt3A_49 : i32 to vector<16xi32>
    %lt3A_51 = arith.cmpi slt, %iota3A, %lt3A_50 : vector<16xi32>
    %jit3A_52 = arith.constant 0 : i32
    %broadcast_in_dim3A_53 = vector.broadcast %jit3A_52 : i32 to vector<16xi32>
    %select_n3A_54 = arith.select %lt3A_51, %get3A_1, %broadcast_in_dim3A_53 : vector<16xi1>, vector<16xi32>
    %reduce_max3A = arith.constant true
    %reduce_max3A_55 = vector.broadcast %reduce_max3A : i1 to vector<16xi1>
    %reduce_max3A_56 = arith.constant -2147483648 : i32
    %reduce_max3A_57 = vector.broadcast %reduce_max3A_56 : i32 to vector<16xi32>
    %reduce_max3A_58 = arith.xori %select_n3A_54, %reduce_max3A_57 : vector<16xi32>
    %reduce_max3A_59 = tpu.scan <max>, %reduce_max3A_58 masked %reduce_max3A_55 : vector<16xi32>, vector<16xi1> -> vector<16xi32>
    %reduce_max3A_60 = arith.xori %reduce_max3A_59, %reduce_max3A_57 : vector<16xi32>
    %reduce_max3A_61 = vector.extract %reduce_max3A_60[15] : i32 from vector<16xi32>
    %jit3A_62 = arith.constant 8 : i32
    %eq3A_63 = arith.constant 0 : i32
    %eq3A_64 = arith.cmpi eq, %jit3A_62, %eq3A_63 : i32
    %jit3A_65 = arith.constant 1 : i32
    %select_n3A_66 = arith.select %eq3A_64, %jit3A_65, %jit3A_62 : i32
    %rem3A = arith.remsi %reduce_min3A_48, %select_n3A_66 : i32
    %ne3A = arith.constant 0 : i32
    %ne3A_67 = arith.cmpi ne, %rem3A, %ne3A : i32
    %lt3A_68 = arith.constant 0 : i32
    %lt3A_69 = arith.cmpi slt, %rem3A, %lt3A_68 : i32
    %lt3A_70 = arith.constant 0 : i32
    %lt3A_71 = arith.cmpi slt, %select_n3A_66, %lt3A_70 : i32
    %ne3A_72 = arith.xori %lt3A_69, %lt3A_71 : i1
    %and3A = arith.andi %ne3A_72, %ne3A_67 : i1
    %add3A_73 = arith.addi %rem3A, %select_n3A_66 : i32
    %select_n3A_74 = arith.select %and3A, %add3A_73, %rem3A : i32
    %sub3A = arith.subi %reduce_min3A_48, %select_n3A_74 : i32
    %multiple_of3A = tpu.assume_multiple %sub3A, 8 : i32
    %add3A_75 = arith.constant 4096 : i32
    %add3A_76 = arith.addi %reduce_max3A_61, %add3A_75 : i32
    %iota3A_77 = tpu.iota {dimensions = array<i32: 0>} : vector<16xi32>
    %lt3A_78 = arith.constant 16 : i32
    %lt3A_79 = arith.cmpi slt, %add3A, %lt3A_78 : i32
    %jit3A_80 = arith.constant 4 : i32
    %div3A = arith.divsi %add3A, %jit3A_80 : i32
    %sign3A = arith.constant 0 : i32
    %sign3A_81 = arith.cmpi sgt, %add3A, %sign3A : i32
    %sign3A_82 = arith.extui %sign3A_81 : i1 to i32
    %sign3A_83 = arith.constant 0 : i32
    %sign3A_84 = arith.cmpi slt, %add3A, %sign3A_83 : i32
    %sign3A_85 = arith.extui %sign3A_84 : i1 to i32
    %sign3A_86 = arith.subi %sign3A_82, %sign3A_85 : i32
    %sign3A_87 = arith.constant 0 : i32
    %sign3A_88 = arith.cmpi sgt, %jit3A_80, %sign3A_87 : i32
    %sign3A_89 = arith.extui %sign3A_88 : i1 to i32
    %sign3A_90 = arith.constant 0 : i32
    %sign3A_91 = arith.cmpi slt, %jit3A_80, %sign3A_90 : i32
    %sign3A_92 = arith.extui %sign3A_91 : i1 to i32
    %sign3A_93 = arith.subi %sign3A_89, %sign3A_92 : i32
    %ne3A_94 = arith.cmpi ne, %sign3A_86, %sign3A_93 : i32
    %rem3A_95 = arith.remsi %add3A, %jit3A_80 : i32
    %ne3A_96 = arith.constant 0 : i32
    %ne3A_97 = arith.cmpi ne, %rem3A_95, %ne3A_96 : i32
    %and3A_98 = arith.andi %ne3A_94, %ne3A_97 : i1
    %sub3A_99 = arith.constant 1 : i32
    %sub3A_100 = arith.subi %div3A, %sub3A_99 : i32
    %select_n3A_101 = arith.select %and3A_98, %sub3A_100, %div3A : i32
    %jit3A_102 = arith.constant 4 : i32
    %eq3A_103 = arith.constant 0 : i32
    %eq3A_104 = arith.cmpi eq, %jit3A_102, %eq3A_103 : i32
    %jit3A_105 = arith.constant 1 : i32
    %select_n3A_106 = arith.select %eq3A_104, %jit3A_105, %jit3A_102 : i32
    %rem3A_107 = arith.remsi %add3A, %select_n3A_106 : i32
    %ne3A_108 = arith.constant 0 : i32
    %ne3A_109 = arith.cmpi ne, %rem3A_107, %ne3A_108 : i32
    %lt3A_110 = arith.constant 0 : i32
    %lt3A_111 = arith.cmpi slt, %rem3A_107, %lt3A_110 : i32
    %lt3A_112 = arith.constant 0 : i32
    %lt3A_113 = arith.cmpi slt, %select_n3A_106, %lt3A_112 : i32
    %ne3A_114 = arith.xori %lt3A_111, %lt3A_113 : i1
    %and3A_115 = arith.andi %ne3A_114, %ne3A_109 : i1
    %add3A_116 = arith.addi %rem3A_107, %select_n3A_106 : i32
    %select_n3A_117 = arith.select %and3A_115, %add3A_116, %rem3A_107 : i32
    %jit3A_118 = arith.constant 2 : i32
    %eq3A_119 = arith.constant 0 : i32
    %eq3A_120 = arith.cmpi eq, %jit3A_118, %eq3A_119 : i32
    %jit3A_121 = arith.constant 1 : i32
    %select_n3A_122 = arith.select %eq3A_120, %jit3A_121, %jit3A_118 : i32
    %rem3A_123 = arith.remsi %select_n3A_117, %select_n3A_122 : i32
    %ne3A_124 = arith.constant 0 : i32
    %ne3A_125 = arith.cmpi ne, %rem3A_123, %ne3A_124 : i32
    %lt3A_126 = arith.constant 0 : i32
    %lt3A_127 = arith.cmpi slt, %rem3A_123, %lt3A_126 : i32
    %lt3A_128 = arith.constant 0 : i32
    %lt3A_129 = arith.cmpi slt, %select_n3A_122, %lt3A_128 : i32
    %ne3A_130 = arith.xori %lt3A_127, %lt3A_129 : i1
    %and3A_131 = arith.andi %ne3A_130, %ne3A_125 : i1
    %add3A_132 = arith.addi %rem3A_123, %select_n3A_122 : i32
    %select_n3A_133 = arith.select %and3A_131, %add3A_132, %rem3A_123 : i32
    %mul3A_134 = arith.constant 16 : i32
    %mul3A_135 = arith.muli %select_n3A_133, %mul3A_134 : i32
    %jit3A_136 = arith.constant 2 : i32
    %div3A_137 = arith.divsi %select_n3A_117, %jit3A_136 : i32
    %sign3A_138 = arith.constant 0 : i32
    %sign3A_139 = arith.cmpi sgt, %select_n3A_117, %sign3A_138 : i32
    %sign3A_140 = arith.extui %sign3A_139 : i1 to i32
    %sign3A_141 = arith.constant 0 : i32
    %sign3A_142 = arith.cmpi slt, %select_n3A_117, %sign3A_141 : i32
    %sign3A_143 = arith.extui %sign3A_142 : i1 to i32
    %sign3A_144 = arith.subi %sign3A_140, %sign3A_143 : i32
    %sign3A_145 = arith.constant 0 : i32
    %sign3A_146 = arith.cmpi sgt, %jit3A_136, %sign3A_145 : i32
    %sign3A_147 = arith.extui %sign3A_146 : i1 to i32
    %sign3A_148 = arith.constant 0 : i32
    %sign3A_149 = arith.cmpi slt, %jit3A_136, %sign3A_148 : i32
    %sign3A_150 = arith.extui %sign3A_149 : i1 to i32
    %sign3A_151 = arith.subi %sign3A_147, %sign3A_150 : i32
    %ne3A_152 = arith.cmpi ne, %sign3A_144, %sign3A_151 : i32
    %rem3A_153 = arith.remsi %select_n3A_117, %jit3A_136 : i32
    %ne3A_154 = arith.constant 0 : i32
    %ne3A_155 = arith.cmpi ne, %rem3A_153, %ne3A_154 : i32
    %and3A_156 = arith.andi %ne3A_152, %ne3A_155 : i1
    %sub3A_157 = arith.constant 1 : i32
    %sub3A_158 = arith.subi %div3A_137, %sub3A_157 : i32
    %select_n3A_159 = arith.select %and3A_156, %sub3A_158, %div3A_137 : i32
    %mul3A_160 = arith.constant 4064 : i32
    %mul3A_161 = arith.muli %select_n3A_159, %mul3A_160 : i32
    %add3A_162 = arith.addi %mul3A_135, %mul3A_161 : i32
    %eq3A_163 = vector.broadcast %select_n3A_101 : i32 to vector<16xi32>
    %eq3A_164 = arith.cmpi eq, %iota3A, %eq3A_163 : vector<16xi32>
    %jit3A_165 = arith.constant 0 : i32
    %broadcast_in_dim3A_166 = vector.broadcast %jit3A_165 : i32 to vector<16xi32>
    %select_n3A_167 = arith.select %eq3A_164, %get3A_1, %broadcast_in_dim3A_166 : vector<16xi1>, vector<16xi32>
    %reduce_sum3A_168 = arith.constant true
    %reduce_sum3A_169 = vector.broadcast %reduce_sum3A_168 : i1 to vector<16xi1>
    %reduce_sum3A_170 = tpu.scan <sum>, %select_n3A_167 masked %reduce_sum3A_169 : vector<16xi32>, vector<16xi1> -> vector<16xi32>
    %reduce_sum3A_171 = vector.extract %reduce_sum3A_170[15] : i32 from vector<16xi32>
    %add3A_172 = arith.addi %reduce_sum3A_171, %add3A_162 : i32
    %broadcast_in_dim3A_173 = vector.broadcast %add3A_172 : i32 to vector<16xi32>
    %add3A_174 = arith.addi %broadcast_in_dim3A_173, %iota3A_77 : vector<16xi32>
    %mul3A_175 = arith.constant 4096 : i32
    %mul3A_176 = arith.muli %select_n3A_101, %mul3A_175 : i32
    %add3A_177 = arith.addi %mul3A_176, %add3A_162 : i32
    %multiple_of3A_178 = tpu.assume_multiple %add3A_177, 8 : i32
    %convert_element_type3A = arith.extui %lt3A_79 : i1 to i32
    %cond3A = arith.constant 0 : i32
    %cond3A_179 = arith.cmpi ne, %convert_element_type3A, %cond3A : i32
    scf.if %cond3A_179 {
      %dma_start3A = arith.constant 0 : i32
      %dma_start3A_2136 = arith.constant 0 : i32
      %dma_start3A_2137 = tpu.memref_slice %arg3[%dma_start3A, %dma_start3A_2136] : memref<8192x1024xf32, #tpu.memory_space<hbm>> -> memref<8192x1024xf32, #tpu.memory_space<hbm>>
      tpu.enqueue_indirect_dma source(%dma_start3A_2137 : memref<8192x1024xf32, #tpu.memory_space<hbm>>) target(%arg10 : memref<16x1024xf32, #tpu.memory_space<vmem>>) offsets(%add3A_174 : vector<16xi32>) semaphore(%arg26 : memref<!tpu.dma_semaphore, #tpu.memory_space<semaphore_mem>>)
    } else {
    }
    %add3A_180 = arith.constant 0 : i32
    %add3A_181 = arith.addi %add3A, %add3A_180 : i32
    %mul3A_182 = arith.constant 32 : i32
    %mul3A_183 = arith.muli %add3A_181, %mul3A_182 : i32
    %add3A_184 = arith.addi %multiple_of3A, %mul3A_183 : i32
    %add3A_185 = arith.constant 32 : i32
    %add3A_186 = arith.addi %add3A_184, %add3A_185 : i32
    %le3A = arith.constant 8192 : i32
    %le3A_187 = arith.cmpi sle, %add3A_186, %le3A : i32
    %lt3A_188 = arith.cmpi slt, %add3A_184, %add3A_76 : i32
    %and3A_189 = arith.andi %le3A_187, %lt3A_188 : i1
    %le3A_190 = arith.cmpi sle, %reduce_sum3A_6, %add3A_184 : i32
    %add3A_191 = arith.constant 32 : i32
    %add3A_192 = arith.addi %add3A_184, %add3A_191 : i32
    %add3A_193 = arith.constant 4096 : i32
    %add3A_194 = arith.addi %reduce_sum3A_6, %add3A_193 : i32
    %le3A_195 = arith.cmpi sle, %add3A_192, %add3A_194 : i32
    %and3A_196 = arith.andi %le3A_190, %le3A_195 : i1
    %and3A_197 = arith.andi %and3A_189, %and3A_196 : i1
    %le3A_198 = arith.cmpi sle, %reduce_sum3A_16, %add3A_184 : i32
    %add3A_199 = arith.constant 32 : i32
    %add3A_200 = arith.addi %add3A_184, %add3A_199 : i32
    %add3A_201 = arith.constant 4096 : i32
    %add3A_202 = arith.addi %reduce_sum3A_16, %add3A_201 : i32
    %le3A_203 = arith.cmpi sle, %add3A_200, %add3A_202 : i32
    %and3A_204 = arith.andi %le3A_198, %le3A_203 : i1
    %and3A_205 = arith.andi %and3A_189, %and3A_204 : i1
    %le3A_206 = arith.cmpi sle, %reduce_sum3A_26, %add3A_184 : i32
    %add3A_207 = arith.constant 32 : i32
    %add3A_208 = arith.addi %add3A_184, %add3A_207 : i32
    %add3A_209 = arith.constant 4096 : i32
    %add3A_210 = arith.addi %reduce_sum3A_26, %add3A_209 : i32
    %le3A_211 = arith.cmpi sle, %add3A_208, %add3A_210 : i32
    %and3A_212 = arith.andi %le3A_206, %le3A_211 : i1
    %and3A_213 = arith.andi %and3A_189, %and3A_212 : i1
    %le3A_214 = arith.cmpi sle, %reduce_sum3A_36, %add3A_184 : i32
    %add3A_215 = arith.constant 32 : i32
    %add3A_216 = arith.addi %add3A_184, %add3A_215 : i32
    %add3A_217 = arith.constant 4096 : i32
    %add3A_218 = arith.addi %reduce_sum3A_36, %add3A_217 : i32
    %le3A_219 = arith.cmpi sle, %add3A_216, %add3A_218 : i32
    %and3A_220 = arith.andi %le3A_214, %le3A_219 : i1
    %and3A_221 = arith.andi %and3A_189, %and3A_220 : i1
    %sub3A_222 = arith.subi %add3A_184, %reduce_sum3A_6 : i32
    %add3A_223 = arith.constant 0 : i32
    %add3A_224 = arith.addi %add3A_223, %sub3A_222 : i32
    %add3A_225 = arith.constant 0 : i32
    %add3A_226 = arith.addi %add3A_224, %add3A_225 : i32
    %broadcast_in_dim3A_227 = vector.broadcast %add3A_226 : i32 to vector<16xi32>
    %add3A_228 = arith.addi %broadcast_in_dim3A_227, %iota3A_77 : vector<16xi32>
    %swap3A = arith.constant 0 : i32
    %swap3A_229 = arith.index_cast %swap3A : i32 to index
    %swap3A_230 = arith.constant 0 : index
    %swap3A_231 = tpu.vector_load %arg6[%swap3A_229, %swap3A_230] {strides = array<i32>} : memref<12x32xi32, #tpu.memory_space<vmem>>, vector<16xi32>,
    tpu.vector_store %arg6[%swap3A_229, %swap3A_230], %add3A_228 {strides = array<i32>} : memref<12x32xi32, #tpu.memory_space<vmem>>, vector<16xi32>,
    %add3A_232 = arith.constant 16 : i32
    %add3A_233 = arith.addi %add3A_224, %add3A_232 : i32
    %broadcast_in_dim3A_234 = vector.broadcast %add3A_233 : i32 to vector<16xi32>
    %add3A_235 = arith.addi %broadcast_in_dim3A_234, %iota3A_77 : vector<16xi32>
    %swap3A_236 = arith.constant 0 : i32
    %swap3A_237 = arith.index_cast %swap3A_236 : i32 to index
    %swap3A_238 = arith.constant 16 : index
    %swap3A_239 = tpu.vector_load %arg6[%swap3A_237, %swap3A_238] {strides = array<i32>} : memref<12x32xi32, #tpu.memory_space<vmem>>, vector<16xi32>,
    tpu.vector_store %arg6[%swap3A_237, %swap3A_238], %add3A_235 {strides = array<i32>} : memref<12x32xi32, #tpu.memory_space<vmem>>, vector<16xi32>,
    %sub3A_240 = arith.subi %add3A_184, %reduce_sum3A_16 : i32
    %add3A_241 = arith.constant 4096 : i32
    %add3A_242 = arith.addi %add3A_241, %sub3A_240 : i32
    %add3A_243 = arith.constant 0 : i32
    %add3A_244 = arith.addi %add3A_242, %add3A_243 : i32
    %broadcast_in_dim3A_245 = vector.broadcast %add3A_244 : i32 to vector<16xi32>
    %add3A_246 = arith.addi %broadcast_in_dim3A_245, %iota3A_77 : vector<16xi32>
    %swap3A_247 = arith.constant 1 : i32
    %swap3A_248 = arith.index_cast %swap3A_247 : i32 to index
    %swap3A_249 = arith.constant 0 : index
    %swap3A_250 = tpu.vector_load %arg6[%swap3A_248, %swap3A_249] {strides = array<i32>} : memref<12x32xi32, #tpu.memory_space<vmem>>, vector<16xi32>,
    tpu.vector_store %arg6[%swap3A_248, %swap3A_249], %add3A_246 {strides = array<i32>} : memref<12x32xi32, #tpu.memory_space<vmem>>, vector<16xi32>,
    %add3A_251 = arith.constant 16 : i32
    %add3A_252 = arith.addi %add3A_242, %add3A_251 : i32
    %broadcast_in_dim3A_253 = vector.broadcast %add3A_252 : i32 to vector<16xi32>
    %add3A_254 = arith.addi %broadcast_in_dim3A_253, %iota3A_77 : vector<16xi32>
    %swap3A_255 = arith.constant 1 : i32
    %swap3A_256 = arith.index_cast %swap3A_255 : i32 to index
    %swap3A_257 = arith.constant 16 : index
    %swap3A_258 = tpu.vector_load %arg6[%swap3A_256, %swap3A_257] {strides = array<i32>} : memref<12x32xi32, #tpu.memory_space<vmem>>, vector<16xi32>,
    tpu.vector_store %arg6[%swap3A_256, %swap3A_257], %add3A_254 {strides = array<i32>} : memref<12x32xi32, #tpu.memory_space<vmem>>, vector<16xi32>,
    %sub3A_259 = arith.subi %add3A_184, %reduce_sum3A_26 : i32
    %add3A_260 = arith.constant 8192 : i32
    %add3A_261 = arith.addi %add3A_260, %sub3A_259 : i32
    %add3A_262 = arith.constant 0 : i32
    %add3A_263 = arith.addi %add3A_261, %add3A_262 : i32
    %broadcast_in_dim3A_264 = vector.broadcast %add3A_263 : i32 to vector<16xi32>
    %add3A_265 = arith.addi %broadcast_in_dim3A_264, %iota3A_77 : vector<16xi32>
    %swap3A_266 = arith.constant 2 : i32
    %swap3A_267 = arith.index_cast %swap3A_266 : i32 to index
    %swap3A_268 = arith.constant 0 : index
    %swap3A_269 = tpu.vector_load %arg6[%swap3A_267, %swap3A_268] {strides = array<i32>} : memref<12x32xi32, #tpu.memory_space<vmem>>, vector<16xi32>,
    tpu.vector_store %arg6[%swap3A_267, %swap3A_268], %add3A_265 {strides = array<i32>} : memref<12x32xi32, #tpu.memory_space<vmem>>, vector<16xi32>,
    %add3A_270 = arith.constant 16 : i32
    %add3A_271 = arith.addi %add3A_261, %add3A_270 : i32
    %broadcast_in_dim3A_272 = vector.broadcast %add3A_271 : i32 to vector<16xi32>
    %add3A_273 = arith.addi %broadcast_in_dim3A_272, %iota3A_77 : vector<16xi32>
    %swap3A_274 = arith.constant 2 : i32
    %swap3A_275 = arith.index_cast %swap3A_274 : i32 to index
    %swap3A_276 = arith.constant 16 : index
    %swap3A_277 = tpu.vector_load %arg6[%swap3A_275, %swap3A_276] {strides = array<i32>} : memref<12x32xi32, #tpu.memory_space<vmem>>, vector<16xi32>,
    tpu.vector_store %arg6[%swap3A_275, %swap3A_276], %add3A_273 {strides = array<i32>} : memref<12x32xi32, #tpu.memory_space<vmem>>, vector<16xi32>,
    %sub3A_278 = arith.subi %add3A_184, %reduce_sum3A_36 : i32
    %add3A_279 = arith.constant 12288 : i32
    %add3A_280 = arith.addi %add3A_279, %sub3A_278 : i32
    %add3A_281 = arith.constant 0 : i32
    %add3A_282 = arith.addi %add3A_280, %add3A_281 : i32
    %broadcast_in_dim3A_283 = vector.broadcast %add3A_282 : i32 to vector<16xi32>
    %add3A_284 = arith.addi %broadcast_in_dim3A_283, %iota3A_77 : vector<16xi32>
    %swap3A_285 = arith.constant 3 : i32
    %swap3A_286 = arith.index_cast %swap3A_285 : i32 to index
    %swap3A_287 = arith.constant 0 : index
    %swap3A_288 = tpu.vector_load %arg6[%swap3A_286, %swap3A_287] {strides = array<i32>} : memref<12x32xi32, #tpu.memory_space<vmem>>, vector<16xi32>,
    tpu.vector_store %arg6[%swap3A_286, %swap3A_287], %add3A_284 {strides = array<i32>} : memref<12x32xi32, #tpu.memory_space<vmem>>, vector<16xi32>,
    %add3A_289 = arith.constant 16 : i32
    %add3A_290 = arith.addi %add3A_280, %add3A_289 : i32
    %broadcast_in_dim3A_291 = vector.broadcast %add3A_290 : i32 to vector<16xi32>
    %add3A_292 = arith.addi %broadcast_in_dim3A_291, %iota3A_77 : vector<16xi32>
    %swap3A_293 = arith.constant 3 : i32
    %swap3A_294 = arith.index_cast %swap3A_293 : i32 to index
    %swap3A_295 = arith.constant 16 : index
    %swap3A_296 = tpu.vector_load %arg6[%swap3A_294, %swap3A_295] {strides = array<i32>} : memref<12x32xi32, #tpu.memory_space<vmem>>, vector<16xi32>,
    tpu.vector_store %arg6[%swap3A_294, %swap3A_295], %add3A_292 {strides = array<i32>} : memref<12x32xi32, #tpu.memory_space<vmem>>, vector<16xi32>,
    %multiple_of3A_297 = tpu.assume_multiple %add3A_184, 8 : i32
    %convert_element_type3A_298 = arith.extui %and3A_189 : i1 to i32
    %cond3A_299 = arith.constant 0 : i32
    %cond3A_300 = arith.cmpi ne, %convert_element_type3A_298, %cond3A_299 : i32
    scf.if %cond3A_300 {
      %dma_start3A = arith.constant 0 : i32
      %dma_start3A_2136 = tpu.memref_slice %arg3[%multiple_of3A_297, %dma_start3A] : memref<8192x1024xf32, #tpu.memory_space<hbm>> -> memref<32x1024xf32, #tpu.memory_space<hbm>>
      %dma_start3A_2137 = arith.constant 0 : i32
      %dma_start3A_2138 = tpu.memref_slice %arg3[%multiple_of3A_297, %dma_start3A_2137] : memref<8192x1024xf32, #tpu.memory_space<hbm>> -> memref<32x1024xf32, #tpu.memory_space<hbm>>
      tpu.enqueue_dma source(%dma_start3A_2138 : memref<32x1024xf32, #tpu.memory_space<hbm>>) target(%arg7 : memref<32x1024xf32, #tpu.memory_space<vmem>>) target_semaphore(%arg11 : memref<!tpu.dma_semaphore, #tpu.memory_space<semaphore_mem>>)
    } else {
    }
    %add3A_301 = arith.constant 32 : i32
    %add3A_302 = arith.addi %add3A, %add3A_301 : i32
    %mul3A_303 = arith.constant 32 : i32
    %mul3A_304 = arith.muli %add3A_302, %mul3A_303 : i32
    %add3A_305 = arith.addi %multiple_of3A, %mul3A_304 : i32
    %add3A_306 = arith.constant 32 : i32
    %add3A_307 = arith.addi %add3A_305, %add3A_306 : i32
    %le3A_308 = arith.constant 8192 : i32
    %le3A_309 = arith.cmpi sle, %add3A_307, %le3A_308 : i32
    %lt3A_310 = arith.cmpi slt, %add3A_305, %add3A_76 : i32
    %and3A_311 = arith.andi %le3A_309, %lt3A_310 : i1
    %le3A_312 = arith.cmpi sle, %reduce_sum3A_6, %add3A_305 : i32
    %add3A_313 = arith.constant 32 : i32
    %add3A_314 = arith.addi %add3A_305, %add3A_313 : i32
    %add3A_315 = arith.constant 4096 : i32
    %add3A_316 = arith.addi %reduce_sum3A_6, %add3A_315 : i32
    %le3A_317 = arith.cmpi sle, %add3A_314, %add3A_316 : i32
    %and3A_318 = arith.andi %le3A_312, %le3A_317 : i1
    %and3A_319 = arith.andi %and3A_311, %and3A_318 : i1
    %le3A_320 = arith.cmpi sle, %reduce_sum3A_16, %add3A_305 : i32
    %add3A_321 = arith.constant 32 : i32
    %add3A_322 = arith.addi %add3A_305, %add3A_321 : i32
    %add3A_323 = arith.constant 4096 : i32
    %add3A_324 = arith.addi %reduce_sum3A_16, %add3A_323 : i32
    %le3A_325 = arith.cmpi sle, %add3A_322, %add3A_324 : i32
    %and3A_326 = arith.andi %le3A_320, %le3A_325 : i1
    %and3A_327 = arith.andi %and3A_311, %and3A_326 : i1
    %le3A_328 = arith.cmpi sle, %reduce_sum3A_26, %add3A_305 : i32
    %add3A_329 = arith.constant 32 : i32
    %add3A_330 = arith.addi %add3A_305, %add3A_329 : i32
    %add3A_331 = arith.constant 4096 : i32
    %add3A_332 = arith.addi %reduce_sum3A_26, %add3A_331 : i32
    %le3A_333 = arith.cmpi sle, %add3A_330, %add3A_332 : i32
    %and3A_334 = arith.andi %le3A_328, %le3A_333 : i1
    %and3A_335 = arith.andi %and3A_311, %and3A_334 : i1
    %le3A_336 = arith.cmpi sle, %reduce_sum3A_36, %add3A_305 : i32
    %add3A_337 = arith.constant 32 : i32
    %add3A_338 = arith.addi %add3A_305, %add3A_337 : i32
    %add3A_339 = arith.constant 4096 : i32
    %add3A_340 = arith.addi %reduce_sum3A_36, %add3A_339 : i32
    %le3A_341 = arith.cmpi sle, %add3A_338, %add3A_340 : i32
    %and3A_342 = arith.andi %le3A_336, %le3A_341 : i1
    %and3A_343 = arith.andi %and3A_311, %and3A_342 : i1
    %sub3A_344 = arith.subi %add3A_305, %reduce_sum3A_6 : i32
    %add3A_345 = arith.constant 0 : i32
    %add3A_346 = arith.addi %add3A_345, %sub3A_344 : i32
    %add3A_347 = arith.constant 0 : i32
    %add3A_348 = arith.addi %add3A_346, %add3A_347 : i32
    %broadcast_in_dim3A_349 = vector.broadcast %add3A_348 : i32 to vector<16xi32>
    %add3A_350 = arith.addi %broadcast_in_dim3A_349, %iota3A_77 : vector<16xi32>
    %swap3A_351 = arith.constant 4 : i32
    %swap3A_352 = arith.index_cast %swap3A_351 : i32 to index
    %swap3A_353 = arith.constant 0 : index
    %swap3A_354 = tpu.vector_load %arg6[%swap3A_352, %swap3A_353] {strides = array<i32>} : memref<12x32xi32, #tpu.memory_space<vmem>>, vector<16xi32>,
    tpu.vector_store %arg6[%swap3A_352, %swap3A_353], %add3A_350 {strides = array<i32>} : memref<12x32xi32, #tpu.memory_space<vmem>>, vector<16xi32>,
    %add3A_355 = arith.constant 16 : i32
    %add3A_356 = arith.addi %add3A_346, %add3A_355 : i32
    %broadcast_in_dim3A_357 = vector.broadcast %add3A_356 : i32 to vector<16xi32>
    %add3A_358 = arith.addi %broadcast_in_dim3A_357, %iota3A_77 : vector<16xi32>
    %swap3A_359 = arith.constant 4 : i32
    %swap3A_360 = arith.index_cast %swap3A_359 : i32 to index
    %swap3A_361 = arith.constant 16 : index
    %swap3A_362 = tpu.vector_load %arg6[%swap3A_360, %swap3A_361] {strides = array<i32>} : memref<12x32xi32, #tpu.memory_space<vmem>>, vector<16xi32>,
    tpu.vector_store %arg6[%swap3A_360, %swap3A_361], %add3A_358 {strides = array<i32>} : memref<12x32xi32, #tpu.memory_space<vmem>>, vector<16xi32>,
    %sub3A_363 = arith.subi %add3A_305, %reduce_sum3A_16 : i32
    %add3A_364 = arith.constant 4096 : i32
    %add3A_365 = arith.addi %add3A_364, %sub3A_363 : i32
    %add3A_366 = arith.constant 0 : i32
    %add3A_367 = arith.addi %add3A_365, %add3A_366 : i32
    %broadcast_in_dim3A_368 = vector.broadcast %add3A_367 : i32 to vector<16xi32>
    %add3A_369 = arith.addi %broadcast_in_dim3A_368, %iota3A_77 : vector<16xi32>
    %swap3A_370 = arith.constant 5 : i32
    %swap3A_371 = arith.index_cast %swap3A_370 : i32 to index
    %swap3A_372 = arith.constant 0 : index
    %swap3A_373 = tpu.vector_load %arg6[%swap3A_371, %swap3A_372] {strides = array<i32>} : memref<12x32xi32, #tpu.memory_space<vmem>>, vector<16xi32>,
    tpu.vector_store %arg6[%swap3A_371, %swap3A_372], %add3A_369 {strides = array<i32>} : memref<12x32xi32, #tpu.memory_space<vmem>>, vector<16xi32>,
    %add3A_374 = arith.constant 16 : i32
    %add3A_375 = arith.addi %add3A_365, %add3A_374 : i32
    %broadcast_in_dim3A_376 = vector.broadcast %add3A_375 : i32 to vector<16xi32>
    %add3A_377 = arith.addi %broadcast_in_dim3A_376, %iota3A_77 : vector<16xi32>
    %swap3A_378 = arith.constant 5 : i32
    %swap3A_379 = arith.index_cast %swap3A_378 : i32 to index
    %swap3A_380 = arith.constant 16 : index
    %swap3A_381 = tpu.vector_load %arg6[%swap3A_379, %swap3A_380] {strides = array<i32>} : memref<12x32xi32, #tpu.memory_space<vmem>>, vector<16xi32>,
    tpu.vector_store %arg6[%swap3A_379, %swap3A_380], %add3A_377 {strides = array<i32>} : memref<12x32xi32, #tpu.memory_space<vmem>>, vector<16xi32>,
    %sub3A_382 = arith.subi %add3A_305, %reduce_sum3A_26 : i32
    %add3A_383 = arith.constant 8192 : i32
    %add3A_384 = arith.addi %add3A_383, %sub3A_382 : i32
    %add3A_385 = arith.constant 0 : i32
    %add3A_386 = arith.addi %add3A_384, %add3A_385 : i32
    %broadcast_in_dim3A_387 = vector.broadcast %add3A_386 : i32 to vector<16xi32>
    %add3A_388 = arith.addi %broadcast_in_dim3A_387, %iota3A_77 : vector<16xi32>
    %swap3A_389 = arith.constant 6 : i32
    %swap3A_390 = arith.index_cast %swap3A_389 : i32 to index
    %swap3A_391 = arith.constant 0 : index
    %swap3A_392 = tpu.vector_load %arg6[%swap3A_390, %swap3A_391] {strides = array<i32>} : memref<12x32xi32, #tpu.memory_space<vmem>>, vector<16xi32>,
    tpu.vector_store %arg6[%swap3A_390, %swap3A_391], %add3A_388 {strides = array<i32>} : memref<12x32xi32, #tpu.memory_space<vmem>>, vector<16xi32>,
    %add3A_393 = arith.constant 16 : i32
    %add3A_394 = arith.addi %add3A_384, %add3A_393 : i32
    %broadcast_in_dim3A_395 = vector.broadcast %add3A_394 : i32 to vector<16xi32>
    %add3A_396 = arith.addi %broadcast_in_dim3A_395, %iota3A_77 : vector<16xi32>
    %swap3A_397 = arith.constant 6 : i32
    %swap3A_398 = arith.index_cast %swap3A_397 : i32 to index
    %swap3A_399 = arith.constant 16 : index
    %swap3A_400 = tpu.vector_load %arg6[%swap3A_398, %swap3A_399] {strides = array<i32>} : memref<12x32xi32, #tpu.memory_space<vmem>>, vector<16xi32>,
    tpu.vector_store %arg6[%swap3A_398, %swap3A_399], %add3A_396 {strides = array<i32>} : memref<12x32xi32, #tpu.memory_space<vmem>>, vector<16xi32>,
    %sub3A_401 = arith.subi %add3A_305, %reduce_sum3A_36 : i32
    %add3A_402 = arith.constant 12288 : i32
    %add3A_403 = arith.addi %add3A_402, %sub3A_401 : i32
    %add3A_404 = arith.constant 0 : i32
    %add3A_405 = arith.addi %add3A_403, %add3A_404 : i32
    %broadcast_in_dim3A_406 = vector.broadcast %add3A_405 : i32 to vector<16xi32>
    %add3A_407 = arith.addi %broadcast_in_dim3A_406, %iota3A_77 : vector<16xi32>
    %swap3A_408 = arith.constant 7 : i32
    %swap3A_409 = arith.index_cast %swap3A_408 : i32 to index
    %swap3A_410 = arith.constant 0 : index
    %swap3A_411 = tpu.vector_load %arg6[%swap3A_409, %swap3A_410] {strides = array<i32>} : memref<12x32xi32, #tpu.memory_space<vmem>>, vector<16xi32>,
    tpu.vector_store %arg6[%swap3A_409, %swap3A_410], %add3A_407 {strides = array<i32>} : memref<12x32xi32, #tpu.memory_space<vmem>>, vector<16xi32>,
    %add3A_412 = arith.constant 16 : i32
    %add3A_413 = arith.addi %add3A_403, %add3A_412 : i32
    %broadcast_in_dim3A_414 = vector.broadcast %add3A_413 : i32 to vector<16xi32>
    %add3A_415 = arith.addi %broadcast_in_dim3A_414, %iota3A_77 : vector<16xi32>
    %swap3A_416 = arith.constant 7 : i32
    %swap3A_417 = arith.index_cast %swap3A_416 : i32 to index
    %swap3A_418 = arith.constant 16 : index
    %swap3A_419 = tpu.vector_load %arg6[%swap3A_417, %swap3A_418] {strides = array<i32>} : memref<12x32xi32, #tpu.memory_space<vmem>>, vector<16xi32>,
    tpu.vector_store %arg6[%swap3A_417, %swap3A_418], %add3A_415 {strides = array<i32>} : memref<12x32xi32, #tpu.memory_space<vmem>>, vector<16xi32>,
    %multiple_of3A_420 = tpu.assume_multiple %add3A_305, 8 : i32
    %convert_element_type3A_421 = arith.extui %and3A_311 : i1 to i32
    %cond3A_422 = arith.constant 0 : i32
    %cond3A_423 = arith.cmpi ne, %convert_element_type3A_421, %cond3A_422 : i32
    scf.if %cond3A_423 {
      %dma_start3A = arith.constant 0 : i32
      %dma_start3A_2136 = tpu.memref_slice %arg3[%multiple_of3A_420, %dma_start3A] : memref<8192x1024xf32, #tpu.memory_space<hbm>> -> memref<32x1024xf32, #tpu.memory_space<hbm>>
      %dma_start3A_2137 = arith.constant 0 : i32
      %dma_start3A_2138 = tpu.memref_slice %arg3[%multiple_of3A_420, %dma_start3A_2137] : memref<8192x1024xf32, #tpu.memory_space<hbm>> -> memref<32x1024xf32, #tpu.memory_space<hbm>>
      tpu.enqueue_dma source(%dma_start3A_2138 : memref<32x1024xf32, #tpu.memory_space<hbm>>) target(%arg8 : memref<32x1024xf32, #tpu.memory_space<vmem>>) target_semaphore(%arg12 : memref<!tpu.dma_semaphore, #tpu.memory_space<semaphore_mem>>)
    } else {
    }
    %add3A_424 = arith.constant 64 : i32
    %add3A_425 = arith.addi %add3A, %add3A_424 : i32
    %mul3A_426 = arith.constant 32 : i32
    %mul3A_427 = arith.muli %add3A_425, %mul3A_426 : i32
    %add3A_428 = arith.addi %multiple_of3A, %mul3A_427 : i32
    %add3A_429 = arith.constant 32 : i32
    %add3A_430 = arith.addi %add3A_428, %add3A_429 : i32
    %le3A_431 = arith.constant 8192 : i32
    %le3A_432 = arith.cmpi sle, %add3A_430, %le3A_431 : i32
    %lt3A_433 = arith.cmpi slt, %add3A_428, %add3A_76 : i32
    %and3A_434 = arith.andi %le3A_432, %lt3A_433 : i1
    %le3A_435 = arith.cmpi sle, %reduce_sum3A_6, %add3A_428 : i32
    %add3A_436 = arith.constant 32 : i32
    %add3A_437 = arith.addi %add3A_428, %add3A_436 : i32
    %add3A_438 = arith.constant 4096 : i32
    %add3A_439 = arith.addi %reduce_sum3A_6, %add3A_438 : i32
    %le3A_440 = arith.cmpi sle, %add3A_437, %add3A_439 : i32
    %and3A_441 = arith.andi %le3A_435, %le3A_440 : i1
    %and3A_442 = arith.andi %and3A_434, %and3A_441 : i1
    %le3A_443 = arith.cmpi sle, %reduce_sum3A_16, %add3A_428 : i32
    %add3A_444 = arith.constant 32 : i32
    %add3A_445 = arith.addi %add3A_428, %add3A_444 : i32
    %add3A_446 = arith.constant 4096 : i32
    %add3A_447 = arith.addi %reduce_sum3A_16, %add3A_446 : i32
    %le3A_448 = arith.cmpi sle, %add3A_445, %add3A_447 : i32
    %and3A_449 = arith.andi %le3A_443, %le3A_448 : i1
    %and3A_450 = arith.andi %and3A_434, %and3A_449 : i1
    %le3A_451 = arith.cmpi sle, %reduce_sum3A_26, %add3A_428 : i32
    %add3A_452 = arith.constant 32 : i32
    %add3A_453 = arith.addi %add3A_428, %add3A_452 : i32
    %add3A_454 = arith.constant 4096 : i32
    %add3A_455 = arith.addi %reduce_sum3A_26, %add3A_454 : i32
    %le3A_456 = arith.cmpi sle, %add3A_453, %add3A_455 : i32
    %and3A_457 = arith.andi %le3A_451, %le3A_456 : i1
    %and3A_458 = arith.andi %and3A_434, %and3A_457 : i1
    %le3A_459 = arith.cmpi sle, %reduce_sum3A_36, %add3A_428 : i32
    %add3A_460 = arith.constant 32 : i32
    %add3A_461 = arith.addi %add3A_428, %add3A_460 : i32
    %add3A_462 = arith.constant 4096 : i32
    %add3A_463 = arith.addi %reduce_sum3A_36, %add3A_462 : i32
    %le3A_464 = arith.cmpi sle, %add3A_461, %add3A_463 : i32
    %and3A_465 = arith.andi %le3A_459, %le3A_464 : i1
    %and3A_466 = arith.andi %and3A_434, %and3A_465 : i1
    %sub3A_467 = arith.subi %add3A_428, %reduce_sum3A_6 : i32
    %add3A_468 = arith.constant 0 : i32
    %add3A_469 = arith.addi %add3A_468, %sub3A_467 : i32
    %add3A_470 = arith.constant 0 : i32
    %add3A_471 = arith.addi %add3A_469, %add3A_470 : i32
    %broadcast_in_dim3A_472 = vector.broadcast %add3A_471 : i32 to vector<16xi32>
    %add3A_473 = arith.addi %broadcast_in_dim3A_472, %iota3A_77 : vector<16xi32>
    %swap3A_474 = arith.constant 8 : i32
    %swap3A_475 = arith.index_cast %swap3A_474 : i32 to index
    %swap3A_476 = arith.constant 0 : index
    %swap3A_477 = tpu.vector_load %arg6[%swap3A_475, %swap3A_476] {strides = array<i32>} : memref<12x32xi32, #tpu.memory_space<vmem>>, vector<16xi32>,
    tpu.vector_store %arg6[%swap3A_475, %swap3A_476], %add3A_473 {strides = array<i32>} : memref<12x32xi32, #tpu.memory_space<vmem>>, vector<16xi32>,
    %add3A_478 = arith.constant 16 : i32
    %add3A_479 = arith.addi %add3A_469, %add3A_478 : i32
    %broadcast_in_dim3A_480 = vector.broadcast %add3A_479 : i32 to vector<16xi32>
    %add3A_481 = arith.addi %broadcast_in_dim3A_480, %iota3A_77 : vector<16xi32>
    %swap3A_482 = arith.constant 8 : i32
    %swap3A_483 = arith.index_cast %swap3A_482 : i32 to index
    %swap3A_484 = arith.constant 16 : index
    %swap3A_485 = tpu.vector_load %arg6[%swap3A_483, %swap3A_484] {strides = array<i32>} : memref<12x32xi32, #tpu.memory_space<vmem>>, vector<16xi32>,
    tpu.vector_store %arg6[%swap3A_483, %swap3A_484], %add3A_481 {strides = array<i32>} : memref<12x32xi32, #tpu.memory_space<vmem>>, vector<16xi32>,
    %sub3A_486 = arith.subi %add3A_428, %reduce_sum3A_16 : i32
    %add3A_487 = arith.constant 4096 : i32
    %add3A_488 = arith.addi %add3A_487, %sub3A_486 : i32
    %add3A_489 = arith.constant 0 : i32
    %add3A_490 = arith.addi %add3A_488, %add3A_489 : i32
    %broadcast_in_dim3A_491 = vector.broadcast %add3A_490 : i32 to vector<16xi32>
    %add3A_492 = arith.addi %broadcast_in_dim3A_491, %iota3A_77 : vector<16xi32>
    %swap3A_493 = arith.constant 9 : i32
    %swap3A_494 = arith.index_cast %swap3A_493 : i32 to index
    %swap3A_495 = arith.constant 0 : index
    %swap3A_496 = tpu.vector_load %arg6[%swap3A_494, %swap3A_495] {strides = array<i32>} : memref<12x32xi32, #tpu.memory_space<vmem>>, vector<16xi32>,
    tpu.vector_store %arg6[%swap3A_494, %swap3A_495], %add3A_492 {strides = array<i32>} : memref<12x32xi32, #tpu.memory_space<vmem>>, vector<16xi32>,
    %add3A_497 = arith.constant 16 : i32
    %add3A_498 = arith.addi %add3A_488, %add3A_497 : i32
    %broadcast_in_dim3A_499 = vector.broadcast %add3A_498 : i32 to vector<16xi32>
    %add3A_500 = arith.addi %broadcast_in_dim3A_499, %iota3A_77 : vector<16xi32>
    %swap3A_501 = arith.constant 9 : i32
    %swap3A_502 = arith.index_cast %swap3A_501 : i32 to index
    %swap3A_503 = arith.constant 16 : index
    %swap3A_504 = tpu.vector_load %arg6[%swap3A_502, %swap3A_503] {strides = array<i32>} : memref<12x32xi32, #tpu.memory_space<vmem>>, vector<16xi32>,
    tpu.vector_store %arg6[%swap3A_502, %swap3A_503], %add3A_500 {strides = array<i32>} : memref<12x32xi32, #tpu.memory_space<vmem>>, vector<16xi32>,
    %sub3A_505 = arith.subi %add3A_428, %reduce_sum3A_26 : i32
    %add3A_506 = arith.constant 8192 : i32
    %add3A_507 = arith.addi %add3A_506, %sub3A_505 : i32
    %add3A_508 = arith.constant 0 : i32
    %add3A_509 = arith.addi %add3A_507, %add3A_508 : i32
    %broadcast_in_dim3A_510 = vector.broadcast %add3A_509 : i32 to vector<16xi32>
    %add3A_511 = arith.addi %broadcast_in_dim3A_510, %iota3A_77 : vector<16xi32>
    %swap3A_512 = arith.constant 10 : i32
    %swap3A_513 = arith.index_cast %swap3A_512 : i32 to index
    %swap3A_514 = arith.constant 0 : index
    %swap3A_515 = tpu.vector_load %arg6[%swap3A_513, %swap3A_514] {strides = array<i32>} : memref<12x32xi32, #tpu.memory_space<vmem>>, vector<16xi32>,
    tpu.vector_store %arg6[%swap3A_513, %swap3A_514], %add3A_511 {strides = array<i32>} : memref<12x32xi32, #tpu.memory_space<vmem>>, vector<16xi32>,
    %add3A_516 = arith.constant 16 : i32
    %add3A_517 = arith.addi %add3A_507, %add3A_516 : i32
    %broadcast_in_dim3A_518 = vector.broadcast %add3A_517 : i32 to vector<16xi32>
    %add3A_519 = arith.addi %broadcast_in_dim3A_518, %iota3A_77 : vector<16xi32>
    %swap3A_520 = arith.constant 10 : i32
    %swap3A_521 = arith.index_cast %swap3A_520 : i32 to index
    %swap3A_522 = arith.constant 16 : index
    %swap3A_523 = tpu.vector_load %arg6[%swap3A_521, %swap3A_522] {strides = array<i32>} : memref<12x32xi32, #tpu.memory_space<vmem>>, vector<16xi32>,
    tpu.vector_store %arg6[%swap3A_521, %swap3A_522], %add3A_519 {strides = array<i32>} : memref<12x32xi32, #tpu.memory_space<vmem>>, vector<16xi32>,
    %sub3A_524 = arith.subi %add3A_428, %reduce_sum3A_36 : i32
    %add3A_525 = arith.constant 12288 : i32
    %add3A_526 = arith.addi %add3A_525, %sub3A_524 : i32
    %add3A_527 = arith.constant 0 : i32
    %add3A_528 = arith.addi %add3A_526, %add3A_527 : i32
    %broadcast_in_dim3A_529 = vector.broadcast %add3A_528 : i32 to vector<16xi32>
    %add3A_530 = arith.addi %broadcast_in_dim3A_529, %iota3A_77 : vector<16xi32>
    %swap3A_531 = arith.constant 11 : i32
    %swap3A_532 = arith.index_cast %swap3A_531 : i32 to index
    %swap3A_533 = arith.constant 0 : index
    %swap3A_534 = tpu.vector_load %arg6[%swap3A_532, %swap3A_533] {strides = array<i32>} : memref<12x32xi32, #tpu.memory_space<vmem>>, vector<16xi32>,
    tpu.vector_store %arg6[%swap3A_532, %swap3A_533], %add3A_530 {strides = array<i32>} : memref<12x32xi32, #tpu.memory_space<vmem>>, vector<16xi32>,
    %add3A_535 = arith.constant 16 : i32
    %add3A_536 = arith.addi %add3A_526, %add3A_535 : i32
    %broadcast_in_dim3A_537 = vector.broadcast %add3A_536 : i32 to vector<16xi32>
    %add3A_538 = arith.addi %broadcast_in_dim3A_537, %iota3A_77 : vector<16xi32>
    %swap3A_539 = arith.constant 11 : i32
    %swap3A_540 = arith.index_cast %swap3A_539 : i32 to index
    %swap3A_541 = arith.constant 16 : index
    %swap3A_542 = tpu.vector_load %arg6[%swap3A_540, %swap3A_541] {strides = array<i32>} : memref<12x32xi32, #tpu.memory_space<vmem>>, vector<16xi32>,
    tpu.vector_store %arg6[%swap3A_540, %swap3A_541], %add3A_538 {strides = array<i32>} : memref<12x32xi32, #tpu.memory_space<vmem>>, vector<16xi32>,
    %multiple_of3A_543 = tpu.assume_multiple %add3A_428, 8 : i32
    %convert_element_type3A_544 = arith.extui %and3A_434 : i1 to i32
    %cond3A_545 = arith.constant 0 : i32
    %cond3A_546 = arith.cmpi ne, %convert_element_type3A_544, %cond3A_545 : i32
    scf.if %cond3A_546 {
      %dma_start3A = arith.constant 0 : i32
      %dma_start3A_2136 = tpu.memref_slice %arg3[%multiple_of3A_543, %dma_start3A] : memref<8192x1024xf32, #tpu.memory_space<hbm>> -> memref<32x1024xf32, #tpu.memory_space<hbm>>
      %dma_start3A_2137 = arith.constant 0 : i32
      %dma_start3A_2138 = tpu.memref_slice %arg3[%multiple_of3A_543, %dma_start3A_2137] : memref<8192x1024xf32, #tpu.memory_space<hbm>> -> memref<32x1024xf32, #tpu.memory_space<hbm>>
      tpu.enqueue_dma source(%dma_start3A_2138 : memref<32x1024xf32, #tpu.memory_space<hbm>>) target(%arg9 : memref<32x1024xf32, #tpu.memory_space<vmem>>) target_semaphore(%arg13 : memref<!tpu.dma_semaphore, #tpu.memory_space<semaphore_mem>>)
    } else {
    }
    %add3A_547 = arith.constant 0 : i32
    %add3A_548 = arith.addi %add3A, %add3A_547 : i32
    %mul3A_549 = arith.constant 32 : i32
    %mul3A_550 = arith.muli %add3A_548, %mul3A_549 : i32
    %add3A_551 = arith.addi %multiple_of3A, %mul3A_550 : i32
    %add3A_552 = arith.constant 32 : i32
    %add3A_553 = arith.addi %add3A_551, %add3A_552 : i32
    %le3A_554 = arith.constant 8192 : i32
    %le3A_555 = arith.cmpi sle, %add3A_553, %le3A_554 : i32
    %lt3A_556 = arith.cmpi slt, %add3A_551, %add3A_76 : i32
    %and3A_557 = arith.andi %le3A_555, %lt3A_556 : i1
    %le3A_558 = arith.cmpi sle, %reduce_sum3A_6, %add3A_551 : i32
    %add3A_559 = arith.constant 32 : i32
    %add3A_560 = arith.addi %add3A_551, %add3A_559 : i32
    %add3A_561 = arith.constant 4096 : i32
    %add3A_562 = arith.addi %reduce_sum3A_6, %add3A_561 : i32
    %le3A_563 = arith.cmpi sle, %add3A_560, %add3A_562 : i32
    %and3A_564 = arith.andi %le3A_558, %le3A_563 : i1
    %and3A_565 = arith.andi %and3A_557, %and3A_564 : i1
    %le3A_566 = arith.cmpi sle, %reduce_sum3A_16, %add3A_551 : i32
    %add3A_567 = arith.constant 32 : i32
    %add3A_568 = arith.addi %add3A_551, %add3A_567 : i32
    %add3A_569 = arith.constant 4096 : i32
    %add3A_570 = arith.addi %reduce_sum3A_16, %add3A_569 : i32
    %le3A_571 = arith.cmpi sle, %add3A_568, %add3A_570 : i32
    %and3A_572 = arith.andi %le3A_566, %le3A_571 : i1
    %and3A_573 = arith.andi %and3A_557, %and3A_572 : i1
    %le3A_574 = arith.cmpi sle, %reduce_sum3A_26, %add3A_551 : i32
    %add3A_575 = arith.constant 32 : i32
    %add3A_576 = arith.addi %add3A_551, %add3A_575 : i32
    %add3A_577 = arith.constant 4096 : i32
    %add3A_578 = arith.addi %reduce_sum3A_26, %add3A_577 : i32
    %le3A_579 = arith.cmpi sle, %add3A_576, %add3A_578 : i32
    %and3A_580 = arith.andi %le3A_574, %le3A_579 : i1
    %and3A_581 = arith.andi %and3A_557, %and3A_580 : i1
    %le3A_582 = arith.cmpi sle, %reduce_sum3A_36, %add3A_551 : i32
    %add3A_583 = arith.constant 32 : i32
    %add3A_584 = arith.addi %add3A_551, %add3A_583 : i32
    %add3A_585 = arith.constant 4096 : i32
    %add3A_586 = arith.addi %reduce_sum3A_36, %add3A_585 : i32
    %le3A_587 = arith.cmpi sle, %add3A_584, %add3A_586 : i32
    %and3A_588 = arith.andi %le3A_582, %le3A_587 : i1
    %and3A_589 = arith.andi %and3A_557, %and3A_588 : i1
    %convert_element_type3A_590 = arith.extui %and3A_557 : i1 to i32
    %cond3A_591 = arith.constant 0 : i32
    %cond3A_592 = arith.cmpi ne, %convert_element_type3A_590, %cond3A_591 : i32
    scf.if %cond3A_592 {
      %dma_wait3A = arith.constant 0 : i32
      %dma_wait3A_2136 = tpu.memref_slice %arg3[%multiple_of3A_297, %dma_wait3A] : memref<8192x1024xf32, #tpu.memory_space<hbm>> -> memref<32x1024xf32, #tpu.memory_space<hbm>>
      %dma_wait3A_2137 = arith.constant 0 : i32
      %dma_wait3A_2138 = tpu.memref_slice %arg3[%multiple_of3A_297, %dma_wait3A_2137] : memref<8192x1024xf32, #tpu.memory_space<hbm>> -> memref<32x1024xf32, #tpu.memory_space<hbm>>
      tpu.wait_dma2 semaphore(%arg11 : memref<!tpu.dma_semaphore, #tpu.memory_space<semaphore_mem>>) src(%dma_wait3A_2138 : memref<32x1024xf32, #tpu.memory_space<hbm>>) dst(%arg7 : memref<32x1024xf32, #tpu.memory_space<vmem>>)
    } else {
    }
    %convert_element_type3A_593 = arith.extui %and3A_565 : i1 to i32
    %cond3A_594 = arith.constant 0 : i32
    %cond3A_595 = arith.constant 0 : i32
    %cond3A_596 = arith.cmpi ne, %convert_element_type3A_593, %cond3A_595 : i32
    scf.if %cond3A_596 {
      %dma_start3A = arith.constant 0 : i32
      %dma_start3A_2136 = tpu.memref_slice %arg6[%cond3A_594, %dma_start3A] : memref<12x32xi32, #tpu.memory_space<vmem>> -> memref<1x32xi32, #tpu.memory_space<vmem>>
      %dma_start3A_2137 = tpu.memref_squeeze %dma_start3A_2136 : memref<1x32xi32, #tpu.memory_space<vmem>> -> memref<32xi32, #tpu.memory_space<vmem>>
      %dma_start3A_2138 = arith.constant 0 : i32
      %dma_start3A_2139 = arith.constant 0 : i32
      %dma_start3A_2140 = tpu.memref_slice %arg4[%dma_start3A_2138, %dma_start3A_2139] : memref<16384x1024xf32, #tpu.memory_space<hbm>> -> memref<16384x1024xf32, #tpu.memory_space<hbm>>
      tpu.enqueue_indirect_dma source(%arg7 : memref<32x1024xf32, #tpu.memory_space<vmem>>) target(%dma_start3A_2140 : memref<16384x1024xf32, #tpu.memory_space<hbm>>) offsets(%dma_start3A_2137 : memref<32xi32, #tpu.memory_space<vmem>>) semaphore(%arg14 : memref<!tpu.dma_semaphore, #tpu.memory_space<semaphore_mem>>)
    } else {
    }
    %convert_element_type3A_597 = arith.extui %and3A_573 : i1 to i32
    %cond3A_598 = arith.constant 1 : i32
    %cond3A_599 = arith.constant 0 : i32
    %cond3A_600 = arith.cmpi ne, %convert_element_type3A_597, %cond3A_599 : i32
    scf.if %cond3A_600 {
      %dma_start3A = arith.constant 0 : i32
      %dma_start3A_2136 = tpu.memref_slice %arg6[%cond3A_598, %dma_start3A] : memref<12x32xi32, #tpu.memory_space<vmem>> -> memref<1x32xi32, #tpu.memory_space<vmem>>
      %dma_start3A_2137 = tpu.memref_squeeze %dma_start3A_2136 : memref<1x32xi32, #tpu.memory_space<vmem>> -> memref<32xi32, #tpu.memory_space<vmem>>
      %dma_start3A_2138 = arith.constant 0 : i32
      %dma_start3A_2139 = arith.constant 0 : i32
      %dma_start3A_2140 = tpu.memref_slice %arg4[%dma_start3A_2138, %dma_start3A_2139] : memref<16384x1024xf32, #tpu.memory_space<hbm>> -> memref<16384x1024xf32, #tpu.memory_space<hbm>>
      tpu.enqueue_indirect_dma source(%arg7 : memref<32x1024xf32, #tpu.memory_space<vmem>>) target(%dma_start3A_2140 : memref<16384x1024xf32, #tpu.memory_space<hbm>>) offsets(%dma_start3A_2137 : memref<32xi32, #tpu.memory_space<vmem>>) semaphore(%arg15 : memref<!tpu.dma_semaphore, #tpu.memory_space<semaphore_mem>>)
    } else {
    }
    %convert_element_type3A_601 = arith.extui %and3A_581 : i1 to i32
    %cond3A_602 = arith.constant 2 : i32
    %cond3A_603 = arith.constant 0 : i32
    %cond3A_604 = arith.cmpi ne, %convert_element_type3A_601, %cond3A_603 : i32
    scf.if %cond3A_604 {
      %dma_start3A = arith.constant 0 : i32
      %dma_start3A_2136 = tpu.memref_slice %arg6[%cond3A_602, %dma_start3A] : memref<12x32xi32, #tpu.memory_space<vmem>> -> memref<1x32xi32, #tpu.memory_space<vmem>>
      %dma_start3A_2137 = tpu.memref_squeeze %dma_start3A_2136 : memref<1x32xi32, #tpu.memory_space<vmem>> -> memref<32xi32, #tpu.memory_space<vmem>>
      %dma_start3A_2138 = arith.constant 0 : i32
      %dma_start3A_2139 = arith.constant 0 : i32
      %dma_start3A_2140 = tpu.memref_slice %arg4[%dma_start3A_2138, %dma_start3A_2139] : memref<16384x1024xf32, #tpu.memory_space<hbm>> -> memref<16384x1024xf32, #tpu.memory_space<hbm>>
      tpu.enqueue_indirect_dma source(%arg7 : memref<32x1024xf32, #tpu.memory_space<vmem>>) target(%dma_start3A_2140 : memref<16384x1024xf32, #tpu.memory_space<hbm>>) offsets(%dma_start3A_2137 : memref<32xi32, #tpu.memory_space<vmem>>) semaphore(%arg16 : memref<!tpu.dma_semaphore, #tpu.memory_space<semaphore_mem>>)
    } else {
    }
    %convert_element_type3A_605 = arith.extui %and3A_589 : i1 to i32
    %cond3A_606 = arith.constant 3 : i32
    %cond3A_607 = arith.constant 0 : i32
    %cond3A_608 = arith.cmpi ne, %convert_element_type3A_605, %cond3A_607 : i32
    scf.if %cond3A_608 {
      %dma_start3A = arith.constant 0 : i32
      %dma_start3A_2136 = tpu.memref_slice %arg6[%cond3A_606, %dma_start3A] : memref<12x32xi32, #tpu.memory_space<vmem>> -> memref<1x32xi32, #tpu.memory_space<vmem>>
      %dma_start3A_2137 = tpu.memref_squeeze %dma_start3A_2136 : memref<1x32xi32, #tpu.memory_space<vmem>> -> memref<32xi32, #tpu.memory_space<vmem>>
      %dma_start3A_2138 = arith.constant 0 : i32
      %dma_start3A_2139 = arith.constant 0 : i32
      %dma_start3A_2140 = tpu.memref_slice %arg4[%dma_start3A_2138, %dma_start3A_2139] : memref<16384x1024xf32, #tpu.memory_space<hbm>> -> memref<16384x1024xf32, #tpu.memory_space<hbm>>
      tpu.enqueue_indirect_dma source(%arg7 : memref<32x1024xf32, #tpu.memory_space<vmem>>) target(%dma_start3A_2140 : memref<16384x1024xf32, #tpu.memory_space<hbm>>) offsets(%dma_start3A_2137 : memref<32xi32, #tpu.memory_space<vmem>>) semaphore(%arg17 : memref<!tpu.dma_semaphore, #tpu.memory_space<semaphore_mem>>)
    } else {
    }
    %add3A_609 = arith.constant 96 : i32
    %add3A_610 = arith.addi %add3A, %add3A_609 : i32
    %mul3A_611 = arith.constant 32 : i32
    %mul3A_612 = arith.muli %add3A_610, %mul3A_611 : i32
    %add3A_613 = arith.addi %multiple_of3A, %mul3A_612 : i32
    %add3A_614 = arith.constant 32 : i32
    %add3A_615 = arith.addi %add3A_613, %add3A_614 : i32
    %le3A_616 = arith.constant 8192 : i32
    %le3A_617 = arith.cmpi sle, %add3A_615, %le3A_616 : i32
    %lt3A_618 = arith.cmpi slt, %add3A_613, %add3A_76 : i32
    %and3A_619 = arith.andi %le3A_617, %lt3A_618 : i1
    %le3A_620 = arith.cmpi sle, %reduce_sum3A_6, %add3A_613 : i32
    %add3A_621 = arith.constant 32 : i32
    %add3A_622 = arith.addi %add3A_613, %add3A_621 : i32
    %add3A_623 = arith.constant 4096 : i32
    %add3A_624 = arith.addi %reduce_sum3A_6, %add3A_623 : i32
    %le3A_625 = arith.cmpi sle, %add3A_622, %add3A_624 : i32
    %and3A_626 = arith.andi %le3A_620, %le3A_625 : i1
    %and3A_627 = arith.andi %and3A_619, %and3A_626 : i1
    %le3A_628 = arith.cmpi sle, %reduce_sum3A_16, %add3A_613 : i32
    %add3A_629 = arith.constant 32 : i32
    %add3A_630 = arith.addi %add3A_613, %add3A_629 : i32
    %add3A_631 = arith.constant 4096 : i32
    %add3A_632 = arith.addi %reduce_sum3A_16, %add3A_631 : i32
    %le3A_633 = arith.cmpi sle, %add3A_630, %add3A_632 : i32
    %and3A_634 = arith.andi %le3A_628, %le3A_633 : i1
    %and3A_635 = arith.andi %and3A_619, %and3A_634 : i1
    %le3A_636 = arith.cmpi sle, %reduce_sum3A_26, %add3A_613 : i32
    %add3A_637 = arith.constant 32 : i32
    %add3A_638 = arith.addi %add3A_613, %add3A_637 : i32
    %add3A_639 = arith.constant 4096 : i32
    %add3A_640 = arith.addi %reduce_sum3A_26, %add3A_639 : i32
    %le3A_641 = arith.cmpi sle, %add3A_638, %add3A_640 : i32
    %and3A_642 = arith.andi %le3A_636, %le3A_641 : i1
    %and3A_643 = arith.andi %and3A_619, %and3A_642 : i1
    %le3A_644 = arith.cmpi sle, %reduce_sum3A_36, %add3A_613 : i32
    %add3A_645 = arith.constant 32 : i32
    %add3A_646 = arith.addi %add3A_613, %add3A_645 : i32
    %add3A_647 = arith.constant 4096 : i32
    %add3A_648 = arith.addi %reduce_sum3A_36, %add3A_647 : i32
    %le3A_649 = arith.cmpi sle, %add3A_646, %add3A_648 : i32
    %and3A_650 = arith.andi %le3A_644, %le3A_649 : i1
    %and3A_651 = arith.andi %and3A_619, %and3A_650 : i1
    %add3A_652 = arith.constant 0 : i32
    %add3A_653 = arith.addi %add3A, %add3A_652 : i32
    %mul3A_654 = arith.constant 32 : i32
    %mul3A_655 = arith.muli %add3A_653, %mul3A_654 : i32
    %add3A_656 = arith.addi %multiple_of3A, %mul3A_655 : i32
    %add3A_657 = arith.constant 32 : i32
    %add3A_658 = arith.addi %add3A_656, %add3A_657 : i32
    %le3A_659 = arith.constant 8192 : i32
    %le3A_660 = arith.cmpi sle, %add3A_658, %le3A_659 : i32
    %lt3A_661 = arith.cmpi slt, %add3A_656, %add3A_76 : i32
    %and3A_662 = arith.andi %le3A_660, %lt3A_661 : i1
    %le3A_663 = arith.cmpi sle, %reduce_sum3A_6, %add3A_656 : i32
    %add3A_664 = arith.constant 32 : i32
    %add3A_665 = arith.addi %add3A_656, %add3A_664 : i32
    %add3A_666 = arith.constant 4096 : i32
    %add3A_667 = arith.addi %reduce_sum3A_6, %add3A_666 : i32
    %le3A_668 = arith.cmpi sle, %add3A_665, %add3A_667 : i32
    %and3A_669 = arith.andi %le3A_663, %le3A_668 : i1
    %and3A_670 = arith.andi %and3A_662, %and3A_669 : i1
    %le3A_671 = arith.cmpi sle, %reduce_sum3A_16, %add3A_656 : i32
    %add3A_672 = arith.constant 32 : i32
    %add3A_673 = arith.addi %add3A_656, %add3A_672 : i32
    %add3A_674 = arith.constant 4096 : i32
    %add3A_675 = arith.addi %reduce_sum3A_16, %add3A_674 : i32
    %le3A_676 = arith.cmpi sle, %add3A_673, %add3A_675 : i32
    %and3A_677 = arith.andi %le3A_671, %le3A_676 : i1
    %and3A_678 = arith.andi %and3A_662, %and3A_677 : i1
    %le3A_679 = arith.cmpi sle, %reduce_sum3A_26, %add3A_656 : i32
    %add3A_680 = arith.constant 32 : i32
    %add3A_681 = arith.addi %add3A_656, %add3A_680 : i32
    %add3A_682 = arith.constant 4096 : i32
    %add3A_683 = arith.addi %reduce_sum3A_26, %add3A_682 : i32
    %le3A_684 = arith.cmpi sle, %add3A_681, %add3A_683 : i32
    %and3A_685 = arith.andi %le3A_679, %le3A_684 : i1
    %and3A_686 = arith.andi %and3A_662, %and3A_685 : i1
    %le3A_687 = arith.cmpi sle, %reduce_sum3A_36, %add3A_656 : i32
    %add3A_688 = arith.constant 32 : i32
    %add3A_689 = arith.addi %add3A_656, %add3A_688 : i32
    %add3A_690 = arith.constant 4096 : i32
    %add3A_691 = arith.addi %reduce_sum3A_36, %add3A_690 : i32
    %le3A_692 = arith.cmpi sle, %add3A_689, %add3A_691 : i32
    %and3A_693 = arith.andi %le3A_687, %le3A_692 : i1
    %and3A_694 = arith.andi %and3A_662, %and3A_693 : i1
    %convert_element_type3A_695 = arith.extui %and3A_670 : i1 to i32
    %cond3A_696 = arith.constant 0 : i32
    %cond3A_697 = arith.constant 0 : i32
    %cond3A_698 = arith.cmpi ne, %convert_element_type3A_695, %cond3A_697 : i32
    scf.if %cond3A_698 {
      %dma_wait3A = arith.constant 0 : i32
      %dma_wait3A_2136 = tpu.memref_slice %arg6[%cond3A_696, %dma_wait3A] : memref<12x32xi32, #tpu.memory_space<vmem>> -> memref<1x32xi32, #tpu.memory_space<vmem>>
      %dma_wait3A_2137 = tpu.memref_squeeze %dma_wait3A_2136 : memref<1x32xi32, #tpu.memory_space<vmem>> -> memref<32xi32, #tpu.memory_space<vmem>>
      %dma_wait3A_2138 = arith.constant 0 : i32
      %dma_wait3A_2139 = arith.constant 0 : i32
      %dma_wait3A_2140 = tpu.memref_slice %arg4[%dma_wait3A_2138, %dma_wait3A_2139] : memref<16384x1024xf32, #tpu.memory_space<hbm>> -> memref<16384x1024xf32, #tpu.memory_space<hbm>>
      tpu.wait_indirect_dma semaphore(%arg14 : memref<!tpu.dma_semaphore, #tpu.memory_space<semaphore_mem>>) src(%arg7 : memref<32x1024xf32, #tpu.memory_space<vmem>>) dst(%dma_wait3A_2140 : memref<16384x1024xf32, #tpu.memory_space<hbm>>)
    } else {
    }
    %convert_element_type3A_699 = arith.extui %and3A_678 : i1 to i32
    %cond3A_700 = arith.constant 1 : i32
    %cond3A_701 = arith.constant 0 : i32
    %cond3A_702 = arith.cmpi ne, %convert_element_type3A_699, %cond3A_701 : i32
    scf.if %cond3A_702 {
      %dma_wait3A = arith.constant 0 : i32
      %dma_wait3A_2136 = tpu.memref_slice %arg6[%cond3A_700, %dma_wait3A] : memref<12x32xi32, #tpu.memory_space<vmem>> -> memref<1x32xi32, #tpu.memory_space<vmem>>
      %dma_wait3A_2137 = tpu.memref_squeeze %dma_wait3A_2136 : memref<1x32xi32, #tpu.memory_space<vmem>> -> memref<32xi32, #tpu.memory_space<vmem>>
      %dma_wait3A_2138 = arith.constant 0 : i32
      %dma_wait3A_2139 = arith.constant 0 : i32
      %dma_wait3A_2140 = tpu.memref_slice %arg4[%dma_wait3A_2138, %dma_wait3A_2139] : memref<16384x1024xf32, #tpu.memory_space<hbm>> -> memref<16384x1024xf32, #tpu.memory_space<hbm>>
      tpu.wait_indirect_dma semaphore(%arg15 : memref<!tpu.dma_semaphore, #tpu.memory_space<semaphore_mem>>) src(%arg7 : memref<32x1024xf32, #tpu.memory_space<vmem>>) dst(%dma_wait3A_2140 : memref<16384x1024xf32, #tpu.memory_space<hbm>>)
    } else {
    }
    %convert_element_type3A_703 = arith.extui %and3A_686 : i1 to i32
    %cond3A_704 = arith.constant 2 : i32
    %cond3A_705 = arith.constant 0 : i32
    %cond3A_706 = arith.cmpi ne, %convert_element_type3A_703, %cond3A_705 : i32
    scf.if %cond3A_706 {
      %dma_wait3A = arith.constant 0 : i32
      %dma_wait3A_2136 = tpu.memref_slice %arg6[%cond3A_704, %dma_wait3A] : memref<12x32xi32, #tpu.memory_space<vmem>> -> memref<1x32xi32, #tpu.memory_space<vmem>>
      %dma_wait3A_2137 = tpu.memref_squeeze %dma_wait3A_2136 : memref<1x32xi32, #tpu.memory_space<vmem>> -> memref<32xi32, #tpu.memory_space<vmem>>
      %dma_wait3A_2138 = arith.constant 0 : i32
      %dma_wait3A_2139 = arith.constant 0 : i32
      %dma_wait3A_2140 = tpu.memref_slice %arg4[%dma_wait3A_2138, %dma_wait3A_2139] : memref<16384x1024xf32, #tpu.memory_space<hbm>> -> memref<16384x1024xf32, #tpu.memory_space<hbm>>
      tpu.wait_indirect_dma semaphore(%arg16 : memref<!tpu.dma_semaphore, #tpu.memory_space<semaphore_mem>>) src(%arg7 : memref<32x1024xf32, #tpu.memory_space<vmem>>) dst(%dma_wait3A_2140 : memref<16384x1024xf32, #tpu.memory_space<hbm>>)
    } else {
    }
    %convert_element_type3A_707 = arith.extui %and3A_694 : i1 to i32
    %cond3A_708 = arith.constant 3 : i32
    %cond3A_709 = arith.constant 0 : i32
    %cond3A_710 = arith.cmpi ne, %convert_element_type3A_707, %cond3A_709 : i32
    scf.if %cond3A_710 {
      %dma_wait3A = arith.constant 0 : i32
      %dma_wait3A_2136 = tpu.memref_slice %arg6[%cond3A_708, %dma_wait3A] : memref<12x32xi32, #tpu.memory_space<vmem>> -> memref<1x32xi32, #tpu.memory_space<vmem>>
      %dma_wait3A_2137 = tpu.memref_squeeze %dma_wait3A_2136 : memref<1x32xi32, #tpu.memory_space<vmem>> -> memref<32xi32, #tpu.memory_space<vmem>>
      %dma_wait3A_2138 = arith.constant 0 : i32
      %dma_wait3A_2139 = arith.constant 0 : i32
      %dma_wait3A_2140 = tpu.memref_slice %arg4[%dma_wait3A_2138, %dma_wait3A_2139] : memref<16384x1024xf32, #tpu.memory_space<hbm>> -> memref<16384x1024xf32, #tpu.memory_space<hbm>>
      tpu.wait_indirect_dma semaphore(%arg17 : memref<!tpu.dma_semaphore, #tpu.memory_space<semaphore_mem>>) src(%arg7 : memref<32x1024xf32, #tpu.memory_space<vmem>>) dst(%dma_wait3A_2140 : memref<16384x1024xf32, #tpu.memory_space<hbm>>)
    } else {
    }
    %sub3A_711 = arith.subi %add3A_613, %reduce_sum3A_6 : i32
    %add3A_712 = arith.constant 0 : i32
    %add3A_713 = arith.addi %add3A_712, %sub3A_711 : i32
    %add3A_714 = arith.constant 0 : i32
    %add3A_715 = arith.addi %add3A_713, %add3A_714 : i32
    %broadcast_in_dim3A_716 = vector.broadcast %add3A_715 : i32 to vector<16xi32>
    %add3A_717 = arith.addi %broadcast_in_dim3A_716, %iota3A_77 : vector<16xi32>
    %swap3A_718 = arith.constant 0 : i32
    %swap3A_719 = arith.index_cast %swap3A_718 : i32 to index
    %swap3A_720 = arith.constant 0 : index
    %swap3A_721 = tpu.vector_load %arg6[%swap3A_719, %swap3A_720] {strides = array<i32>} : memref<12x32xi32, #tpu.memory_space<vmem>>, vector<16xi32>,
    tpu.vector_store %arg6[%swap3A_719, %swap3A_720], %add3A_717 {strides = array<i32>} : memref<12x32xi32, #tpu.memory_space<vmem>>, vector<16xi32>,
    %add3A_722 = arith.constant 16 : i32
    %add3A_723 = arith.addi %add3A_713, %add3A_722 : i32
    %broadcast_in_dim3A_724 = vector.broadcast %add3A_723 : i32 to vector<16xi32>
    %add3A_725 = arith.addi %broadcast_in_dim3A_724, %iota3A_77 : vector<16xi32>
    %swap3A_726 = arith.constant 0 : i32
    %swap3A_727 = arith.index_cast %swap3A_726 : i32 to index
    %swap3A_728 = arith.constant 16 : index
    %swap3A_729 = tpu.vector_load %arg6[%swap3A_727, %swap3A_728] {strides = array<i32>} : memref<12x32xi32, #tpu.memory_space<vmem>>, vector<16xi32>,
    tpu.vector_store %arg6[%swap3A_727, %swap3A_728], %add3A_725 {strides = array<i32>} : memref<12x32xi32, #tpu.memory_space<vmem>>, vector<16xi32>,
    %sub3A_730 = arith.subi %add3A_613, %reduce_sum3A_16 : i32
    %add3A_731 = arith.constant 4096 : i32
    %add3A_732 = arith.addi %add3A_731, %sub3A_730 : i32
    %add3A_733 = arith.constant 0 : i32
    %add3A_734 = arith.addi %add3A_732, %add3A_733 : i32
    %broadcast_in_dim3A_735 = vector.broadcast %add3A_734 : i32 to vector<16xi32>
    %add3A_736 = arith.addi %broadcast_in_dim3A_735, %iota3A_77 : vector<16xi32>
    %swap3A_737 = arith.constant 1 : i32
    %swap3A_738 = arith.index_cast %swap3A_737 : i32 to index
    %swap3A_739 = arith.constant 0 : index
    %swap3A_740 = tpu.vector_load %arg6[%swap3A_738, %swap3A_739] {strides = array<i32>} : memref<12x32xi32, #tpu.memory_space<vmem>>, vector<16xi32>,
    tpu.vector_store %arg6[%swap3A_738, %swap3A_739], %add3A_736 {strides = array<i32>} : memref<12x32xi32, #tpu.memory_space<vmem>>, vector<16xi32>,
    %add3A_741 = arith.constant 16 : i32
    %add3A_742 = arith.addi %add3A_732, %add3A_741 : i32
    %broadcast_in_dim3A_743 = vector.broadcast %add3A_742 : i32 to vector<16xi32>
    %add3A_744 = arith.addi %broadcast_in_dim3A_743, %iota3A_77 : vector<16xi32>
    %swap3A_745 = arith.constant 1 : i32
    %swap3A_746 = arith.index_cast %swap3A_745 : i32 to index
    %swap3A_747 = arith.constant 16 : index
    %swap3A_748 = tpu.vector_load %arg6[%swap3A_746, %swap3A_747] {strides = array<i32>} : memref<12x32xi32, #tpu.memory_space<vmem>>, vector<16xi32>,
    tpu.vector_store %arg6[%swap3A_746, %swap3A_747], %add3A_744 {strides = array<i32>} : memref<12x32xi32, #tpu.memory_space<vmem>>, vector<16xi32>,
    %sub3A_749 = arith.subi %add3A_613, %reduce_sum3A_26 : i32
    %add3A_750 = arith.constant 8192 : i32
    %add3A_751 = arith.addi %add3A_750, %sub3A_749 : i32
    %add3A_752 = arith.constant 0 : i32
    %add3A_753 = arith.addi %add3A_751, %add3A_752 : i32
    %broadcast_in_dim3A_754 = vector.broadcast %add3A_753 : i32 to vector<16xi32>
    %add3A_755 = arith.addi %broadcast_in_dim3A_754, %iota3A_77 : vector<16xi32>
    %swap3A_756 = arith.constant 2 : i32
    %swap3A_757 = arith.index_cast %swap3A_756 : i32 to index
    %swap3A_758 = arith.constant 0 : index
    %swap3A_759 = tpu.vector_load %arg6[%swap3A_757, %swap3A_758] {strides = array<i32>} : memref<12x32xi32, #tpu.memory_space<vmem>>, vector<16xi32>,
    tpu.vector_store %arg6[%swap3A_757, %swap3A_758], %add3A_755 {strides = array<i32>} : memref<12x32xi32, #tpu.memory_space<vmem>>, vector<16xi32>,
    %add3A_760 = arith.constant 16 : i32
    %add3A_761 = arith.addi %add3A_751, %add3A_760 : i32
    %broadcast_in_dim3A_762 = vector.broadcast %add3A_761 : i32 to vector<16xi32>
    %add3A_763 = arith.addi %broadcast_in_dim3A_762, %iota3A_77 : vector<16xi32>
    %swap3A_764 = arith.constant 2 : i32
    %swap3A_765 = arith.index_cast %swap3A_764 : i32 to index
    %swap3A_766 = arith.constant 16 : index
    %swap3A_767 = tpu.vector_load %arg6[%swap3A_765, %swap3A_766] {strides = array<i32>} : memref<12x32xi32, #tpu.memory_space<vmem>>, vector<16xi32>,
    tpu.vector_store %arg6[%swap3A_765, %swap3A_766], %add3A_763 {strides = array<i32>} : memref<12x32xi32, #tpu.memory_space<vmem>>, vector<16xi32>,
    %sub3A_768 = arith.subi %add3A_613, %reduce_sum3A_36 : i32
    %add3A_769 = arith.constant 12288 : i32
    %add3A_770 = arith.addi %add3A_769, %sub3A_768 : i32
    %add3A_771 = arith.constant 0 : i32
    %add3A_772 = arith.addi %add3A_770, %add3A_771 : i32
    %broadcast_in_dim3A_773 = vector.broadcast %add3A_772 : i32 to vector<16xi32>
    %add3A_774 = arith.addi %broadcast_in_dim3A_773, %iota3A_77 : vector<16xi32>
    %swap3A_775 = arith.constant 3 : i32
    %swap3A_776 = arith.index_cast %swap3A_775 : i32 to index
    %swap3A_777 = arith.constant 0 : index
    %swap3A_778 = tpu.vector_load %arg6[%swap3A_776, %swap3A_777] {strides = array<i32>} : memref<12x32xi32, #tpu.memory_space<vmem>>, vector<16xi32>,
    tpu.vector_store %arg6[%swap3A_776, %swap3A_777], %add3A_774 {strides = array<i32>} : memref<12x32xi32, #tpu.memory_space<vmem>>, vector<16xi32>,
    %add3A_779 = arith.constant 16 : i32
    %add3A_780 = arith.addi %add3A_770, %add3A_779 : i32
    %broadcast_in_dim3A_781 = vector.broadcast %add3A_780 : i32 to vector<16xi32>
    %add3A_782 = arith.addi %broadcast_in_dim3A_781, %iota3A_77 : vector<16xi32>
    %swap3A_783 = arith.constant 3 : i32
    %swap3A_784 = arith.index_cast %swap3A_783 : i32 to index
    %swap3A_785 = arith.constant 16 : index
    %swap3A_786 = tpu.vector_load %arg6[%swap3A_784, %swap3A_785] {strides = array<i32>} : memref<12x32xi32, #tpu.memory_space<vmem>>, vector<16xi32>,
    tpu.vector_store %arg6[%swap3A_784, %swap3A_785], %add3A_782 {strides = array<i32>} : memref<12x32xi32, #tpu.memory_space<vmem>>, vector<16xi32>,
    %multiple_of3A_787 = tpu.assume_multiple %add3A_613, 8 : i32
    %convert_element_type3A_788 = arith.extui %and3A_619 : i1 to i32
    %cond3A_789 = arith.constant 0 : i32
    %cond3A_790 = arith.cmpi ne, %convert_element_type3A_788, %cond3A_789 : i32
    scf.if %cond3A_790 {
      %dma_start3A = arith.constant 0 : i32
      %dma_start3A_2136 = tpu.memref_slice %arg3[%multiple_of3A_787, %dma_start3A] : memref<8192x1024xf32, #tpu.memory_space<hbm>> -> memref<32x1024xf32, #tpu.memory_space<hbm>>
      %dma_start3A_2137 = arith.constant 0 : i32
      %dma_start3A_2138 = tpu.memref_slice %arg3[%multiple_of3A_787, %dma_start3A_2137] : memref<8192x1024xf32, #tpu.memory_space<hbm>> -> memref<32x1024xf32, #tpu.memory_space<hbm>>
      tpu.enqueue_dma source(%dma_start3A_2138 : memref<32x1024xf32, #tpu.memory_space<hbm>>) target(%arg7 : memref<32x1024xf32, #tpu.memory_space<vmem>>) target_semaphore(%arg11 : memref<!tpu.dma_semaphore, #tpu.memory_space<semaphore_mem>>)
    } else {
    }
    %add3A_791 = arith.constant 32 : i32
    %add3A_792 = arith.addi %add3A, %add3A_791 : i32
    %mul3A_793 = arith.constant 32 : i32
    %mul3A_794 = arith.muli %add3A_792, %mul3A_793 : i32
    %add3A_795 = arith.addi %multiple_of3A, %mul3A_794 : i32
    %add3A_796 = arith.constant 32 : i32
    %add3A_797 = arith.addi %add3A_795, %add3A_796 : i32
    %le3A_798 = arith.constant 8192 : i32
    %le3A_799 = arith.cmpi sle, %add3A_797, %le3A_798 : i32
    %lt3A_800 = arith.cmpi slt, %add3A_795, %add3A_76 : i32
    %and3A_801 = arith.andi %le3A_799, %lt3A_800 : i1
    %le3A_802 = arith.cmpi sle, %reduce_sum3A_6, %add3A_795 : i32
    %add3A_803 = arith.constant 32 : i32
    %add3A_804 = arith.addi %add3A_795, %add3A_803 : i32
    %add3A_805 = arith.constant 4096 : i32
    %add3A_806 = arith.addi %reduce_sum3A_6, %add3A_805 : i32
    %le3A_807 = arith.cmpi sle, %add3A_804, %add3A_806 : i32
    %and3A_808 = arith.andi %le3A_802, %le3A_807 : i1
    %and3A_809 = arith.andi %and3A_801, %and3A_808 : i1
    %le3A_810 = arith.cmpi sle, %reduce_sum3A_16, %add3A_795 : i32
    %add3A_811 = arith.constant 32 : i32
    %add3A_812 = arith.addi %add3A_795, %add3A_811 : i32
    %add3A_813 = arith.constant 4096 : i32
    %add3A_814 = arith.addi %reduce_sum3A_16, %add3A_813 : i32
    %le3A_815 = arith.cmpi sle, %add3A_812, %add3A_814 : i32
    %and3A_816 = arith.andi %le3A_810, %le3A_815 : i1
    %and3A_817 = arith.andi %and3A_801, %and3A_816 : i1
    %le3A_818 = arith.cmpi sle, %reduce_sum3A_26, %add3A_795 : i32
    %add3A_819 = arith.constant 32 : i32
    %add3A_820 = arith.addi %add3A_795, %add3A_819 : i32
    %add3A_821 = arith.constant 4096 : i32
    %add3A_822 = arith.addi %reduce_sum3A_26, %add3A_821 : i32
    %le3A_823 = arith.cmpi sle, %add3A_820, %add3A_822 : i32
    %and3A_824 = arith.andi %le3A_818, %le3A_823 : i1
    %and3A_825 = arith.andi %and3A_801, %and3A_824 : i1
    %le3A_826 = arith.cmpi sle, %reduce_sum3A_36, %add3A_795 : i32
    %add3A_827 = arith.constant 32 : i32
    %add3A_828 = arith.addi %add3A_795, %add3A_827 : i32
    %add3A_829 = arith.constant 4096 : i32
    %add3A_830 = arith.addi %reduce_sum3A_36, %add3A_829 : i32
    %le3A_831 = arith.cmpi sle, %add3A_828, %add3A_830 : i32
    %and3A_832 = arith.andi %le3A_826, %le3A_831 : i1
    %and3A_833 = arith.andi %and3A_801, %and3A_832 : i1
    %convert_element_type3A_834 = arith.extui %and3A_801 : i1 to i32
    %cond3A_835 = arith.constant 0 : i32
    %cond3A_836 = arith.cmpi ne, %convert_element_type3A_834, %cond3A_835 : i32
    scf.if %cond3A_836 {
      %dma_wait3A = arith.constant 0 : i32
      %dma_wait3A_2136 = tpu.memref_slice %arg3[%multiple_of3A_420, %dma_wait3A] : memref<8192x1024xf32, #tpu.memory_space<hbm>> -> memref<32x1024xf32, #tpu.memory_space<hbm>>
      %dma_wait3A_2137 = arith.constant 0 : i32
      %dma_wait3A_2138 = tpu.memref_slice %arg3[%multiple_of3A_420, %dma_wait3A_2137] : memref<8192x1024xf32, #tpu.memory_space<hbm>> -> memref<32x1024xf32, #tpu.memory_space<hbm>>
      tpu.wait_dma2 semaphore(%arg12 : memref<!tpu.dma_semaphore, #tpu.memory_space<semaphore_mem>>) src(%dma_wait3A_2138 : memref<32x1024xf32, #tpu.memory_space<hbm>>) dst(%arg8 : memref<32x1024xf32, #tpu.memory_space<vmem>>)
    } else {
    }
    %convert_element_type3A_837 = arith.extui %and3A_809 : i1 to i32
    %cond3A_838 = arith.constant 4 : i32
    %cond3A_839 = arith.constant 0 : i32
    %cond3A_840 = arith.cmpi ne, %convert_element_type3A_837, %cond3A_839 : i32
    scf.if %cond3A_840 {
      %dma_start3A = arith.constant 0 : i32
      %dma_start3A_2136 = tpu.memref_slice %arg6[%cond3A_838, %dma_start3A] : memref<12x32xi32, #tpu.memory_space<vmem>> -> memref<1x32xi32, #tpu.memory_space<vmem>>
      %dma_start3A_2137 = tpu.memref_squeeze %dma_start3A_2136 : memref<1x32xi32, #tpu.memory_space<vmem>> -> memref<32xi32, #tpu.memory_space<vmem>>
      %dma_start3A_2138 = arith.constant 0 : i32
      %dma_start3A_2139 = arith.constant 0 : i32
      %dma_start3A_2140 = tpu.memref_slice %arg4[%dma_start3A_2138, %dma_start3A_2139] : memref<16384x1024xf32, #tpu.memory_space<hbm>> -> memref<16384x1024xf32, #tpu.memory_space<hbm>>
      tpu.enqueue_indirect_dma source(%arg8 : memref<32x1024xf32, #tpu.memory_space<vmem>>) target(%dma_start3A_2140 : memref<16384x1024xf32, #tpu.memory_space<hbm>>) offsets(%dma_start3A_2137 : memref<32xi32, #tpu.memory_space<vmem>>) semaphore(%arg18 : memref<!tpu.dma_semaphore, #tpu.memory_space<semaphore_mem>>)
    } else {
    }
    %convert_element_type3A_841 = arith.extui %and3A_817 : i1 to i32
    %cond3A_842 = arith.constant 5 : i32
    %cond3A_843 = arith.constant 0 : i32
    %cond3A_844 = arith.cmpi ne, %convert_element_type3A_841, %cond3A_843 : i32
    scf.if %cond3A_844 {
      %dma_start3A = arith.constant 0 : i32
      %dma_start3A_2136 = tpu.memref_slice %arg6[%cond3A_842, %dma_start3A] : memref<12x32xi32, #tpu.memory_space<vmem>> -> memref<1x32xi32, #tpu.memory_space<vmem>>
      %dma_start3A_2137 = tpu.memref_squeeze %dma_start3A_2136 : memref<1x32xi32, #tpu.memory_space<vmem>> -> memref<32xi32, #tpu.memory_space<vmem>>
      %dma_start3A_2138 = arith.constant 0 : i32
      %dma_start3A_2139 = arith.constant 0 : i32
      %dma_start3A_2140 = tpu.memref_slice %arg4[%dma_start3A_2138, %dma_start3A_2139] : memref<16384x1024xf32, #tpu.memory_space<hbm>> -> memref<16384x1024xf32, #tpu.memory_space<hbm>>
      tpu.enqueue_indirect_dma source(%arg8 : memref<32x1024xf32, #tpu.memory_space<vmem>>) target(%dma_start3A_2140 : memref<16384x1024xf32, #tpu.memory_space<hbm>>) offsets(%dma_start3A_2137 : memref<32xi32, #tpu.memory_space<vmem>>) semaphore(%arg19 : memref<!tpu.dma_semaphore, #tpu.memory_space<semaphore_mem>>)
    } else {
    }
    %convert_element_type3A_845 = arith.extui %and3A_825 : i1 to i32
    %cond3A_846 = arith.constant 6 : i32
    %cond3A_847 = arith.constant 0 : i32
    %cond3A_848 = arith.cmpi ne, %convert_element_type3A_845, %cond3A_847 : i32
    scf.if %cond3A_848 {
      %dma_start3A = arith.constant 0 : i32
      %dma_start3A_2136 = tpu.memref_slice %arg6[%cond3A_846, %dma_start3A] : memref<12x32xi32, #tpu.memory_space<vmem>> -> memref<1x32xi32, #tpu.memory_space<vmem>>
      %dma_start3A_2137 = tpu.memref_squeeze %dma_start3A_2136 : memref<1x32xi32, #tpu.memory_space<vmem>> -> memref<32xi32, #tpu.memory_space<vmem>>
      %dma_start3A_2138 = arith.constant 0 : i32
      %dma_start3A_2139 = arith.constant 0 : i32
      %dma_start3A_2140 = tpu.memref_slice %arg4[%dma_start3A_2138, %dma_start3A_2139] : memref<16384x1024xf32, #tpu.memory_space<hbm>> -> memref<16384x1024xf32, #tpu.memory_space<hbm>>
      tpu.enqueue_indirect_dma source(%arg8 : memref<32x1024xf32, #tpu.memory_space<vmem>>) target(%dma_start3A_2140 : memref<16384x1024xf32, #tpu.memory_space<hbm>>) offsets(%dma_start3A_2137 : memref<32xi32, #tpu.memory_space<vmem>>) semaphore(%arg20 : memref<!tpu.dma_semaphore, #tpu.memory_space<semaphore_mem>>)
    } else {
    }
    %convert_element_type3A_849 = arith.extui %and3A_833 : i1 to i32
    %cond3A_850 = arith.constant 7 : i32
    %cond3A_851 = arith.constant 0 : i32
    %cond3A_852 = arith.cmpi ne, %convert_element_type3A_849, %cond3A_851 : i32
    scf.if %cond3A_852 {
      %dma_start3A = arith.constant 0 : i32
      %dma_start3A_2136 = tpu.memref_slice %arg6[%cond3A_850, %dma_start3A] : memref<12x32xi32, #tpu.memory_space<vmem>> -> memref<1x32xi32, #tpu.memory_space<vmem>>
      %dma_start3A_2137 = tpu.memref_squeeze %dma_start3A_2136 : memref<1x32xi32, #tpu.memory_space<vmem>> -> memref<32xi32, #tpu.memory_space<vmem>>
      %dma_start3A_2138 = arith.constant 0 : i32
      %dma_start3A_2139 = arith.constant 0 : i32
      %dma_start3A_2140 = tpu.memref_slice %arg4[%dma_start3A_2138, %dma_start3A_2139] : memref<16384x1024xf32, #tpu.memory_space<hbm>> -> memref<16384x1024xf32, #tpu.memory_space<hbm>>
      tpu.enqueue_indirect_dma source(%arg8 : memref<32x1024xf32, #tpu.memory_space<vmem>>) target(%dma_start3A_2140 : memref<16384x1024xf32, #tpu.memory_space<hbm>>) offsets(%dma_start3A_2137 : memref<32xi32, #tpu.memory_space<vmem>>) semaphore(%arg21 : memref<!tpu.dma_semaphore, #tpu.memory_space<semaphore_mem>>)
    } else {
    }
    %add3A_853 = arith.constant 128 : i32
    %add3A_854 = arith.addi %add3A, %add3A_853 : i32
    %mul3A_855 = arith.constant 32 : i32
    %mul3A_856 = arith.muli %add3A_854, %mul3A_855 : i32
    %add3A_857 = arith.addi %multiple_of3A, %mul3A_856 : i32
    %add3A_858 = arith.constant 32 : i32
    %add3A_859 = arith.addi %add3A_857, %add3A_858 : i32
    %le3A_860 = arith.constant 8192 : i32
    %le3A_861 = arith.cmpi sle, %add3A_859, %le3A_860 : i32
    %lt3A_862 = arith.cmpi slt, %add3A_857, %add3A_76 : i32
    %and3A_863 = arith.andi %le3A_861, %lt3A_862 : i1
    %le3A_864 = arith.cmpi sle, %reduce_sum3A_6, %add3A_857 : i32
    %add3A_865 = arith.constant 32 : i32
    %add3A_866 = arith.addi %add3A_857, %add3A_865 : i32
    %add3A_867 = arith.constant 4096 : i32
    %add3A_868 = arith.addi %reduce_sum3A_6, %add3A_867 : i32
    %le3A_869 = arith.cmpi sle, %add3A_866, %add3A_868 : i32
    %and3A_870 = arith.andi %le3A_864, %le3A_869 : i1
    %and3A_871 = arith.andi %and3A_863, %and3A_870 : i1
    %le3A_872 = arith.cmpi sle, %reduce_sum3A_16, %add3A_857 : i32
    %add3A_873 = arith.constant 32 : i32
    %add3A_874 = arith.addi %add3A_857, %add3A_873 : i32
    %add3A_875 = arith.constant 4096 : i32
    %add3A_876 = arith.addi %reduce_sum3A_16, %add3A_875 : i32
    %le3A_877 = arith.cmpi sle, %add3A_874, %add3A_876 : i32
    %and3A_878 = arith.andi %le3A_872, %le3A_877 : i1
    %and3A_879 = arith.andi %and3A_863, %and3A_878 : i1
    %le3A_880 = arith.cmpi sle, %reduce_sum3A_26, %add3A_857 : i32
    %add3A_881 = arith.constant 32 : i32
    %add3A_882 = arith.addi %add3A_857, %add3A_881 : i32
    %add3A_883 = arith.constant 4096 : i32
    %add3A_884 = arith.addi %reduce_sum3A_26, %add3A_883 : i32
    %le3A_885 = arith.cmpi sle, %add3A_882, %add3A_884 : i32
    %and3A_886 = arith.andi %le3A_880, %le3A_885 : i1
    %and3A_887 = arith.andi %and3A_863, %and3A_886 : i1
    %le3A_888 = arith.cmpi sle, %reduce_sum3A_36, %add3A_857 : i32
    %add3A_889 = arith.constant 32 : i32
    %add3A_890 = arith.addi %add3A_857, %add3A_889 : i32
    %add3A_891 = arith.constant 4096 : i32
    %add3A_892 = arith.addi %reduce_sum3A_36, %add3A_891 : i32
    %le3A_893 = arith.cmpi sle, %add3A_890, %add3A_892 : i32
    %and3A_894 = arith.andi %le3A_888, %le3A_893 : i1
    %and3A_895 = arith.andi %and3A_863, %and3A_894 : i1
    %add3A_896 = arith.constant 32 : i32
    %add3A_897 = arith.addi %add3A, %add3A_896 : i32
    %mul3A_898 = arith.constant 32 : i32
    %mul3A_899 = arith.muli %add3A_897, %mul3A_898 : i32
    %add3A_900 = arith.addi %multiple_of3A, %mul3A_899 : i32
    %add3A_901 = arith.constant 32 : i32
    %add3A_902 = arith.addi %add3A_900, %add3A_901 : i32
    %le3A_903 = arith.constant 8192 : i32
    %le3A_904 = arith.cmpi sle, %add3A_902, %le3A_903 : i32
    %lt3A_905 = arith.cmpi slt, %add3A_900, %add3A_76 : i32
    %and3A_906 = arith.andi %le3A_904, %lt3A_905 : i1
    %le3A_907 = arith.cmpi sle, %reduce_sum3A_6, %add3A_900 : i32
    %add3A_908 = arith.constant 32 : i32
    %add3A_909 = arith.addi %add3A_900, %add3A_908 : i32
    %add3A_910 = arith.constant 4096 : i32
    %add3A_911 = arith.addi %reduce_sum3A_6, %add3A_910 : i32
    %le3A_912 = arith.cmpi sle, %add3A_909, %add3A_911 : i32
    %and3A_913 = arith.andi %le3A_907, %le3A_912 : i1
    %and3A_914 = arith.andi %and3A_906, %and3A_913 : i1
    %le3A_915 = arith.cmpi sle, %reduce_sum3A_16, %add3A_900 : i32
    %add3A_916 = arith.constant 32 : i32
    %add3A_917 = arith.addi %add3A_900, %add3A_916 : i32
    %add3A_918 = arith.constant 4096 : i32
    %add3A_919 = arith.addi %reduce_sum3A_16, %add3A_918 : i32
    %le3A_920 = arith.cmpi sle, %add3A_917, %add3A_919 : i32
    %and3A_921 = arith.andi %le3A_915, %le3A_920 : i1
    %and3A_922 = arith.andi %and3A_906, %and3A_921 : i1
    %le3A_923 = arith.cmpi sle, %reduce_sum3A_26, %add3A_900 : i32
    %add3A_924 = arith.constant 32 : i32
    %add3A_925 = arith.addi %add3A_900, %add3A_924 : i32
    %add3A_926 = arith.constant 4096 : i32
    %add3A_927 = arith.addi %reduce_sum3A_26, %add3A_926 : i32
    %le3A_928 = arith.cmpi sle, %add3A_925, %add3A_927 : i32
    %and3A_929 = arith.andi %le3A_923, %le3A_928 : i1
    %and3A_930 = arith.andi %and3A_906, %and3A_929 : i1
    %le3A_931 = arith.cmpi sle, %reduce_sum3A_36, %add3A_900 : i32
    %add3A_932 = arith.constant 32 : i32
    %add3A_933 = arith.addi %add3A_900, %add3A_932 : i32
    %add3A_934 = arith.constant 4096 : i32
    %add3A_935 = arith.addi %reduce_sum3A_36, %add3A_934 : i32
    %le3A_936 = arith.cmpi sle, %add3A_933, %add3A_935 : i32
    %and3A_937 = arith.andi %le3A_931, %le3A_936 : i1
    %and3A_938 = arith.andi %and3A_906, %and3A_937 : i1
    %convert_element_type3A_939 = arith.extui %and3A_914 : i1 to i32
    %cond3A_940 = arith.constant 4 : i32
    %cond3A_941 = arith.constant 0 : i32
    %cond3A_942 = arith.cmpi ne, %convert_element_type3A_939, %cond3A_941 : i32
    scf.if %cond3A_942 {
      %dma_wait3A = arith.constant 0 : i32
      %dma_wait3A_2136 = tpu.memref_slice %arg6[%cond3A_940, %dma_wait3A] : memref<12x32xi32, #tpu.memory_space<vmem>> -> memref<1x32xi32, #tpu.memory_space<vmem>>
      %dma_wait3A_2137 = tpu.memref_squeeze %dma_wait3A_2136 : memref<1x32xi32, #tpu.memory_space<vmem>> -> memref<32xi32, #tpu.memory_space<vmem>>
      %dma_wait3A_2138 = arith.constant 0 : i32
      %dma_wait3A_2139 = arith.constant 0 : i32
      %dma_wait3A_2140 = tpu.memref_slice %arg4[%dma_wait3A_2138, %dma_wait3A_2139] : memref<16384x1024xf32, #tpu.memory_space<hbm>> -> memref<16384x1024xf32, #tpu.memory_space<hbm>>
      tpu.wait_indirect_dma semaphore(%arg18 : memref<!tpu.dma_semaphore, #tpu.memory_space<semaphore_mem>>) src(%arg8 : memref<32x1024xf32, #tpu.memory_space<vmem>>) dst(%dma_wait3A_2140 : memref<16384x1024xf32, #tpu.memory_space<hbm>>)
    } else {
    }
    %convert_element_type3A_943 = arith.extui %and3A_922 : i1 to i32
    %cond3A_944 = arith.constant 5 : i32
    %cond3A_945 = arith.constant 0 : i32
    %cond3A_946 = arith.cmpi ne, %convert_element_type3A_943, %cond3A_945 : i32
    scf.if %cond3A_946 {
      %dma_wait3A = arith.constant 0 : i32
      %dma_wait3A_2136 = tpu.memref_slice %arg6[%cond3A_944, %dma_wait3A] : memref<12x32xi32, #tpu.memory_space<vmem>> -> memref<1x32xi32, #tpu.memory_space<vmem>>
      %dma_wait3A_2137 = tpu.memref_squeeze %dma_wait3A_2136 : memref<1x32xi32, #tpu.memory_space<vmem>> -> memref<32xi32, #tpu.memory_space<vmem>>
      %dma_wait3A_2138 = arith.constant 0 : i32
      %dma_wait3A_2139 = arith.constant 0 : i32
      %dma_wait3A_2140 = tpu.memref_slice %arg4[%dma_wait3A_2138, %dma_wait3A_2139] : memref<16384x1024xf32, #tpu.memory_space<hbm>> -> memref<16384x1024xf32, #tpu.memory_space<hbm>>
      tpu.wait_indirect_dma semaphore(%arg19 : memref<!tpu.dma_semaphore, #tpu.memory_space<semaphore_mem>>) src(%arg8 : memref<32x1024xf32, #tpu.memory_space<vmem>>) dst(%dma_wait3A_2140 : memref<16384x1024xf32, #tpu.memory_space<hbm>>)
    } else {
    }
    %convert_element_type3A_947 = arith.extui %and3A_930 : i1 to i32
    %cond3A_948 = arith.constant 6 : i32
    %cond3A_949 = arith.constant 0 : i32
    %cond3A_950 = arith.cmpi ne, %convert_element_type3A_947, %cond3A_949 : i32
    scf.if %cond3A_950 {
      %dma_wait3A = arith.constant 0 : i32
      %dma_wait3A_2136 = tpu.memref_slice %arg6[%cond3A_948, %dma_wait3A] : memref<12x32xi32, #tpu.memory_space<vmem>> -> memref<1x32xi32, #tpu.memory_space<vmem>>
      %dma_wait3A_2137 = tpu.memref_squeeze %dma_wait3A_2136 : memref<1x32xi32, #tpu.memory_space<vmem>> -> memref<32xi32, #tpu.memory_space<vmem>>
      %dma_wait3A_2138 = arith.constant 0 : i32
      %dma_wait3A_2139 = arith.constant 0 : i32
      %dma_wait3A_2140 = tpu.memref_slice %arg4[%dma_wait3A_2138, %dma_wait3A_2139] : memref<16384x1024xf32, #tpu.memory_space<hbm>> -> memref<16384x1024xf32, #tpu.memory_space<hbm>>
      tpu.wait_indirect_dma semaphore(%arg20 : memref<!tpu.dma_semaphore, #tpu.memory_space<semaphore_mem>>) src(%arg8 : memref<32x1024xf32, #tpu.memory_space<vmem>>) dst(%dma_wait3A_2140 : memref<16384x1024xf32, #tpu.memory_space<hbm>>)
    } else {
    }
    %convert_element_type3A_951 = arith.extui %and3A_938 : i1 to i32
    %cond3A_952 = arith.constant 7 : i32
    %cond3A_953 = arith.constant 0 : i32
    %cond3A_954 = arith.cmpi ne, %convert_element_type3A_951, %cond3A_953 : i32
    scf.if %cond3A_954 {
      %dma_wait3A = arith.constant 0 : i32
      %dma_wait3A_2136 = tpu.memref_slice %arg6[%cond3A_952, %dma_wait3A] : memref<12x32xi32, #tpu.memory_space<vmem>> -> memref<1x32xi32, #tpu.memory_space<vmem>>
      %dma_wait3A_2137 = tpu.memref_squeeze %dma_wait3A_2136 : memref<1x32xi32, #tpu.memory_space<vmem>> -> memref<32xi32, #tpu.memory_space<vmem>>
      %dma_wait3A_2138 = arith.constant 0 : i32
      %dma_wait3A_2139 = arith.constant 0 : i32
      %dma_wait3A_2140 = tpu.memref_slice %arg4[%dma_wait3A_2138, %dma_wait3A_2139] : memref<16384x1024xf32, #tpu.memory_space<hbm>> -> memref<16384x1024xf32, #tpu.memory_space<hbm>>
      tpu.wait_indirect_dma semaphore(%arg21 : memref<!tpu.dma_semaphore, #tpu.memory_space<semaphore_mem>>) src(%arg8 : memref<32x1024xf32, #tpu.memory_space<vmem>>) dst(%dma_wait3A_2140 : memref<16384x1024xf32, #tpu.memory_space<hbm>>)
    } else {
    }
    %sub3A_955 = arith.subi %add3A_857, %reduce_sum3A_6 : i32
    %add3A_956 = arith.constant 0 : i32
    %add3A_957 = arith.addi %add3A_956, %sub3A_955 : i32
    %add3A_958 = arith.constant 0 : i32
    %add3A_959 = arith.addi %add3A_957, %add3A_958 : i32
    %broadcast_in_dim3A_960 = vector.broadcast %add3A_959 : i32 to vector<16xi32>
    %add3A_961 = arith.addi %broadcast_in_dim3A_960, %iota3A_77 : vector<16xi32>
    %swap3A_962 = arith.constant 4 : i32
    %swap3A_963 = arith.index_cast %swap3A_962 : i32 to index
    %swap3A_964 = arith.constant 0 : index
    %swap3A_965 = tpu.vector_load %arg6[%swap3A_963, %swap3A_964] {strides = array<i32>} : memref<12x32xi32, #tpu.memory_space<vmem>>, vector<16xi32>,
    tpu.vector_store %arg6[%swap3A_963, %swap3A_964], %add3A_961 {strides = array<i32>} : memref<12x32xi32, #tpu.memory_space<vmem>>, vector<16xi32>,
    %add3A_966 = arith.constant 16 : i32
    %add3A_967 = arith.addi %add3A_957, %add3A_966 : i32
    %broadcast_in_dim3A_968 = vector.broadcast %add3A_967 : i32 to vector<16xi32>
    %add3A_969 = arith.addi %broadcast_in_dim3A_968, %iota3A_77 : vector<16xi32>
    %swap3A_970 = arith.constant 4 : i32
    %swap3A_971 = arith.index_cast %swap3A_970 : i32 to index
    %swap3A_972 = arith.constant 16 : index
    %swap3A_973 = tpu.vector_load %arg6[%swap3A_971, %swap3A_972] {strides = array<i32>} : memref<12x32xi32, #tpu.memory_space<vmem>>, vector<16xi32>,
    tpu.vector_store %arg6[%swap3A_971, %swap3A_972], %add3A_969 {strides = array<i32>} : memref<12x32xi32, #tpu.memory_space<vmem>>, vector<16xi32>,
    %sub3A_974 = arith.subi %add3A_857, %reduce_sum3A_16 : i32
    %add3A_975 = arith.constant 4096 : i32
    %add3A_976 = arith.addi %add3A_975, %sub3A_974 : i32
    %add3A_977 = arith.constant 0 : i32
    %add3A_978 = arith.addi %add3A_976, %add3A_977 : i32
    %broadcast_in_dim3A_979 = vector.broadcast %add3A_978 : i32 to vector<16xi32>
    %add3A_980 = arith.addi %broadcast_in_dim3A_979, %iota3A_77 : vector<16xi32>
    %swap3A_981 = arith.constant 5 : i32
    %swap3A_982 = arith.index_cast %swap3A_981 : i32 to index
    %swap3A_983 = arith.constant 0 : index
    %swap3A_984 = tpu.vector_load %arg6[%swap3A_982, %swap3A_983] {strides = array<i32>} : memref<12x32xi32, #tpu.memory_space<vmem>>, vector<16xi32>,
    tpu.vector_store %arg6[%swap3A_982, %swap3A_983], %add3A_980 {strides = array<i32>} : memref<12x32xi32, #tpu.memory_space<vmem>>, vector<16xi32>,
    %add3A_985 = arith.constant 16 : i32
    %add3A_986 = arith.addi %add3A_976, %add3A_985 : i32
    %broadcast_in_dim3A_987 = vector.broadcast %add3A_986 : i32 to vector<16xi32>
    %add3A_988 = arith.addi %broadcast_in_dim3A_987, %iota3A_77 : vector<16xi32>
    %swap3A_989 = arith.constant 5 : i32
    %swap3A_990 = arith.index_cast %swap3A_989 : i32 to index
    %swap3A_991 = arith.constant 16 : index
    %swap3A_992 = tpu.vector_load %arg6[%swap3A_990, %swap3A_991] {strides = array<i32>} : memref<12x32xi32, #tpu.memory_space<vmem>>, vector<16xi32>,
    tpu.vector_store %arg6[%swap3A_990, %swap3A_991], %add3A_988 {strides = array<i32>} : memref<12x32xi32, #tpu.memory_space<vmem>>, vector<16xi32>,
    %sub3A_993 = arith.subi %add3A_857, %reduce_sum3A_26 : i32
    %add3A_994 = arith.constant 8192 : i32
    %add3A_995 = arith.addi %add3A_994, %sub3A_993 : i32
    %add3A_996 = arith.constant 0 : i32
    %add3A_997 = arith.addi %add3A_995, %add3A_996 : i32
    %broadcast_in_dim3A_998 = vector.broadcast %add3A_997 : i32 to vector<16xi32>
    %add3A_999 = arith.addi %broadcast_in_dim3A_998, %iota3A_77 : vector<16xi32>
    %swap3A_1000 = arith.constant 6 : i32
    %swap3A_1001 = arith.index_cast %swap3A_1000 : i32 to index
    %swap3A_1002 = arith.constant 0 : index
    %swap3A_1003 = tpu.vector_load %arg6[%swap3A_1001, %swap3A_1002] {strides = array<i32>} : memref<12x32xi32, #tpu.memory_space<vmem>>, vector<16xi32>,
    tpu.vector_store %arg6[%swap3A_1001, %swap3A_1002], %add3A_999 {strides = array<i32>} : memref<12x32xi32, #tpu.memory_space<vmem>>, vector<16xi32>,
    %add3A_1004 = arith.constant 16 : i32
    %add3A_1005 = arith.addi %add3A_995, %add3A_1004 : i32
    %broadcast_in_dim3A_1006 = vector.broadcast %add3A_1005 : i32 to vector<16xi32>
    %add3A_1007 = arith.addi %broadcast_in_dim3A_1006, %iota3A_77 : vector<16xi32>
    %swap3A_1008 = arith.constant 6 : i32
    %swap3A_1009 = arith.index_cast %swap3A_1008 : i32 to index
    %swap3A_1010 = arith.constant 16 : index
    %swap3A_1011 = tpu.vector_load %arg6[%swap3A_1009, %swap3A_1010] {strides = array<i32>} : memref<12x32xi32, #tpu.memory_space<vmem>>, vector<16xi32>,
    tpu.vector_store %arg6[%swap3A_1009, %swap3A_1010], %add3A_1007 {strides = array<i32>} : memref<12x32xi32, #tpu.memory_space<vmem>>, vector<16xi32>,
    %sub3A_1012 = arith.subi %add3A_857, %reduce_sum3A_36 : i32
    %add3A_1013 = arith.constant 12288 : i32
    %add3A_1014 = arith.addi %add3A_1013, %sub3A_1012 : i32
    %add3A_1015 = arith.constant 0 : i32
    %add3A_1016 = arith.addi %add3A_1014, %add3A_1015 : i32
    %broadcast_in_dim3A_1017 = vector.broadcast %add3A_1016 : i32 to vector<16xi32>
    %add3A_1018 = arith.addi %broadcast_in_dim3A_1017, %iota3A_77 : vector<16xi32>
    %swap3A_1019 = arith.constant 7 : i32
    %swap3A_1020 = arith.index_cast %swap3A_1019 : i32 to index
    %swap3A_1021 = arith.constant 0 : index
    %swap3A_1022 = tpu.vector_load %arg6[%swap3A_1020, %swap3A_1021] {strides = array<i32>} : memref<12x32xi32, #tpu.memory_space<vmem>>, vector<16xi32>,
    tpu.vector_store %arg6[%swap3A_1020, %swap3A_1021], %add3A_1018 {strides = array<i32>} : memref<12x32xi32, #tpu.memory_space<vmem>>, vector<16xi32>,
    %add3A_1023 = arith.constant 16 : i32
    %add3A_1024 = arith.addi %add3A_1014, %add3A_1023 : i32
    %broadcast_in_dim3A_1025 = vector.broadcast %add3A_1024 : i32 to vector<16xi32>
    %add3A_1026 = arith.addi %broadcast_in_dim3A_1025, %iota3A_77 : vector<16xi32>
    %swap3A_1027 = arith.constant 7 : i32
    %swap3A_1028 = arith.index_cast %swap3A_1027 : i32 to index
    %swap3A_1029 = arith.constant 16 : index
    %swap3A_1030 = tpu.vector_load %arg6[%swap3A_1028, %swap3A_1029] {strides = array<i32>} : memref<12x32xi32, #tpu.memory_space<vmem>>, vector<16xi32>,
    tpu.vector_store %arg6[%swap3A_1028, %swap3A_1029], %add3A_1026 {strides = array<i32>} : memref<12x32xi32, #tpu.memory_space<vmem>>, vector<16xi32>,
    %multiple_of3A_1031 = tpu.assume_multiple %add3A_857, 8 : i32
    %convert_element_type3A_1032 = arith.extui %and3A_863 : i1 to i32
    %cond3A_1033 = arith.constant 0 : i32
    %cond3A_1034 = arith.cmpi ne, %convert_element_type3A_1032, %cond3A_1033 : i32
    scf.if %cond3A_1034 {
      %dma_start3A = arith.constant 0 : i32
      %dma_start3A_2136 = tpu.memref_slice %arg3[%multiple_of3A_1031, %dma_start3A] : memref<8192x1024xf32, #tpu.memory_space<hbm>> -> memref<32x1024xf32, #tpu.memory_space<hbm>>
      %dma_start3A_2137 = arith.constant 0 : i32
      %dma_start3A_2138 = tpu.memref_slice %arg3[%multiple_of3A_1031, %dma_start3A_2137] : memref<8192x1024xf32, #tpu.memory_space<hbm>> -> memref<32x1024xf32, #tpu.memory_space<hbm>>
      tpu.enqueue_dma source(%dma_start3A_2138 : memref<32x1024xf32, #tpu.memory_space<hbm>>) target(%arg8 : memref<32x1024xf32, #tpu.memory_space<vmem>>) target_semaphore(%arg12 : memref<!tpu.dma_semaphore, #tpu.memory_space<semaphore_mem>>)
    } else {
    }
    %add3A_1035 = arith.constant 64 : i32
    %add3A_1036 = arith.addi %add3A, %add3A_1035 : i32
    %mul3A_1037 = arith.constant 32 : i32
    %mul3A_1038 = arith.muli %add3A_1036, %mul3A_1037 : i32
    %add3A_1039 = arith.addi %multiple_of3A, %mul3A_1038 : i32
    %add3A_1040 = arith.constant 32 : i32
    %add3A_1041 = arith.addi %add3A_1039, %add3A_1040 : i32
    %le3A_1042 = arith.constant 8192 : i32
    %le3A_1043 = arith.cmpi sle, %add3A_1041, %le3A_1042 : i32
    %lt3A_1044 = arith.cmpi slt, %add3A_1039, %add3A_76 : i32
    %and3A_1045 = arith.andi %le3A_1043, %lt3A_1044 : i1
    %le3A_1046 = arith.cmpi sle, %reduce_sum3A_6, %add3A_1039 : i32
    %add3A_1047 = arith.constant 32 : i32
    %add3A_1048 = arith.addi %add3A_1039, %add3A_1047 : i32
    %add3A_1049 = arith.constant 4096 : i32
    %add3A_1050 = arith.addi %reduce_sum3A_6, %add3A_1049 : i32
    %le3A_1051 = arith.cmpi sle, %add3A_1048, %add3A_1050 : i32
    %and3A_1052 = arith.andi %le3A_1046, %le3A_1051 : i1
    %and3A_1053 = arith.andi %and3A_1045, %and3A_1052 : i1
    %le3A_1054 = arith.cmpi sle, %reduce_sum3A_16, %add3A_1039 : i32
    %add3A_1055 = arith.constant 32 : i32
    %add3A_1056 = arith.addi %add3A_1039, %add3A_1055 : i32
    %add3A_1057 = arith.constant 4096 : i32
    %add3A_1058 = arith.addi %reduce_sum3A_16, %add3A_1057 : i32
    %le3A_1059 = arith.cmpi sle, %add3A_1056, %add3A_1058 : i32
    %and3A_1060 = arith.andi %le3A_1054, %le3A_1059 : i1
    %and3A_1061 = arith.andi %and3A_1045, %and3A_1060 : i1
    %le3A_1062 = arith.cmpi sle, %reduce_sum3A_26, %add3A_1039 : i32
    %add3A_1063 = arith.constant 32 : i32
    %add3A_1064 = arith.addi %add3A_1039, %add3A_1063 : i32
    %add3A_1065 = arith.constant 4096 : i32
    %add3A_1066 = arith.addi %reduce_sum3A_26, %add3A_1065 : i32
    %le3A_1067 = arith.cmpi sle, %add3A_1064, %add3A_1066 : i32
    %and3A_1068 = arith.andi %le3A_1062, %le3A_1067 : i1
    %and3A_1069 = arith.andi %and3A_1045, %and3A_1068 : i1
    %le3A_1070 = arith.cmpi sle, %reduce_sum3A_36, %add3A_1039 : i32
    %add3A_1071 = arith.constant 32 : i32
    %add3A_1072 = arith.addi %add3A_1039, %add3A_1071 : i32
    %add3A_1073 = arith.constant 4096 : i32
    %add3A_1074 = arith.addi %reduce_sum3A_36, %add3A_1073 : i32
    %le3A_1075 = arith.cmpi sle, %add3A_1072, %add3A_1074 : i32
    %and3A_1076 = arith.andi %le3A_1070, %le3A_1075 : i1
    %and3A_1077 = arith.andi %and3A_1045, %and3A_1076 : i1
    %convert_element_type3A_1078 = arith.extui %and3A_1045 : i1 to i32
    %cond3A_1079 = arith.constant 0 : i32
    %cond3A_1080 = arith.cmpi ne, %convert_element_type3A_1078, %cond3A_1079 : i32
    scf.if %cond3A_1080 {
      %dma_wait3A = arith.constant 0 : i32
      %dma_wait3A_2136 = tpu.memref_slice %arg3[%multiple_of3A_543, %dma_wait3A] : memref<8192x1024xf32, #tpu.memory_space<hbm>> -> memref<32x1024xf32, #tpu.memory_space<hbm>>
      %dma_wait3A_2137 = arith.constant 0 : i32
      %dma_wait3A_2138 = tpu.memref_slice %arg3[%multiple_of3A_543, %dma_wait3A_2137] : memref<8192x1024xf32, #tpu.memory_space<hbm>> -> memref<32x1024xf32, #tpu.memory_space<hbm>>
      tpu.wait_dma2 semaphore(%arg13 : memref<!tpu.dma_semaphore, #tpu.memory_space<semaphore_mem>>) src(%dma_wait3A_2138 : memref<32x1024xf32, #tpu.memory_space<hbm>>) dst(%arg9 : memref<32x1024xf32, #tpu.memory_space<vmem>>)
    } else {
    }
    %convert_element_type3A_1081 = arith.extui %and3A_1053 : i1 to i32
    %cond3A_1082 = arith.constant 8 : i32
    %cond3A_1083 = arith.constant 0 : i32
    %cond3A_1084 = arith.cmpi ne, %convert_element_type3A_1081, %cond3A_1083 : i32
    scf.if %cond3A_1084 {
      %dma_start3A = arith.constant 0 : i32
      %dma_start3A_2136 = tpu.memref_slice %arg6[%cond3A_1082, %dma_start3A] : memref<12x32xi32, #tpu.memory_space<vmem>> -> memref<1x32xi32, #tpu.memory_space<vmem>>
      %dma_start3A_2137 = tpu.memref_squeeze %dma_start3A_2136 : memref<1x32xi32, #tpu.memory_space<vmem>> -> memref<32xi32, #tpu.memory_space<vmem>>
      %dma_start3A_2138 = arith.constant 0 : i32
      %dma_start3A_2139 = arith.constant 0 : i32
      %dma_start3A_2140 = tpu.memref_slice %arg4[%dma_start3A_2138, %dma_start3A_2139] : memref<16384x1024xf32, #tpu.memory_space<hbm>> -> memref<16384x1024xf32, #tpu.memory_space<hbm>>
      tpu.enqueue_indirect_dma source(%arg9 : memref<32x1024xf32, #tpu.memory_space<vmem>>) target(%dma_start3A_2140 : memref<16384x1024xf32, #tpu.memory_space<hbm>>) offsets(%dma_start3A_2137 : memref<32xi32, #tpu.memory_space<vmem>>) semaphore(%arg22 : memref<!tpu.dma_semaphore, #tpu.memory_space<semaphore_mem>>)
    } else {
    }
    %convert_element_type3A_1085 = arith.extui %and3A_1061 : i1 to i32
    %cond3A_1086 = arith.constant 9 : i32
    %cond3A_1087 = arith.constant 0 : i32
    %cond3A_1088 = arith.cmpi ne, %convert_element_type3A_1085, %cond3A_1087 : i32
    scf.if %cond3A_1088 {
      %dma_start3A = arith.constant 0 : i32
      %dma_start3A_2136 = tpu.memref_slice %arg6[%cond3A_1086, %dma_start3A] : memref<12x32xi32, #tpu.memory_space<vmem>> -> memref<1x32xi32, #tpu.memory_space<vmem>>
      %dma_start3A_2137 = tpu.memref_squeeze %dma_start3A_2136 : memref<1x32xi32, #tpu.memory_space<vmem>> -> memref<32xi32, #tpu.memory_space<vmem>>
      %dma_start3A_2138 = arith.constant 0 : i32
      %dma_start3A_2139 = arith.constant 0 : i32
      %dma_start3A_2140 = tpu.memref_slice %arg4[%dma_start3A_2138, %dma_start3A_2139] : memref<16384x1024xf32, #tpu.memory_space<hbm>> -> memref<16384x1024xf32, #tpu.memory_space<hbm>>
      tpu.enqueue_indirect_dma source(%arg9 : memref<32x1024xf32, #tpu.memory_space<vmem>>) target(%dma_start3A_2140 : memref<16384x1024xf32, #tpu.memory_space<hbm>>) offsets(%dma_start3A_2137 : memref<32xi32, #tpu.memory_space<vmem>>) semaphore(%arg23 : memref<!tpu.dma_semaphore, #tpu.memory_space<semaphore_mem>>)
    } else {
    }
    %convert_element_type3A_1089 = arith.extui %and3A_1069 : i1 to i32
    %cond3A_1090 = arith.constant 10 : i32
    %cond3A_1091 = arith.constant 0 : i32
    %cond3A_1092 = arith.cmpi ne, %convert_element_type3A_1089, %cond3A_1091 : i32
    scf.if %cond3A_1092 {
      %dma_start3A = arith.constant 0 : i32
      %dma_start3A_2136 = tpu.memref_slice %arg6[%cond3A_1090, %dma_start3A] : memref<12x32xi32, #tpu.memory_space<vmem>> -> memref<1x32xi32, #tpu.memory_space<vmem>>
      %dma_start3A_2137 = tpu.memref_squeeze %dma_start3A_2136 : memref<1x32xi32, #tpu.memory_space<vmem>> -> memref<32xi32, #tpu.memory_space<vmem>>
      %dma_start3A_2138 = arith.constant 0 : i32
      %dma_start3A_2139 = arith.constant 0 : i32
      %dma_start3A_2140 = tpu.memref_slice %arg4[%dma_start3A_2138, %dma_start3A_2139] : memref<16384x1024xf32, #tpu.memory_space<hbm>> -> memref<16384x1024xf32, #tpu.memory_space<hbm>>
      tpu.enqueue_indirect_dma source(%arg9 : memref<32x1024xf32, #tpu.memory_space<vmem>>) target(%dma_start3A_2140 : memref<16384x1024xf32, #tpu.memory_space<hbm>>) offsets(%dma_start3A_2137 : memref<32xi32, #tpu.memory_space<vmem>>) semaphore(%arg24 : memref<!tpu.dma_semaphore, #tpu.memory_space<semaphore_mem>>)
    } else {
    }
    %convert_element_type3A_1093 = arith.extui %and3A_1077 : i1 to i32
    %cond3A_1094 = arith.constant 11 : i32
    %cond3A_1095 = arith.constant 0 : i32
    %cond3A_1096 = arith.cmpi ne, %convert_element_type3A_1093, %cond3A_1095 : i32
    scf.if %cond3A_1096 {
      %dma_start3A = arith.constant 0 : i32
      %dma_start3A_2136 = tpu.memref_slice %arg6[%cond3A_1094, %dma_start3A] : memref<12x32xi32, #tpu.memory_space<vmem>> -> memref<1x32xi32, #tpu.memory_space<vmem>>
      %dma_start3A_2137 = tpu.memref_squeeze %dma_start3A_2136 : memref<1x32xi32, #tpu.memory_space<vmem>> -> memref<32xi32, #tpu.memory_space<vmem>>
      %dma_start3A_2138 = arith.constant 0 : i32
      %dma_start3A_2139 = arith.constant 0 : i32
      %dma_start3A_2140 = tpu.memref_slice %arg4[%dma_start3A_2138, %dma_start3A_2139] : memref<16384x1024xf32, #tpu.memory_space<hbm>> -> memref<16384x1024xf32, #tpu.memory_space<hbm>>
      tpu.enqueue_indirect_dma source(%arg9 : memref<32x1024xf32, #tpu.memory_space<vmem>>) target(%dma_start3A_2140 : memref<16384x1024xf32, #tpu.memory_space<hbm>>) offsets(%dma_start3A_2137 : memref<32xi32, #tpu.memory_space<vmem>>) semaphore(%arg25 : memref<!tpu.dma_semaphore, #tpu.memory_space<semaphore_mem>>)
    } else {
    }
    %add3A_1097 = arith.constant 160 : i32
    %add3A_1098 = arith.addi %add3A, %add3A_1097 : i32
    %mul3A_1099 = arith.constant 32 : i32
    %mul3A_1100 = arith.muli %add3A_1098, %mul3A_1099 : i32
    %add3A_1101 = arith.addi %multiple_of3A, %mul3A_1100 : i32
    %add3A_1102 = arith.constant 32 : i32
    %add3A_1103 = arith.addi %add3A_1101, %add3A_1102 : i32
    %le3A_1104 = arith.constant 8192 : i32
    %le3A_1105 = arith.cmpi sle, %add3A_1103, %le3A_1104 : i32
    %lt3A_1106 = arith.cmpi slt, %add3A_1101, %add3A_76 : i32
    %and3A_1107 = arith.andi %le3A_1105, %lt3A_1106 : i1
    %le3A_1108 = arith.cmpi sle, %reduce_sum3A_6, %add3A_1101 : i32
    %add3A_1109 = arith.constant 32 : i32
    %add3A_1110 = arith.addi %add3A_1101, %add3A_1109 : i32
    %add3A_1111 = arith.constant 4096 : i32
    %add3A_1112 = arith.addi %reduce_sum3A_6, %add3A_1111 : i32
    %le3A_1113 = arith.cmpi sle, %add3A_1110, %add3A_1112 : i32
    %and3A_1114 = arith.andi %le3A_1108, %le3A_1113 : i1
    %and3A_1115 = arith.andi %and3A_1107, %and3A_1114 : i1
    %le3A_1116 = arith.cmpi sle, %reduce_sum3A_16, %add3A_1101 : i32
    %add3A_1117 = arith.constant 32 : i32
    %add3A_1118 = arith.addi %add3A_1101, %add3A_1117 : i32
    %add3A_1119 = arith.constant 4096 : i32
    %add3A_1120 = arith.addi %reduce_sum3A_16, %add3A_1119 : i32
    %le3A_1121 = arith.cmpi sle, %add3A_1118, %add3A_1120 : i32
    %and3A_1122 = arith.andi %le3A_1116, %le3A_1121 : i1
    %and3A_1123 = arith.andi %and3A_1107, %and3A_1122 : i1
    %le3A_1124 = arith.cmpi sle, %reduce_sum3A_26, %add3A_1101 : i32
    %add3A_1125 = arith.constant 32 : i32
    %add3A_1126 = arith.addi %add3A_1101, %add3A_1125 : i32
    %add3A_1127 = arith.constant 4096 : i32
    %add3A_1128 = arith.addi %reduce_sum3A_26, %add3A_1127 : i32
    %le3A_1129 = arith.cmpi sle, %add3A_1126, %add3A_1128 : i32
    %and3A_1130 = arith.andi %le3A_1124, %le3A_1129 : i1
    %and3A_1131 = arith.andi %and3A_1107, %and3A_1130 : i1
    %le3A_1132 = arith.cmpi sle, %reduce_sum3A_36, %add3A_1101 : i32
    %add3A_1133 = arith.constant 32 : i32
    %add3A_1134 = arith.addi %add3A_1101, %add3A_1133 : i32
    %add3A_1135 = arith.constant 4096 : i32
    %add3A_1136 = arith.addi %reduce_sum3A_36, %add3A_1135 : i32
    %le3A_1137 = arith.cmpi sle, %add3A_1134, %add3A_1136 : i32
    %and3A_1138 = arith.andi %le3A_1132, %le3A_1137 : i1
    %and3A_1139 = arith.andi %and3A_1107, %and3A_1138 : i1
    %add3A_1140 = arith.constant 64 : i32
    %add3A_1141 = arith.addi %add3A, %add3A_1140 : i32
    %mul3A_1142 = arith.constant 32 : i32
    %mul3A_1143 = arith.muli %add3A_1141, %mul3A_1142 : i32
    %add3A_1144 = arith.addi %multiple_of3A, %mul3A_1143 : i32
    %add3A_1145 = arith.constant 32 : i32
    %add3A_1146 = arith.addi %add3A_1144, %add3A_1145 : i32
    %le3A_1147 = arith.constant 8192 : i32
    %le3A_1148 = arith.cmpi sle, %add3A_1146, %le3A_1147 : i32
    %lt3A_1149 = arith.cmpi slt, %add3A_1144, %add3A_76 : i32
    %and3A_1150 = arith.andi %le3A_1148, %lt3A_1149 : i1
    %le3A_1151 = arith.cmpi sle, %reduce_sum3A_6, %add3A_1144 : i32
    %add3A_1152 = arith.constant 32 : i32
    %add3A_1153 = arith.addi %add3A_1144, %add3A_1152 : i32
    %add3A_1154 = arith.constant 4096 : i32
    %add3A_1155 = arith.addi %reduce_sum3A_6, %add3A_1154 : i32
    %le3A_1156 = arith.cmpi sle, %add3A_1153, %add3A_1155 : i32
    %and3A_1157 = arith.andi %le3A_1151, %le3A_1156 : i1
    %and3A_1158 = arith.andi %and3A_1150, %and3A_1157 : i1
    %le3A_1159 = arith.cmpi sle, %reduce_sum3A_16, %add3A_1144 : i32
    %add3A_1160 = arith.constant 32 : i32
    %add3A_1161 = arith.addi %add3A_1144, %add3A_1160 : i32
    %add3A_1162 = arith.constant 4096 : i32
    %add3A_1163 = arith.addi %reduce_sum3A_16, %add3A_1162 : i32
    %le3A_1164 = arith.cmpi sle, %add3A_1161, %add3A_1163 : i32
    %and3A_1165 = arith.andi %le3A_1159, %le3A_1164 : i1
    %and3A_1166 = arith.andi %and3A_1150, %and3A_1165 : i1
    %le3A_1167 = arith.cmpi sle, %reduce_sum3A_26, %add3A_1144 : i32
    %add3A_1168 = arith.constant 32 : i32
    %add3A_1169 = arith.addi %add3A_1144, %add3A_1168 : i32
    %add3A_1170 = arith.constant 4096 : i32
    %add3A_1171 = arith.addi %reduce_sum3A_26, %add3A_1170 : i32
    %le3A_1172 = arith.cmpi sle, %add3A_1169, %add3A_1171 : i32
    %and3A_1173 = arith.andi %le3A_1167, %le3A_1172 : i1
    %and3A_1174 = arith.andi %and3A_1150, %and3A_1173 : i1
    %le3A_1175 = arith.cmpi sle, %reduce_sum3A_36, %add3A_1144 : i32
    %add3A_1176 = arith.constant 32 : i32
    %add3A_1177 = arith.addi %add3A_1144, %add3A_1176 : i32
    %add3A_1178 = arith.constant 4096 : i32
    %add3A_1179 = arith.addi %reduce_sum3A_36, %add3A_1178 : i32
    %le3A_1180 = arith.cmpi sle, %add3A_1177, %add3A_1179 : i32
    %and3A_1181 = arith.andi %le3A_1175, %le3A_1180 : i1
    %and3A_1182 = arith.andi %and3A_1150, %and3A_1181 : i1
    %convert_element_type3A_1183 = arith.extui %and3A_1158 : i1 to i32
    %cond3A_1184 = arith.constant 8 : i32
    %cond3A_1185 = arith.constant 0 : i32
    %cond3A_1186 = arith.cmpi ne, %convert_element_type3A_1183, %cond3A_1185 : i32
    scf.if %cond3A_1186 {
      %dma_wait3A = arith.constant 0 : i32
      %dma_wait3A_2136 = tpu.memref_slice %arg6[%cond3A_1184, %dma_wait3A] : memref<12x32xi32, #tpu.memory_space<vmem>> -> memref<1x32xi32, #tpu.memory_space<vmem>>
      %dma_wait3A_2137 = tpu.memref_squeeze %dma_wait3A_2136 : memref<1x32xi32, #tpu.memory_space<vmem>> -> memref<32xi32, #tpu.memory_space<vmem>>
      %dma_wait3A_2138 = arith.constant 0 : i32
      %dma_wait3A_2139 = arith.constant 0 : i32
      %dma_wait3A_2140 = tpu.memref_slice %arg4[%dma_wait3A_2138, %dma_wait3A_2139] : memref<16384x1024xf32, #tpu.memory_space<hbm>> -> memref<16384x1024xf32, #tpu.memory_space<hbm>>
      tpu.wait_indirect_dma semaphore(%arg22 : memref<!tpu.dma_semaphore, #tpu.memory_space<semaphore_mem>>) src(%arg9 : memref<32x1024xf32, #tpu.memory_space<vmem>>) dst(%dma_wait3A_2140 : memref<16384x1024xf32, #tpu.memory_space<hbm>>)
    } else {
    }
    %convert_element_type3A_1187 = arith.extui %and3A_1166 : i1 to i32
    %cond3A_1188 = arith.constant 9 : i32
    %cond3A_1189 = arith.constant 0 : i32
    %cond3A_1190 = arith.cmpi ne, %convert_element_type3A_1187, %cond3A_1189 : i32
    scf.if %cond3A_1190 {
      %dma_wait3A = arith.constant 0 : i32
      %dma_wait3A_2136 = tpu.memref_slice %arg6[%cond3A_1188, %dma_wait3A] : memref<12x32xi32, #tpu.memory_space<vmem>> -> memref<1x32xi32, #tpu.memory_space<vmem>>
      %dma_wait3A_2137 = tpu.memref_squeeze %dma_wait3A_2136 : memref<1x32xi32, #tpu.memory_space<vmem>> -> memref<32xi32, #tpu.memory_space<vmem>>
      %dma_wait3A_2138 = arith.constant 0 : i32
      %dma_wait3A_2139 = arith.constant 0 : i32
      %dma_wait3A_2140 = tpu.memref_slice %arg4[%dma_wait3A_2138, %dma_wait3A_2139] : memref<16384x1024xf32, #tpu.memory_space<hbm>> -> memref<16384x1024xf32, #tpu.memory_space<hbm>>
      tpu.wait_indirect_dma semaphore(%arg23 : memref<!tpu.dma_semaphore, #tpu.memory_space<semaphore_mem>>) src(%arg9 : memref<32x1024xf32, #tpu.memory_space<vmem>>) dst(%dma_wait3A_2140 : memref<16384x1024xf32, #tpu.memory_space<hbm>>)
    } else {
    }
    %convert_element_type3A_1191 = arith.extui %and3A_1174 : i1 to i32
    %cond3A_1192 = arith.constant 10 : i32
    %cond3A_1193 = arith.constant 0 : i32
    %cond3A_1194 = arith.cmpi ne, %convert_element_type3A_1191, %cond3A_1193 : i32
    scf.if %cond3A_1194 {
      %dma_wait3A = arith.constant 0 : i32
      %dma_wait3A_2136 = tpu.memref_slice %arg6[%cond3A_1192, %dma_wait3A] : memref<12x32xi32, #tpu.memory_space<vmem>> -> memref<1x32xi32, #tpu.memory_space<vmem>>
      %dma_wait3A_2137 = tpu.memref_squeeze %dma_wait3A_2136 : memref<1x32xi32, #tpu.memory_space<vmem>> -> memref<32xi32, #tpu.memory_space<vmem>>
      %dma_wait3A_2138 = arith.constant 0 : i32
      %dma_wait3A_2139 = arith.constant 0 : i32
      %dma_wait3A_2140 = tpu.memref_slice %arg4[%dma_wait3A_2138, %dma_wait3A_2139] : memref<16384x1024xf32, #tpu.memory_space<hbm>> -> memref<16384x1024xf32, #tpu.memory_space<hbm>>
      tpu.wait_indirect_dma semaphore(%arg24 : memref<!tpu.dma_semaphore, #tpu.memory_space<semaphore_mem>>) src(%arg9 : memref<32x1024xf32, #tpu.memory_space<vmem>>) dst(%dma_wait3A_2140 : memref<16384x1024xf32, #tpu.memory_space<hbm>>)
    } else {
    }
    %convert_element_type3A_1195 = arith.extui %and3A_1182 : i1 to i32
    %cond3A_1196 = arith.constant 11 : i32
    %cond3A_1197 = arith.constant 0 : i32
    %cond3A_1198 = arith.cmpi ne, %convert_element_type3A_1195, %cond3A_1197 : i32
    scf.if %cond3A_1198 {
      %dma_wait3A = arith.constant 0 : i32
      %dma_wait3A_2136 = tpu.memref_slice %arg6[%cond3A_1196, %dma_wait3A] : memref<12x32xi32, #tpu.memory_space<vmem>> -> memref<1x32xi32, #tpu.memory_space<vmem>>
      %dma_wait3A_2137 = tpu.memref_squeeze %dma_wait3A_2136 : memref<1x32xi32, #tpu.memory_space<vmem>> -> memref<32xi32, #tpu.memory_space<vmem>>
      %dma_wait3A_2138 = arith.constant 0 : i32
      %dma_wait3A_2139 = arith.constant 0 : i32
      %dma_wait3A_2140 = tpu.memref_slice %arg4[%dma_wait3A_2138, %dma_wait3A_2139] : memref<16384x1024xf32, #tpu.memory_space<hbm>> -> memref<16384x1024xf32, #tpu.memory_space<hbm>>
      tpu.wait_indirect_dma semaphore(%arg25 : memref<!tpu.dma_semaphore, #tpu.memory_space<semaphore_mem>>) src(%arg9 : memref<32x1024xf32, #tpu.memory_space<vmem>>) dst(%dma_wait3A_2140 : memref<16384x1024xf32, #tpu.memory_space<hbm>>)
    } else {
    }
    %sub3A_1199 = arith.subi %add3A_1101, %reduce_sum3A_6 : i32
    %add3A_1200 = arith.constant 0 : i32
    %add3A_1201 = arith.addi %add3A_1200, %sub3A_1199 : i32
    %add3A_1202 = arith.constant 0 : i32
    %add3A_1203 = arith.addi %add3A_1201, %add3A_1202 : i32
    %broadcast_in_dim3A_1204 = vector.broadcast %add3A_1203 : i32 to vector<16xi32>
    %add3A_1205 = arith.addi %broadcast_in_dim3A_1204, %iota3A_77 : vector<16xi32>
    %swap3A_1206 = arith.constant 8 : i32
    %swap3A_1207 = arith.index_cast %swap3A_1206 : i32 to index
    %swap3A_1208 = arith.constant 0 : index
    %swap3A_1209 = tpu.vector_load %arg6[%swap3A_1207, %swap3A_1208] {strides = array<i32>} : memref<12x32xi32, #tpu.memory_space<vmem>>, vector<16xi32>,
    tpu.vector_store %arg6[%swap3A_1207, %swap3A_1208], %add3A_1205 {strides = array<i32>} : memref<12x32xi32, #tpu.memory_space<vmem>>, vector<16xi32>,
    %add3A_1210 = arith.constant 16 : i32
    %add3A_1211 = arith.addi %add3A_1201, %add3A_1210 : i32
    %broadcast_in_dim3A_1212 = vector.broadcast %add3A_1211 : i32 to vector<16xi32>
    %add3A_1213 = arith.addi %broadcast_in_dim3A_1212, %iota3A_77 : vector<16xi32>
    %swap3A_1214 = arith.constant 8 : i32
    %swap3A_1215 = arith.index_cast %swap3A_1214 : i32 to index
    %swap3A_1216 = arith.constant 16 : index
    %swap3A_1217 = tpu.vector_load %arg6[%swap3A_1215, %swap3A_1216] {strides = array<i32>} : memref<12x32xi32, #tpu.memory_space<vmem>>, vector<16xi32>,
    tpu.vector_store %arg6[%swap3A_1215, %swap3A_1216], %add3A_1213 {strides = array<i32>} : memref<12x32xi32, #tpu.memory_space<vmem>>, vector<16xi32>,
    %sub3A_1218 = arith.subi %add3A_1101, %reduce_sum3A_16 : i32
    %add3A_1219 = arith.constant 4096 : i32
    %add3A_1220 = arith.addi %add3A_1219, %sub3A_1218 : i32
    %add3A_1221 = arith.constant 0 : i32
    %add3A_1222 = arith.addi %add3A_1220, %add3A_1221 : i32
    %broadcast_in_dim3A_1223 = vector.broadcast %add3A_1222 : i32 to vector<16xi32>
    %add3A_1224 = arith.addi %broadcast_in_dim3A_1223, %iota3A_77 : vector<16xi32>
    %swap3A_1225 = arith.constant 9 : i32
    %swap3A_1226 = arith.index_cast %swap3A_1225 : i32 to index
    %swap3A_1227 = arith.constant 0 : index
    %swap3A_1228 = tpu.vector_load %arg6[%swap3A_1226, %swap3A_1227] {strides = array<i32>} : memref<12x32xi32, #tpu.memory_space<vmem>>, vector<16xi32>,
    tpu.vector_store %arg6[%swap3A_1226, %swap3A_1227], %add3A_1224 {strides = array<i32>} : memref<12x32xi32, #tpu.memory_space<vmem>>, vector<16xi32>,
    %add3A_1229 = arith.constant 16 : i32
    %add3A_1230 = arith.addi %add3A_1220, %add3A_1229 : i32
    %broadcast_in_dim3A_1231 = vector.broadcast %add3A_1230 : i32 to vector<16xi32>
    %add3A_1232 = arith.addi %broadcast_in_dim3A_1231, %iota3A_77 : vector<16xi32>
    %swap3A_1233 = arith.constant 9 : i32
    %swap3A_1234 = arith.index_cast %swap3A_1233 : i32 to index
    %swap3A_1235 = arith.constant 16 : index
    %swap3A_1236 = tpu.vector_load %arg6[%swap3A_1234, %swap3A_1235] {strides = array<i32>} : memref<12x32xi32, #tpu.memory_space<vmem>>, vector<16xi32>,
    tpu.vector_store %arg6[%swap3A_1234, %swap3A_1235], %add3A_1232 {strides = array<i32>} : memref<12x32xi32, #tpu.memory_space<vmem>>, vector<16xi32>,
    %sub3A_1237 = arith.subi %add3A_1101, %reduce_sum3A_26 : i32
    %add3A_1238 = arith.constant 8192 : i32
    %add3A_1239 = arith.addi %add3A_1238, %sub3A_1237 : i32
    %add3A_1240 = arith.constant 0 : i32
    %add3A_1241 = arith.addi %add3A_1239, %add3A_1240 : i32
    %broadcast_in_dim3A_1242 = vector.broadcast %add3A_1241 : i32 to vector<16xi32>
    %add3A_1243 = arith.addi %broadcast_in_dim3A_1242, %iota3A_77 : vector<16xi32>
    %swap3A_1244 = arith.constant 10 : i32
    %swap3A_1245 = arith.index_cast %swap3A_1244 : i32 to index
    %swap3A_1246 = arith.constant 0 : index
    %swap3A_1247 = tpu.vector_load %arg6[%swap3A_1245, %swap3A_1246] {strides = array<i32>} : memref<12x32xi32, #tpu.memory_space<vmem>>, vector<16xi32>,
    tpu.vector_store %arg6[%swap3A_1245, %swap3A_1246], %add3A_1243 {strides = array<i32>} : memref<12x32xi32, #tpu.memory_space<vmem>>, vector<16xi32>,
    %add3A_1248 = arith.constant 16 : i32
    %add3A_1249 = arith.addi %add3A_1239, %add3A_1248 : i32
    %broadcast_in_dim3A_1250 = vector.broadcast %add3A_1249 : i32 to vector<16xi32>
    %add3A_1251 = arith.addi %broadcast_in_dim3A_1250, %iota3A_77 : vector<16xi32>
    %swap3A_1252 = arith.constant 10 : i32
    %swap3A_1253 = arith.index_cast %swap3A_1252 : i32 to index
    %swap3A_1254 = arith.constant 16 : index
    %swap3A_1255 = tpu.vector_load %arg6[%swap3A_1253, %swap3A_1254] {strides = array<i32>} : memref<12x32xi32, #tpu.memory_space<vmem>>, vector<16xi32>,
    tpu.vector_store %arg6[%swap3A_1253, %swap3A_1254], %add3A_1251 {strides = array<i32>} : memref<12x32xi32, #tpu.memory_space<vmem>>, vector<16xi32>,
    %sub3A_1256 = arith.subi %add3A_1101, %reduce_sum3A_36 : i32
    %add3A_1257 = arith.constant 12288 : i32
    %add3A_1258 = arith.addi %add3A_1257, %sub3A_1256 : i32
    %add3A_1259 = arith.constant 0 : i32
    %add3A_1260 = arith.addi %add3A_1258, %add3A_1259 : i32
    %broadcast_in_dim3A_1261 = vector.broadcast %add3A_1260 : i32 to vector<16xi32>
    %add3A_1262 = arith.addi %broadcast_in_dim3A_1261, %iota3A_77 : vector<16xi32>
    %swap3A_1263 = arith.constant 11 : i32
    %swap3A_1264 = arith.index_cast %swap3A_1263 : i32 to index
    %swap3A_1265 = arith.constant 0 : index
    %swap3A_1266 = tpu.vector_load %arg6[%swap3A_1264, %swap3A_1265] {strides = array<i32>} : memref<12x32xi32, #tpu.memory_space<vmem>>, vector<16xi32>,
    tpu.vector_store %arg6[%swap3A_1264, %swap3A_1265], %add3A_1262 {strides = array<i32>} : memref<12x32xi32, #tpu.memory_space<vmem>>, vector<16xi32>,
    %add3A_1267 = arith.constant 16 : i32
    %add3A_1268 = arith.addi %add3A_1258, %add3A_1267 : i32
    %broadcast_in_dim3A_1269 = vector.broadcast %add3A_1268 : i32 to vector<16xi32>
    %add3A_1270 = arith.addi %broadcast_in_dim3A_1269, %iota3A_77 : vector<16xi32>
    %swap3A_1271 = arith.constant 11 : i32
    %swap3A_1272 = arith.index_cast %swap3A_1271 : i32 to index
    %swap3A_1273 = arith.constant 16 : index
    %swap3A_1274 = tpu.vector_load %arg6[%swap3A_1272, %swap3A_1273] {strides = array<i32>} : memref<12x32xi32, #tpu.memory_space<vmem>>, vector<16xi32>,
    tpu.vector_store %arg6[%swap3A_1272, %swap3A_1273], %add3A_1270 {strides = array<i32>} : memref<12x32xi32, #tpu.memory_space<vmem>>, vector<16xi32>,
    %multiple_of3A_1275 = tpu.assume_multiple %add3A_1101, 8 : i32
    %convert_element_type3A_1276 = arith.extui %and3A_1107 : i1 to i32
    %cond3A_1277 = arith.constant 0 : i32
    %cond3A_1278 = arith.cmpi ne, %convert_element_type3A_1276, %cond3A_1277 : i32
    scf.if %cond3A_1278 {
      %dma_start3A = arith.constant 0 : i32
      %dma_start3A_2136 = tpu.memref_slice %arg3[%multiple_of3A_1275, %dma_start3A] : memref<8192x1024xf32, #tpu.memory_space<hbm>> -> memref<32x1024xf32, #tpu.memory_space<hbm>>
      %dma_start3A_2137 = arith.constant 0 : i32
      %dma_start3A_2138 = tpu.memref_slice %arg3[%multiple_of3A_1275, %dma_start3A_2137] : memref<8192x1024xf32, #tpu.memory_space<hbm>> -> memref<32x1024xf32, #tpu.memory_space<hbm>>
      tpu.enqueue_dma source(%dma_start3A_2138 : memref<32x1024xf32, #tpu.memory_space<hbm>>) target(%arg9 : memref<32x1024xf32, #tpu.memory_space<vmem>>) target_semaphore(%arg13 : memref<!tpu.dma_semaphore, #tpu.memory_space<semaphore_mem>>)
    } else {
    }
    %add3A_1279 = arith.constant 96 : i32
    %add3A_1280 = arith.addi %add3A, %add3A_1279 : i32
    %mul3A_1281 = arith.constant 32 : i32
    %mul3A_1282 = arith.muli %add3A_1280, %mul3A_1281 : i32
    %add3A_1283 = arith.addi %multiple_of3A, %mul3A_1282 : i32
    %add3A_1284 = arith.constant 32 : i32
    %add3A_1285 = arith.addi %add3A_1283, %add3A_1284 : i32
    %le3A_1286 = arith.constant 8192 : i32
    %le3A_1287 = arith.cmpi sle, %add3A_1285, %le3A_1286 : i32
    %lt3A_1288 = arith.cmpi slt, %add3A_1283, %add3A_76 : i32
    %and3A_1289 = arith.andi %le3A_1287, %lt3A_1288 : i1
    %le3A_1290 = arith.cmpi sle, %reduce_sum3A_6, %add3A_1283 : i32
    %add3A_1291 = arith.constant 32 : i32
    %add3A_1292 = arith.addi %add3A_1283, %add3A_1291 : i32
    %add3A_1293 = arith.constant 4096 : i32
    %add3A_1294 = arith.addi %reduce_sum3A_6, %add3A_1293 : i32
    %le3A_1295 = arith.cmpi sle, %add3A_1292, %add3A_1294 : i32
    %and3A_1296 = arith.andi %le3A_1290, %le3A_1295 : i1
    %and3A_1297 = arith.andi %and3A_1289, %and3A_1296 : i1
    %le3A_1298 = arith.cmpi sle, %reduce_sum3A_16, %add3A_1283 : i32
    %add3A_1299 = arith.constant 32 : i32
    %add3A_1300 = arith.addi %add3A_1283, %add3A_1299 : i32
    %add3A_1301 = arith.constant 4096 : i32
    %add3A_1302 = arith.addi %reduce_sum3A_16, %add3A_1301 : i32
    %le3A_1303 = arith.cmpi sle, %add3A_1300, %add3A_1302 : i32
    %and3A_1304 = arith.andi %le3A_1298, %le3A_1303 : i1
    %and3A_1305 = arith.andi %and3A_1289, %and3A_1304 : i1
    %le3A_1306 = arith.cmpi sle, %reduce_sum3A_26, %add3A_1283 : i32
    %add3A_1307 = arith.constant 32 : i32
    %add3A_1308 = arith.addi %add3A_1283, %add3A_1307 : i32
    %add3A_1309 = arith.constant 4096 : i32
    %add3A_1310 = arith.addi %reduce_sum3A_26, %add3A_1309 : i32
    %le3A_1311 = arith.cmpi sle, %add3A_1308, %add3A_1310 : i32
    %and3A_1312 = arith.andi %le3A_1306, %le3A_1311 : i1
    %and3A_1313 = arith.andi %and3A_1289, %and3A_1312 : i1
    %le3A_1314 = arith.cmpi sle, %reduce_sum3A_36, %add3A_1283 : i32
    %add3A_1315 = arith.constant 32 : i32
    %add3A_1316 = arith.addi %add3A_1283, %add3A_1315 : i32
    %add3A_1317 = arith.constant 4096 : i32
    %add3A_1318 = arith.addi %reduce_sum3A_36, %add3A_1317 : i32
    %le3A_1319 = arith.cmpi sle, %add3A_1316, %add3A_1318 : i32
    %and3A_1320 = arith.andi %le3A_1314, %le3A_1319 : i1
    %and3A_1321 = arith.andi %and3A_1289, %and3A_1320 : i1
    %convert_element_type3A_1322 = arith.extui %and3A_1289 : i1 to i32
    %cond3A_1323 = arith.constant 0 : i32
    %cond3A_1324 = arith.cmpi ne, %convert_element_type3A_1322, %cond3A_1323 : i32
    scf.if %cond3A_1324 {
      %dma_wait3A = arith.constant 0 : i32
      %dma_wait3A_2136 = tpu.memref_slice %arg3[%multiple_of3A_787, %dma_wait3A] : memref<8192x1024xf32, #tpu.memory_space<hbm>> -> memref<32x1024xf32, #tpu.memory_space<hbm>>
      %dma_wait3A_2137 = arith.constant 0 : i32
      %dma_wait3A_2138 = tpu.memref_slice %arg3[%multiple_of3A_787, %dma_wait3A_2137] : memref<8192x1024xf32, #tpu.memory_space<hbm>> -> memref<32x1024xf32, #tpu.memory_space<hbm>>
      tpu.wait_dma2 semaphore(%arg11 : memref<!tpu.dma_semaphore, #tpu.memory_space<semaphore_mem>>) src(%dma_wait3A_2138 : memref<32x1024xf32, #tpu.memory_space<hbm>>) dst(%arg7 : memref<32x1024xf32, #tpu.memory_space<vmem>>)
    } else {
    }
    %convert_element_type3A_1325 = arith.extui %and3A_1297 : i1 to i32
    %cond3A_1326 = arith.constant 0 : i32
    %cond3A_1327 = arith.constant 0 : i32
    %cond3A_1328 = arith.cmpi ne, %convert_element_type3A_1325, %cond3A_1327 : i32
    scf.if %cond3A_1328 {
      %dma_start3A = arith.constant 0 : i32
      %dma_start3A_2136 = tpu.memref_slice %arg6[%cond3A_1326, %dma_start3A] : memref<12x32xi32, #tpu.memory_space<vmem>> -> memref<1x32xi32, #tpu.memory_space<vmem>>
      %dma_start3A_2137 = tpu.memref_squeeze %dma_start3A_2136 : memref<1x32xi32, #tpu.memory_space<vmem>> -> memref<32xi32, #tpu.memory_space<vmem>>
      %dma_start3A_2138 = arith.constant 0 : i32
      %dma_start3A_2139 = arith.constant 0 : i32
      %dma_start3A_2140 = tpu.memref_slice %arg4[%dma_start3A_2138, %dma_start3A_2139] : memref<16384x1024xf32, #tpu.memory_space<hbm>> -> memref<16384x1024xf32, #tpu.memory_space<hbm>>
      tpu.enqueue_indirect_dma source(%arg7 : memref<32x1024xf32, #tpu.memory_space<vmem>>) target(%dma_start3A_2140 : memref<16384x1024xf32, #tpu.memory_space<hbm>>) offsets(%dma_start3A_2137 : memref<32xi32, #tpu.memory_space<vmem>>) semaphore(%arg14 : memref<!tpu.dma_semaphore, #tpu.memory_space<semaphore_mem>>)
    } else {
    }
    %convert_element_type3A_1329 = arith.extui %and3A_1305 : i1 to i32
    %cond3A_1330 = arith.constant 1 : i32
    %cond3A_1331 = arith.constant 0 : i32
    %cond3A_1332 = arith.cmpi ne, %convert_element_type3A_1329, %cond3A_1331 : i32
    scf.if %cond3A_1332 {
      %dma_start3A = arith.constant 0 : i32
      %dma_start3A_2136 = tpu.memref_slice %arg6[%cond3A_1330, %dma_start3A] : memref<12x32xi32, #tpu.memory_space<vmem>> -> memref<1x32xi32, #tpu.memory_space<vmem>>
      %dma_start3A_2137 = tpu.memref_squeeze %dma_start3A_2136 : memref<1x32xi32, #tpu.memory_space<vmem>> -> memref<32xi32, #tpu.memory_space<vmem>>
      %dma_start3A_2138 = arith.constant 0 : i32
      %dma_start3A_2139 = arith.constant 0 : i32
      %dma_start3A_2140 = tpu.memref_slice %arg4[%dma_start3A_2138, %dma_start3A_2139] : memref<16384x1024xf32, #tpu.memory_space<hbm>> -> memref<16384x1024xf32, #tpu.memory_space<hbm>>
      tpu.enqueue_indirect_dma source(%arg7 : memref<32x1024xf32, #tpu.memory_space<vmem>>) target(%dma_start3A_2140 : memref<16384x1024xf32, #tpu.memory_space<hbm>>) offsets(%dma_start3A_2137 : memref<32xi32, #tpu.memory_space<vmem>>) semaphore(%arg15 : memref<!tpu.dma_semaphore, #tpu.memory_space<semaphore_mem>>)
    } else {
    }
    %convert_element_type3A_1333 = arith.extui %and3A_1313 : i1 to i32
    %cond3A_1334 = arith.constant 2 : i32
    %cond3A_1335 = arith.constant 0 : i32
    %cond3A_1336 = arith.cmpi ne, %convert_element_type3A_1333, %cond3A_1335 : i32
    scf.if %cond3A_1336 {
      %dma_start3A = arith.constant 0 : i32
      %dma_start3A_2136 = tpu.memref_slice %arg6[%cond3A_1334, %dma_start3A] : memref<12x32xi32, #tpu.memory_space<vmem>> -> memref<1x32xi32, #tpu.memory_space<vmem>>
      %dma_start3A_2137 = tpu.memref_squeeze %dma_start3A_2136 : memref<1x32xi32, #tpu.memory_space<vmem>> -> memref<32xi32, #tpu.memory_space<vmem>>
      %dma_start3A_2138 = arith.constant 0 : i32
      %dma_start3A_2139 = arith.constant 0 : i32
      %dma_start3A_2140 = tpu.memref_slice %arg4[%dma_start3A_2138, %dma_start3A_2139] : memref<16384x1024xf32, #tpu.memory_space<hbm>> -> memref<16384x1024xf32, #tpu.memory_space<hbm>>
      tpu.enqueue_indirect_dma source(%arg7 : memref<32x1024xf32, #tpu.memory_space<vmem>>) target(%dma_start3A_2140 : memref<16384x1024xf32, #tpu.memory_space<hbm>>) offsets(%dma_start3A_2137 : memref<32xi32, #tpu.memory_space<vmem>>) semaphore(%arg16 : memref<!tpu.dma_semaphore, #tpu.memory_space<semaphore_mem>>)
    } else {
    }
    %convert_element_type3A_1337 = arith.extui %and3A_1321 : i1 to i32
    %cond3A_1338 = arith.constant 3 : i32
    %cond3A_1339 = arith.constant 0 : i32
    %cond3A_1340 = arith.cmpi ne, %convert_element_type3A_1337, %cond3A_1339 : i32
    scf.if %cond3A_1340 {
      %dma_start3A = arith.constant 0 : i32
      %dma_start3A_2136 = tpu.memref_slice %arg6[%cond3A_1338, %dma_start3A] : memref<12x32xi32, #tpu.memory_space<vmem>> -> memref<1x32xi32, #tpu.memory_space<vmem>>
      %dma_start3A_2137 = tpu.memref_squeeze %dma_start3A_2136 : memref<1x32xi32, #tpu.memory_space<vmem>> -> memref<32xi32, #tpu.memory_space<vmem>>
      %dma_start3A_2138 = arith.constant 0 : i32
      %dma_start3A_2139 = arith.constant 0 : i32
      %dma_start3A_2140 = tpu.memref_slice %arg4[%dma_start3A_2138, %dma_start3A_2139] : memref<16384x1024xf32, #tpu.memory_space<hbm>> -> memref<16384x1024xf32, #tpu.memory_space<hbm>>
      tpu.enqueue_indirect_dma source(%arg7 : memref<32x1024xf32, #tpu.memory_space<vmem>>) target(%dma_start3A_2140 : memref<16384x1024xf32, #tpu.memory_space<hbm>>) offsets(%dma_start3A_2137 : memref<32xi32, #tpu.memory_space<vmem>>) semaphore(%arg17 : memref<!tpu.dma_semaphore, #tpu.memory_space<semaphore_mem>>)
    } else {
    }
    %add3A_1341 = arith.constant 192 : i32
    %add3A_1342 = arith.addi %add3A, %add3A_1341 : i32
    %mul3A_1343 = arith.constant 32 : i32
    %mul3A_1344 = arith.muli %add3A_1342, %mul3A_1343 : i32
    %add3A_1345 = arith.addi %multiple_of3A, %mul3A_1344 : i32
    %add3A_1346 = arith.constant 32 : i32
    %add3A_1347 = arith.addi %add3A_1345, %add3A_1346 : i32
    %le3A_1348 = arith.constant 8192 : i32
    %le3A_1349 = arith.cmpi sle, %add3A_1347, %le3A_1348 : i32
    %lt3A_1350 = arith.cmpi slt, %add3A_1345, %add3A_76 : i32
    %and3A_1351 = arith.andi %le3A_1349, %lt3A_1350 : i1
    %le3A_1352 = arith.cmpi sle, %reduce_sum3A_6, %add3A_1345 : i32
    %add3A_1353 = arith.constant 32 : i32
    %add3A_1354 = arith.addi %add3A_1345, %add3A_1353 : i32
    %add3A_1355 = arith.constant 4096 : i32
    %add3A_1356 = arith.addi %reduce_sum3A_6, %add3A_1355 : i32
    %le3A_1357 = arith.cmpi sle, %add3A_1354, %add3A_1356 : i32
    %and3A_1358 = arith.andi %le3A_1352, %le3A_1357 : i1
    %and3A_1359 = arith.andi %and3A_1351, %and3A_1358 : i1
    %le3A_1360 = arith.cmpi sle, %reduce_sum3A_16, %add3A_1345 : i32
    %add3A_1361 = arith.constant 32 : i32
    %add3A_1362 = arith.addi %add3A_1345, %add3A_1361 : i32
    %add3A_1363 = arith.constant 4096 : i32
    %add3A_1364 = arith.addi %reduce_sum3A_16, %add3A_1363 : i32
    %le3A_1365 = arith.cmpi sle, %add3A_1362, %add3A_1364 : i32
    %and3A_1366 = arith.andi %le3A_1360, %le3A_1365 : i1
    %and3A_1367 = arith.andi %and3A_1351, %and3A_1366 : i1
    %le3A_1368 = arith.cmpi sle, %reduce_sum3A_26, %add3A_1345 : i32
    %add3A_1369 = arith.constant 32 : i32
    %add3A_1370 = arith.addi %add3A_1345, %add3A_1369 : i32
    %add3A_1371 = arith.constant 4096 : i32
    %add3A_1372 = arith.addi %reduce_sum3A_26, %add3A_1371 : i32
    %le3A_1373 = arith.cmpi sle, %add3A_1370, %add3A_1372 : i32
    %and3A_1374 = arith.andi %le3A_1368, %le3A_1373 : i1
    %and3A_1375 = arith.andi %and3A_1351, %and3A_1374 : i1
    %le3A_1376 = arith.cmpi sle, %reduce_sum3A_36, %add3A_1345 : i32
    %add3A_1377 = arith.constant 32 : i32
    %add3A_1378 = arith.addi %add3A_1345, %add3A_1377 : i32
    %add3A_1379 = arith.constant 4096 : i32
    %add3A_1380 = arith.addi %reduce_sum3A_36, %add3A_1379 : i32
    %le3A_1381 = arith.cmpi sle, %add3A_1378, %add3A_1380 : i32
    %and3A_1382 = arith.andi %le3A_1376, %le3A_1381 : i1
    %and3A_1383 = arith.andi %and3A_1351, %and3A_1382 : i1
    %add3A_1384 = arith.constant 96 : i32
    %add3A_1385 = arith.addi %add3A, %add3A_1384 : i32
    %mul3A_1386 = arith.constant 32 : i32
    %mul3A_1387 = arith.muli %add3A_1385, %mul3A_1386 : i32
    %add3A_1388 = arith.addi %multiple_of3A, %mul3A_1387 : i32
    %add3A_1389 = arith.constant 32 : i32
    %add3A_1390 = arith.addi %add3A_1388, %add3A_1389 : i32
    %le3A_1391 = arith.constant 8192 : i32
    %le3A_1392 = arith.cmpi sle, %add3A_1390, %le3A_1391 : i32
    %lt3A_1393 = arith.cmpi slt, %add3A_1388, %add3A_76 : i32
    %and3A_1394 = arith.andi %le3A_1392, %lt3A_1393 : i1
    %le3A_1395 = arith.cmpi sle, %reduce_sum3A_6, %add3A_1388 : i32
    %add3A_1396 = arith.constant 32 : i32
    %add3A_1397 = arith.addi %add3A_1388, %add3A_1396 : i32
    %add3A_1398 = arith.constant 4096 : i32
    %add3A_1399 = arith.addi %reduce_sum3A_6, %add3A_1398 : i32
    %le3A_1400 = arith.cmpi sle, %add3A_1397, %add3A_1399 : i32
    %and3A_1401 = arith.andi %le3A_1395, %le3A_1400 : i1
    %and3A_1402 = arith.andi %and3A_1394, %and3A_1401 : i1
    %le3A_1403 = arith.cmpi sle, %reduce_sum3A_16, %add3A_1388 : i32
    %add3A_1404 = arith.constant 32 : i32
    %add3A_1405 = arith.addi %add3A_1388, %add3A_1404 : i32
    %add3A_1406 = arith.constant 4096 : i32
    %add3A_1407 = arith.addi %reduce_sum3A_16, %add3A_1406 : i32
    %le3A_1408 = arith.cmpi sle, %add3A_1405, %add3A_1407 : i32
    %and3A_1409 = arith.andi %le3A_1403, %le3A_1408 : i1
    %and3A_1410 = arith.andi %and3A_1394, %and3A_1409 : i1
    %le3A_1411 = arith.cmpi sle, %reduce_sum3A_26, %add3A_1388 : i32
    %add3A_1412 = arith.constant 32 : i32
    %add3A_1413 = arith.addi %add3A_1388, %add3A_1412 : i32
    %add3A_1414 = arith.constant 4096 : i32
    %add3A_1415 = arith.addi %reduce_sum3A_26, %add3A_1414 : i32
    %le3A_1416 = arith.cmpi sle, %add3A_1413, %add3A_1415 : i32
    %and3A_1417 = arith.andi %le3A_1411, %le3A_1416 : i1
    %and3A_1418 = arith.andi %and3A_1394, %and3A_1417 : i1
    %le3A_1419 = arith.cmpi sle, %reduce_sum3A_36, %add3A_1388 : i32
    %add3A_1420 = arith.constant 32 : i32
    %add3A_1421 = arith.addi %add3A_1388, %add3A_1420 : i32
    %add3A_1422 = arith.constant 4096 : i32
    %add3A_1423 = arith.addi %reduce_sum3A_36, %add3A_1422 : i32
    %le3A_1424 = arith.cmpi sle, %add3A_1421, %add3A_1423 : i32
    %and3A_1425 = arith.andi %le3A_1419, %le3A_1424 : i1
    %and3A_1426 = arith.andi %and3A_1394, %and3A_1425 : i1
    %convert_element_type3A_1427 = arith.extui %and3A_1402 : i1 to i32
    %cond3A_1428 = arith.constant 0 : i32
    %cond3A_1429 = arith.constant 0 : i32
    %cond3A_1430 = arith.cmpi ne, %convert_element_type3A_1427, %cond3A_1429 : i32
    scf.if %cond3A_1430 {
      %dma_wait3A = arith.constant 0 : i32
      %dma_wait3A_2136 = tpu.memref_slice %arg6[%cond3A_1428, %dma_wait3A] : memref<12x32xi32, #tpu.memory_space<vmem>> -> memref<1x32xi32, #tpu.memory_space<vmem>>
      %dma_wait3A_2137 = tpu.memref_squeeze %dma_wait3A_2136 : memref<1x32xi32, #tpu.memory_space<vmem>> -> memref<32xi32, #tpu.memory_space<vmem>>
      %dma_wait3A_2138 = arith.constant 0 : i32
      %dma_wait3A_2139 = arith.constant 0 : i32
      %dma_wait3A_2140 = tpu.memref_slice %arg4[%dma_wait3A_2138, %dma_wait3A_2139] : memref<16384x1024xf32, #tpu.memory_space<hbm>> -> memref<16384x1024xf32, #tpu.memory_space<hbm>>
      tpu.wait_indirect_dma semaphore(%arg14 : memref<!tpu.dma_semaphore, #tpu.memory_space<semaphore_mem>>) src(%arg7 : memref<32x1024xf32, #tpu.memory_space<vmem>>) dst(%dma_wait3A_2140 : memref<16384x1024xf32, #tpu.memory_space<hbm>>)
    } else {
    }
    %convert_element_type3A_1431 = arith.extui %and3A_1410 : i1 to i32
    %cond3A_1432 = arith.constant 1 : i32
    %cond3A_1433 = arith.constant 0 : i32
    %cond3A_1434 = arith.cmpi ne, %convert_element_type3A_1431, %cond3A_1433 : i32
    scf.if %cond3A_1434 {
      %dma_wait3A = arith.constant 0 : i32
      %dma_wait3A_2136 = tpu.memref_slice %arg6[%cond3A_1432, %dma_wait3A] : memref<12x32xi32, #tpu.memory_space<vmem>> -> memref<1x32xi32, #tpu.memory_space<vmem>>
      %dma_wait3A_2137 = tpu.memref_squeeze %dma_wait3A_2136 : memref<1x32xi32, #tpu.memory_space<vmem>> -> memref<32xi32, #tpu.memory_space<vmem>>
      %dma_wait3A_2138 = arith.constant 0 : i32
      %dma_wait3A_2139 = arith.constant 0 : i32
      %dma_wait3A_2140 = tpu.memref_slice %arg4[%dma_wait3A_2138, %dma_wait3A_2139] : memref<16384x1024xf32, #tpu.memory_space<hbm>> -> memref<16384x1024xf32, #tpu.memory_space<hbm>>
      tpu.wait_indirect_dma semaphore(%arg15 : memref<!tpu.dma_semaphore, #tpu.memory_space<semaphore_mem>>) src(%arg7 : memref<32x1024xf32, #tpu.memory_space<vmem>>) dst(%dma_wait3A_2140 : memref<16384x1024xf32, #tpu.memory_space<hbm>>)
    } else {
    }
    %convert_element_type3A_1435 = arith.extui %and3A_1418 : i1 to i32
    %cond3A_1436 = arith.constant 2 : i32
    %cond3A_1437 = arith.constant 0 : i32
    %cond3A_1438 = arith.cmpi ne, %convert_element_type3A_1435, %cond3A_1437 : i32
    scf.if %cond3A_1438 {
      %dma_wait3A = arith.constant 0 : i32
      %dma_wait3A_2136 = tpu.memref_slice %arg6[%cond3A_1436, %dma_wait3A] : memref<12x32xi32, #tpu.memory_space<vmem>> -> memref<1x32xi32, #tpu.memory_space<vmem>>
      %dma_wait3A_2137 = tpu.memref_squeeze %dma_wait3A_2136 : memref<1x32xi32, #tpu.memory_space<vmem>> -> memref<32xi32, #tpu.memory_space<vmem>>
      %dma_wait3A_2138 = arith.constant 0 : i32
      %dma_wait3A_2139 = arith.constant 0 : i32
      %dma_wait3A_2140 = tpu.memref_slice %arg4[%dma_wait3A_2138, %dma_wait3A_2139] : memref<16384x1024xf32, #tpu.memory_space<hbm>> -> memref<16384x1024xf32, #tpu.memory_space<hbm>>
      tpu.wait_indirect_dma semaphore(%arg16 : memref<!tpu.dma_semaphore, #tpu.memory_space<semaphore_mem>>) src(%arg7 : memref<32x1024xf32, #tpu.memory_space<vmem>>) dst(%dma_wait3A_2140 : memref<16384x1024xf32, #tpu.memory_space<hbm>>)
    } else {
    }
    %convert_element_type3A_1439 = arith.extui %and3A_1426 : i1 to i32
    %cond3A_1440 = arith.constant 3 : i32
    %cond3A_1441 = arith.constant 0 : i32
    %cond3A_1442 = arith.cmpi ne, %convert_element_type3A_1439, %cond3A_1441 : i32
    scf.if %cond3A_1442 {
      %dma_wait3A = arith.constant 0 : i32
      %dma_wait3A_2136 = tpu.memref_slice %arg6[%cond3A_1440, %dma_wait3A] : memref<12x32xi32, #tpu.memory_space<vmem>> -> memref<1x32xi32, #tpu.memory_space<vmem>>
      %dma_wait3A_2137 = tpu.memref_squeeze %dma_wait3A_2136 : memref<1x32xi32, #tpu.memory_space<vmem>> -> memref<32xi32, #tpu.memory_space<vmem>>
      %dma_wait3A_2138 = arith.constant 0 : i32
      %dma_wait3A_2139 = arith.constant 0 : i32
      %dma_wait3A_2140 = tpu.memref_slice %arg4[%dma_wait3A_2138, %dma_wait3A_2139] : memref<16384x1024xf32, #tpu.memory_space<hbm>> -> memref<16384x1024xf32, #tpu.memory_space<hbm>>
      tpu.wait_indirect_dma semaphore(%arg17 : memref<!tpu.dma_semaphore, #tpu.memory_space<semaphore_mem>>) src(%arg7 : memref<32x1024xf32, #tpu.memory_space<vmem>>) dst(%dma_wait3A_2140 : memref<16384x1024xf32, #tpu.memory_space<hbm>>)
    } else {
    }
    %sub3A_1443 = arith.subi %add3A_1345, %reduce_sum3A_6 : i32
    %add3A_1444 = arith.constant 0 : i32
    %add3A_1445 = arith.addi %add3A_1444, %sub3A_1443 : i32
    %add3A_1446 = arith.constant 0 : i32
    %add3A_1447 = arith.addi %add3A_1445, %add3A_1446 : i32
    %broadcast_in_dim3A_1448 = vector.broadcast %add3A_1447 : i32 to vector<16xi32>
    %add3A_1449 = arith.addi %broadcast_in_dim3A_1448, %iota3A_77 : vector<16xi32>
    %swap3A_1450 = arith.constant 0 : i32
    %swap3A_1451 = arith.index_cast %swap3A_1450 : i32 to index
    %swap3A_1452 = arith.constant 0 : index
    %swap3A_1453 = tpu.vector_load %arg6[%swap3A_1451, %swap3A_1452] {strides = array<i32>} : memref<12x32xi32, #tpu.memory_space<vmem>>, vector<16xi32>,
    tpu.vector_store %arg6[%swap3A_1451, %swap3A_1452], %add3A_1449 {strides = array<i32>} : memref<12x32xi32, #tpu.memory_space<vmem>>, vector<16xi32>,
    %add3A_1454 = arith.constant 16 : i32
    %add3A_1455 = arith.addi %add3A_1445, %add3A_1454 : i32
    %broadcast_in_dim3A_1456 = vector.broadcast %add3A_1455 : i32 to vector<16xi32>
    %add3A_1457 = arith.addi %broadcast_in_dim3A_1456, %iota3A_77 : vector<16xi32>
    %swap3A_1458 = arith.constant 0 : i32
    %swap3A_1459 = arith.index_cast %swap3A_1458 : i32 to index
    %swap3A_1460 = arith.constant 16 : index
    %swap3A_1461 = tpu.vector_load %arg6[%swap3A_1459, %swap3A_1460] {strides = array<i32>} : memref<12x32xi32, #tpu.memory_space<vmem>>, vector<16xi32>,
    tpu.vector_store %arg6[%swap3A_1459, %swap3A_1460], %add3A_1457 {strides = array<i32>} : memref<12x32xi32, #tpu.memory_space<vmem>>, vector<16xi32>,
    %sub3A_1462 = arith.subi %add3A_1345, %reduce_sum3A_16 : i32
    %add3A_1463 = arith.constant 4096 : i32
    %add3A_1464 = arith.addi %add3A_1463, %sub3A_1462 : i32
    %add3A_1465 = arith.constant 0 : i32
    %add3A_1466 = arith.addi %add3A_1464, %add3A_1465 : i32
    %broadcast_in_dim3A_1467 = vector.broadcast %add3A_1466 : i32 to vector<16xi32>
    %add3A_1468 = arith.addi %broadcast_in_dim3A_1467, %iota3A_77 : vector<16xi32>
    %swap3A_1469 = arith.constant 1 : i32
    %swap3A_1470 = arith.index_cast %swap3A_1469 : i32 to index
    %swap3A_1471 = arith.constant 0 : index
    %swap3A_1472 = tpu.vector_load %arg6[%swap3A_1470, %swap3A_1471] {strides = array<i32>} : memref<12x32xi32, #tpu.memory_space<vmem>>, vector<16xi32>,
    tpu.vector_store %arg6[%swap3A_1470, %swap3A_1471], %add3A_1468 {strides = array<i32>} : memref<12x32xi32, #tpu.memory_space<vmem>>, vector<16xi32>,
    %add3A_1473 = arith.constant 16 : i32
    %add3A_1474 = arith.addi %add3A_1464, %add3A_1473 : i32
    %broadcast_in_dim3A_1475 = vector.broadcast %add3A_1474 : i32 to vector<16xi32>
    %add3A_1476 = arith.addi %broadcast_in_dim3A_1475, %iota3A_77 : vector<16xi32>
    %swap3A_1477 = arith.constant 1 : i32
    %swap3A_1478 = arith.index_cast %swap3A_1477 : i32 to index
    %swap3A_1479 = arith.constant 16 : index
    %swap3A_1480 = tpu.vector_load %arg6[%swap3A_1478, %swap3A_1479] {strides = array<i32>} : memref<12x32xi32, #tpu.memory_space<vmem>>, vector<16xi32>,
    tpu.vector_store %arg6[%swap3A_1478, %swap3A_1479], %add3A_1476 {strides = array<i32>} : memref<12x32xi32, #tpu.memory_space<vmem>>, vector<16xi32>,
    %sub3A_1481 = arith.subi %add3A_1345, %reduce_sum3A_26 : i32
    %add3A_1482 = arith.constant 8192 : i32
    %add3A_1483 = arith.addi %add3A_1482, %sub3A_1481 : i32
    %add3A_1484 = arith.constant 0 : i32
    %add3A_1485 = arith.addi %add3A_1483, %add3A_1484 : i32
    %broadcast_in_dim3A_1486 = vector.broadcast %add3A_1485 : i32 to vector<16xi32>
    %add3A_1487 = arith.addi %broadcast_in_dim3A_1486, %iota3A_77 : vector<16xi32>
    %swap3A_1488 = arith.constant 2 : i32
    %swap3A_1489 = arith.index_cast %swap3A_1488 : i32 to index
    %swap3A_1490 = arith.constant 0 : index
    %swap3A_1491 = tpu.vector_load %arg6[%swap3A_1489, %swap3A_1490] {strides = array<i32>} : memref<12x32xi32, #tpu.memory_space<vmem>>, vector<16xi32>,
    tpu.vector_store %arg6[%swap3A_1489, %swap3A_1490], %add3A_1487 {strides = array<i32>} : memref<12x32xi32, #tpu.memory_space<vmem>>, vector<16xi32>,
    %add3A_1492 = arith.constant 16 : i32
    %add3A_1493 = arith.addi %add3A_1483, %add3A_1492 : i32
    %broadcast_in_dim3A_1494 = vector.broadcast %add3A_1493 : i32 to vector<16xi32>
    %add3A_1495 = arith.addi %broadcast_in_dim3A_1494, %iota3A_77 : vector<16xi32>
    %swap3A_1496 = arith.constant 2 : i32
    %swap3A_1497 = arith.index_cast %swap3A_1496 : i32 to index
    %swap3A_1498 = arith.constant 16 : index
    %swap3A_1499 = tpu.vector_load %arg6[%swap3A_1497, %swap3A_1498] {strides = array<i32>} : memref<12x32xi32, #tpu.memory_space<vmem>>, vector<16xi32>,
    tpu.vector_store %arg6[%swap3A_1497, %swap3A_1498], %add3A_1495 {strides = array<i32>} : memref<12x32xi32, #tpu.memory_space<vmem>>, vector<16xi32>,
    %sub3A_1500 = arith.subi %add3A_1345, %reduce_sum3A_36 : i32
    %add3A_1501 = arith.constant 12288 : i32
    %add3A_1502 = arith.addi %add3A_1501, %sub3A_1500 : i32
    %add3A_1503 = arith.constant 0 : i32
    %add3A_1504 = arith.addi %add3A_1502, %add3A_1503 : i32
    %broadcast_in_dim3A_1505 = vector.broadcast %add3A_1504 : i32 to vector<16xi32>
    %add3A_1506 = arith.addi %broadcast_in_dim3A_1505, %iota3A_77 : vector<16xi32>
    %swap3A_1507 = arith.constant 3 : i32
    %swap3A_1508 = arith.index_cast %swap3A_1507 : i32 to index
    %swap3A_1509 = arith.constant 0 : index
    %swap3A_1510 = tpu.vector_load %arg6[%swap3A_1508, %swap3A_1509] {strides = array<i32>} : memref<12x32xi32, #tpu.memory_space<vmem>>, vector<16xi32>,
    tpu.vector_store %arg6[%swap3A_1508, %swap3A_1509], %add3A_1506 {strides = array<i32>} : memref<12x32xi32, #tpu.memory_space<vmem>>, vector<16xi32>,
    %add3A_1511 = arith.constant 16 : i32
    %add3A_1512 = arith.addi %add3A_1502, %add3A_1511 : i32
    %broadcast_in_dim3A_1513 = vector.broadcast %add3A_1512 : i32 to vector<16xi32>
    %add3A_1514 = arith.addi %broadcast_in_dim3A_1513, %iota3A_77 : vector<16xi32>
    %swap3A_1515 = arith.constant 3 : i32
    %swap3A_1516 = arith.index_cast %swap3A_1515 : i32 to index
    %swap3A_1517 = arith.constant 16 : index
    %swap3A_1518 = tpu.vector_load %arg6[%swap3A_1516, %swap3A_1517] {strides = array<i32>} : memref<12x32xi32, #tpu.memory_space<vmem>>, vector<16xi32>,
    tpu.vector_store %arg6[%swap3A_1516, %swap3A_1517], %add3A_1514 {strides = array<i32>} : memref<12x32xi32, #tpu.memory_space<vmem>>, vector<16xi32>,
    %multiple_of3A_1519 = tpu.assume_multiple %add3A_1345, 8 : i32
    %convert_element_type3A_1520 = arith.extui %and3A_1351 : i1 to i32
    %cond3A_1521 = arith.constant 0 : i32
    %cond3A_1522 = arith.cmpi ne, %convert_element_type3A_1520, %cond3A_1521 : i32
    scf.if %cond3A_1522 {
      %dma_start3A = arith.constant 0 : i32
      %dma_start3A_2136 = tpu.memref_slice %arg3[%multiple_of3A_1519, %dma_start3A] : memref<8192x1024xf32, #tpu.memory_space<hbm>> -> memref<32x1024xf32, #tpu.memory_space<hbm>>
      %dma_start3A_2137 = arith.constant 0 : i32
      %dma_start3A_2138 = tpu.memref_slice %arg3[%multiple_of3A_1519, %dma_start3A_2137] : memref<8192x1024xf32, #tpu.memory_space<hbm>> -> memref<32x1024xf32, #tpu.memory_space<hbm>>
      tpu.enqueue_dma source(%dma_start3A_2138 : memref<32x1024xf32, #tpu.memory_space<hbm>>) target(%arg7 : memref<32x1024xf32, #tpu.memory_space<vmem>>) target_semaphore(%arg11 : memref<!tpu.dma_semaphore, #tpu.memory_space<semaphore_mem>>)
    } else {
    }
    %add3A_1523 = arith.constant 128 : i32
    %add3A_1524 = arith.addi %add3A, %add3A_1523 : i32
    %mul3A_1525 = arith.constant 32 : i32
    %mul3A_1526 = arith.muli %add3A_1524, %mul3A_1525 : i32
    %add3A_1527 = arith.addi %multiple_of3A, %mul3A_1526 : i32
    %add3A_1528 = arith.constant 32 : i32
    %add3A_1529 = arith.addi %add3A_1527, %add3A_1528 : i32
    %le3A_1530 = arith.constant 8192 : i32
    %le3A_1531 = arith.cmpi sle, %add3A_1529, %le3A_1530 : i32
    %lt3A_1532 = arith.cmpi slt, %add3A_1527, %add3A_76 : i32
    %and3A_1533 = arith.andi %le3A_1531, %lt3A_1532 : i1
    %le3A_1534 = arith.cmpi sle, %reduce_sum3A_6, %add3A_1527 : i32
    %add3A_1535 = arith.constant 32 : i32
    %add3A_1536 = arith.addi %add3A_1527, %add3A_1535 : i32
    %add3A_1537 = arith.constant 4096 : i32
    %add3A_1538 = arith.addi %reduce_sum3A_6, %add3A_1537 : i32
    %le3A_1539 = arith.cmpi sle, %add3A_1536, %add3A_1538 : i32
    %and3A_1540 = arith.andi %le3A_1534, %le3A_1539 : i1
    %and3A_1541 = arith.andi %and3A_1533, %and3A_1540 : i1
    %le3A_1542 = arith.cmpi sle, %reduce_sum3A_16, %add3A_1527 : i32
    %add3A_1543 = arith.constant 32 : i32
    %add3A_1544 = arith.addi %add3A_1527, %add3A_1543 : i32
    %add3A_1545 = arith.constant 4096 : i32
    %add3A_1546 = arith.addi %reduce_sum3A_16, %add3A_1545 : i32
    %le3A_1547 = arith.cmpi sle, %add3A_1544, %add3A_1546 : i32
    %and3A_1548 = arith.andi %le3A_1542, %le3A_1547 : i1
    %and3A_1549 = arith.andi %and3A_1533, %and3A_1548 : i1
    %le3A_1550 = arith.cmpi sle, %reduce_sum3A_26, %add3A_1527 : i32
    %add3A_1551 = arith.constant 32 : i32
    %add3A_1552 = arith.addi %add3A_1527, %add3A_1551 : i32
    %add3A_1553 = arith.constant 4096 : i32
    %add3A_1554 = arith.addi %reduce_sum3A_26, %add3A_1553 : i32
    %le3A_1555 = arith.cmpi sle, %add3A_1552, %add3A_1554 : i32
    %and3A_1556 = arith.andi %le3A_1550, %le3A_1555 : i1
    %and3A_1557 = arith.andi %and3A_1533, %and3A_1556 : i1
    %le3A_1558 = arith.cmpi sle, %reduce_sum3A_36, %add3A_1527 : i32
    %add3A_1559 = arith.constant 32 : i32
    %add3A_1560 = arith.addi %add3A_1527, %add3A_1559 : i32
    %add3A_1561 = arith.constant 4096 : i32
    %add3A_1562 = arith.addi %reduce_sum3A_36, %add3A_1561 : i32
    %le3A_1563 = arith.cmpi sle, %add3A_1560, %add3A_1562 : i32
    %and3A_1564 = arith.andi %le3A_1558, %le3A_1563 : i1
    %and3A_1565 = arith.andi %and3A_1533, %and3A_1564 : i1
    %convert_element_type3A_1566 = arith.extui %and3A_1533 : i1 to i32
    %cond3A_1567 = arith.constant 0 : i32
    %cond3A_1568 = arith.cmpi ne, %convert_element_type3A_1566, %cond3A_1567 : i32
    scf.if %cond3A_1568 {
      %dma_wait3A = arith.constant 0 : i32
      %dma_wait3A_2136 = tpu.memref_slice %arg3[%multiple_of3A_1031, %dma_wait3A] : memref<8192x1024xf32, #tpu.memory_space<hbm>> -> memref<32x1024xf32, #tpu.memory_space<hbm>>
      %dma_wait3A_2137 = arith.constant 0 : i32
      %dma_wait3A_2138 = tpu.memref_slice %arg3[%multiple_of3A_1031, %dma_wait3A_2137] : memref<8192x1024xf32, #tpu.memory_space<hbm>> -> memref<32x1024xf32, #tpu.memory_space<hbm>>
      tpu.wait_dma2 semaphore(%arg12 : memref<!tpu.dma_semaphore, #tpu.memory_space<semaphore_mem>>) src(%dma_wait3A_2138 : memref<32x1024xf32, #tpu.memory_space<hbm>>) dst(%arg8 : memref<32x1024xf32, #tpu.memory_space<vmem>>)
    } else {
    }
    %convert_element_type3A_1569 = arith.extui %and3A_1541 : i1 to i32
    %cond3A_1570 = arith.constant 4 : i32
    %cond3A_1571 = arith.constant 0 : i32
    %cond3A_1572 = arith.cmpi ne, %convert_element_type3A_1569, %cond3A_1571 : i32
    scf.if %cond3A_1572 {
      %dma_start3A = arith.constant 0 : i32
      %dma_start3A_2136 = tpu.memref_slice %arg6[%cond3A_1570, %dma_start3A] : memref<12x32xi32, #tpu.memory_space<vmem>> -> memref<1x32xi32, #tpu.memory_space<vmem>>
      %dma_start3A_2137 = tpu.memref_squeeze %dma_start3A_2136 : memref<1x32xi32, #tpu.memory_space<vmem>> -> memref<32xi32, #tpu.memory_space<vmem>>
      %dma_start3A_2138 = arith.constant 0 : i32
      %dma_start3A_2139 = arith.constant 0 : i32
      %dma_start3A_2140 = tpu.memref_slice %arg4[%dma_start3A_2138, %dma_start3A_2139] : memref<16384x1024xf32, #tpu.memory_space<hbm>> -> memref<16384x1024xf32, #tpu.memory_space<hbm>>
      tpu.enqueue_indirect_dma source(%arg8 : memref<32x1024xf32, #tpu.memory_space<vmem>>) target(%dma_start3A_2140 : memref<16384x1024xf32, #tpu.memory_space<hbm>>) offsets(%dma_start3A_2137 : memref<32xi32, #tpu.memory_space<vmem>>) semaphore(%arg18 : memref<!tpu.dma_semaphore, #tpu.memory_space<semaphore_mem>>)
    } else {
    }
    %convert_element_type3A_1573 = arith.extui %and3A_1549 : i1 to i32
    %cond3A_1574 = arith.constant 5 : i32
    %cond3A_1575 = arith.constant 0 : i32
    %cond3A_1576 = arith.cmpi ne, %convert_element_type3A_1573, %cond3A_1575 : i32
    scf.if %cond3A_1576 {
      %dma_start3A = arith.constant 0 : i32
      %dma_start3A_2136 = tpu.memref_slice %arg6[%cond3A_1574, %dma_start3A] : memref<12x32xi32, #tpu.memory_space<vmem>> -> memref<1x32xi32, #tpu.memory_space<vmem>>
      %dma_start3A_2137 = tpu.memref_squeeze %dma_start3A_2136 : memref<1x32xi32, #tpu.memory_space<vmem>> -> memref<32xi32, #tpu.memory_space<vmem>>
      %dma_start3A_2138 = arith.constant 0 : i32
      %dma_start3A_2139 = arith.constant 0 : i32
      %dma_start3A_2140 = tpu.memref_slice %arg4[%dma_start3A_2138, %dma_start3A_2139] : memref<16384x1024xf32, #tpu.memory_space<hbm>> -> memref<16384x1024xf32, #tpu.memory_space<hbm>>
      tpu.enqueue_indirect_dma source(%arg8 : memref<32x1024xf32, #tpu.memory_space<vmem>>) target(%dma_start3A_2140 : memref<16384x1024xf32, #tpu.memory_space<hbm>>) offsets(%dma_start3A_2137 : memref<32xi32, #tpu.memory_space<vmem>>) semaphore(%arg19 : memref<!tpu.dma_semaphore, #tpu.memory_space<semaphore_mem>>)
    } else {
    }
    %convert_element_type3A_1577 = arith.extui %and3A_1557 : i1 to i32
    %cond3A_1578 = arith.constant 6 : i32
    %cond3A_1579 = arith.constant 0 : i32
    %cond3A_1580 = arith.cmpi ne, %convert_element_type3A_1577, %cond3A_1579 : i32
    scf.if %cond3A_1580 {
      %dma_start3A = arith.constant 0 : i32
      %dma_start3A_2136 = tpu.memref_slice %arg6[%cond3A_1578, %dma_start3A] : memref<12x32xi32, #tpu.memory_space<vmem>> -> memref<1x32xi32, #tpu.memory_space<vmem>>
      %dma_start3A_2137 = tpu.memref_squeeze %dma_start3A_2136 : memref<1x32xi32, #tpu.memory_space<vmem>> -> memref<32xi32, #tpu.memory_space<vmem>>
      %dma_start3A_2138 = arith.constant 0 : i32
      %dma_start3A_2139 = arith.constant 0 : i32
      %dma_start3A_2140 = tpu.memref_slice %arg4[%dma_start3A_2138, %dma_start3A_2139] : memref<16384x1024xf32, #tpu.memory_space<hbm>> -> memref<16384x1024xf32, #tpu.memory_space<hbm>>
      tpu.enqueue_indirect_dma source(%arg8 : memref<32x1024xf32, #tpu.memory_space<vmem>>) target(%dma_start3A_2140 : memref<16384x1024xf32, #tpu.memory_space<hbm>>) offsets(%dma_start3A_2137 : memref<32xi32, #tpu.memory_space<vmem>>) semaphore(%arg20 : memref<!tpu.dma_semaphore, #tpu.memory_space<semaphore_mem>>)
    } else {
    }
    %convert_element_type3A_1581 = arith.extui %and3A_1565 : i1 to i32
    %cond3A_1582 = arith.constant 7 : i32
    %cond3A_1583 = arith.constant 0 : i32
    %cond3A_1584 = arith.cmpi ne, %convert_element_type3A_1581, %cond3A_1583 : i32
    scf.if %cond3A_1584 {
      %dma_start3A = arith.constant 0 : i32
      %dma_start3A_2136 = tpu.memref_slice %arg6[%cond3A_1582, %dma_start3A] : memref<12x32xi32, #tpu.memory_space<vmem>> -> memref<1x32xi32, #tpu.memory_space<vmem>>
      %dma_start3A_2137 = tpu.memref_squeeze %dma_start3A_2136 : memref<1x32xi32, #tpu.memory_space<vmem>> -> memref<32xi32, #tpu.memory_space<vmem>>
      %dma_start3A_2138 = arith.constant 0 : i32
      %dma_start3A_2139 = arith.constant 0 : i32
      %dma_start3A_2140 = tpu.memref_slice %arg4[%dma_start3A_2138, %dma_start3A_2139] : memref<16384x1024xf32, #tpu.memory_space<hbm>> -> memref<16384x1024xf32, #tpu.memory_space<hbm>>
      tpu.enqueue_indirect_dma source(%arg8 : memref<32x1024xf32, #tpu.memory_space<vmem>>) target(%dma_start3A_2140 : memref<16384x1024xf32, #tpu.memory_space<hbm>>) offsets(%dma_start3A_2137 : memref<32xi32, #tpu.memory_space<vmem>>) semaphore(%arg21 : memref<!tpu.dma_semaphore, #tpu.memory_space<semaphore_mem>>)
    } else {
    }
    %add3A_1585 = arith.constant 224 : i32
    %add3A_1586 = arith.addi %add3A, %add3A_1585 : i32
    %mul3A_1587 = arith.constant 32 : i32
    %mul3A_1588 = arith.muli %add3A_1586, %mul3A_1587 : i32
    %add3A_1589 = arith.addi %multiple_of3A, %mul3A_1588 : i32
    %add3A_1590 = arith.constant 32 : i32
    %add3A_1591 = arith.addi %add3A_1589, %add3A_1590 : i32
    %le3A_1592 = arith.constant 8192 : i32
    %le3A_1593 = arith.cmpi sle, %add3A_1591, %le3A_1592 : i32
    %lt3A_1594 = arith.cmpi slt, %add3A_1589, %add3A_76 : i32
    %and3A_1595 = arith.andi %le3A_1593, %lt3A_1594 : i1
    %le3A_1596 = arith.cmpi sle, %reduce_sum3A_6, %add3A_1589 : i32
    %add3A_1597 = arith.constant 32 : i32
    %add3A_1598 = arith.addi %add3A_1589, %add3A_1597 : i32
    %add3A_1599 = arith.constant 4096 : i32
    %add3A_1600 = arith.addi %reduce_sum3A_6, %add3A_1599 : i32
    %le3A_1601 = arith.cmpi sle, %add3A_1598, %add3A_1600 : i32
    %and3A_1602 = arith.andi %le3A_1596, %le3A_1601 : i1
    %and3A_1603 = arith.andi %and3A_1595, %and3A_1602 : i1
    %le3A_1604 = arith.cmpi sle, %reduce_sum3A_16, %add3A_1589 : i32
    %add3A_1605 = arith.constant 32 : i32
    %add3A_1606 = arith.addi %add3A_1589, %add3A_1605 : i32
    %add3A_1607 = arith.constant 4096 : i32
    %add3A_1608 = arith.addi %reduce_sum3A_16, %add3A_1607 : i32
    %le3A_1609 = arith.cmpi sle, %add3A_1606, %add3A_1608 : i32
    %and3A_1610 = arith.andi %le3A_1604, %le3A_1609 : i1
    %and3A_1611 = arith.andi %and3A_1595, %and3A_1610 : i1
    %le3A_1612 = arith.cmpi sle, %reduce_sum3A_26, %add3A_1589 : i32
    %add3A_1613 = arith.constant 32 : i32
    %add3A_1614 = arith.addi %add3A_1589, %add3A_1613 : i32
    %add3A_1615 = arith.constant 4096 : i32
    %add3A_1616 = arith.addi %reduce_sum3A_26, %add3A_1615 : i32
    %le3A_1617 = arith.cmpi sle, %add3A_1614, %add3A_1616 : i32
    %and3A_1618 = arith.andi %le3A_1612, %le3A_1617 : i1
    %and3A_1619 = arith.andi %and3A_1595, %and3A_1618 : i1
    %le3A_1620 = arith.cmpi sle, %reduce_sum3A_36, %add3A_1589 : i32
    %add3A_1621 = arith.constant 32 : i32
    %add3A_1622 = arith.addi %add3A_1589, %add3A_1621 : i32
    %add3A_1623 = arith.constant 4096 : i32
    %add3A_1624 = arith.addi %reduce_sum3A_36, %add3A_1623 : i32
    %le3A_1625 = arith.cmpi sle, %add3A_1622, %add3A_1624 : i32
    %and3A_1626 = arith.andi %le3A_1620, %le3A_1625 : i1
    %and3A_1627 = arith.andi %and3A_1595, %and3A_1626 : i1
    %add3A_1628 = arith.constant 128 : i32
    %add3A_1629 = arith.addi %add3A, %add3A_1628 : i32
    %mul3A_1630 = arith.constant 32 : i32
    %mul3A_1631 = arith.muli %add3A_1629, %mul3A_1630 : i32
    %add3A_1632 = arith.addi %multiple_of3A, %mul3A_1631 : i32
    %add3A_1633 = arith.constant 32 : i32
    %add3A_1634 = arith.addi %add3A_1632, %add3A_1633 : i32
    %le3A_1635 = arith.constant 8192 : i32
    %le3A_1636 = arith.cmpi sle, %add3A_1634, %le3A_1635 : i32
    %lt3A_1637 = arith.cmpi slt, %add3A_1632, %add3A_76 : i32
    %and3A_1638 = arith.andi %le3A_1636, %lt3A_1637 : i1
    %le3A_1639 = arith.cmpi sle, %reduce_sum3A_6, %add3A_1632 : i32
    %add3A_1640 = arith.constant 32 : i32
    %add3A_1641 = arith.addi %add3A_1632, %add3A_1640 : i32
    %add3A_1642 = arith.constant 4096 : i32
    %add3A_1643 = arith.addi %reduce_sum3A_6, %add3A_1642 : i32
    %le3A_1644 = arith.cmpi sle, %add3A_1641, %add3A_1643 : i32
    %and3A_1645 = arith.andi %le3A_1639, %le3A_1644 : i1
    %and3A_1646 = arith.andi %and3A_1638, %and3A_1645 : i1
    %le3A_1647 = arith.cmpi sle, %reduce_sum3A_16, %add3A_1632 : i32
    %add3A_1648 = arith.constant 32 : i32
    %add3A_1649 = arith.addi %add3A_1632, %add3A_1648 : i32
    %add3A_1650 = arith.constant 4096 : i32
    %add3A_1651 = arith.addi %reduce_sum3A_16, %add3A_1650 : i32
    %le3A_1652 = arith.cmpi sle, %add3A_1649, %add3A_1651 : i32
    %and3A_1653 = arith.andi %le3A_1647, %le3A_1652 : i1
    %and3A_1654 = arith.andi %and3A_1638, %and3A_1653 : i1
    %le3A_1655 = arith.cmpi sle, %reduce_sum3A_26, %add3A_1632 : i32
    %add3A_1656 = arith.constant 32 : i32
    %add3A_1657 = arith.addi %add3A_1632, %add3A_1656 : i32
    %add3A_1658 = arith.constant 4096 : i32
    %add3A_1659 = arith.addi %reduce_sum3A_26, %add3A_1658 : i32
    %le3A_1660 = arith.cmpi sle, %add3A_1657, %add3A_1659 : i32
    %and3A_1661 = arith.andi %le3A_1655, %le3A_1660 : i1
    %and3A_1662 = arith.andi %and3A_1638, %and3A_1661 : i1
    %le3A_1663 = arith.cmpi sle, %reduce_sum3A_36, %add3A_1632 : i32
    %add3A_1664 = arith.constant 32 : i32
    %add3A_1665 = arith.addi %add3A_1632, %add3A_1664 : i32
    %add3A_1666 = arith.constant 4096 : i32
    %add3A_1667 = arith.addi %reduce_sum3A_36, %add3A_1666 : i32
    %le3A_1668 = arith.cmpi sle, %add3A_1665, %add3A_1667 : i32
    %and3A_1669 = arith.andi %le3A_1663, %le3A_1668 : i1
    %and3A_1670 = arith.andi %and3A_1638, %and3A_1669 : i1
    %convert_element_type3A_1671 = arith.extui %and3A_1646 : i1 to i32
    %cond3A_1672 = arith.constant 4 : i32
    %cond3A_1673 = arith.constant 0 : i32
    %cond3A_1674 = arith.cmpi ne, %convert_element_type3A_1671, %cond3A_1673 : i32
    scf.if %cond3A_1674 {
      %dma_wait3A = arith.constant 0 : i32
      %dma_wait3A_2136 = tpu.memref_slice %arg6[%cond3A_1672, %dma_wait3A] : memref<12x32xi32, #tpu.memory_space<vmem>> -> memref<1x32xi32, #tpu.memory_space<vmem>>
      %dma_wait3A_2137 = tpu.memref_squeeze %dma_wait3A_2136 : memref<1x32xi32, #tpu.memory_space<vmem>> -> memref<32xi32, #tpu.memory_space<vmem>>
      %dma_wait3A_2138 = arith.constant 0 : i32
      %dma_wait3A_2139 = arith.constant 0 : i32
      %dma_wait3A_2140 = tpu.memref_slice %arg4[%dma_wait3A_2138, %dma_wait3A_2139] : memref<16384x1024xf32, #tpu.memory_space<hbm>> -> memref<16384x1024xf32, #tpu.memory_space<hbm>>
      tpu.wait_indirect_dma semaphore(%arg18 : memref<!tpu.dma_semaphore, #tpu.memory_space<semaphore_mem>>) src(%arg8 : memref<32x1024xf32, #tpu.memory_space<vmem>>) dst(%dma_wait3A_2140 : memref<16384x1024xf32, #tpu.memory_space<hbm>>)
    } else {
    }
    %convert_element_type3A_1675 = arith.extui %and3A_1654 : i1 to i32
    %cond3A_1676 = arith.constant 5 : i32
    %cond3A_1677 = arith.constant 0 : i32
    %cond3A_1678 = arith.cmpi ne, %convert_element_type3A_1675, %cond3A_1677 : i32
    scf.if %cond3A_1678 {
      %dma_wait3A = arith.constant 0 : i32
      %dma_wait3A_2136 = tpu.memref_slice %arg6[%cond3A_1676, %dma_wait3A] : memref<12x32xi32, #tpu.memory_space<vmem>> -> memref<1x32xi32, #tpu.memory_space<vmem>>
      %dma_wait3A_2137 = tpu.memref_squeeze %dma_wait3A_2136 : memref<1x32xi32, #tpu.memory_space<vmem>> -> memref<32xi32, #tpu.memory_space<vmem>>
      %dma_wait3A_2138 = arith.constant 0 : i32
      %dma_wait3A_2139 = arith.constant 0 : i32
      %dma_wait3A_2140 = tpu.memref_slice %arg4[%dma_wait3A_2138, %dma_wait3A_2139] : memref<16384x1024xf32, #tpu.memory_space<hbm>> -> memref<16384x1024xf32, #tpu.memory_space<hbm>>
      tpu.wait_indirect_dma semaphore(%arg19 : memref<!tpu.dma_semaphore, #tpu.memory_space<semaphore_mem>>) src(%arg8 : memref<32x1024xf32, #tpu.memory_space<vmem>>) dst(%dma_wait3A_2140 : memref<16384x1024xf32, #tpu.memory_space<hbm>>)
    } else {
    }
    %convert_element_type3A_1679 = arith.extui %and3A_1662 : i1 to i32
    %cond3A_1680 = arith.constant 6 : i32
    %cond3A_1681 = arith.constant 0 : i32
    %cond3A_1682 = arith.cmpi ne, %convert_element_type3A_1679, %cond3A_1681 : i32
    scf.if %cond3A_1682 {
      %dma_wait3A = arith.constant 0 : i32
      %dma_wait3A_2136 = tpu.memref_slice %arg6[%cond3A_1680, %dma_wait3A] : memref<12x32xi32, #tpu.memory_space<vmem>> -> memref<1x32xi32, #tpu.memory_space<vmem>>
      %dma_wait3A_2137 = tpu.memref_squeeze %dma_wait3A_2136 : memref<1x32xi32, #tpu.memory_space<vmem>> -> memref<32xi32, #tpu.memory_space<vmem>>
      %dma_wait3A_2138 = arith.constant 0 : i32
      %dma_wait3A_2139 = arith.constant 0 : i32
      %dma_wait3A_2140 = tpu.memref_slice %arg4[%dma_wait3A_2138, %dma_wait3A_2139] : memref<16384x1024xf32, #tpu.memory_space<hbm>> -> memref<16384x1024xf32, #tpu.memory_space<hbm>>
      tpu.wait_indirect_dma semaphore(%arg20 : memref<!tpu.dma_semaphore, #tpu.memory_space<semaphore_mem>>) src(%arg8 : memref<32x1024xf32, #tpu.memory_space<vmem>>) dst(%dma_wait3A_2140 : memref<16384x1024xf32, #tpu.memory_space<hbm>>)
    } else {
    }
    %convert_element_type3A_1683 = arith.extui %and3A_1670 : i1 to i32
    %cond3A_1684 = arith.constant 7 : i32
    %cond3A_1685 = arith.constant 0 : i32
    %cond3A_1686 = arith.cmpi ne, %convert_element_type3A_1683, %cond3A_1685 : i32
    scf.if %cond3A_1686 {
      %dma_wait3A = arith.constant 0 : i32
      %dma_wait3A_2136 = tpu.memref_slice %arg6[%cond3A_1684, %dma_wait3A] : memref<12x32xi32, #tpu.memory_space<vmem>> -> memref<1x32xi32, #tpu.memory_space<vmem>>
      %dma_wait3A_2137 = tpu.memref_squeeze %dma_wait3A_2136 : memref<1x32xi32, #tpu.memory_space<vmem>> -> memref<32xi32, #tpu.memory_space<vmem>>
      %dma_wait3A_2138 = arith.constant 0 : i32
      %dma_wait3A_2139 = arith.constant 0 : i32
      %dma_wait3A_2140 = tpu.memref_slice %arg4[%dma_wait3A_2138, %dma_wait3A_2139] : memref<16384x1024xf32, #tpu.memory_space<hbm>> -> memref<16384x1024xf32, #tpu.memory_space<hbm>>
      tpu.wait_indirect_dma semaphore(%arg21 : memref<!tpu.dma_semaphore, #tpu.memory_space<semaphore_mem>>) src(%arg8 : memref<32x1024xf32, #tpu.memory_space<vmem>>) dst(%dma_wait3A_2140 : memref<16384x1024xf32, #tpu.memory_space<hbm>>)
    } else {
    }
    %sub3A_1687 = arith.subi %add3A_1589, %reduce_sum3A_6 : i32
    %add3A_1688 = arith.constant 0 : i32
    %add3A_1689 = arith.addi %add3A_1688, %sub3A_1687 : i32
    %add3A_1690 = arith.constant 0 : i32
    %add3A_1691 = arith.addi %add3A_1689, %add3A_1690 : i32
    %broadcast_in_dim3A_1692 = vector.broadcast %add3A_1691 : i32 to vector<16xi32>
    %add3A_1693 = arith.addi %broadcast_in_dim3A_1692, %iota3A_77 : vector<16xi32>
    %swap3A_1694 = arith.constant 4 : i32
    %swap3A_1695 = arith.index_cast %swap3A_1694 : i32 to index
    %swap3A_1696 = arith.constant 0 : index
    %swap3A_1697 = tpu.vector_load %arg6[%swap3A_1695, %swap3A_1696] {strides = array<i32>} : memref<12x32xi32, #tpu.memory_space<vmem>>, vector<16xi32>,
    tpu.vector_store %arg6[%swap3A_1695, %swap3A_1696], %add3A_1693 {strides = array<i32>} : memref<12x32xi32, #tpu.memory_space<vmem>>, vector<16xi32>,
    %add3A_1698 = arith.constant 16 : i32
    %add3A_1699 = arith.addi %add3A_1689, %add3A_1698 : i32
    %broadcast_in_dim3A_1700 = vector.broadcast %add3A_1699 : i32 to vector<16xi32>
    %add3A_1701 = arith.addi %broadcast_in_dim3A_1700, %iota3A_77 : vector<16xi32>
    %swap3A_1702 = arith.constant 4 : i32
    %swap3A_1703 = arith.index_cast %swap3A_1702 : i32 to index
    %swap3A_1704 = arith.constant 16 : index
    %swap3A_1705 = tpu.vector_load %arg6[%swap3A_1703, %swap3A_1704] {strides = array<i32>} : memref<12x32xi32, #tpu.memory_space<vmem>>, vector<16xi32>,
    tpu.vector_store %arg6[%swap3A_1703, %swap3A_1704], %add3A_1701 {strides = array<i32>} : memref<12x32xi32, #tpu.memory_space<vmem>>, vector<16xi32>,
    %sub3A_1706 = arith.subi %add3A_1589, %reduce_sum3A_16 : i32
    %add3A_1707 = arith.constant 4096 : i32
    %add3A_1708 = arith.addi %add3A_1707, %sub3A_1706 : i32
    %add3A_1709 = arith.constant 0 : i32
    %add3A_1710 = arith.addi %add3A_1708, %add3A_1709 : i32
    %broadcast_in_dim3A_1711 = vector.broadcast %add3A_1710 : i32 to vector<16xi32>
    %add3A_1712 = arith.addi %broadcast_in_dim3A_1711, %iota3A_77 : vector<16xi32>
    %swap3A_1713 = arith.constant 5 : i32
    %swap3A_1714 = arith.index_cast %swap3A_1713 : i32 to index
    %swap3A_1715 = arith.constant 0 : index
    %swap3A_1716 = tpu.vector_load %arg6[%swap3A_1714, %swap3A_1715] {strides = array<i32>} : memref<12x32xi32, #tpu.memory_space<vmem>>, vector<16xi32>,
    tpu.vector_store %arg6[%swap3A_1714, %swap3A_1715], %add3A_1712 {strides = array<i32>} : memref<12x32xi32, #tpu.memory_space<vmem>>, vector<16xi32>,
    %add3A_1717 = arith.constant 16 : i32
    %add3A_1718 = arith.addi %add3A_1708, %add3A_1717 : i32
    %broadcast_in_dim3A_1719 = vector.broadcast %add3A_1718 : i32 to vector<16xi32>
    %add3A_1720 = arith.addi %broadcast_in_dim3A_1719, %iota3A_77 : vector<16xi32>
    %swap3A_1721 = arith.constant 5 : i32
    %swap3A_1722 = arith.index_cast %swap3A_1721 : i32 to index
    %swap3A_1723 = arith.constant 16 : index
    %swap3A_1724 = tpu.vector_load %arg6[%swap3A_1722, %swap3A_1723] {strides = array<i32>} : memref<12x32xi32, #tpu.memory_space<vmem>>, vector<16xi32>,
    tpu.vector_store %arg6[%swap3A_1722, %swap3A_1723], %add3A_1720 {strides = array<i32>} : memref<12x32xi32, #tpu.memory_space<vmem>>, vector<16xi32>,
    %sub3A_1725 = arith.subi %add3A_1589, %reduce_sum3A_26 : i32
    %add3A_1726 = arith.constant 8192 : i32
    %add3A_1727 = arith.addi %add3A_1726, %sub3A_1725 : i32
    %add3A_1728 = arith.constant 0 : i32
    %add3A_1729 = arith.addi %add3A_1727, %add3A_1728 : i32
    %broadcast_in_dim3A_1730 = vector.broadcast %add3A_1729 : i32 to vector<16xi32>
    %add3A_1731 = arith.addi %broadcast_in_dim3A_1730, %iota3A_77 : vector<16xi32>
    %swap3A_1732 = arith.constant 6 : i32
    %swap3A_1733 = arith.index_cast %swap3A_1732 : i32 to index
    %swap3A_1734 = arith.constant 0 : index
    %swap3A_1735 = tpu.vector_load %arg6[%swap3A_1733, %swap3A_1734] {strides = array<i32>} : memref<12x32xi32, #tpu.memory_space<vmem>>, vector<16xi32>,
    tpu.vector_store %arg6[%swap3A_1733, %swap3A_1734], %add3A_1731 {strides = array<i32>} : memref<12x32xi32, #tpu.memory_space<vmem>>, vector<16xi32>,
    %add3A_1736 = arith.constant 16 : i32
    %add3A_1737 = arith.addi %add3A_1727, %add3A_1736 : i32
    %broadcast_in_dim3A_1738 = vector.broadcast %add3A_1737 : i32 to vector<16xi32>
    %add3A_1739 = arith.addi %broadcast_in_dim3A_1738, %iota3A_77 : vector<16xi32>
    %swap3A_1740 = arith.constant 6 : i32
    %swap3A_1741 = arith.index_cast %swap3A_1740 : i32 to index
    %swap3A_1742 = arith.constant 16 : index
    %swap3A_1743 = tpu.vector_load %arg6[%swap3A_1741, %swap3A_1742] {strides = array<i32>} : memref<12x32xi32, #tpu.memory_space<vmem>>, vector<16xi32>,
    tpu.vector_store %arg6[%swap3A_1741, %swap3A_1742], %add3A_1739 {strides = array<i32>} : memref<12x32xi32, #tpu.memory_space<vmem>>, vector<16xi32>,
    %sub3A_1744 = arith.subi %add3A_1589, %reduce_sum3A_36 : i32
    %add3A_1745 = arith.constant 12288 : i32
    %add3A_1746 = arith.addi %add3A_1745, %sub3A_1744 : i32
    %add3A_1747 = arith.constant 0 : i32
    %add3A_1748 = arith.addi %add3A_1746, %add3A_1747 : i32
    %broadcast_in_dim3A_1749 = vector.broadcast %add3A_1748 : i32 to vector<16xi32>
    %add3A_1750 = arith.addi %broadcast_in_dim3A_1749, %iota3A_77 : vector<16xi32>
    %swap3A_1751 = arith.constant 7 : i32
    %swap3A_1752 = arith.index_cast %swap3A_1751 : i32 to index
    %swap3A_1753 = arith.constant 0 : index
    %swap3A_1754 = tpu.vector_load %arg6[%swap3A_1752, %swap3A_1753] {strides = array<i32>} : memref<12x32xi32, #tpu.memory_space<vmem>>, vector<16xi32>,
    tpu.vector_store %arg6[%swap3A_1752, %swap3A_1753], %add3A_1750 {strides = array<i32>} : memref<12x32xi32, #tpu.memory_space<vmem>>, vector<16xi32>,
    %add3A_1755 = arith.constant 16 : i32
    %add3A_1756 = arith.addi %add3A_1746, %add3A_1755 : i32
    %broadcast_in_dim3A_1757 = vector.broadcast %add3A_1756 : i32 to vector<16xi32>
    %add3A_1758 = arith.addi %broadcast_in_dim3A_1757, %iota3A_77 : vector<16xi32>
    %swap3A_1759 = arith.constant 7 : i32
    %swap3A_1760 = arith.index_cast %swap3A_1759 : i32 to index
    %swap3A_1761 = arith.constant 16 : index
    %swap3A_1762 = tpu.vector_load %arg6[%swap3A_1760, %swap3A_1761] {strides = array<i32>} : memref<12x32xi32, #tpu.memory_space<vmem>>, vector<16xi32>,
    tpu.vector_store %arg6[%swap3A_1760, %swap3A_1761], %add3A_1758 {strides = array<i32>} : memref<12x32xi32, #tpu.memory_space<vmem>>, vector<16xi32>,
    %multiple_of3A_1763 = tpu.assume_multiple %add3A_1589, 8 : i32
    %convert_element_type3A_1764 = arith.extui %and3A_1595 : i1 to i32
    %cond3A_1765 = arith.constant 0 : i32
    %cond3A_1766 = arith.cmpi ne, %convert_element_type3A_1764, %cond3A_1765 : i32
    scf.if %cond3A_1766 {
      %dma_start3A = arith.constant 0 : i32
      %dma_start3A_2136 = tpu.memref_slice %arg3[%multiple_of3A_1763, %dma_start3A] : memref<8192x1024xf32, #tpu.memory_space<hbm>> -> memref<32x1024xf32, #tpu.memory_space<hbm>>
      %dma_start3A_2137 = arith.constant 0 : i32
      %dma_start3A_2138 = tpu.memref_slice %arg3[%multiple_of3A_1763, %dma_start3A_2137] : memref<8192x1024xf32, #tpu.memory_space<hbm>> -> memref<32x1024xf32, #tpu.memory_space<hbm>>
      tpu.enqueue_dma source(%dma_start3A_2138 : memref<32x1024xf32, #tpu.memory_space<hbm>>) target(%arg8 : memref<32x1024xf32, #tpu.memory_space<vmem>>) target_semaphore(%arg12 : memref<!tpu.dma_semaphore, #tpu.memory_space<semaphore_mem>>)
    } else {
    }
    %add3A_1767 = arith.constant 160 : i32
    %add3A_1768 = arith.addi %add3A, %add3A_1767 : i32
    %mul3A_1769 = arith.constant 32 : i32
    %mul3A_1770 = arith.muli %add3A_1768, %mul3A_1769 : i32
    %add3A_1771 = arith.addi %multiple_of3A, %mul3A_1770 : i32
    %add3A_1772 = arith.constant 32 : i32
    %add3A_1773 = arith.addi %add3A_1771, %add3A_1772 : i32
    %le3A_1774 = arith.constant 8192 : i32
    %le3A_1775 = arith.cmpi sle, %add3A_1773, %le3A_1774 : i32
    %lt3A_1776 = arith.cmpi slt, %add3A_1771, %add3A_76 : i32
    %and3A_1777 = arith.andi %le3A_1775, %lt3A_1776 : i1
    %le3A_1778 = arith.cmpi sle, %reduce_sum3A_6, %add3A_1771 : i32
    %add3A_1779 = arith.constant 32 : i32
    %add3A_1780 = arith.addi %add3A_1771, %add3A_1779 : i32
    %add3A_1781 = arith.constant 4096 : i32
    %add3A_1782 = arith.addi %reduce_sum3A_6, %add3A_1781 : i32
    %le3A_1783 = arith.cmpi sle, %add3A_1780, %add3A_1782 : i32
    %and3A_1784 = arith.andi %le3A_1778, %le3A_1783 : i1
    %and3A_1785 = arith.andi %and3A_1777, %and3A_1784 : i1
    %le3A_1786 = arith.cmpi sle, %reduce_sum3A_16, %add3A_1771 : i32
    %add3A_1787 = arith.constant 32 : i32
    %add3A_1788 = arith.addi %add3A_1771, %add3A_1787 : i32
    %add3A_1789 = arith.constant 4096 : i32
    %add3A_1790 = arith.addi %reduce_sum3A_16, %add3A_1789 : i32
    %le3A_1791 = arith.cmpi sle, %add3A_1788, %add3A_1790 : i32
    %and3A_1792 = arith.andi %le3A_1786, %le3A_1791 : i1
    %and3A_1793 = arith.andi %and3A_1777, %and3A_1792 : i1
    %le3A_1794 = arith.cmpi sle, %reduce_sum3A_26, %add3A_1771 : i32
    %add3A_1795 = arith.constant 32 : i32
    %add3A_1796 = arith.addi %add3A_1771, %add3A_1795 : i32
    %add3A_1797 = arith.constant 4096 : i32
    %add3A_1798 = arith.addi %reduce_sum3A_26, %add3A_1797 : i32
    %le3A_1799 = arith.cmpi sle, %add3A_1796, %add3A_1798 : i32
    %and3A_1800 = arith.andi %le3A_1794, %le3A_1799 : i1
    %and3A_1801 = arith.andi %and3A_1777, %and3A_1800 : i1
    %le3A_1802 = arith.cmpi sle, %reduce_sum3A_36, %add3A_1771 : i32
    %add3A_1803 = arith.constant 32 : i32
    %add3A_1804 = arith.addi %add3A_1771, %add3A_1803 : i32
    %add3A_1805 = arith.constant 4096 : i32
    %add3A_1806 = arith.addi %reduce_sum3A_36, %add3A_1805 : i32
    %le3A_1807 = arith.cmpi sle, %add3A_1804, %add3A_1806 : i32
    %and3A_1808 = arith.andi %le3A_1802, %le3A_1807 : i1
    %and3A_1809 = arith.andi %and3A_1777, %and3A_1808 : i1
    %convert_element_type3A_1810 = arith.extui %and3A_1777 : i1 to i32
    %cond3A_1811 = arith.constant 0 : i32
    %cond3A_1812 = arith.cmpi ne, %convert_element_type3A_1810, %cond3A_1811 : i32
    scf.if %cond3A_1812 {
      %dma_wait3A = arith.constant 0 : i32
      %dma_wait3A_2136 = tpu.memref_slice %arg3[%multiple_of3A_1275, %dma_wait3A] : memref<8192x1024xf32, #tpu.memory_space<hbm>> -> memref<32x1024xf32, #tpu.memory_space<hbm>>
      %dma_wait3A_2137 = arith.constant 0 : i32
      %dma_wait3A_2138 = tpu.memref_slice %arg3[%multiple_of3A_1275, %dma_wait3A_2137] : memref<8192x1024xf32, #tpu.memory_space<hbm>> -> memref<32x1024xf32, #tpu.memory_space<hbm>>
      tpu.wait_dma2 semaphore(%arg13 : memref<!tpu.dma_semaphore, #tpu.memory_space<semaphore_mem>>) src(%dma_wait3A_2138 : memref<32x1024xf32, #tpu.memory_space<hbm>>) dst(%arg9 : memref<32x1024xf32, #tpu.memory_space<vmem>>)
    } else {
    }
    %convert_element_type3A_1813 = arith.extui %and3A_1785 : i1 to i32
    %cond3A_1814 = arith.constant 8 : i32
    %cond3A_1815 = arith.constant 0 : i32
    %cond3A_1816 = arith.cmpi ne, %convert_element_type3A_1813, %cond3A_1815 : i32
    scf.if %cond3A_1816 {
      %dma_start3A = arith.constant 0 : i32
      %dma_start3A_2136 = tpu.memref_slice %arg6[%cond3A_1814, %dma_start3A] : memref<12x32xi32, #tpu.memory_space<vmem>> -> memref<1x32xi32, #tpu.memory_space<vmem>>
      %dma_start3A_2137 = tpu.memref_squeeze %dma_start3A_2136 : memref<1x32xi32, #tpu.memory_space<vmem>> -> memref<32xi32, #tpu.memory_space<vmem>>
      %dma_start3A_2138 = arith.constant 0 : i32
      %dma_start3A_2139 = arith.constant 0 : i32
      %dma_start3A_2140 = tpu.memref_slice %arg4[%dma_start3A_2138, %dma_start3A_2139] : memref<16384x1024xf32, #tpu.memory_space<hbm>> -> memref<16384x1024xf32, #tpu.memory_space<hbm>>
      tpu.enqueue_indirect_dma source(%arg9 : memref<32x1024xf32, #tpu.memory_space<vmem>>) target(%dma_start3A_2140 : memref<16384x1024xf32, #tpu.memory_space<hbm>>) offsets(%dma_start3A_2137 : memref<32xi32, #tpu.memory_space<vmem>>) semaphore(%arg22 : memref<!tpu.dma_semaphore, #tpu.memory_space<semaphore_mem>>)
    } else {
    }
    %convert_element_type3A_1817 = arith.extui %and3A_1793 : i1 to i32
    %cond3A_1818 = arith.constant 9 : i32
    %cond3A_1819 = arith.constant 0 : i32
    %cond3A_1820 = arith.cmpi ne, %convert_element_type3A_1817, %cond3A_1819 : i32
    scf.if %cond3A_1820 {
      %dma_start3A = arith.constant 0 : i32
      %dma_start3A_2136 = tpu.memref_slice %arg6[%cond3A_1818, %dma_start3A] : memref<12x32xi32, #tpu.memory_space<vmem>> -> memref<1x32xi32, #tpu.memory_space<vmem>>
      %dma_start3A_2137 = tpu.memref_squeeze %dma_start3A_2136 : memref<1x32xi32, #tpu.memory_space<vmem>> -> memref<32xi32, #tpu.memory_space<vmem>>
      %dma_start3A_2138 = arith.constant 0 : i32
      %dma_start3A_2139 = arith.constant 0 : i32
      %dma_start3A_2140 = tpu.memref_slice %arg4[%dma_start3A_2138, %dma_start3A_2139] : memref<16384x1024xf32, #tpu.memory_space<hbm>> -> memref<16384x1024xf32, #tpu.memory_space<hbm>>
      tpu.enqueue_indirect_dma source(%arg9 : memref<32x1024xf32, #tpu.memory_space<vmem>>) target(%dma_start3A_2140 : memref<16384x1024xf32, #tpu.memory_space<hbm>>) offsets(%dma_start3A_2137 : memref<32xi32, #tpu.memory_space<vmem>>) semaphore(%arg23 : memref<!tpu.dma_semaphore, #tpu.memory_space<semaphore_mem>>)
    } else {
    }
    %convert_element_type3A_1821 = arith.extui %and3A_1801 : i1 to i32
    %cond3A_1822 = arith.constant 10 : i32
    %cond3A_1823 = arith.constant 0 : i32
    %cond3A_1824 = arith.cmpi ne, %convert_element_type3A_1821, %cond3A_1823 : i32
    scf.if %cond3A_1824 {
      %dma_start3A = arith.constant 0 : i32
      %dma_start3A_2136 = tpu.memref_slice %arg6[%cond3A_1822, %dma_start3A] : memref<12x32xi32, #tpu.memory_space<vmem>> -> memref<1x32xi32, #tpu.memory_space<vmem>>
      %dma_start3A_2137 = tpu.memref_squeeze %dma_start3A_2136 : memref<1x32xi32, #tpu.memory_space<vmem>> -> memref<32xi32, #tpu.memory_space<vmem>>
      %dma_start3A_2138 = arith.constant 0 : i32
      %dma_start3A_2139 = arith.constant 0 : i32
      %dma_start3A_2140 = tpu.memref_slice %arg4[%dma_start3A_2138, %dma_start3A_2139] : memref<16384x1024xf32, #tpu.memory_space<hbm>> -> memref<16384x1024xf32, #tpu.memory_space<hbm>>
      tpu.enqueue_indirect_dma source(%arg9 : memref<32x1024xf32, #tpu.memory_space<vmem>>) target(%dma_start3A_2140 : memref<16384x1024xf32, #tpu.memory_space<hbm>>) offsets(%dma_start3A_2137 : memref<32xi32, #tpu.memory_space<vmem>>) semaphore(%arg24 : memref<!tpu.dma_semaphore, #tpu.memory_space<semaphore_mem>>)
    } else {
    }
    %convert_element_type3A_1825 = arith.extui %and3A_1809 : i1 to i32
    %cond3A_1826 = arith.constant 11 : i32
    %cond3A_1827 = arith.constant 0 : i32
    %cond3A_1828 = arith.cmpi ne, %convert_element_type3A_1825, %cond3A_1827 : i32
    scf.if %cond3A_1828 {
      %dma_start3A = arith.constant 0 : i32
      %dma_start3A_2136 = tpu.memref_slice %arg6[%cond3A_1826, %dma_start3A] : memref<12x32xi32, #tpu.memory_space<vmem>> -> memref<1x32xi32, #tpu.memory_space<vmem>>
      %dma_start3A_2137 = tpu.memref_squeeze %dma_start3A_2136 : memref<1x32xi32, #tpu.memory_space<vmem>> -> memref<32xi32, #tpu.memory_space<vmem>>
      %dma_start3A_2138 = arith.constant 0 : i32
      %dma_start3A_2139 = arith.constant 0 : i32
      %dma_start3A_2140 = tpu.memref_slice %arg4[%dma_start3A_2138, %dma_start3A_2139] : memref<16384x1024xf32, #tpu.memory_space<hbm>> -> memref<16384x1024xf32, #tpu.memory_space<hbm>>
      tpu.enqueue_indirect_dma source(%arg9 : memref<32x1024xf32, #tpu.memory_space<vmem>>) target(%dma_start3A_2140 : memref<16384x1024xf32, #tpu.memory_space<hbm>>) offsets(%dma_start3A_2137 : memref<32xi32, #tpu.memory_space<vmem>>) semaphore(%arg25 : memref<!tpu.dma_semaphore, #tpu.memory_space<semaphore_mem>>)
    } else {
    }
    %add3A_1829 = arith.constant 192 : i32
    %add3A_1830 = arith.addi %add3A, %add3A_1829 : i32
    %mul3A_1831 = arith.constant 32 : i32
    %mul3A_1832 = arith.muli %add3A_1830, %mul3A_1831 : i32
    %add3A_1833 = arith.addi %multiple_of3A, %mul3A_1832 : i32
    %add3A_1834 = arith.constant 32 : i32
    %add3A_1835 = arith.addi %add3A_1833, %add3A_1834 : i32
    %le3A_1836 = arith.constant 8192 : i32
    %le3A_1837 = arith.cmpi sle, %add3A_1835, %le3A_1836 : i32
    %lt3A_1838 = arith.cmpi slt, %add3A_1833, %add3A_76 : i32
    %and3A_1839 = arith.andi %le3A_1837, %lt3A_1838 : i1
    %le3A_1840 = arith.cmpi sle, %reduce_sum3A_6, %add3A_1833 : i32
    %add3A_1841 = arith.constant 32 : i32
    %add3A_1842 = arith.addi %add3A_1833, %add3A_1841 : i32
    %add3A_1843 = arith.constant 4096 : i32
    %add3A_1844 = arith.addi %reduce_sum3A_6, %add3A_1843 : i32
    %le3A_1845 = arith.cmpi sle, %add3A_1842, %add3A_1844 : i32
    %and3A_1846 = arith.andi %le3A_1840, %le3A_1845 : i1
    %and3A_1847 = arith.andi %and3A_1839, %and3A_1846 : i1
    %le3A_1848 = arith.cmpi sle, %reduce_sum3A_16, %add3A_1833 : i32
    %add3A_1849 = arith.constant 32 : i32
    %add3A_1850 = arith.addi %add3A_1833, %add3A_1849 : i32
    %add3A_1851 = arith.constant 4096 : i32
    %add3A_1852 = arith.addi %reduce_sum3A_16, %add3A_1851 : i32
    %le3A_1853 = arith.cmpi sle, %add3A_1850, %add3A_1852 : i32
    %and3A_1854 = arith.andi %le3A_1848, %le3A_1853 : i1
    %and3A_1855 = arith.andi %and3A_1839, %and3A_1854 : i1
    %le3A_1856 = arith.cmpi sle, %reduce_sum3A_26, %add3A_1833 : i32
    %add3A_1857 = arith.constant 32 : i32
    %add3A_1858 = arith.addi %add3A_1833, %add3A_1857 : i32
    %add3A_1859 = arith.constant 4096 : i32
    %add3A_1860 = arith.addi %reduce_sum3A_26, %add3A_1859 : i32
    %le3A_1861 = arith.cmpi sle, %add3A_1858, %add3A_1860 : i32
    %and3A_1862 = arith.andi %le3A_1856, %le3A_1861 : i1
    %and3A_1863 = arith.andi %and3A_1839, %and3A_1862 : i1
    %le3A_1864 = arith.cmpi sle, %reduce_sum3A_36, %add3A_1833 : i32
    %add3A_1865 = arith.constant 32 : i32
    %add3A_1866 = arith.addi %add3A_1833, %add3A_1865 : i32
    %add3A_1867 = arith.constant 4096 : i32
    %add3A_1868 = arith.addi %reduce_sum3A_36, %add3A_1867 : i32
    %le3A_1869 = arith.cmpi sle, %add3A_1866, %add3A_1868 : i32
    %and3A_1870 = arith.andi %le3A_1864, %le3A_1869 : i1
    %and3A_1871 = arith.andi %and3A_1839, %and3A_1870 : i1
    %convert_element_type3A_1872 = arith.extui %and3A_1839 : i1 to i32
    %cond3A_1873 = arith.constant 0 : i32
    %cond3A_1874 = arith.cmpi ne, %convert_element_type3A_1872, %cond3A_1873 : i32
    scf.if %cond3A_1874 {
      %dma_wait3A = arith.constant 0 : i32
      %dma_wait3A_2136 = tpu.memref_slice %arg3[%multiple_of3A_1519, %dma_wait3A] : memref<8192x1024xf32, #tpu.memory_space<hbm>> -> memref<32x1024xf32, #tpu.memory_space<hbm>>
      %dma_wait3A_2137 = arith.constant 0 : i32
      %dma_wait3A_2138 = tpu.memref_slice %arg3[%multiple_of3A_1519, %dma_wait3A_2137] : memref<8192x1024xf32, #tpu.memory_space<hbm>> -> memref<32x1024xf32, #tpu.memory_space<hbm>>
      tpu.wait_dma2 semaphore(%arg11 : memref<!tpu.dma_semaphore, #tpu.memory_space<semaphore_mem>>) src(%dma_wait3A_2138 : memref<32x1024xf32, #tpu.memory_space<hbm>>) dst(%arg7 : memref<32x1024xf32, #tpu.memory_space<vmem>>)
    } else {
    }
    %convert_element_type3A_1875 = arith.extui %and3A_1847 : i1 to i32
    %cond3A_1876 = arith.constant 0 : i32
    %cond3A_1877 = arith.constant 0 : i32
    %cond3A_1878 = arith.cmpi ne, %convert_element_type3A_1875, %cond3A_1877 : i32
    scf.if %cond3A_1878 {
      %dma_start3A = arith.constant 0 : i32
      %dma_start3A_2136 = tpu.memref_slice %arg6[%cond3A_1876, %dma_start3A] : memref<12x32xi32, #tpu.memory_space<vmem>> -> memref<1x32xi32, #tpu.memory_space<vmem>>
      %dma_start3A_2137 = tpu.memref_squeeze %dma_start3A_2136 : memref<1x32xi32, #tpu.memory_space<vmem>> -> memref<32xi32, #tpu.memory_space<vmem>>
      %dma_start3A_2138 = arith.constant 0 : i32
      %dma_start3A_2139 = arith.constant 0 : i32
      %dma_start3A_2140 = tpu.memref_slice %arg4[%dma_start3A_2138, %dma_start3A_2139] : memref<16384x1024xf32, #tpu.memory_space<hbm>> -> memref<16384x1024xf32, #tpu.memory_space<hbm>>
      tpu.enqueue_indirect_dma source(%arg7 : memref<32x1024xf32, #tpu.memory_space<vmem>>) target(%dma_start3A_2140 : memref<16384x1024xf32, #tpu.memory_space<hbm>>) offsets(%dma_start3A_2137 : memref<32xi32, #tpu.memory_space<vmem>>) semaphore(%arg14 : memref<!tpu.dma_semaphore, #tpu.memory_space<semaphore_mem>>)
    } else {
    }
    %convert_element_type3A_1879 = arith.extui %and3A_1855 : i1 to i32
    %cond3A_1880 = arith.constant 1 : i32
    %cond3A_1881 = arith.constant 0 : i32
    %cond3A_1882 = arith.cmpi ne, %convert_element_type3A_1879, %cond3A_1881 : i32
    scf.if %cond3A_1882 {
      %dma_start3A = arith.constant 0 : i32
      %dma_start3A_2136 = tpu.memref_slice %arg6[%cond3A_1880, %dma_start3A] : memref<12x32xi32, #tpu.memory_space<vmem>> -> memref<1x32xi32, #tpu.memory_space<vmem>>
      %dma_start3A_2137 = tpu.memref_squeeze %dma_start3A_2136 : memref<1x32xi32, #tpu.memory_space<vmem>> -> memref<32xi32, #tpu.memory_space<vmem>>
      %dma_start3A_2138 = arith.constant 0 : i32
      %dma_start3A_2139 = arith.constant 0 : i32
      %dma_start3A_2140 = tpu.memref_slice %arg4[%dma_start3A_2138, %dma_start3A_2139] : memref<16384x1024xf32, #tpu.memory_space<hbm>> -> memref<16384x1024xf32, #tpu.memory_space<hbm>>
      tpu.enqueue_indirect_dma source(%arg7 : memref<32x1024xf32, #tpu.memory_space<vmem>>) target(%dma_start3A_2140 : memref<16384x1024xf32, #tpu.memory_space<hbm>>) offsets(%dma_start3A_2137 : memref<32xi32, #tpu.memory_space<vmem>>) semaphore(%arg15 : memref<!tpu.dma_semaphore, #tpu.memory_space<semaphore_mem>>)
    } else {
    }
    %convert_element_type3A_1883 = arith.extui %and3A_1863 : i1 to i32
    %cond3A_1884 = arith.constant 2 : i32
    %cond3A_1885 = arith.constant 0 : i32
    %cond3A_1886 = arith.cmpi ne, %convert_element_type3A_1883, %cond3A_1885 : i32
    scf.if %cond3A_1886 {
      %dma_start3A = arith.constant 0 : i32
      %dma_start3A_2136 = tpu.memref_slice %arg6[%cond3A_1884, %dma_start3A] : memref<12x32xi32, #tpu.memory_space<vmem>> -> memref<1x32xi32, #tpu.memory_space<vmem>>
      %dma_start3A_2137 = tpu.memref_squeeze %dma_start3A_2136 : memref<1x32xi32, #tpu.memory_space<vmem>> -> memref<32xi32, #tpu.memory_space<vmem>>
      %dma_start3A_2138 = arith.constant 0 : i32
      %dma_start3A_2139 = arith.constant 0 : i32
      %dma_start3A_2140 = tpu.memref_slice %arg4[%dma_start3A_2138, %dma_start3A_2139] : memref<16384x1024xf32, #tpu.memory_space<hbm>> -> memref<16384x1024xf32, #tpu.memory_space<hbm>>
      tpu.enqueue_indirect_dma source(%arg7 : memref<32x1024xf32, #tpu.memory_space<vmem>>) target(%dma_start3A_2140 : memref<16384x1024xf32, #tpu.memory_space<hbm>>) offsets(%dma_start3A_2137 : memref<32xi32, #tpu.memory_space<vmem>>) semaphore(%arg16 : memref<!tpu.dma_semaphore, #tpu.memory_space<semaphore_mem>>)
    } else {
    }
    %convert_element_type3A_1887 = arith.extui %and3A_1871 : i1 to i32
    %cond3A_1888 = arith.constant 3 : i32
    %cond3A_1889 = arith.constant 0 : i32
    %cond3A_1890 = arith.cmpi ne, %convert_element_type3A_1887, %cond3A_1889 : i32
    scf.if %cond3A_1890 {
      %dma_start3A = arith.constant 0 : i32
      %dma_start3A_2136 = tpu.memref_slice %arg6[%cond3A_1888, %dma_start3A] : memref<12x32xi32, #tpu.memory_space<vmem>> -> memref<1x32xi32, #tpu.memory_space<vmem>>
      %dma_start3A_2137 = tpu.memref_squeeze %dma_start3A_2136 : memref<1x32xi32, #tpu.memory_space<vmem>> -> memref<32xi32, #tpu.memory_space<vmem>>
      %dma_start3A_2138 = arith.constant 0 : i32
      %dma_start3A_2139 = arith.constant 0 : i32
      %dma_start3A_2140 = tpu.memref_slice %arg4[%dma_start3A_2138, %dma_start3A_2139] : memref<16384x1024xf32, #tpu.memory_space<hbm>> -> memref<16384x1024xf32, #tpu.memory_space<hbm>>
      tpu.enqueue_indirect_dma source(%arg7 : memref<32x1024xf32, #tpu.memory_space<vmem>>) target(%dma_start3A_2140 : memref<16384x1024xf32, #tpu.memory_space<hbm>>) offsets(%dma_start3A_2137 : memref<32xi32, #tpu.memory_space<vmem>>) semaphore(%arg17 : memref<!tpu.dma_semaphore, #tpu.memory_space<semaphore_mem>>)
    } else {
    }
    %add3A_1891 = arith.constant 224 : i32
    %add3A_1892 = arith.addi %add3A, %add3A_1891 : i32
    %mul3A_1893 = arith.constant 32 : i32
    %mul3A_1894 = arith.muli %add3A_1892, %mul3A_1893 : i32
    %add3A_1895 = arith.addi %multiple_of3A, %mul3A_1894 : i32
    %add3A_1896 = arith.constant 32 : i32
    %add3A_1897 = arith.addi %add3A_1895, %add3A_1896 : i32
    %le3A_1898 = arith.constant 8192 : i32
    %le3A_1899 = arith.cmpi sle, %add3A_1897, %le3A_1898 : i32
    %lt3A_1900 = arith.cmpi slt, %add3A_1895, %add3A_76 : i32
    %and3A_1901 = arith.andi %le3A_1899, %lt3A_1900 : i1
    %le3A_1902 = arith.cmpi sle, %reduce_sum3A_6, %add3A_1895 : i32
    %add3A_1903 = arith.constant 32 : i32
    %add3A_1904 = arith.addi %add3A_1895, %add3A_1903 : i32
    %add3A_1905 = arith.constant 4096 : i32
    %add3A_1906 = arith.addi %reduce_sum3A_6, %add3A_1905 : i32
    %le3A_1907 = arith.cmpi sle, %add3A_1904, %add3A_1906 : i32
    %and3A_1908 = arith.andi %le3A_1902, %le3A_1907 : i1
    %and3A_1909 = arith.andi %and3A_1901, %and3A_1908 : i1
    %le3A_1910 = arith.cmpi sle, %reduce_sum3A_16, %add3A_1895 : i32
    %add3A_1911 = arith.constant 32 : i32
    %add3A_1912 = arith.addi %add3A_1895, %add3A_1911 : i32
    %add3A_1913 = arith.constant 4096 : i32
    %add3A_1914 = arith.addi %reduce_sum3A_16, %add3A_1913 : i32
    %le3A_1915 = arith.cmpi sle, %add3A_1912, %add3A_1914 : i32
    %and3A_1916 = arith.andi %le3A_1910, %le3A_1915 : i1
    %and3A_1917 = arith.andi %and3A_1901, %and3A_1916 : i1
    %le3A_1918 = arith.cmpi sle, %reduce_sum3A_26, %add3A_1895 : i32
    %add3A_1919 = arith.constant 32 : i32
    %add3A_1920 = arith.addi %add3A_1895, %add3A_1919 : i32
    %add3A_1921 = arith.constant 4096 : i32
    %add3A_1922 = arith.addi %reduce_sum3A_26, %add3A_1921 : i32
    %le3A_1923 = arith.cmpi sle, %add3A_1920, %add3A_1922 : i32
    %and3A_1924 = arith.andi %le3A_1918, %le3A_1923 : i1
    %and3A_1925 = arith.andi %and3A_1901, %and3A_1924 : i1
    %le3A_1926 = arith.cmpi sle, %reduce_sum3A_36, %add3A_1895 : i32
    %add3A_1927 = arith.constant 32 : i32
    %add3A_1928 = arith.addi %add3A_1895, %add3A_1927 : i32
    %add3A_1929 = arith.constant 4096 : i32
    %add3A_1930 = arith.addi %reduce_sum3A_36, %add3A_1929 : i32
    %le3A_1931 = arith.cmpi sle, %add3A_1928, %add3A_1930 : i32
    %and3A_1932 = arith.andi %le3A_1926, %le3A_1931 : i1
    %and3A_1933 = arith.andi %and3A_1901, %and3A_1932 : i1
    %convert_element_type3A_1934 = arith.extui %and3A_1901 : i1 to i32
    %cond3A_1935 = arith.constant 0 : i32
    %cond3A_1936 = arith.cmpi ne, %convert_element_type3A_1934, %cond3A_1935 : i32
    scf.if %cond3A_1936 {
      %dma_wait3A = arith.constant 0 : i32
      %dma_wait3A_2136 = tpu.memref_slice %arg3[%multiple_of3A_1763, %dma_wait3A] : memref<8192x1024xf32, #tpu.memory_space<hbm>> -> memref<32x1024xf32, #tpu.memory_space<hbm>>
      %dma_wait3A_2137 = arith.constant 0 : i32
      %dma_wait3A_2138 = tpu.memref_slice %arg3[%multiple_of3A_1763, %dma_wait3A_2137] : memref<8192x1024xf32, #tpu.memory_space<hbm>> -> memref<32x1024xf32, #tpu.memory_space<hbm>>
      tpu.wait_dma2 semaphore(%arg12 : memref<!tpu.dma_semaphore, #tpu.memory_space<semaphore_mem>>) src(%dma_wait3A_2138 : memref<32x1024xf32, #tpu.memory_space<hbm>>) dst(%arg8 : memref<32x1024xf32, #tpu.memory_space<vmem>>)
    } else {
    }
    %convert_element_type3A_1937 = arith.extui %and3A_1909 : i1 to i32
    %cond3A_1938 = arith.constant 4 : i32
    %cond3A_1939 = arith.constant 0 : i32
    %cond3A_1940 = arith.cmpi ne, %convert_element_type3A_1937, %cond3A_1939 : i32
    scf.if %cond3A_1940 {
      %dma_start3A = arith.constant 0 : i32
      %dma_start3A_2136 = tpu.memref_slice %arg6[%cond3A_1938, %dma_start3A] : memref<12x32xi32, #tpu.memory_space<vmem>> -> memref<1x32xi32, #tpu.memory_space<vmem>>
      %dma_start3A_2137 = tpu.memref_squeeze %dma_start3A_2136 : memref<1x32xi32, #tpu.memory_space<vmem>> -> memref<32xi32, #tpu.memory_space<vmem>>
      %dma_start3A_2138 = arith.constant 0 : i32
      %dma_start3A_2139 = arith.constant 0 : i32
      %dma_start3A_2140 = tpu.memref_slice %arg4[%dma_start3A_2138, %dma_start3A_2139] : memref<16384x1024xf32, #tpu.memory_space<hbm>> -> memref<16384x1024xf32, #tpu.memory_space<hbm>>
      tpu.enqueue_indirect_dma source(%arg8 : memref<32x1024xf32, #tpu.memory_space<vmem>>) target(%dma_start3A_2140 : memref<16384x1024xf32, #tpu.memory_space<hbm>>) offsets(%dma_start3A_2137 : memref<32xi32, #tpu.memory_space<vmem>>) semaphore(%arg18 : memref<!tpu.dma_semaphore, #tpu.memory_space<semaphore_mem>>)
    } else {
    }
    %convert_element_type3A_1941 = arith.extui %and3A_1917 : i1 to i32
    %cond3A_1942 = arith.constant 5 : i32
    %cond3A_1943 = arith.constant 0 : i32
    %cond3A_1944 = arith.cmpi ne, %convert_element_type3A_1941, %cond3A_1943 : i32
    scf.if %cond3A_1944 {
      %dma_start3A = arith.constant 0 : i32
      %dma_start3A_2136 = tpu.memref_slice %arg6[%cond3A_1942, %dma_start3A] : memref<12x32xi32, #tpu.memory_space<vmem>> -> memref<1x32xi32, #tpu.memory_space<vmem>>
      %dma_start3A_2137 = tpu.memref_squeeze %dma_start3A_2136 : memref<1x32xi32, #tpu.memory_space<vmem>> -> memref<32xi32, #tpu.memory_space<vmem>>
      %dma_start3A_2138 = arith.constant 0 : i32
      %dma_start3A_2139 = arith.constant 0 : i32
      %dma_start3A_2140 = tpu.memref_slice %arg4[%dma_start3A_2138, %dma_start3A_2139] : memref<16384x1024xf32, #tpu.memory_space<hbm>> -> memref<16384x1024xf32, #tpu.memory_space<hbm>>
      tpu.enqueue_indirect_dma source(%arg8 : memref<32x1024xf32, #tpu.memory_space<vmem>>) target(%dma_start3A_2140 : memref<16384x1024xf32, #tpu.memory_space<hbm>>) offsets(%dma_start3A_2137 : memref<32xi32, #tpu.memory_space<vmem>>) semaphore(%arg19 : memref<!tpu.dma_semaphore, #tpu.memory_space<semaphore_mem>>)
    } else {
    }
    %convert_element_type3A_1945 = arith.extui %and3A_1925 : i1 to i32
    %cond3A_1946 = arith.constant 6 : i32
    %cond3A_1947 = arith.constant 0 : i32
    %cond3A_1948 = arith.cmpi ne, %convert_element_type3A_1945, %cond3A_1947 : i32
    scf.if %cond3A_1948 {
      %dma_start3A = arith.constant 0 : i32
      %dma_start3A_2136 = tpu.memref_slice %arg6[%cond3A_1946, %dma_start3A] : memref<12x32xi32, #tpu.memory_space<vmem>> -> memref<1x32xi32, #tpu.memory_space<vmem>>
      %dma_start3A_2137 = tpu.memref_squeeze %dma_start3A_2136 : memref<1x32xi32, #tpu.memory_space<vmem>> -> memref<32xi32, #tpu.memory_space<vmem>>
      %dma_start3A_2138 = arith.constant 0 : i32
      %dma_start3A_2139 = arith.constant 0 : i32
      %dma_start3A_2140 = tpu.memref_slice %arg4[%dma_start3A_2138, %dma_start3A_2139] : memref<16384x1024xf32, #tpu.memory_space<hbm>> -> memref<16384x1024xf32, #tpu.memory_space<hbm>>
      tpu.enqueue_indirect_dma source(%arg8 : memref<32x1024xf32, #tpu.memory_space<vmem>>) target(%dma_start3A_2140 : memref<16384x1024xf32, #tpu.memory_space<hbm>>) offsets(%dma_start3A_2137 : memref<32xi32, #tpu.memory_space<vmem>>) semaphore(%arg20 : memref<!tpu.dma_semaphore, #tpu.memory_space<semaphore_mem>>)
    } else {
    }
    %convert_element_type3A_1949 = arith.extui %and3A_1933 : i1 to i32
    %cond3A_1950 = arith.constant 7 : i32
    %cond3A_1951 = arith.constant 0 : i32
    %cond3A_1952 = arith.cmpi ne, %convert_element_type3A_1949, %cond3A_1951 : i32
    scf.if %cond3A_1952 {
      %dma_start3A = arith.constant 0 : i32
      %dma_start3A_2136 = tpu.memref_slice %arg6[%cond3A_1950, %dma_start3A] : memref<12x32xi32, #tpu.memory_space<vmem>> -> memref<1x32xi32, #tpu.memory_space<vmem>>
      %dma_start3A_2137 = tpu.memref_squeeze %dma_start3A_2136 : memref<1x32xi32, #tpu.memory_space<vmem>> -> memref<32xi32, #tpu.memory_space<vmem>>
      %dma_start3A_2138 = arith.constant 0 : i32
      %dma_start3A_2139 = arith.constant 0 : i32
      %dma_start3A_2140 = tpu.memref_slice %arg4[%dma_start3A_2138, %dma_start3A_2139] : memref<16384x1024xf32, #tpu.memory_space<hbm>> -> memref<16384x1024xf32, #tpu.memory_space<hbm>>
      tpu.enqueue_indirect_dma source(%arg8 : memref<32x1024xf32, #tpu.memory_space<vmem>>) target(%dma_start3A_2140 : memref<16384x1024xf32, #tpu.memory_space<hbm>>) offsets(%dma_start3A_2137 : memref<32xi32, #tpu.memory_space<vmem>>) semaphore(%arg21 : memref<!tpu.dma_semaphore, #tpu.memory_space<semaphore_mem>>)
    } else {
    }
    %convert_element_type3A_1953 = arith.extui %lt3A_79 : i1 to i32
    %cond3A_1954 = arith.constant 0 : i32
    %cond3A_1955 = arith.cmpi ne, %convert_element_type3A_1953, %cond3A_1954 : i32
    scf.if %cond3A_1955 {
      %dma_wait3A = arith.constant 0 : i32
      %dma_wait3A_2136 = arith.constant 0 : i32
      %dma_wait3A_2137 = tpu.memref_slice %arg3[%dma_wait3A, %dma_wait3A_2136] : memref<8192x1024xf32, #tpu.memory_space<hbm>> -> memref<8192x1024xf32, #tpu.memory_space<hbm>>
      tpu.wait_indirect_dma semaphore(%arg26 : memref<!tpu.dma_semaphore, #tpu.memory_space<semaphore_mem>>) src(%dma_wait3A_2137 : memref<8192x1024xf32, #tpu.memory_space<hbm>>) dst(%arg10 : memref<16x1024xf32, #tpu.memory_space<vmem>>)
      %dma_start3A = arith.constant 0 : i32
      %dma_start3A_2138 = tpu.memref_slice %arg4[%multiple_of3A_178, %dma_start3A] : memref<16384x1024xf32, #tpu.memory_space<hbm>> -> memref<16x1024xf32, #tpu.memory_space<hbm>>
      %dma_start3A_2139 = arith.constant 0 : i32
      %dma_start3A_2140 = tpu.memref_slice %arg4[%multiple_of3A_178, %dma_start3A_2139] : memref<16384x1024xf32, #tpu.memory_space<hbm>> -> memref<16x1024xf32, #tpu.memory_space<hbm>>
      tpu.enqueue_dma source(%arg10 : memref<16x1024xf32, #tpu.memory_space<vmem>>) target(%dma_start3A_2140 : memref<16x1024xf32, #tpu.memory_space<hbm>>) target_semaphore(%arg27 : memref<!tpu.dma_semaphore, #tpu.memory_space<semaphore_mem>>)
    } else {
    }
    %add3A_1956 = arith.constant 160 : i32
    %add3A_1957 = arith.addi %add3A, %add3A_1956 : i32
    %mul3A_1958 = arith.constant 32 : i32
    %mul3A_1959 = arith.muli %add3A_1957, %mul3A_1958 : i32
    %add3A_1960 = arith.addi %multiple_of3A, %mul3A_1959 : i32
    %add3A_1961 = arith.constant 32 : i32
    %add3A_1962 = arith.addi %add3A_1960, %add3A_1961 : i32
    %le3A_1963 = arith.constant 8192 : i32
    %le3A_1964 = arith.cmpi sle, %add3A_1962, %le3A_1963 : i32
    %lt3A_1965 = arith.cmpi slt, %add3A_1960, %add3A_76 : i32
    %and3A_1966 = arith.andi %le3A_1964, %lt3A_1965 : i1
    %le3A_1967 = arith.cmpi sle, %reduce_sum3A_6, %add3A_1960 : i32
    %add3A_1968 = arith.constant 32 : i32
    %add3A_1969 = arith.addi %add3A_1960, %add3A_1968 : i32
    %add3A_1970 = arith.constant 4096 : i32
    %add3A_1971 = arith.addi %reduce_sum3A_6, %add3A_1970 : i32
    %le3A_1972 = arith.cmpi sle, %add3A_1969, %add3A_1971 : i32
    %and3A_1973 = arith.andi %le3A_1967, %le3A_1972 : i1
    %and3A_1974 = arith.andi %and3A_1966, %and3A_1973 : i1
    %le3A_1975 = arith.cmpi sle, %reduce_sum3A_16, %add3A_1960 : i32
    %add3A_1976 = arith.constant 32 : i32
    %add3A_1977 = arith.addi %add3A_1960, %add3A_1976 : i32
    %add3A_1978 = arith.constant 4096 : i32
    %add3A_1979 = arith.addi %reduce_sum3A_16, %add3A_1978 : i32
    %le3A_1980 = arith.cmpi sle, %add3A_1977, %add3A_1979 : i32
    %and3A_1981 = arith.andi %le3A_1975, %le3A_1980 : i1
    %and3A_1982 = arith.andi %and3A_1966, %and3A_1981 : i1
    %le3A_1983 = arith.cmpi sle, %reduce_sum3A_26, %add3A_1960 : i32
    %add3A_1984 = arith.constant 32 : i32
    %add3A_1985 = arith.addi %add3A_1960, %add3A_1984 : i32
    %add3A_1986 = arith.constant 4096 : i32
    %add3A_1987 = arith.addi %reduce_sum3A_26, %add3A_1986 : i32
    %le3A_1988 = arith.cmpi sle, %add3A_1985, %add3A_1987 : i32
    %and3A_1989 = arith.andi %le3A_1983, %le3A_1988 : i1
    %and3A_1990 = arith.andi %and3A_1966, %and3A_1989 : i1
    %le3A_1991 = arith.cmpi sle, %reduce_sum3A_36, %add3A_1960 : i32
    %add3A_1992 = arith.constant 32 : i32
    %add3A_1993 = arith.addi %add3A_1960, %add3A_1992 : i32
    %add3A_1994 = arith.constant 4096 : i32
    %add3A_1995 = arith.addi %reduce_sum3A_36, %add3A_1994 : i32
    %le3A_1996 = arith.cmpi sle, %add3A_1993, %add3A_1995 : i32
    %and3A_1997 = arith.andi %le3A_1991, %le3A_1996 : i1
    %and3A_1998 = arith.andi %and3A_1966, %and3A_1997 : i1
    %convert_element_type3A_1999 = arith.extui %and3A_1974 : i1 to i32
    %cond3A_2000 = arith.constant 8 : i32
    %cond3A_2001 = arith.constant 0 : i32
    %cond3A_2002 = arith.cmpi ne, %convert_element_type3A_1999, %cond3A_2001 : i32
    scf.if %cond3A_2002 {
      %dma_wait3A = arith.constant 0 : i32
      %dma_wait3A_2136 = tpu.memref_slice %arg6[%cond3A_2000, %dma_wait3A] : memref<12x32xi32, #tpu.memory_space<vmem>> -> memref<1x32xi32, #tpu.memory_space<vmem>>
      %dma_wait3A_2137 = tpu.memref_squeeze %dma_wait3A_2136 : memref<1x32xi32, #tpu.memory_space<vmem>> -> memref<32xi32, #tpu.memory_space<vmem>>
      %dma_wait3A_2138 = arith.constant 0 : i32
      %dma_wait3A_2139 = arith.constant 0 : i32
      %dma_wait3A_2140 = tpu.memref_slice %arg4[%dma_wait3A_2138, %dma_wait3A_2139] : memref<16384x1024xf32, #tpu.memory_space<hbm>> -> memref<16384x1024xf32, #tpu.memory_space<hbm>>
      tpu.wait_indirect_dma semaphore(%arg22 : memref<!tpu.dma_semaphore, #tpu.memory_space<semaphore_mem>>) src(%arg9 : memref<32x1024xf32, #tpu.memory_space<vmem>>) dst(%dma_wait3A_2140 : memref<16384x1024xf32, #tpu.memory_space<hbm>>)
    } else {
    }
    %convert_element_type3A_2003 = arith.extui %and3A_1982 : i1 to i32
    %cond3A_2004 = arith.constant 9 : i32
    %cond3A_2005 = arith.constant 0 : i32
    %cond3A_2006 = arith.cmpi ne, %convert_element_type3A_2003, %cond3A_2005 : i32
    scf.if %cond3A_2006 {
      %dma_wait3A = arith.constant 0 : i32
      %dma_wait3A_2136 = tpu.memref_slice %arg6[%cond3A_2004, %dma_wait3A] : memref<12x32xi32, #tpu.memory_space<vmem>> -> memref<1x32xi32, #tpu.memory_space<vmem>>
      %dma_wait3A_2137 = tpu.memref_squeeze %dma_wait3A_2136 : memref<1x32xi32, #tpu.memory_space<vmem>> -> memref<32xi32, #tpu.memory_space<vmem>>
      %dma_wait3A_2138 = arith.constant 0 : i32
      %dma_wait3A_2139 = arith.constant 0 : i32
      %dma_wait3A_2140 = tpu.memref_slice %arg4[%dma_wait3A_2138, %dma_wait3A_2139] : memref<16384x1024xf32, #tpu.memory_space<hbm>> -> memref<16384x1024xf32, #tpu.memory_space<hbm>>
      tpu.wait_indirect_dma semaphore(%arg23 : memref<!tpu.dma_semaphore, #tpu.memory_space<semaphore_mem>>) src(%arg9 : memref<32x1024xf32, #tpu.memory_space<vmem>>) dst(%dma_wait3A_2140 : memref<16384x1024xf32, #tpu.memory_space<hbm>>)
    } else {
    }
    %convert_element_type3A_2007 = arith.extui %and3A_1990 : i1 to i32
    %cond3A_2008 = arith.constant 10 : i32
    %cond3A_2009 = arith.constant 0 : i32
    %cond3A_2010 = arith.cmpi ne, %convert_element_type3A_2007, %cond3A_2009 : i32
    scf.if %cond3A_2010 {
      %dma_wait3A = arith.constant 0 : i32
      %dma_wait3A_2136 = tpu.memref_slice %arg6[%cond3A_2008, %dma_wait3A] : memref<12x32xi32, #tpu.memory_space<vmem>> -> memref<1x32xi32, #tpu.memory_space<vmem>>
      %dma_wait3A_2137 = tpu.memref_squeeze %dma_wait3A_2136 : memref<1x32xi32, #tpu.memory_space<vmem>> -> memref<32xi32, #tpu.memory_space<vmem>>
      %dma_wait3A_2138 = arith.constant 0 : i32
      %dma_wait3A_2139 = arith.constant 0 : i32
      %dma_wait3A_2140 = tpu.memref_slice %arg4[%dma_wait3A_2138, %dma_wait3A_2139] : memref<16384x1024xf32, #tpu.memory_space<hbm>> -> memref<16384x1024xf32, #tpu.memory_space<hbm>>
      tpu.wait_indirect_dma semaphore(%arg24 : memref<!tpu.dma_semaphore, #tpu.memory_space<semaphore_mem>>) src(%arg9 : memref<32x1024xf32, #tpu.memory_space<vmem>>) dst(%dma_wait3A_2140 : memref<16384x1024xf32, #tpu.memory_space<hbm>>)
    } else {
    }
    %convert_element_type3A_2011 = arith.extui %and3A_1998 : i1 to i32
    %cond3A_2012 = arith.constant 11 : i32
    %cond3A_2013 = arith.constant 0 : i32
    %cond3A_2014 = arith.cmpi ne, %convert_element_type3A_2011, %cond3A_2013 : i32
    scf.if %cond3A_2014 {
      %dma_wait3A = arith.constant 0 : i32
      %dma_wait3A_2136 = tpu.memref_slice %arg6[%cond3A_2012, %dma_wait3A] : memref<12x32xi32, #tpu.memory_space<vmem>> -> memref<1x32xi32, #tpu.memory_space<vmem>>
      %dma_wait3A_2137 = tpu.memref_squeeze %dma_wait3A_2136 : memref<1x32xi32, #tpu.memory_space<vmem>> -> memref<32xi32, #tpu.memory_space<vmem>>
      %dma_wait3A_2138 = arith.constant 0 : i32
      %dma_wait3A_2139 = arith.constant 0 : i32
      %dma_wait3A_2140 = tpu.memref_slice %arg4[%dma_wait3A_2138, %dma_wait3A_2139] : memref<16384x1024xf32, #tpu.memory_space<hbm>> -> memref<16384x1024xf32, #tpu.memory_space<hbm>>
      tpu.wait_indirect_dma semaphore(%arg25 : memref<!tpu.dma_semaphore, #tpu.memory_space<semaphore_mem>>) src(%arg9 : memref<32x1024xf32, #tpu.memory_space<vmem>>) dst(%dma_wait3A_2140 : memref<16384x1024xf32, #tpu.memory_space<hbm>>)
    } else {
    }
    %add3A_2015 = arith.constant 192 : i32
    %add3A_2016 = arith.addi %add3A, %add3A_2015 : i32
    %mul3A_2017 = arith.constant 32 : i32
    %mul3A_2018 = arith.muli %add3A_2016, %mul3A_2017 : i32
    %add3A_2019 = arith.addi %multiple_of3A, %mul3A_2018 : i32
    %add3A_2020 = arith.constant 32 : i32
    %add3A_2021 = arith.addi %add3A_2019, %add3A_2020 : i32
    %le3A_2022 = arith.constant 8192 : i32
    %le3A_2023 = arith.cmpi sle, %add3A_2021, %le3A_2022 : i32
    %lt3A_2024 = arith.cmpi slt, %add3A_2019, %add3A_76 : i32
    %and3A_2025 = arith.andi %le3A_2023, %lt3A_2024 : i1
    %le3A_2026 = arith.cmpi sle, %reduce_sum3A_6, %add3A_2019 : i32
    %add3A_2027 = arith.constant 32 : i32
    %add3A_2028 = arith.addi %add3A_2019, %add3A_2027 : i32
    %add3A_2029 = arith.constant 4096 : i32
    %add3A_2030 = arith.addi %reduce_sum3A_6, %add3A_2029 : i32
    %le3A_2031 = arith.cmpi sle, %add3A_2028, %add3A_2030 : i32
    %and3A_2032 = arith.andi %le3A_2026, %le3A_2031 : i1
    %and3A_2033 = arith.andi %and3A_2025, %and3A_2032 : i1
    %le3A_2034 = arith.cmpi sle, %reduce_sum3A_16, %add3A_2019 : i32
    %add3A_2035 = arith.constant 32 : i32
    %add3A_2036 = arith.addi %add3A_2019, %add3A_2035 : i32
    %add3A_2037 = arith.constant 4096 : i32
    %add3A_2038 = arith.addi %reduce_sum3A_16, %add3A_2037 : i32
    %le3A_2039 = arith.cmpi sle, %add3A_2036, %add3A_2038 : i32
    %and3A_2040 = arith.andi %le3A_2034, %le3A_2039 : i1
    %and3A_2041 = arith.andi %and3A_2025, %and3A_2040 : i1
    %le3A_2042 = arith.cmpi sle, %reduce_sum3A_26, %add3A_2019 : i32
    %add3A_2043 = arith.constant 32 : i32
    %add3A_2044 = arith.addi %add3A_2019, %add3A_2043 : i32
    %add3A_2045 = arith.constant 4096 : i32
    %add3A_2046 = arith.addi %reduce_sum3A_26, %add3A_2045 : i32
    %le3A_2047 = arith.cmpi sle, %add3A_2044, %add3A_2046 : i32
    %and3A_2048 = arith.andi %le3A_2042, %le3A_2047 : i1
    %and3A_2049 = arith.andi %and3A_2025, %and3A_2048 : i1
    %le3A_2050 = arith.cmpi sle, %reduce_sum3A_36, %add3A_2019 : i32
    %add3A_2051 = arith.constant 32 : i32
    %add3A_2052 = arith.addi %add3A_2019, %add3A_2051 : i32
    %add3A_2053 = arith.constant 4096 : i32
    %add3A_2054 = arith.addi %reduce_sum3A_36, %add3A_2053 : i32
    %le3A_2055 = arith.cmpi sle, %add3A_2052, %add3A_2054 : i32
    %and3A_2056 = arith.andi %le3A_2050, %le3A_2055 : i1
    %and3A_2057 = arith.andi %and3A_2025, %and3A_2056 : i1
    %convert_element_type3A_2058 = arith.extui %and3A_2033 : i1 to i32
    %cond3A_2059 = arith.constant 0 : i32
    %cond3A_2060 = arith.constant 0 : i32
    %cond3A_2061 = arith.cmpi ne, %convert_element_type3A_2058, %cond3A_2060 : i32
    scf.if %cond3A_2061 {
      %dma_wait3A = arith.constant 0 : i32
      %dma_wait3A_2136 = tpu.memref_slice %arg6[%cond3A_2059, %dma_wait3A] : memref<12x32xi32, #tpu.memory_space<vmem>> -> memref<1x32xi32, #tpu.memory_space<vmem>>
      %dma_wait3A_2137 = tpu.memref_squeeze %dma_wait3A_2136 : memref<1x32xi32, #tpu.memory_space<vmem>> -> memref<32xi32, #tpu.memory_space<vmem>>
      %dma_wait3A_2138 = arith.constant 0 : i32
      %dma_wait3A_2139 = arith.constant 0 : i32
      %dma_wait3A_2140 = tpu.memref_slice %arg4[%dma_wait3A_2138, %dma_wait3A_2139] : memref<16384x1024xf32, #tpu.memory_space<hbm>> -> memref<16384x1024xf32, #tpu.memory_space<hbm>>
      tpu.wait_indirect_dma semaphore(%arg14 : memref<!tpu.dma_semaphore, #tpu.memory_space<semaphore_mem>>) src(%arg7 : memref<32x1024xf32, #tpu.memory_space<vmem>>) dst(%dma_wait3A_2140 : memref<16384x1024xf32, #tpu.memory_space<hbm>>)
    } else {
    }
    %convert_element_type3A_2062 = arith.extui %and3A_2041 : i1 to i32
    %cond3A_2063 = arith.constant 1 : i32
    %cond3A_2064 = arith.constant 0 : i32
    %cond3A_2065 = arith.cmpi ne, %convert_element_type3A_2062, %cond3A_2064 : i32
    scf.if %cond3A_2065 {
      %dma_wait3A = arith.constant 0 : i32
      %dma_wait3A_2136 = tpu.memref_slice %arg6[%cond3A_2063, %dma_wait3A] : memref<12x32xi32, #tpu.memory_space<vmem>> -> memref<1x32xi32, #tpu.memory_space<vmem>>
      %dma_wait3A_2137 = tpu.memref_squeeze %dma_wait3A_2136 : memref<1x32xi32, #tpu.memory_space<vmem>> -> memref<32xi32, #tpu.memory_space<vmem>>
      %dma_wait3A_2138 = arith.constant 0 : i32
      %dma_wait3A_2139 = arith.constant 0 : i32
      %dma_wait3A_2140 = tpu.memref_slice %arg4[%dma_wait3A_2138, %dma_wait3A_2139] : memref<16384x1024xf32, #tpu.memory_space<hbm>> -> memref<16384x1024xf32, #tpu.memory_space<hbm>>
      tpu.wait_indirect_dma semaphore(%arg15 : memref<!tpu.dma_semaphore, #tpu.memory_space<semaphore_mem>>) src(%arg7 : memref<32x1024xf32, #tpu.memory_space<vmem>>) dst(%dma_wait3A_2140 : memref<16384x1024xf32, #tpu.memory_space<hbm>>)
    } else {
    }
    %convert_element_type3A_2066 = arith.extui %and3A_2049 : i1 to i32
    %cond3A_2067 = arith.constant 2 : i32
    %cond3A_2068 = arith.constant 0 : i32
    %cond3A_2069 = arith.cmpi ne, %convert_element_type3A_2066, %cond3A_2068 : i32
    scf.if %cond3A_2069 {
      %dma_wait3A = arith.constant 0 : i32
      %dma_wait3A_2136 = tpu.memref_slice %arg6[%cond3A_2067, %dma_wait3A] : memref<12x32xi32, #tpu.memory_space<vmem>> -> memref<1x32xi32, #tpu.memory_space<vmem>>
      %dma_wait3A_2137 = tpu.memref_squeeze %dma_wait3A_2136 : memref<1x32xi32, #tpu.memory_space<vmem>> -> memref<32xi32, #tpu.memory_space<vmem>>
      %dma_wait3A_2138 = arith.constant 0 : i32
      %dma_wait3A_2139 = arith.constant 0 : i32
      %dma_wait3A_2140 = tpu.memref_slice %arg4[%dma_wait3A_2138, %dma_wait3A_2139] : memref<16384x1024xf32, #tpu.memory_space<hbm>> -> memref<16384x1024xf32, #tpu.memory_space<hbm>>
      tpu.wait_indirect_dma semaphore(%arg16 : memref<!tpu.dma_semaphore, #tpu.memory_space<semaphore_mem>>) src(%arg7 : memref<32x1024xf32, #tpu.memory_space<vmem>>) dst(%dma_wait3A_2140 : memref<16384x1024xf32, #tpu.memory_space<hbm>>)
    } else {
    }
    %convert_element_type3A_2070 = arith.extui %and3A_2057 : i1 to i32
    %cond3A_2071 = arith.constant 3 : i32
    %cond3A_2072 = arith.constant 0 : i32
    %cond3A_2073 = arith.cmpi ne, %convert_element_type3A_2070, %cond3A_2072 : i32
    scf.if %cond3A_2073 {
      %dma_wait3A = arith.constant 0 : i32
      %dma_wait3A_2136 = tpu.memref_slice %arg6[%cond3A_2071, %dma_wait3A] : memref<12x32xi32, #tpu.memory_space<vmem>> -> memref<1x32xi32, #tpu.memory_space<vmem>>
      %dma_wait3A_2137 = tpu.memref_squeeze %dma_wait3A_2136 : memref<1x32xi32, #tpu.memory_space<vmem>> -> memref<32xi32, #tpu.memory_space<vmem>>
      %dma_wait3A_2138 = arith.constant 0 : i32
      %dma_wait3A_2139 = arith.constant 0 : i32
      %dma_wait3A_2140 = tpu.memref_slice %arg4[%dma_wait3A_2138, %dma_wait3A_2139] : memref<16384x1024xf32, #tpu.memory_space<hbm>> -> memref<16384x1024xf32, #tpu.memory_space<hbm>>
      tpu.wait_indirect_dma semaphore(%arg17 : memref<!tpu.dma_semaphore, #tpu.memory_space<semaphore_mem>>) src(%arg7 : memref<32x1024xf32, #tpu.memory_space<vmem>>) dst(%dma_wait3A_2140 : memref<16384x1024xf32, #tpu.memory_space<hbm>>)
    } else {
    }
    %add3A_2074 = arith.constant 224 : i32
    %add3A_2075 = arith.addi %add3A, %add3A_2074 : i32
    %mul3A_2076 = arith.constant 32 : i32
    %mul3A_2077 = arith.muli %add3A_2075, %mul3A_2076 : i32
    %add3A_2078 = arith.addi %multiple_of3A, %mul3A_2077 : i32
    %add3A_2079 = arith.constant 32 : i32
    %add3A_2080 = arith.addi %add3A_2078, %add3A_2079 : i32
    %le3A_2081 = arith.constant 8192 : i32
    %le3A_2082 = arith.cmpi sle, %add3A_2080, %le3A_2081 : i32
    %lt3A_2083 = arith.cmpi slt, %add3A_2078, %add3A_76 : i32
    %and3A_2084 = arith.andi %le3A_2082, %lt3A_2083 : i1
    %le3A_2085 = arith.cmpi sle, %reduce_sum3A_6, %add3A_2078 : i32
    %add3A_2086 = arith.constant 32 : i32
    %add3A_2087 = arith.addi %add3A_2078, %add3A_2086 : i32
    %add3A_2088 = arith.constant 4096 : i32
    %add3A_2089 = arith.addi %reduce_sum3A_6, %add3A_2088 : i32
    %le3A_2090 = arith.cmpi sle, %add3A_2087, %add3A_2089 : i32
    %and3A_2091 = arith.andi %le3A_2085, %le3A_2090 : i1
    %and3A_2092 = arith.andi %and3A_2084, %and3A_2091 : i1
    %le3A_2093 = arith.cmpi sle, %reduce_sum3A_16, %add3A_2078 : i32
    %add3A_2094 = arith.constant 32 : i32
    %add3A_2095 = arith.addi %add3A_2078, %add3A_2094 : i32
    %add3A_2096 = arith.constant 4096 : i32
    %add3A_2097 = arith.addi %reduce_sum3A_16, %add3A_2096 : i32
    %le3A_2098 = arith.cmpi sle, %add3A_2095, %add3A_2097 : i32
    %and3A_2099 = arith.andi %le3A_2093, %le3A_2098 : i1
    %and3A_2100 = arith.andi %and3A_2084, %and3A_2099 : i1
    %le3A_2101 = arith.cmpi sle, %reduce_sum3A_26, %add3A_2078 : i32
    %add3A_2102 = arith.constant 32 : i32
    %add3A_2103 = arith.addi %add3A_2078, %add3A_2102 : i32
    %add3A_2104 = arith.constant 4096 : i32
    %add3A_2105 = arith.addi %reduce_sum3A_26, %add3A_2104 : i32
    %le3A_2106 = arith.cmpi sle, %add3A_2103, %add3A_2105 : i32
    %and3A_2107 = arith.andi %le3A_2101, %le3A_2106 : i1
    %and3A_2108 = arith.andi %and3A_2084, %and3A_2107 : i1
    %le3A_2109 = arith.cmpi sle, %reduce_sum3A_36, %add3A_2078 : i32
    %add3A_2110 = arith.constant 32 : i32
    %add3A_2111 = arith.addi %add3A_2078, %add3A_2110 : i32
    %add3A_2112 = arith.constant 4096 : i32
    %add3A_2113 = arith.addi %reduce_sum3A_36, %add3A_2112 : i32
    %le3A_2114 = arith.cmpi sle, %add3A_2111, %add3A_2113 : i32
    %and3A_2115 = arith.andi %le3A_2109, %le3A_2114 : i1
    %and3A_2116 = arith.andi %and3A_2084, %and3A_2115 : i1
    %convert_element_type3A_2117 = arith.extui %and3A_2092 : i1 to i32
    %cond3A_2118 = arith.constant 4 : i32
    %cond3A_2119 = arith.constant 0 : i32
    %cond3A_2120 = arith.cmpi ne, %convert_element_type3A_2117, %cond3A_2119 : i32
    scf.if %cond3A_2120 {
      %dma_wait3A = arith.constant 0 : i32
      %dma_wait3A_2136 = tpu.memref_slice %arg6[%cond3A_2118, %dma_wait3A] : memref<12x32xi32, #tpu.memory_space<vmem>> -> memref<1x32xi32, #tpu.memory_space<vmem>>
      %dma_wait3A_2137 = tpu.memref_squeeze %dma_wait3A_2136 : memref<1x32xi32, #tpu.memory_space<vmem>> -> memref<32xi32, #tpu.memory_space<vmem>>
      %dma_wait3A_2138 = arith.constant 0 : i32
      %dma_wait3A_2139 = arith.constant 0 : i32
      %dma_wait3A_2140 = tpu.memref_slice %arg4[%dma_wait3A_2138, %dma_wait3A_2139] : memref<16384x1024xf32, #tpu.memory_space<hbm>> -> memref<16384x1024xf32, #tpu.memory_space<hbm>>
      tpu.wait_indirect_dma semaphore(%arg18 : memref<!tpu.dma_semaphore, #tpu.memory_space<semaphore_mem>>) src(%arg8 : memref<32x1024xf32, #tpu.memory_space<vmem>>) dst(%dma_wait3A_2140 : memref<16384x1024xf32, #tpu.memory_space<hbm>>)
    } else {
    }
    %convert_element_type3A_2121 = arith.extui %and3A_2100 : i1 to i32
    %cond3A_2122 = arith.constant 5 : i32
    %cond3A_2123 = arith.constant 0 : i32
    %cond3A_2124 = arith.cmpi ne, %convert_element_type3A_2121, %cond3A_2123 : i32
    scf.if %cond3A_2124 {
      %dma_wait3A = arith.constant 0 : i32
      %dma_wait3A_2136 = tpu.memref_slice %arg6[%cond3A_2122, %dma_wait3A] : memref<12x32xi32, #tpu.memory_space<vmem>> -> memref<1x32xi32, #tpu.memory_space<vmem>>
      %dma_wait3A_2137 = tpu.memref_squeeze %dma_wait3A_2136 : memref<1x32xi32, #tpu.memory_space<vmem>> -> memref<32xi32, #tpu.memory_space<vmem>>
      %dma_wait3A_2138 = arith.constant 0 : i32
      %dma_wait3A_2139 = arith.constant 0 : i32
      %dma_wait3A_2140 = tpu.memref_slice %arg4[%dma_wait3A_2138, %dma_wait3A_2139] : memref<16384x1024xf32, #tpu.memory_space<hbm>> -> memref<16384x1024xf32, #tpu.memory_space<hbm>>
      tpu.wait_indirect_dma semaphore(%arg19 : memref<!tpu.dma_semaphore, #tpu.memory_space<semaphore_mem>>) src(%arg8 : memref<32x1024xf32, #tpu.memory_space<vmem>>) dst(%dma_wait3A_2140 : memref<16384x1024xf32, #tpu.memory_space<hbm>>)
    } else {
    }
    %convert_element_type3A_2125 = arith.extui %and3A_2108 : i1 to i32
    %cond3A_2126 = arith.constant 6 : i32
    %cond3A_2127 = arith.constant 0 : i32
    %cond3A_2128 = arith.cmpi ne, %convert_element_type3A_2125, %cond3A_2127 : i32
    scf.if %cond3A_2128 {
      %dma_wait3A = arith.constant 0 : i32
      %dma_wait3A_2136 = tpu.memref_slice %arg6[%cond3A_2126, %dma_wait3A] : memref<12x32xi32, #tpu.memory_space<vmem>> -> memref<1x32xi32, #tpu.memory_space<vmem>>
      %dma_wait3A_2137 = tpu.memref_squeeze %dma_wait3A_2136 : memref<1x32xi32, #tpu.memory_space<vmem>> -> memref<32xi32, #tpu.memory_space<vmem>>
      %dma_wait3A_2138 = arith.constant 0 : i32
      %dma_wait3A_2139 = arith.constant 0 : i32
      %dma_wait3A_2140 = tpu.memref_slice %arg4[%dma_wait3A_2138, %dma_wait3A_2139] : memref<16384x1024xf32, #tpu.memory_space<hbm>> -> memref<16384x1024xf32, #tpu.memory_space<hbm>>
      tpu.wait_indirect_dma semaphore(%arg20 : memref<!tpu.dma_semaphore, #tpu.memory_space<semaphore_mem>>) src(%arg8 : memref<32x1024xf32, #tpu.memory_space<vmem>>) dst(%dma_wait3A_2140 : memref<16384x1024xf32, #tpu.memory_space<hbm>>)
    } else {
    }
    %convert_element_type3A_2129 = arith.extui %and3A_2116 : i1 to i32
    %cond3A_2130 = arith.constant 7 : i32
    %cond3A_2131 = arith.constant 0 : i32
    %cond3A_2132 = arith.cmpi ne, %convert_element_type3A_2129, %cond3A_2131 : i32
    scf.if %cond3A_2132 {
      %dma_wait3A = arith.constant 0 : i32
      %dma_wait3A_2136 = tpu.memref_slice %arg6[%cond3A_2130, %dma_wait3A] : memref<12x32xi32, #tpu.memory_space<vmem>> -> memref<1x32xi32, #tpu.memory_space<vmem>>
      %dma_wait3A_2137 = tpu.memref_squeeze %dma_wait3A_2136 : memref<1x32xi32, #tpu.memory_space<vmem>> -> memref<32xi32, #tpu.memory_space<vmem>>
      %dma_wait3A_2138 = arith.constant 0 : i32
      %dma_wait3A_2139 = arith.constant 0 : i32
      %dma_wait3A_2140 = tpu.memref_slice %arg4[%dma_wait3A_2138, %dma_wait3A_2139] : memref<16384x1024xf32, #tpu.memory_space<hbm>> -> memref<16384x1024xf32, #tpu.memory_space<hbm>>
      tpu.wait_indirect_dma semaphore(%arg21 : memref<!tpu.dma_semaphore, #tpu.memory_space<semaphore_mem>>) src(%arg8 : memref<32x1024xf32, #tpu.memory_space<vmem>>) dst(%dma_wait3A_2140 : memref<16384x1024xf32, #tpu.memory_space<hbm>>)
    } else {
    }
    %convert_element_type3A_2133 = arith.extui %lt3A_79 : i1 to i32
    %cond3A_2134 = arith.constant 0 : i32
    %cond3A_2135 = arith.cmpi ne, %convert_element_type3A_2133, %cond3A_2134 : i32
    scf.if %cond3A_2135 {
      %dma_wait3A = arith.constant 0 : i32
      %dma_wait3A_2136 = tpu.memref_slice %arg4[%multiple_of3A_178, %dma_wait3A] : memref<16384x1024xf32, #tpu.memory_space<hbm>> -> memref<16x1024xf32, #tpu.memory_space<hbm>>
      %dma_wait3A_2137 = arith.constant 0 : i32
      %dma_wait3A_2138 = tpu.memref_slice %arg4[%multiple_of3A_178, %dma_wait3A_2137] : memref<16384x1024xf32, #tpu.memory_space<hbm>> -> memref<16x1024xf32, #tpu.memory_space<hbm>>
      tpu.wait_dma2 semaphore(%arg27 : memref<!tpu.dma_semaphore, #tpu.memory_space<semaphore_mem>>) src(%arg10 : memref<16x1024xf32, #tpu.memory_space<vmem>>) dst(%dma_wait3A_2138 : memref<16x1024xf32, #tpu.memory_space<hbm>>)
    } else {
    }
    return
  }
}

</mosaic_0001>

<sc_bundles>
// kernel: kernel.3.cloned.1.call-start
scs
__scs_entry_jumppad:
0x0: {  	(pc) =	sbr.rel $0x88, $3  }
0x1: {  	(tag) =	ssettag $0x0;
	lr =	simm.s32 $0x1  }
0x2: {  	[smem:$0x3F9F] =	sst lr;
	_ =	strace $0xD0000000  }
0x3: {  	_ = 	snop  }
0x4: {  	_ = 	snop  }
0x5: {  	_ = 	snop  }
0x6: {  	_ = 	snop  }
0x7: {  	_ = 	snop  }
__scs_overlays_trampoline_lowered:
0x8: {  	[smem:$0x3FAE] =	sst s0  }
0x9: {  	[smem:$0x3FAF] =	sst s1  }
0xa: {  	[smem:$0x3FB0] =	sst s2  }
0xb: {  	[smem:$0x3FB1] =	sst s3  }
0xc: {  	[smem:$0x3FB2] =	sst s4  }
0xd: {  	[smem:$0x3FB3] =	sst s5  }
0xe: {  	[smem:$0x3FB4] =	sst s6  }
0xf: {  	[smem:$0x3FB5] =	sst s7  }
0x10: {  	[smem:$0x3FB6] =	sst s8  }
0x11: {  	[smem:$0x3FB7] =	sst s9;
	s0 =	simm.s32 @!p0 $0x0  }
0x12: {  	s1 =	sld [smem:$0x3F9D];
	s0 =	simm.s32 @p0 $0x1  }
0x13: {  	[smem:$0x3FB8] =	sst s0;
	s0 =	simm.s32 @!p1 $0x0  }
0x14: {  	s2 =	sld [smem:$0x3F9C];
	s0 =	simm.s32 @p1 $0x1  }
0x15: {  	[smem:$0x3FB9] =	sst s0;
	s0 =	simm.s32 @!p2 $0x0  }
0x16: {  	s3 =	sld [smem:$0x3FDB];
	s0 =	simm.s32 @p2 $0x1  }
0x17: {  	s4 =	simm.s32 $0x1BF5;
	[smem:$0x3FBB] =	sst s0  }
0x18: {  	s0 =	sld [smem:$0x3F9E];
	_ =	swait.ge [sflag:s4], $0x0  }
0x19: {  	s7 =	sld [smem:$0x3F9F]  }
0x1a: {  	s8 =	sadd.s32 $0xFFFFE003, lr  }
0x1b: {  	s9 =	sadd.s32 $0xFFFFFEF7, lr;
	s5 =	simm.s32 $0xFFFFFFFF;
	p2 =	slt.u32 s8, $0xFFFFF086  }
0x1c: {  	p1 =	slt.u32 s9, $0xF7A;
	s5 =	simm.s32 @!p2 $0x0  }
0x1d: {  	s5 =	simm.s32 @p1 $0x1;
	p0 =	seq.s32 s7, s2  }
0x1e: {  	s7 =	smul.u32 @!p0 $0xF7A, s2;
	p2 =	seq.s32 @!p0 s5, $0x0  }
0x1f: {  	s9 =	smul.u32 $0xF7A, s1;
	s8 =	simm.s32 @!p0 $0x1BF5;
	p2 =	por !p2, p0  }
0x20: {  	[sflag:s8] =	ssyncset.s32 @!p0 $0xFFFFF086;
	s6 =	sadd.s32 @!p0 s3, s7;
	s7 =	simm.s32 @!p0 $0x108  }
0x21: {  	s3 =	sadd.s32 s3, s9;
	s6 =	sadd.s32 @!p0 $0x88, s6;
	s7 =	simm.s32 @p2 $0x1082  }
0x22: {  	[simem:s7], [sflag:s8] =	dma.local @!p0 [hbm:s6], $0xF7A  }
0x23: {  	s9 =	sor.u32 $0xD0000000, s2;
	s6 =	simm.s32 $0x108;
	_ =	swait.ge @!p0 [sflag:s8], $0x0  }
0x24: {  	s3 =	sadd.s32 $0x88, s3;
	s6 =	simm.s32 @!p1 $0x1082;
	[sflag:s4] =	ssyncset.s32 $0xFFFFF086  }
0x25: {  	[simem:s6], [sflag:s4] =	dma.local [hbm:s3], $0xF7A  }
0x26: {  	[smem:$0x3F9F] =	sst s1;
	(tag) =	ssettag s2;
	_ =	strace s9  }
0x27: {  	s1 =	sld [smem:$0x3FAF]  }
0x28: {  	s2 =	sld [smem:$0x3FB0]  }
0x29: {  	s4 =	sld [smem:$0x3FB2]  }
0x2a: {  	p0 =	seq.s32 s5, $0x0;
	s5 =	sld [smem:$0x3FB3]  }
0x2b: {  	s6 =	sld [smem:$0x3FB4]  }
0x2c: {  	s7 =	sld [smem:$0x3FB5]  }
0x2d: {  	s3 =	simm.s32 $0x108;
	s8 =	sld [smem:$0x3FB6]  }
0x2e: {  	s3 =	simm.s32 @!p0 $0x1082;
	s9 =	sld [smem:$0x3FB7]  }
0x2f: {  	lr =	sadd.s32 s0, s3;
	s0 =	sld [smem:$0x3FAE]  }
0x30: {  	s3 =	sld [smem:$0x3FB1]  }
0x31: {  	[smem:$0x3FBA] =	sst s10  }
0x32: {  	s10 =	sld [smem:$0x3FB8];
	_ =	sdelay $0x3  }
0x33: {  	p0 =	seq.s32 s10, $0x1;
	s10 =	sld [smem:$0x3FBA];
	_ =	sdelay $0x3  }
0x34: {  	[smem:$0x3FBA] =	sst s10  }
0x35: {  	s10 =	sld [smem:$0x3FB9];
	_ =	sdelay $0x3  }
0x36: {  	p1 =	seq.s32 s10, $0x1;
	s10 =	sld [smem:$0x3FBA];
	_ =	sdelay $0x3  }
0x37: {  	[smem:$0x3FBA] =	sst s10  }
0x38: {  	s10 =	sld [smem:$0x3FBB]  }
0x39: {  	_ = 	snop;
	(pc) =	sbr.ind lr, $3  }
0x3a: {  	_ = 	snop  }
0x3b: {  	_ = 	snop  }
0x3c: {  	p2 =	seq.s32 s10, $0x1;
	s10 =	sld [smem:$0x3FBA]  }
0x3d: {  	_ =	shalt  }
0x3e: {  	_ =	shalt  }
0x3f: {  	_ =	shalt  }
0x40: {  	_ =	shalt  }
0x41: {  	_ =	shalt  }
0x42: {  	_ =	shalt  }
0x43: {  	_ =	shalt  }
0x44: {  	_ =	shalt  }
0x45: {  	_ =	shalt  }
0x46: {  	_ =	shalt  }
0x47: {  	_ =	shalt  }
0x48: {  	_ =	shalt  }
0x49: {  	_ =	shalt  }
0x4a: {  	_ =	shalt  }
0x4b: {  	_ =	shalt  }
0x4c: {  	_ =	shalt  }
0x4d: {  	_ =	shalt  }
0x4e: {  	_ =	shalt  }
0x4f: {  	_ =	shalt  }
0x50: {  	_ =	shalt  }
0x51: {  	_ =	shalt  }
0x52: {  	_ =	shalt  }
0x53: {  	_ =	shalt  }
0x54: {  	_ =	shalt  }
0x55: {  	_ =	shalt  }
0x56: {  	_ =	shalt  }
0x57: {  	_ =	shalt  }
0x58: {  	_ =	shalt  }
0x59: {  	_ =	shalt  }
0x5a: {  	_ =	shalt  }
0x5b: {  	_ =	shalt  }
0x5c: {  	_ =	shalt  }
0x5d: {  	_ =	shalt  }
0x5e: {  	_ =	shalt  }
0x5f: {  	_ =	shalt  }
0x60: {  	_ =	shalt  }
0x61: {  	_ =	shalt  }
0x62: {  	_ =	shalt  }
0x63: {  	_ =	shalt  }
0x64: {  	_ =	shalt  }
0x65: {  	_ =	shalt  }
0x66: {  	_ =	shalt  }
0x67: {  	_ =	shalt  }
0x68: {  	_ =	shalt  }
0x69: {  	_ =	shalt  }
0x6a: {  	_ =	shalt  }
0x6b: {  	_ =	shalt  }
0x6c: {  	_ =	shalt  }
0x6d: {  	_ =	shalt  }
0x6e: {  	_ =	shalt  }
0x6f: {  	_ =	shalt  }
0x70: {  	_ =	shalt  }
0x71: {  	_ =	shalt  }
0x72: {  	_ =	shalt  }
0x73: {  	_ =	shalt  }
0x74: {  	_ =	shalt  }
0x75: {  	_ =	shalt  }
0x76: {  	_ =	shalt  }
0x77: {  	_ =	shalt  }
0x78: {  	_ =	shalt  }
0x79: {  	_ =	shalt  }
0x7a: {  	_ =	shalt  }
0x7b: {  	_ =	shalt  }
0x7c: {  	_ =	shalt  }
0x7d: {  	_ =	shalt  }
0x7e: {  	_ =	shalt  }
0x7f: {  	_ =	shalt  }
0x80: {  	_ =	shalt  }
0x81: {  	_ =	shalt  }
0x82: {  	_ =	shalt  }
0x83: {  	_ =	shalt  }
0x84: {  	_ =	shalt  }
0x85: {  	_ =	shalt  }
0x86: {  	_ =	shalt  }
0x87: {  	_ =	shalt  }
.Lfunc_end0:
.L_simem_size_0:
called_computation_lowered:
.L_overlay_start_0:
0x88: {  	s2 =	sld [smem:$0x3FD9]  }
0x89: {  	s3 =	sld [smem:$0x3FFE];
	_ =	sdelay $0x1  }
0x8a: {  	s1 =	srdreg.scid  }
0x8b: {  	s0 =	sand.u32 $0x1, s1  }
0x8c: {  	s18 =	sshll.u32 s0, $0xA;
	s2 =	sadd.s32 s3, s2  }
0x8d: {  	s2 =	sadd.s32 s2, s18  }
0x8e: {  	[smem:$0x3FC6] =	sst s2  }
0x8f: {  	_ = 	snop  }
0x90: {  	s2 =	sld [smem:$0x3FC9]  }
0x91: {  	s19 =	sld [smem:$0x3FC8]  }
0x92: {  	s4 =	sld [smem:$0x3FD0];
	(tm) =	ssettm $0x1  }
0x93: {  	s5 =	sld [smem:$0x3FFB];
	_ =	sdelay $0x3  }
0x94: {  	_ =	strace s5  }
0x95: {  	s5 =	sld [smem:$0x3FFC];
	_ =	sdelay $0x3  }
0x96: {  	_ =	strace s5  }
0x97: {  	s5 =	sld [smem:$0x3FFD];
	_ =	sdelay $0x3  }
0x98: {  	_ =	strace s5  }
0x99: {  	_ =	strace $0x8FFFFFFF  }
0x9a: {  	s20 =	sld [smem:$0x3FDB];
	_ =	sdelay $0x1  }
0x9b: {  	s6 =	simm.s32 $_scs_section_size  }
0x9c: {  	s7 =	simm.s32 $_size__tile_overlayer_lowered;
	s8 =	simm.s32 $_tile_overlayer_lowered  }
0x9d: {  	s23 =	simm.s32 $0x1BFF;
	s22 =	sshll.u32 s8, $0x1;
	s5 =	sadd.s32 s6, s20  }
0x9e: {  	s9 =	simm.s32 $0x0;
	s21 =	sshll.u32 s7, $0x1;
	s7 =	sadd.s32 s22, s5  }
0x9f: {  	[timem:s9], [sflag:s23] =	dma.local [hbm:s7], s21  }
0xa0: {  	_ =	swait.ge [sflag:s23], s21  }
0xa1: {  	s6 =	ssub.s32 $0x0, s21;
	[sflag:s23] =	ssyncset.done $0x0  }
0xa2: {  	[sflag:s23] =	ssyncadd.s32 s6;
	_ =	sdelay $0x1  }
0xa3: {  	s24 =	simm.s32 $0x1B8B  }
0xa4: {  	_ =	swait.ge [sflag:s24], $0x1  }
0xa5: {  	[sflag:s24] =	ssyncset.done $0x0  }
0xa6: {  	s25 =	simm.s32 $0x1B8E;
	[sflag:s24] =	ssyncadd.s32 $0xFFFFFFFF  }
0xa7: {  	s26 =	simm.s32 $execute0_lowered;
	[smem:$0x3FD2] =	sst s25  }
0xa8: {  	s6 =	sshll.u32 s26, $0x1;
	_ =	strace $0x80000046;
	[dreg:$0x1] =	wrdreg $0xFFFFFFFF  }
0xa9: {  	s28 =	simm.s32 $_size_execute0_lowered;
	s5 =	sadd.s32 s5, s6;
	[dreg:$0x0] =	wrdreg $0x0  }
0xaa: {  	s6 =	sshll.u32 s28, $0x1;
	[dreg:$0x2] =	wrdreg s5  }
0xab: {  	[dreg:$0x3] =	wrdreg s6  }
0xac: {  	[dreg:$0x4] =	wrdreg $0xC0  }
0xad: {  	_ =	task [dreg:s9], $0x5FFFF  }
0xae: {  	[dreg:$0x1] =	wrdreg $0xFFFFFFFF  }
0xaf: {  	[dreg:$0x0] =	wrdreg $0x60  }
0xb0: {  	[dreg:$0x2] =	wrdreg s2  }
0xb1: {  	[dreg:$0x3] =	wrdreg s19  }
0xb2: {  	[dreg:$0x4] =	wrdreg s4  }
0xb3: {  	[dreg:$0x5] =	wrdreg $0x9  }
0xb4: {  	_ =	task.clear_ibuf [dreg:s9], $0x6FFFF;
	_ =	strace $0x90000046  }
0xb5: {  	s29 =	simm.s32 $0x9;
	_ =	strace $0x80000048  }
0xb6: {  	_ =	swait.ge [sflag:s29], $0x1  }
0xb7: {  	[sflag:s29] =	ssyncadd.s32 $0xFFFFFFFF  }
0xb8: {  	_ =	strace $0x90000048  }
0xb9: {  	_ =	sfence  }
0xba: {  	s30 =	sld [smem:$0x0];
	_ =	sdelay $0x2  }
0xbb: {  	s31 =	sshll.u32 s1, $0xD;
	s1 =	sshrl.u32 s1, $0x2  }
0xbc: {  	s3 =	sand.u32 $0x4000, s31;
	s1 =	sadd.s32 s1, s30  }
0xbd: {  	s0 =	sor.u32 s3, s0;
	s1 =	sshll.u32 s1, $0x11  }
0xbe: {  	s0 =	sor.u32 s1, s0  }
0xbf: {  	s0 =	sadd.s32 $0x8F2B, s0  }
0xc0: {  	[sflag:s0] =	ssyncadd.remote.s32 $0x1  }
0xc1: {  	_ =	sfence.sel $0xFFFF  }
0xc2: {  	[dreg:$0x0] =	wrdreg $0xFFFFFFFF;
	(pc) =	sbr.abs _section_cstart, $3  }
0xc3: {  	[dreg:$0x1] =	wrdreg $0xFFFFFFFF  }
0xc4: {  	_ =	task.clear_ibuf [dreg:s9], $0x2FFFF;
	_ =	strace $0x9FFFFFFF  }
0xc5: {  	(tm) =	ssettm $0x7FFFFFFF  }
tec
execute0_lowered:
.L_overlay_start_1:
0x0: {  	(tag) =	ssettag $0x1  }
0x1: {  	s2 =	rddreg [dreg:$0x1]  }
0x2: {  	s3 =	rddreg [dreg:$0x2]  }
0x3: {  	s0 =	srdreg.scid;
	s4 =	simm.s32 $0x0;
	s9 =	stileid.u32  }
0x4: {  	s0 =	sand.u32 $0x1, s0;
	[smem:$0x7FF] =	sst s4;
	s5 =	sand.u32 $0x1, s9  }
0x5: {  	s22 =	sshrl.u32 s9, $0x1;
	s23 =	sshll.u32 s9, $0x6;
	s7 =	sadd.s32 $0x100, s2  }
0x6: {  	s8 =	sadd.s32 $0x200, s2;
	s10 =	sadd.s32 $0x300, s2;
	s14 =	sadd.s32 $0x100, s3  }
0x7: {  	s1 =	ssub.s32 $0x2, s0;
	s6 =	sshll.u32 s0, $0x4;
	s0 =	sshll.u32 s0, $0x5  }
0x8: {  	s15 =	sadd.s32 $0x200, s3;
	s16 =	sadd.s32 $0x300, s3;
	s11 =	sor.u32 s0, s23  }
0x9: {  	_ =	strace $0x80000047;
	s0 =	sor.u32 $0x400, s11;
	[dreg:$0x5] =	wrdreg s11  }
0xa: {  	p5 =	sgt.u32 s9, $0x7;
	s24 =	sor.u32 $0x800, s11;
	[dreg:$0x6] =	wrdreg s0  }
0xb: {  	s21 =	ssub.s32 $0x0, s5;
	s25 =	sor.u32 $0xC00, s11;
	[dreg:$0x7] =	wrdreg s24  }
0xc: {  	s4 =	sand.u32 $0xFE0, s21;
	s26 =	sor.u32 $0x1000, s11;
	[dreg:$0x8] =	wrdreg s25  }
0xd: {  	s6 =	sor.u32 s6, s4;
	s4 =	sor.u32 $0x1400, s11;
	[dreg:$0x9] =	wrdreg s26  }
0xe: {  	s28 =	sshll.u32 s22, $0x13;
	s30 =	sor.u32 $0x1800, s11;
	[dreg:$0xa] =	wrdreg s4  }
0xf: {  	s31 =	sor.u32 $0x1C00, s11;
	[dreg:$0x4] =	wrdreg s6;
	s29 =	sshll.u32 s6, $0x7  }
.Ltmp0:
0x10: {  	s0 =	sadd.s32 s3, s28;
	[dreg:$0xb] =	wrdreg s30;
	(pc) =	sbr.rel .LBB2_1-.Ltmp0, $4  }
0x11: {  	s20 =	sshrl.u32 s1, $0x1;
	[dreg:$0xc] =	wrdreg s31;
	s0 =	sadd.s32 s29, s0  }
0x12: {  	vm0 =	vmmov $0x1;
	vm1 =	vcmask $0x308;
	s1 =	ssub.s32 s1, s20;
	[dreg:$0xd] =	wrdreg s0;
	s0 =	simm.s32 @!p5 $0x0  }
0x13: {  	vm2 =	vcmask $0x70C;
	vm3 =	vcmask $0xB10;
	v0 =	vmov s22;
	s22 =	smax.u32 s1, $0x1;
	s24 =	simm.s32 $0x1;
	s0 =	simm.s32 @p5 $0x1  }
0x14: {  	vm4 =	vmmov $0xf;
	v1 =	vlaneseq.u32;
	vm5 =	vmmov @!p5 $0xffff;
	s25 =	simm.s32 $0x2;
	s26 =	simm.s32 $0x3;
	[smem:$0x7FD] =	sst s0  }
.LBB2_22:
0x15: {  	s0 =	sld [smem:$0x7FD];
	_ =	sdelay $0x2  }
0x16: {  	p5 =	seq.s32 s0, $0x1  }
0x17: {  	s0 =	simm.s32 @!p5 $0x10  }
0x18: {  	_ =	swait.ge @!p5 [sflag:s0], $0x4000  }
0x19: {  	s1 =	simm.s32 @!p5 $0x18880;
	[sflag:s0] =	ssyncset.done @!p5 $0x0;
	s19 =	sld [smem:$0x7F5]  }
0x1a: {  	s4 =	rddreg [dreg:$0xd];
	[sflag:s0] =	ssyncadd.s32 @!p5 $0xFFFFC000;
	s0 =	simm.s32 @!p5 $0x0  }
0x1b: {  	[hbm4b:s4+s0] =	stream.linear.scatter @!p5 [tilespmem:s1], [sflag:$0x11], $0x4000, $0x38;
	[tilespmem:$0x1C880] =	vst v63  }
0x1c: {  	p0 =	seq.s32 s19, $0x1  }
0x1d: {  	s0 =	simm.s32 @p0 $0xC  }
0x1e: {  	_ =	swait.ge @p0 [sflag:s0], $0x8000  }
0x1f: {  	s20 =	sld [smem:$0x7F3];
	_ =	sdelay $0x1  }
0x20: {  	[sflag:s0] =	ssyncset.done @p0 $0x0  }
0x21: {  	[sflag:s0] =	ssyncadd.s32 @p0 $0xFFFF8000;
	p0 =	seq.s32 s20, $0x1  }
0x22: {  	s0 =	simm.s32 @p0 $0xD  }
0x23: {  	_ =	swait.ge @p0 [sflag:s0], $0x8000  }
0x24: {  	s21 =	sld [smem:$0x7F4];
	_ =	sdelay $0x1  }
0x25: {  	[sflag:s0] =	ssyncset.done @p0 $0x0  }
0x26: {  	[sflag:s0] =	ssyncadd.s32 @p0 $0xFFFF8000;
	p0 =	seq.s32 s21, $0x1  }
0x27: {  	s0 =	simm.s32 @p0 $0xE  }
0x28: {  	_ =	swait.ge @p0 [sflag:s0], $0x8000  }
0x29: {  	s23 =	sld [smem:$0x7F6];
	_ =	sdelay $0x1  }
0x2a: {  	[sflag:s0] =	ssyncset.done @p0 $0x0  }
0x2b: {  	[sflag:s0] =	ssyncadd.s32 @p0 $0xFFFF8000;
	p0 =	seq.s32 s23, $0x1  }
0x2c: {  	s0 =	simm.s32 @p0 $0xF  }
0x2d: {  	_ =	swait.ge @p0 [sflag:s0], $0x8000  }
0x2e: {  	s28 =	sld [smem:$0x7F7];
	_ =	sdelay $0x1  }
0x2f: {  	[sflag:s0] =	ssyncset.done @p0 $0x0  }
0x30: {  	[sflag:s0] =	ssyncadd.s32 @p0 $0xFFFF8000;
	p0 =	seq.s32 s28, $0x1  }
0x31: {  	s0 =	simm.s32 @p0 $0x4  }
0x32: {  	_ =	swait.ge @p0 [sflag:s0], $0x8000  }
0x33: {  	s29 =	sld [smem:$0x7F0];
	_ =	sdelay $0x1  }
0x34: {  	[sflag:s0] =	ssyncset.done @p0 $0x0  }
0x35: {  	[sflag:s0] =	ssyncadd.s32 @p0 $0xFFFF8000;
	p0 =	seq.s32 s29, $0x1  }
0x36: {  	s0 =	simm.s32 @p0 $0x5  }
0x37: {  	_ =	swait.ge @p0 [sflag:s0], $0x8000  }
0x38: {  	s30 =	sld [smem:$0x7F1];
	_ =	sdelay $0x1  }
0x39: {  	[sflag:s0] =	ssyncset.done @p0 $0x0  }
0x3a: {  	[sflag:s0] =	ssyncadd.s32 @p0 $0xFFFF8000;
	p0 =	seq.s32 s30, $0x1  }
0x3b: {  	s0 =	simm.s32 @p0 $0x6  }
0x3c: {  	_ =	swait.ge @p0 [sflag:s0], $0x8000  }
0x3d: {  	s31 =	sld [smem:$0x7F2];
	_ =	sdelay $0x1  }
0x3e: {  	[sflag:s0] =	ssyncset.done @p0 $0x0  }
0x3f: {  	[sflag:s0] =	ssyncadd.s32 @p0 $0xFFFF8000;
	p0 =	seq.s32 s31, $0x1  }
0x40: {  	s0 =	simm.s32 @p0 $0x7  }
0x41: {  	_ =	swait.ge @p0 [sflag:s0], $0x8000  }
0x42: {  	[sflag:s0] =	ssyncset.done @p0 $0x0  }
0x43: {  	[sflag:s0] =	ssyncadd.s32 @p0 $0xFFFF8000;
	s0 =	simm.s32 @p3 $0x8  }
0x44: {  	_ =	swait.ge @p3 [sflag:s0], $0x8000  }
0x45: {  	[sflag:s0] =	ssyncset.done @p3 $0x0  }
0x46: {  	[sflag:s0] =	ssyncadd.s32 @p3 $0xFFFF8000;
	s0 =	simm.s32 @p6 $0x9  }
0x47: {  	_ =	swait.ge @p6 [sflag:s0], $0x8000  }
0x48: {  	[sflag:s0] =	ssyncset.done @p6 $0x0  }
0x49: {  	[sflag:s0] =	ssyncadd.s32 @p6 $0xFFFF8000;
	s0 =	simm.s32 @p4 $0xA  }
0x4a: {  	_ =	swait.ge @p4 [sflag:s0], $0x8000  }
0x4b: {  	[sflag:s0] =	ssyncset.done @p4 $0x0  }
0x4c: {  	s22 =	sadd.s32 $0xFFFFFFFF, s22;
	[sflag:s0] =	ssyncadd.s32 @p4 $0xFFFF8000;
	s0 =	simm.s32 @p2 $0xB  }
0x4d: {  	p0 =	sne.s32 s22, $0x0;
	_ =	swait.ge @p2 [sflag:s0], $0x8000  }
.Ltmp1:
0x4e: {  	[sflag:s0] =	ssyncset.done @p2 $0x0;
	(pc) =	sbr.rel @!p0 .LBB2_23-.Ltmp1, $4  }
0x4f: {  	[sflag:s0] =	ssyncadd.s32 @p2 $0xFFFF8000;
	s0 =	simm.s32 @!p5 $0x11  }
0x50: {  	_ =	swait.ge @!p5 [sflag:s0], $0x4000  }
0x51: {  	[sflag:s0] =	ssyncset.done @!p5 $0x0  }
0x52: {  	[sflag:s0] =	ssyncadd.s32 @!p5 $0xFFFFC000  }
.LBB2_1:
0x53: {  	s0 =	rddreg [dreg:$0x0];
	s1 =	simm.s32 $0x0;
	s12 =	simm.s32 $0x12  }
0x54: {  	[tilespmem:s1], [sflag:$0x12] =	stream.linear.gather [hbm4b:s0+s1], $0x4, $0x38;
	[tilespmem:$0x1C880] =	vst v63  }
0x55: {  	_ =	swait.ge [sflag:s12], $0x4  }
0x56: {  	[sflag:s12] =	ssyncset.done $0x0  }
0x57: {  	[sflag:s12] =	ssyncadd.s32 $0xFFFFFFFC  }
0x58: {  	v2 =	vld [tilespmem:$0x0];
	_ =	sdelay $0x4  }
0x59: {  	v3 =	vnsel vm0, $0x0, v2  }
0x5a: {  	(xrf0) =	vadd.scan.msk.s32 $0xffff, v3;
	v3 =	vsel vm1, $0x0, v2  }
0x5b: {  	(xrf0) =	vadd.scan.msk.s32 $0xffff, v3;
	v3 =	vsel vm2, $0x0, v2  }
0x5c: {  	v4 =	vnsel vm4, $0x2000, v2;
	(xrf0) =	vadd.scan.msk.s32 $0xffff, v3;
	v3 =	vsel vm3, $0x0, v2  }
0x5d: {  	v5 =	vlaneseq.u32 @!p5;
	v63 =	vnsel vm4, $0x0, v2;
	(xrf0) =	vadd.scan.msk.s32 $0xffff, v3;
	v3 =	vxor.u32 $0x80000000, v4  }
0x5e: {  	vm6 =	veq.s32 @!p5 v0, v5;
	(xrf0) =	vmin.scan.msk.u32 $0xffff, v3;
	v3 =	vxor.u32 $0x80000000, v63  }
0x5f: {  	v2 =	vnsel @!p5 vm6, $0x0, v2  }
0x60: {  	(xrf0) =	vmax.scan.msk.u32 $0xffff, v3  }
0x61: {  	v3, _, _ =	vpop (xrf0);
	(xrf0) =	vadd.scan.msk.s32 @!p5 $0xffff, v2  }
0x62: {  	v2, _, _ =	vpop (xrf0);
	(v2sf) =	vpush v3, $0xF  }
0x63: {  	v3, _, _ =	vpop (xrf0);
	(v2sf) =	vpush v2, $0xF  }
0x64: {  	v2, _, _ =	vpop (xrf0);
	(v2sf) =	vpush v3, $0xF  }
0x65: {  	v3, _, _ =	vpop (xrf0);
	(v2sf) =	vpush v2, $0xF  }
0x66: {  	v2, _, _ =	vpop (xrf0);
	(v2sf) =	vpush v3, $0xF  }
0x67: {  	(v2sf) =	vpush v2, $0xF;
	v2, _, _ =	vpop @!p5 (xrf0)  }
0x68: {  	(v2sf) =	vpush @!p5 v2, $0xF;
	_ =	sdelay $0x8  }
0x69: {  	s31 =	spop (v2sf)  }
0x6a: {  	s30 =	spop (v2sf)  }
0x6b: {  	s29 =	spop (v2sf)  }
0x6c: {  	s28 =	spop (v2sf)  }
0x6d: {  	s13 =	spop (v2sf)  }
0x6e: {  	s17 =	spop (v2sf)  }
0x6f: {  	s5 =	rddreg [dreg:$0x4];
	s4 =	spop @!p5 (v2sf)  }
0x70: {  	s4 =	sadd.s32 @!p5 s5, s4  }
0x71: {  	v2 =	vadd.s32 @!p5 s4, v5  }
0x72: {  	v3 =	vshll.u32 @!p5 v2, $0x3  }
0x73: {  	v2 =	vand.u32 @!p5 $0x7, v2;
	v3 =	vand.u32 @!p5 $0xFFFFFFC0, v3  }
0x74: {  	v4 =	vshrl.u32 @!p5 v5, $0x3;
	v2 =	vor.u32 @!p5 v2, v3;
	v3 =	vand.u32 @!p5 $0x7, v5  }
0x75: {  	v4 =	vmul.u32 @!p5 $0x8, v4;
	v3 =	vperm.xlane @!p5 v2, v3;
	_ =	sdelay $0x1  }
0x76: {  	v3 =	vadd.s32 @!p5 v4, v3;
	_ =	sdelay $0x3  }
0x77: {  	s5 =	simm.s32 @!p5 $0x18880;
	s4 =	simm.s32 @!p5 $0x0  }
0x78: {  	v5 =	vor.u32 @!p5 $0x8, v5;
	[tilespmem:s5], [sflag:$0x10] =	stream.indirect_vreg.gather @!p5 [hbm4b:s2+s4], $0x80, v3, vm5, $0xb8;
	[tilespmem:$0x1C880] =	vst v63  }
0x79: {  	v2 =	vperm.xlane @!p5 v2, v5;
	s5 =	simm.s32 @!p5 $0x19080  }
0x7a: {  	[tilespmem:s5], [sflag:$0x10] =	stream.indirect_vreg.gather @!p5 [hbm4b:s7+s4], $0x80, v3, vm5, $0xb8;
	[tilespmem:$0x1C880] =	vst v63  }
0x7b: {  	v2 =	vadd.s32 @!p5 v4, v2;
	s5 =	simm.s32 @!p5 $0x19880  }
0x7c: {  	[tilespmem:s5], [sflag:$0x10] =	stream.indirect_vreg.gather @!p5 [hbm4b:s8+s4], $0x80, v3, vm5, $0xb8;
	[tilespmem:$0x1C880] =	vst v63  }
0x7d: {  	s5 =	simm.s32 @!p5 $0x1A080  }
0x7e: {  	[tilespmem:s5], [sflag:$0x10] =	stream.indirect_vreg.gather @!p5 [hbm4b:s10+s4], $0x80, v3, vm5, $0xb8;
	[tilespmem:$0x1C880] =	vst v63  }
0x7f: {  	s5 =	simm.s32 @!p5 $0x1A880  }
0x80: {  	[tilespmem:s5], [sflag:$0x10] =	stream.indirect_vreg.gather @!p5 [hbm4b:s2+s4], $0x80, v2, vm5, $0xb8;
	[tilespmem:$0x1C880] =	vst v63  }
0x81: {  	s5 =	simm.s32 @!p5 $0x1B080  }
0x82: {  	[tilespmem:s5], [sflag:$0x10] =	stream.indirect_vreg.gather @!p5 [hbm4b:s7+s4], $0x80, v2, vm5, $0xb8;
	[tilespmem:$0x1C880] =	vst v63  }
0x83: {  	s11 =	simm.s32 @!p5 $0x1B880;
	s19 =	sxor.u32 $0x80000000, s13;
	s0 =	sand.u32 $0x7, s13  }
0x84: {  	[tilespmem:s11], [sflag:$0x10] =	stream.indirect_vreg.gather @!p5 [hbm4b:s8+s4], $0x80, v2, vm5, $0xb8;
	[tilespmem:$0x1C880] =	vst v63  }
0x85: {  	s20 =	rddreg [dreg:$0x5];
	s11 =	ssub.s32 s19, s0  }
0x86: {  	s0 =	simm.s32 @!p5 $0x1C080;
	s13 =	sadd.s32 s20, s11  }
0x87: {  	[tilespmem:s0], [sflag:$0x10] =	stream.indirect_vreg.gather @!p5 [hbm4b:s10+s4], $0x80, v2, vm5, $0xb8;
	[tilespmem:$0x1C880] =	vst v63  }
0x88: {  	s0 =	ssub.s32 s13, s31  }
0x89: {  	s21 =	ssub.s32 s13, s30;
	v2 =	vadd.s32 s0, v1;
	s0 =	sadd.s32 $0x10, s0  }
0x8a: {  	s23 =	sadd.s32 $0x1000, s21;
	[tilespmem:$0x80] =	vst v2;
	v2 =	vadd.s32 s0, v1  }
0x8b: {  	s12 =	sadd.s32 $0x80001000, s17;
	s5 =	ssub.s32 s13, s29;
	s4 =	sadd.s32 $0x1010, s21;
	[tilespmem:$0x90] =	vst v2;
	v2 =	vadd.s32 s23, v1  }
0x8c: {  	s18 =	sadd.s32 $0x20, s13;
	p1 =	slt.s32 s13, s12;
	s6 =	sadd.s32 $0x2000, s5;
	[tilespmem:$0x100] =	vst v2;
	v2 =	vadd.s32 s4, v1  }
0x8d: {  	s17 =	ssub.s32 s13, s28;
	p0 =	slt.s32 s18, $0x2001;
	s9 =	sadd.s32 $0x2010, s5;
	[tilespmem:$0x110] =	vst v2;
	v2 =	vadd.s32 s6, v1  }
0x8e: {  	s19 =	sadd.s32 $0x3000, s17;
	p0 =	por !p1, !p0;
	[tilespmem:$0x180] =	vst v2;
	v2 =	vadd.s32 s9, v1  }
0x8f: {  	s20 =	sadd.s32 $0x3010, s17;
	s21 =	rddreg [dreg:$0x6];
	p0 =	por !p0, !p0;
	[tilespmem:$0x190] =	vst v2;
	v2 =	vadd.s32 s19, v1  }
0x90: {  	s17 =	sadd.s32 s21, s11;
	s0 =	sshll.u32 @p0 s13, $0x7;
	[tilespmem:$0x200] =	vst v2;
	v2 =	vadd.s32 s20, v1  }
0x91: {  	s1 =	simm.s32 @p0 $0x0;
	s4 =	simm.s32 @p0 $0x880;
	s0 =	sadd.s32 @p0 s2, s0;
	[tilespmem:$0x210] =	vst v2  }
0x92: {  	[tilespmem:s4], [sflag:$0x1] =	stream.linear.gather @p0 [hbm4b:s0+s1], $0x8000, $0x38;
	[tilespmem:$0x1C880] =	vst v63  }
0x93: {  	s0 =	ssub.s32 s17, s31  }
0x94: {  	s23 =	ssub.s32 s17, s30;
	v2 =	vadd.s32 s0, v1;
	s0 =	sadd.s32 $0x10, s0  }
0x95: {  	s4 =	sadd.s32 $0x1000, s23;
	[tilespmem:$0x280] =	vst v2;
	v2 =	vadd.s32 s0, v1  }
0x96: {  	s5 =	sadd.s32 $0x1010, s23;
	s6 =	ssub.s32 s17, s29;
	[tilespmem:$0x290] =	vst v2;
	v2 =	vadd.s32 s4, v1  }
0x97: {  	p2 =	slt.s32 s17, s12;
	s9 =	sadd.s32 $0x2000, s6;
	s19 =	sadd.s32 $0x20, s17;
	[tilespmem:$0x300] =	vst v2;
	v2 =	vadd.s32 s5, v1  }
0x98: {  	s21 =	ssub.s32 s17, s28;
	p5 =	slt.s32 s19, $0x2001;
	s20 =	sadd.s32 $0x2010, s6;
	[tilespmem:$0x310] =	vst v2;
	v2 =	vadd.s32 s9, v1  }
0x99: {  	p1 =	por !p2, !p5;
	s23 =	sadd.s32 $0x3000, s21;
	[tilespmem:$0x380] =	vst v2;
	v2 =	vadd.s32 s20, v1  }
0x9a: {  	p2 =	por !p1, !p1;
	s1 =	sadd.s32 $0x3010, s21;
	[tilespmem:$0x390] =	vst v2;
	v2 =	vadd.s32 s23, v1  }
0x9b: {  	s0 =	sshll.u32 @p2 s17, $0x7;
	[tilespmem:$0x400] =	vst v2;
	v2 =	vadd.s32 s1, v1  }
0x9c: {  	s0 =	sadd.s32 @p2 s2, s0;
	s4 =	simm.s32 @p2 $0x8880;
	s1 =	simm.s32 @p2 $0x0;
	[tilespmem:$0x410] =	vst v2  }
0x9d: {  	[tilespmem:s4], [sflag:$0x2] =	stream.linear.gather @p2 [hbm4b:s0+s1], $0x8000, $0x38;
	[tilespmem:$0x1C880] =	vst v63  }
0x9e: {  	s4 =	rddreg [dreg:$0x7]  }
0x9f: {  	s20 =	sadd.s32 s4, s11  }
0xa0: {  	s0 =	ssub.s32 s20, s31  }
0xa1: {  	s5 =	ssub.s32 s20, s30;
	v2 =	vadd.s32 s0, v1;
	s0 =	sadd.s32 $0x10, s0  }
0xa2: {  	s6 =	sadd.s32 $0x1000, s5;
	[tilespmem:$0x480] =	vst v2;
	v2 =	vadd.s32 s0, v1  }
0xa3: {  	s21 =	sadd.s32 $0x20, s20;
	s23 =	ssub.s32 s20, s29;
	s9 =	sadd.s32 $0x1010, s5;
	[tilespmem:$0x490] =	vst v2;
	v2 =	vadd.s32 s6, v1  }
0xa4: {  	p3 =	slt.s32 s20, s12;
	p6 =	slt.s32 s21, $0x2001;
	s4 =	sadd.s32 $0x2000, s23;
	[tilespmem:$0x500] =	vst v2;
	v2 =	vadd.s32 s9, v1  }
0xa5: {  	s5 =	sadd.s32 $0x2010, s23;
	p1 =	por !p3, !p6;
	s6 =	ssub.s32 s20, s28;
	[tilespmem:$0x510] =	vst v2;
	v2 =	vadd.s32 s4, v1  }
0xa6: {  	p1 =	por !p1, !p1;
	s9 =	sadd.s32 $0x3000, s6;
	s23 =	sadd.s32 $0x3010, s6;
	[tilespmem:$0x580] =	vst v2;
	v2 =	vadd.s32 s5, v1  }
.Ltmp2:
0xa7: {  	s0 =	sshll.u32 @p1 s20, $0x7;
	s6 =	simm.s32 @!p1 $0x0;
	[tilespmem:$0x590] =	vst v2;
	v2 =	vadd.s32 s9, v1;
	(pc) =	sbr.rel @!p0 .LBB2_2-.Ltmp2, $4  }
0xa8: {  	s1 =	simm.s32 @p1 $0x0;
	s0 =	sadd.s32 @p1 s2, s0;
	s6 =	simm.s32 @p1 $0x1;
	[tilespmem:$0x600] =	vst v2;
	v2 =	vadd.s32 s23, v1  }
0xa9: {  	s4 =	simm.s32 @p1 $0x10880;
	s5 =	sadd.s32 $0x1000, s31;
	[smem:$0x7FC] =	sst s6;
	[tilespmem:$0x610] =	vst v2  }
0xaa: {  	[tilespmem:s4], [sflag:$0x3] =	stream.linear.gather @p1 [hbm4b:s0+s1], $0x8000, $0x38;
	[tilespmem:$0x1C880] =	vst v63  }
0xab: {  	s1 =	sadd.s32 $0x1000, s30;
	s4 =	sadd.s32 $0x1000, s29;
	s0 =	sadd.s32 $0x1000, s28  }
0xac: {  	p1 =	sge.s32 s13, s31;
	p4 =	sle.s32 s18, s5  }
0xad: {  	p1 =	por !p1, !p4  }
0xae: {  	_ =	swait.ge [sflag:s24], $0x8000;
	p1 =	por !p1, !p1  }
0xaf: {  	[sflag:s24] =	ssyncset.done $0x0;
	p1 =	por !p0, !p1  }
0xb0: {  	[sflag:s24] =	ssyncadd.s32 $0xFFFF8000;
	p1 =	por !p1, !p1  }
0xb1: {  	v2 =	vld @p1 [tilespmem:$0x80];
	_ =	sdelay $0x4  }
0xb2: {  	v3 =	vshll.u32 @p1 v2, $0x3  }
0xb3: {  	v4 =	vlaneseq.u32 @p1;
	v2 =	vand.u32 @p1 $0x7, v2;
	v3 =	vand.u32 @p1 $0xFFFFFFC0, v3  }
0xb4: {  	v5 =	vshrl.u32 @p1 v4, $0x3;
	v2 =	vor.u32 @p1 v2, v3;
	v3 =	vand.u32 @p1 $0x7, v4  }
0xb5: {  	v5 =	vmul.u32 @p1 $0x8, v5;
	v6 =	vperm.xlane @p1 v2, v3;
	_ =	sdelay $0x1  }
0xb6: {  	v6 =	vadd.s32 @p1 v5, v6;
	_ =	sdelay $0x3  }
0xb7: {  	vm6 =	vmmov @p1 $0xffff;
	s6 =	simm.s32 @p1 $0x0;
	s9 =	simm.s32 @p1 $0x880  }
0xb8: {  	v4 =	vor.u32 @p1 $0x8, v4;
	[hbm4b:s3+s6] =	stream.indirect_vreg.scatter @p1 [tilespmem:s9], [sflag:$0x4], $0x80, v6, vm6, $0xb8;
	[tilespmem:$0x1C880] =	vst v63  }
0xb9: {  	v2 =	vperm.xlane @p1 v2, v4;
	s9 =	simm.s32 @p1 $0x1080  }
0xba: {  	[hbm4b:s14+s6] =	stream.indirect_vreg.scatter @p1 [tilespmem:s9], [sflag:$0x4], $0x80, v6, vm6, $0xb8;
	[tilespmem:$0x1C880] =	vst v63  }
0xbb: {  	v2 =	vadd.s32 @p1 v5, v2;
	s9 =	simm.s32 @p1 $0x1880  }
0xbc: {  	[hbm4b:s15+s6] =	stream.indirect_vreg.scatter @p1 [tilespmem:s9], [sflag:$0x4], $0x80, v6, vm6, $0xb8;
	[tilespmem:$0x1C880] =	vst v63  }
0xbd: {  	s9 =	simm.s32 @p1 $0x2080  }
0xbe: {  	[hbm4b:s16+s6] =	stream.indirect_vreg.scatter @p1 [tilespmem:s9], [sflag:$0x4], $0x80, v6, vm6, $0xb8;
	[tilespmem:$0x1C880] =	vst v63  }
0xbf: {  	s9 =	simm.s32 @p1 $0x2880  }
0xc0: {  	[hbm4b:s3+s6] =	stream.indirect_vreg.scatter @p1 [tilespmem:s9], [sflag:$0x4], $0x80, v2, vm6, $0xb8;
	[tilespmem:$0x1C880] =	vst v63  }
0xc1: {  	s9 =	simm.s32 @p1 $0x3080  }
0xc2: {  	[hbm4b:s14+s6] =	stream.indirect_vreg.scatter @p1 [tilespmem:s9], [sflag:$0x4], $0x80, v2, vm6, $0xb8;
	[tilespmem:$0x1C880] =	vst v63  }
0xc3: {  	s9 =	simm.s32 @p1 $0x3880  }
0xc4: {  	[hbm4b:s15+s6] =	stream.indirect_vreg.scatter @p1 [tilespmem:s9], [sflag:$0x4], $0x80, v2, vm6, $0xb8;
	[tilespmem:$0x1C880] =	vst v63  }
0xc5: {  	s9 =	simm.s32 @p1 $0x4080  }
0xc6: {  	[hbm4b:s16+s6] =	stream.indirect_vreg.scatter @p1 [tilespmem:s9], [sflag:$0x4], $0x80, v2, vm6, $0xb8;
	[tilespmem:$0x1C880] =	vst v63  }
0xc7: {  	v2 =	vld @p1 [tilespmem:$0x90];
	_ =	sdelay $0x4  }
0xc8: {  	v6 =	vshll.u32 @p1 v2, $0x3  }
0xc9: {  	v2 =	vand.u32 @p1 $0x7, v2;
	v6 =	vand.u32 @p1 $0xFFFFFFC0, v6  }
0xca: {  	v2 =	vor.u32 @p1 v2, v6  }
0xcb: {  	v3 =	vperm.xlane @p1 v2, v3;
	_ =	sdelay $0x1  }
0xcc: {  	v3 =	vadd.s32 @p1 v5, v3;
	_ =	sdelay $0x3  }
0xcd: {  	s9 =	simm.s32 @p1 $0x4880  }
0xce: {  	[hbm4b:s3+s6] =	stream.indirect_vreg.scatter @p1 [tilespmem:s9], [sflag:$0x4], $0x80, v3, vm6, $0xb8;
	[tilespmem:$0x1C880] =	vst v63  }
0xcf: {  	v2 =	vperm.xlane @p1 v2, v4;
	s9 =	simm.s32 @p1 $0x5080  }
0xd0: {  	[hbm4b:s14+s6] =	stream.indirect_vreg.scatter @p1 [tilespmem:s9], [sflag:$0x4], $0x80, v3, vm6, $0xb8;
	[tilespmem:$0x1C880] =	vst v63  }
0xd1: {  	v2 =	vadd.s32 @p1 v5, v2;
	s9 =	simm.s32 @p1 $0x5880  }
0xd2: {  	[hbm4b:s15+s6] =	stream.indirect_vreg.scatter @p1 [tilespmem:s9], [sflag:$0x4], $0x80, v3, vm6, $0xb8;
	[tilespmem:$0x1C880] =	vst v63  }
0xd3: {  	p6 =	sge.s32 s13, s30;
	p5 =	sle.s32 s18, s1;
	s9 =	simm.s32 @p1 $0x6080  }
0xd4: {  	[hbm4b:s16+s6] =	stream.indirect_vreg.scatter @p1 [tilespmem:s9], [sflag:$0x4], $0x80, v3, vm6, $0xb8;
	[tilespmem:$0x1C880] =	vst v63  }
0xd5: {  	p4 =	por !p6, !p5;
	s9 =	simm.s32 @p1 $0x6880  }
0xd6: {  	[hbm4b:s3+s6] =	stream.indirect_vreg.scatter @p1 [tilespmem:s9], [sflag:$0x4], $0x80, v2, vm6, $0xb8;
	[tilespmem:$0x1C880] =	vst v63  }
0xd7: {  	p4 =	por !p4, !p4;
	s9 =	simm.s32 @p1 $0x7080  }
0xd8: {  	[hbm4b:s14+s6] =	stream.indirect_vreg.scatter @p1 [tilespmem:s9], [sflag:$0x4], $0x80, v2, vm6, $0xb8;
	[tilespmem:$0x1C880] =	vst v63  }
0xd9: {  	p4 =	por !p0, !p4;
	s9 =	simm.s32 @p1 $0x7880  }
0xda: {  	[hbm4b:s15+s6] =	stream.indirect_vreg.scatter @p1 [tilespmem:s9], [sflag:$0x4], $0x80, v2, vm6, $0xb8;
	[tilespmem:$0x1C880] =	vst v63  }
0xdb: {  	p4 =	por !p4, !p4;
	s9 =	simm.s32 @p1 $0x8080  }
0xdc: {  	[hbm4b:s16+s6] =	stream.indirect_vreg.scatter @p1 [tilespmem:s9], [sflag:$0x4], $0x80, v2, vm6, $0xb8;
	[tilespmem:$0x1C880] =	vst v63  }
0xdd: {  	v2 =	vld @p4 [tilespmem:$0x100];
	_ =	sdelay $0x4  }
0xde: {  	v3 =	vshll.u32 @p4 v2, $0x3  }
0xdf: {  	v4 =	vlaneseq.u32 @p4;
	v2 =	vand.u32 @p4 $0x7, v2;
	v3 =	vand.u32 @p4 $0xFFFFFFC0, v3  }
0xe0: {  	v5 =	vshrl.u32 @p4 v4, $0x3;
	v2 =	vor.u32 @p4 v2, v3;
	v3 =	vand.u32 @p4 $0x7, v4  }
0xe1: {  	v5 =	vmul.u32 @p4 $0x8, v5;
	v6 =	vperm.xlane @p4 v2, v3;
	_ =	sdelay $0x1  }
0xe2: {  	v6 =	vadd.s32 @p4 v5, v6;
	_ =	sdelay $0x3  }
0xe3: {  	vm6 =	vmmov @p4 $0xffff;
	s6 =	simm.s32 @p4 $0x0;
	s9 =	simm.s32 @p4 $0x880  }
0xe4: {  	v4 =	vor.u32 @p4 $0x8, v4;
	[hbm4b:s3+s6] =	stream.indirect_vreg.scatter @p4 [tilespmem:s9], [sflag:$0x5], $0x80, v6, vm6, $0xb8;
	[tilespmem:$0x1C880] =	vst v63  }
0xe5: {  	v2 =	vperm.xlane @p4 v2, v4;
	s9 =	simm.s32 @p4 $0x1080  }
0xe6: {  	[hbm4b:s14+s6] =	stream.indirect_vreg.scatter @p4 [tilespmem:s9], [sflag:$0x5], $0x80, v6, vm6, $0xb8;
	[tilespmem:$0x1C880] =	vst v63  }
0xe7: {  	v2 =	vadd.s32 @p4 v5, v2;
	s9 =	simm.s32 @p4 $0x1880  }
0xe8: {  	[hbm4b:s15+s6] =	stream.indirect_vreg.scatter @p4 [tilespmem:s9], [sflag:$0x5], $0x80, v6, vm6, $0xb8;
	[tilespmem:$0x1C880] =	vst v63  }
0xe9: {  	s9 =	simm.s32 @p4 $0x2080  }
0xea: {  	[hbm4b:s16+s6] =	stream.indirect_vreg.scatter @p4 [tilespmem:s9], [sflag:$0x5], $0x80, v6, vm6, $0xb8;
	[tilespmem:$0x1C880] =	vst v63  }
0xeb: {  	s9 =	simm.s32 @p4 $0x2880  }
0xec: {  	[hbm4b:s3+s6] =	stream.indirect_vreg.scatter @p4 [tilespmem:s9], [sflag:$0x5], $0x80, v2, vm6, $0xb8;
	[tilespmem:$0x1C880] =	vst v63  }
0xed: {  	s9 =	simm.s32 @p4 $0x3080  }
0xee: {  	[hbm4b:s14+s6] =	stream.indirect_vreg.scatter @p4 [tilespmem:s9], [sflag:$0x5], $0x80, v2, vm6, $0xb8;
	[tilespmem:$0x1C880] =	vst v63  }
0xef: {  	s9 =	simm.s32 @p4 $0x3880  }
0xf0: {  	[hbm4b:s15+s6] =	stream.indirect_vreg.scatter @p4 [tilespmem:s9], [sflag:$0x5], $0x80, v2, vm6, $0xb8;
	[tilespmem:$0x1C880] =	vst v63  }
0xf1: {  	s9 =	simm.s32 @p4 $0x4080  }
0xf2: {  	[hbm4b:s16+s6] =	stream.indirect_vreg.scatter @p4 [tilespmem:s9], [sflag:$0x5], $0x80, v2, vm6, $0xb8;
	[tilespmem:$0x1C880] =	vst v63  }
0xf3: {  	v2 =	vld @p4 [tilespmem:$0x110];
	_ =	sdelay $0x4  }
0xf4: {  	v6 =	vshll.u32 @p4 v2, $0x3  }
0xf5: {  	v2 =	vand.u32 @p4 $0x7, v2;
	v6 =	vand.u32 @p4 $0xFFFFFFC0, v6  }
0xf6: {  	v2 =	vor.u32 @p4 v2, v6  }
0xf7: {  	v3 =	vperm.xlane @p4 v2, v3;
	_ =	sdelay $0x1  }
0xf8: {  	v3 =	vadd.s32 @p4 v5, v3;
	_ =	sdelay $0x3  }
0xf9: {  	s9 =	simm.s32 @p4 $0x4880  }
0xfa: {  	[hbm4b:s3+s6] =	stream.indirect_vreg.scatter @p4 [tilespmem:s9], [sflag:$0x5], $0x80, v3, vm6, $0xb8;
	[tilespmem:$0x1C880] =	vst v63  }
0xfb: {  	v2 =	vperm.xlane @p4 v2, v4;
	s9 =	simm.s32 @p4 $0x5080  }
0xfc: {  	[hbm4b:s14+s6] =	stream.indirect_vreg.scatter @p4 [tilespmem:s9], [sflag:$0x5], $0x80, v3, vm6, $0xb8;
	[tilespmem:$0x1C880] =	vst v63  }
0xfd: {  	v2 =	vadd.s32 @p4 v5, v2;
	s9 =	simm.s32 @p4 $0x5880  }
0xfe: {  	[hbm4b:s15+s6] =	stream.indirect_vreg.scatter @p4 [tilespmem:s9], [sflag:$0x5], $0x80, v3, vm6, $0xb8;
	[tilespmem:$0x1C880] =	vst v63  }
0xff: {  	p3 =	sge.s32 s13, s29;
	p6 =	sle.s32 s18, s4;
	s9 =	simm.s32 @p4 $0x6080  }
0x100: {  	[hbm4b:s16+s6] =	stream.indirect_vreg.scatter @p4 [tilespmem:s9], [sflag:$0x5], $0x80, v3, vm6, $0xb8;
	[tilespmem:$0x1C880] =	vst v63  }
0x101: {  	p5 =	por !p3, !p6;
	s9 =	simm.s32 @p4 $0x6880  }
0x102: {  	[hbm4b:s3+s6] =	stream.indirect_vreg.scatter @p4 [tilespmem:s9], [sflag:$0x5], $0x80, v2, vm6, $0xb8;
	[tilespmem:$0x1C880] =	vst v63  }
0x103: {  	p5 =	por !p5, !p5;
	s9 =	simm.s32 @p4 $0x7080  }
0x104: {  	[hbm4b:s14+s6] =	stream.indirect_vreg.scatter @p4 [tilespmem:s9], [sflag:$0x5], $0x80, v2, vm6, $0xb8;
	[tilespmem:$0x1C880] =	vst v63  }
0x105: {  	p5 =	por !p0, !p5;
	s9 =	simm.s32 @p4 $0x7880  }
0x106: {  	[hbm4b:s15+s6] =	stream.indirect_vreg.scatter @p4 [tilespmem:s9], [sflag:$0x5], $0x80, v2, vm6, $0xb8;
	[tilespmem:$0x1C880] =	vst v63  }
0x107: {  	p5 =	por !p5, !p5;
	s9 =	simm.s32 @p4 $0x8080  }
0x108: {  	[hbm4b:s16+s6] =	stream.indirect_vreg.scatter @p4 [tilespmem:s9], [sflag:$0x5], $0x80, v2, vm6, $0xb8;
	[tilespmem:$0x1C880] =	vst v63  }
0x109: {  	v2 =	vld @p5 [tilespmem:$0x180];
	_ =	sdelay $0x4  }
0x10a: {  	v3 =	vshll.u32 @p5 v2, $0x3  }
0x10b: {  	v4 =	vlaneseq.u32 @p5;
	v2 =	vand.u32 @p5 $0x7, v2;
	v3 =	vand.u32 @p5 $0xFFFFFFC0, v3  }
0x10c: {  	v5 =	vshrl.u32 @p5 v4, $0x3;
	v2 =	vor.u32 @p5 v2, v3;
	v3 =	vand.u32 @p5 $0x7, v4  }
0x10d: {  	v5 =	vmul.u32 @p5 $0x8, v5;
	v6 =	vperm.xlane @p5 v2, v3;
	_ =	sdelay $0x1  }
0x10e: {  	v6 =	vadd.s32 @p5 v5, v6;
	_ =	sdelay $0x3  }
0x10f: {  	vm6 =	vmmov @p5 $0xffff;
	s6 =	simm.s32 @p5 $0x0;
	s9 =	simm.s32 @p5 $0x880  }
0x110: {  	v4 =	vor.u32 @p5 $0x8, v4;
	[hbm4b:s3+s6] =	stream.indirect_vreg.scatter @p5 [tilespmem:s9], [sflag:$0x6], $0x80, v6, vm6, $0xb8;
	[tilespmem:$0x1C880] =	vst v63  }
0x111: {  	v2 =	vperm.xlane @p5 v2, v4;
	s9 =	simm.s32 @p5 $0x1080  }
0x112: {  	[hbm4b:s14+s6] =	stream.indirect_vreg.scatter @p5 [tilespmem:s9], [sflag:$0x6], $0x80, v6, vm6, $0xb8;
	[tilespmem:$0x1C880] =	vst v63  }
0x113: {  	v2 =	vadd.s32 @p5 v5, v2;
	s9 =	simm.s32 @p5 $0x1880  }
0x114: {  	[hbm4b:s15+s6] =	stream.indirect_vreg.scatter @p5 [tilespmem:s9], [sflag:$0x6], $0x80, v6, vm6, $0xb8;
	[tilespmem:$0x1C880] =	vst v63  }
0x115: {  	s9 =	simm.s32 @p5 $0x2080  }
0x116: {  	[hbm4b:s16+s6] =	stream.indirect_vreg.scatter @p5 [tilespmem:s9], [sflag:$0x6], $0x80, v6, vm6, $0xb8;
	[tilespmem:$0x1C880] =	vst v63  }
0x117: {  	s9 =	simm.s32 @p5 $0x2880  }
0x118: {  	[hbm4b:s3+s6] =	stream.indirect_vreg.scatter @p5 [tilespmem:s9], [sflag:$0x6], $0x80, v2, vm6, $0xb8;
	[tilespmem:$0x1C880] =	vst v63  }
0x119: {  	s9 =	simm.s32 @p5 $0x3080  }
0x11a: {  	[hbm4b:s14+s6] =	stream.indirect_vreg.scatter @p5 [tilespmem:s9], [sflag:$0x6], $0x80, v2, vm6, $0xb8;
	[tilespmem:$0x1C880] =	vst v63  }
0x11b: {  	s9 =	simm.s32 @p5 $0x3880  }
0x11c: {  	[hbm4b:s15+s6] =	stream.indirect_vreg.scatter @p5 [tilespmem:s9], [sflag:$0x6], $0x80, v2, vm6, $0xb8;
	[tilespmem:$0x1C880] =	vst v63  }
0x11d: {  	s9 =	simm.s32 @p5 $0x4080  }
0x11e: {  	[hbm4b:s16+s6] =	stream.indirect_vreg.scatter @p5 [tilespmem:s9], [sflag:$0x6], $0x80, v2, vm6, $0xb8;
	[tilespmem:$0x1C880] =	vst v63  }
0x11f: {  	v2 =	vld @p5 [tilespmem:$0x190];
	_ =	sdelay $0x4  }
0x120: {  	v6 =	vshll.u32 @p5 v2, $0x3  }
0x121: {  	v2 =	vand.u32 @p5 $0x7, v2;
	v6 =	vand.u32 @p5 $0xFFFFFFC0, v6  }
0x122: {  	v2 =	vor.u32 @p5 v2, v6  }
0x123: {  	v3 =	vperm.xlane @p5 v2, v3;
	_ =	sdelay $0x1  }
0x124: {  	v3 =	vadd.s32 @p5 v5, v3;
	_ =	sdelay $0x3  }
0x125: {  	s9 =	simm.s32 @p5 $0x4880  }
0x126: {  	[hbm4b:s3+s6] =	stream.indirect_vreg.scatter @p5 [tilespmem:s9], [sflag:$0x6], $0x80, v3, vm6, $0xb8;
	[tilespmem:$0x1C880] =	vst v63  }
0x127: {  	v2 =	vperm.xlane @p5 v2, v4;
	s9 =	simm.s32 @p5 $0x5080  }
0x128: {  	[hbm4b:s14+s6] =	stream.indirect_vreg.scatter @p5 [tilespmem:s9], [sflag:$0x6], $0x80, v3, vm6, $0xb8;
	[tilespmem:$0x1C880] =	vst v63  }
0x129: {  	v2 =	vadd.s32 @p5 v5, v2;
	s9 =	simm.s32 @p5 $0x5880  }
0x12a: {  	[hbm4b:s15+s6] =	stream.indirect_vreg.scatter @p5 [tilespmem:s9], [sflag:$0x6], $0x80, v3, vm6, $0xb8;
	[tilespmem:$0x1C880] =	vst v63  }
0x12b: {  	p6 =	sge.s32 s13, s28;
	p3 =	sle.s32 s18, s0;
	s9 =	simm.s32 @p5 $0x6080  }
0x12c: {  	[hbm4b:s16+s6] =	stream.indirect_vreg.scatter @p5 [tilespmem:s9], [sflag:$0x6], $0x80, v3, vm6, $0xb8;
	[tilespmem:$0x1C880] =	vst v63  }
0x12d: {  	p3 =	por !p6, !p3;
	s9 =	simm.s32 @p5 $0x6880  }
0x12e: {  	[hbm4b:s3+s6] =	stream.indirect_vreg.scatter @p5 [tilespmem:s9], [sflag:$0x6], $0x80, v2, vm6, $0xb8;
	[tilespmem:$0x1C880] =	vst v63  }
0x12f: {  	p3 =	por !p3, !p3;
	s9 =	simm.s32 @p5 $0x7080  }
0x130: {  	[hbm4b:s14+s6] =	stream.indirect_vreg.scatter @p5 [tilespmem:s9], [sflag:$0x6], $0x80, v2, vm6, $0xb8;
	[tilespmem:$0x1C880] =	vst v63  }
0x131: {  	p3 =	por !p0, !p3;
	s9 =	simm.s32 @p5 $0x7880  }
0x132: {  	[hbm4b:s15+s6] =	stream.indirect_vreg.scatter @p5 [tilespmem:s9], [sflag:$0x6], $0x80, v2, vm6, $0xb8;
	[tilespmem:$0x1C880] =	vst v63  }
0x133: {  	p0 =	por !p3, !p3;
	s9 =	simm.s32 @p5 $0x8080  }
0x134: {  	[hbm4b:s16+s6] =	stream.indirect_vreg.scatter @p5 [tilespmem:s9], [sflag:$0x6], $0x80, v2, vm6, $0xb8;
	[tilespmem:$0x1C880] =	vst v63  }
0x135: {  	v2 =	vld @p0 [tilespmem:$0x200];
	_ =	sdelay $0x4  }
0x136: {  	v3 =	vshll.u32 @p0 v2, $0x3  }
0x137: {  	v4 =	vlaneseq.u32 @p0;
	v2 =	vand.u32 @p0 $0x7, v2;
	v3 =	vand.u32 @p0 $0xFFFFFFC0, v3  }
0x138: {  	v5 =	vshrl.u32 @p0 v4, $0x3;
	v2 =	vor.u32 @p0 v2, v3;
	v3 =	vand.u32 @p0 $0x7, v4  }
0x139: {  	v5 =	vmul.u32 @p0 $0x8, v5;
	v6 =	vperm.xlane @p0 v2, v3;
	_ =	sdelay $0x1  }
0x13a: {  	v6 =	vadd.s32 @p0 v5, v6;
	_ =	sdelay $0x3  }
0x13b: {  	vm6 =	vmmov @p0 $0xffff;
	s6 =	simm.s32 @p0 $0x0;
	s9 =	simm.s32 @p0 $0x880  }
0x13c: {  	v4 =	vor.u32 @p0 $0x8, v4;
	[hbm4b:s3+s6] =	stream.indirect_vreg.scatter @p0 [tilespmem:s9], [sflag:$0x7], $0x80, v6, vm6, $0xb8;
	[tilespmem:$0x1C880] =	vst v63  }
0x13d: {  	v2 =	vperm.xlane @p0 v2, v4;
	s9 =	simm.s32 @p0 $0x1080  }
0x13e: {  	[hbm4b:s14+s6] =	stream.indirect_vreg.scatter @p0 [tilespmem:s9], [sflag:$0x7], $0x80, v6, vm6, $0xb8;
	[tilespmem:$0x1C880] =	vst v63  }
0x13f: {  	v2 =	vadd.s32 @p0 v5, v2;
	s9 =	simm.s32 @p0 $0x1880  }
0x140: {  	[hbm4b:s15+s6] =	stream.indirect_vreg.scatter @p0 [tilespmem:s9], [sflag:$0x7], $0x80, v6, vm6, $0xb8;
	[tilespmem:$0x1C880] =	vst v63  }
0x141: {  	s9 =	simm.s32 @p0 $0x2080  }
0x142: {  	[hbm4b:s16+s6] =	stream.indirect_vreg.scatter @p0 [tilespmem:s9], [sflag:$0x7], $0x80, v6, vm6, $0xb8;
	[tilespmem:$0x1C880] =	vst v63  }
0x143: {  	s9 =	simm.s32 @p0 $0x2880  }
0x144: {  	[hbm4b:s3+s6] =	stream.indirect_vreg.scatter @p0 [tilespmem:s9], [sflag:$0x7], $0x80, v2, vm6, $0xb8;
	[tilespmem:$0x1C880] =	vst v63  }
0x145: {  	s9 =	simm.s32 @p0 $0x3080  }
0x146: {  	[hbm4b:s14+s6] =	stream.indirect_vreg.scatter @p0 [tilespmem:s9], [sflag:$0x7], $0x80, v2, vm6, $0xb8;
	[tilespmem:$0x1C880] =	vst v63  }
0x147: {  	s9 =	simm.s32 @p0 $0x3880  }
0x148: {  	[hbm4b:s15+s6] =	stream.indirect_vreg.scatter @p0 [tilespmem:s9], [sflag:$0x7], $0x80, v2, vm6, $0xb8;
	[tilespmem:$0x1C880] =	vst v63  }
0x149: {  	s9 =	simm.s32 @p0 $0x4080  }
0x14a: {  	[hbm4b:s16+s6] =	stream.indirect_vreg.scatter @p0 [tilespmem:s9], [sflag:$0x7], $0x80, v2, vm6, $0xb8;
	[tilespmem:$0x1C880] =	vst v63  }
0x14b: {  	v2 =	vld @p0 [tilespmem:$0x210];
	_ =	sdelay $0x4  }
0x14c: {  	v6 =	vshll.u32 @p0 v2, $0x3  }
0x14d: {  	v2 =	vand.u32 @p0 $0x7, v2;
	v6 =	vand.u32 @p0 $0xFFFFFFC0, v6  }
0x14e: {  	v2 =	vor.u32 @p0 v2, v6  }
0x14f: {  	v3 =	vperm.xlane @p0 v2, v3;
	_ =	sdelay $0x1  }
0x150: {  	v3 =	vadd.s32 @p0 v5, v3;
	_ =	sdelay $0x3  }
0x151: {  	s9 =	simm.s32 @p0 $0x4880  }
0x152: {  	[hbm4b:s3+s6] =	stream.indirect_vreg.scatter @p0 [tilespmem:s9], [sflag:$0x7], $0x80, v3, vm6, $0xb8;
	[tilespmem:$0x1C880] =	vst v63  }
0x153: {  	v2 =	vperm.xlane @p0 v2, v4;
	s9 =	simm.s32 @p0 $0x5080  }
0x154: {  	[hbm4b:s14+s6] =	stream.indirect_vreg.scatter @p0 [tilespmem:s9], [sflag:$0x7], $0x80, v3, vm6, $0xb8;
	[tilespmem:$0x1C880] =	vst v63  }
0x155: {  	v2 =	vadd.s32 @p0 v5, v2;
	s9 =	simm.s32 @p0 $0x5880  }
0x156: {  	[hbm4b:s15+s6] =	stream.indirect_vreg.scatter @p0 [tilespmem:s9], [sflag:$0x7], $0x80, v3, vm6, $0xb8;
	[tilespmem:$0x1C880] =	vst v63  }
0x157: {  	s9 =	simm.s32 @p0 $0x6080  }
0x158: {  	[hbm4b:s16+s6] =	stream.indirect_vreg.scatter @p0 [tilespmem:s9], [sflag:$0x7], $0x80, v3, vm6, $0xb8;
	[tilespmem:$0x1C880] =	vst v63  }
0x159: {  	s9 =	simm.s32 @p0 $0x6880  }
0x15a: {  	[hbm4b:s3+s6] =	stream.indirect_vreg.scatter @p0 [tilespmem:s9], [sflag:$0x7], $0x80, v2, vm6, $0xb8;
	[tilespmem:$0x1C880] =	vst v63  }
0x15b: {  	s9 =	simm.s32 @p0 $0x7080  }
0x15c: {  	[hbm4b:s14+s6] =	stream.indirect_vreg.scatter @p0 [tilespmem:s9], [sflag:$0x7], $0x80, v2, vm6, $0xb8;
	[tilespmem:$0x1C880] =	vst v63  }
0x15d: {  	s9 =	simm.s32 @p0 $0x7880  }
0x15e: {  	[hbm4b:s15+s6] =	stream.indirect_vreg.scatter @p0 [tilespmem:s9], [sflag:$0x7], $0x80, v2, vm6, $0xb8;
	[tilespmem:$0x1C880] =	vst v63  }
0x15f: {  	s9 =	simm.s32 @p0 $0x8080  }
0x160: {  	[hbm4b:s16+s6] =	stream.indirect_vreg.scatter @p0 [tilespmem:s9], [sflag:$0x7], $0x80, v2, vm6, $0xb8;
	[tilespmem:$0x1C880] =	vst v63  }
0x161: {  	s6 =	simm.s32 @p1 $0x4  }
0x162: {  	_ =	swait.ge @p1 [sflag:s6], $0x8000  }
0x163: {  	[sflag:s6] =	ssyncset.done @p1 $0x0  }
0x164: {  	[sflag:s6] =	ssyncadd.s32 @p1 $0xFFFF8000;
	s6 =	simm.s32 @p4 $0x5  }
0x165: {  	_ =	swait.ge @p4 [sflag:s6], $0x8000  }
0x166: {  	[sflag:s6] =	ssyncset.done @p4 $0x0  }
0x167: {  	[sflag:s6] =	ssyncadd.s32 @p4 $0xFFFF8000;
	s6 =	simm.s32 @p5 $0x6  }
0x168: {  	_ =	swait.ge @p5 [sflag:s6], $0x8000  }
0x169: {  	s23 =	rddreg [dreg:$0x8]  }
.Ltmp3:
0x16a: {  	[sflag:s6] =	ssyncset.done @p5 $0x0;
	s13 =	sadd.s32 s23, s11;
	(pc) =	sbr.rel .LBB2_4-.Ltmp3, $4  }
0x16b: {  	[sflag:s6] =	ssyncadd.s32 @p5 $0xFFFF8000;
	s6 =	simm.s32 @p0 $0x7;
	s18 =	sadd.s32 $0x20, s13  }
0x16c: {  	p6 =	slt.s32 s13, s12;
	_ =	swait.ge @p0 [sflag:s6], $0x8000;
	p5 =	slt.s32 s18, $0x2001  }
0x16d: {  	[sflag:s6] =	ssyncset.done @p0 $0x0;
	p1 =	por !p6, !p5  }
0x16e: {  	[sflag:s6] =	ssyncadd.s32 @p0 $0xFFFF8000;
	p1 =	por !p1, !p1  }
.LBB2_2:
0x16f: {  	s6 =	rddreg [dreg:$0x8]  }
0x170: {  	s13 =	sadd.s32 s6, s11  }
0x171: {  	s18 =	sadd.s32 $0x20, s13  }
0x172: {  	p1 =	slt.s32 s13, s12;
	p0 =	slt.s32 s18, $0x2001  }
0x173: {  	p0 =	por !p1, !p0  }
0x174: {  	p1 =	por !p0, !p0  }
.LBB2_4:
0x175: {  	s6 =	ssub.s32 s13, s31  }
0x176: {  	s9 =	ssub.s32 s13, s30;
	v2 =	vadd.s32 s6, v1;
	s6 =	sadd.s32 $0x10, s6  }
0x177: {  	s23 =	sadd.s32 $0x1000, s9;
	[tilespmem:$0x80] =	vst v2;
	v2 =	vadd.s32 s6, v1  }
0x178: {  	[tilespmem:$0x90] =	vst v2;
	v2 =	vadd.s32 s23, v1;
	s23 =	sadd.s32 $0x1010, s9;
	s9 =	ssub.s32 s13, s29  }
0x179: {  	[tilespmem:$0x100] =	vst v2;
	v2 =	vadd.s32 s23, v1;
	s23 =	sadd.s32 $0x2000, s9  }
0x17a: {  	[tilespmem:$0x110] =	vst v2;
	v2 =	vadd.s32 s23, v1;
	s23 =	sadd.s32 $0x2010, s9;
	s9 =	ssub.s32 s13, s28  }
0x17b: {  	[tilespmem:$0x180] =	vst v2;
	v2 =	vadd.s32 s23, v1;
	s23 =	sadd.s32 $0x3000, s9  }
0x17c: {  	[tilespmem:$0x190] =	vst v2;
	v2 =	vadd.s32 s23, v1;
	s23 =	sadd.s32 $0x3010, s9  }
0x17d: {  	[tilespmem:$0x200] =	vst v2;
	v2 =	vadd.s32 s23, v1  }
.Ltmp4:
0x17e: {  	[tilespmem:$0x210] =	vst v2;
	[smem:$0x7FA] =	sst s0;
	s0 =	simm.s32 @!p1 $0x0;
	(pc) =	sbr.rel @!p2 .LBB2_5-.Ltmp4, $4  }
0x17f: {  	s6 =	sshll.u32 @p1 s13, $0x7;
	s0 =	simm.s32 @p1 $0x1  }
0x180: {  	s6 =	sadd.s32 @p1 s2, s6;
	[smem:$0x7FB] =	sst s0  }
0x181: {  	s9 =	simm.s32 @p1 $0x0;
	s23 =	simm.s32 @p1 $0x880;
	s0 =	sld [smem:$0x7FA]  }
0x182: {  	[tilespmem:s23], [sflag:$0x1] =	stream.linear.gather @p1 [hbm4b:s6+s9], $0x8000, $0x38;
	[tilespmem:$0x1C880] =	vst v63  }
0x183: {  	p0 =	sge.s32 s17, s31;
	p3 =	sle.s32 s19, s5  }
0x184: {  	p0 =	por !p0, !p3  }
0x185: {  	_ =	swait.ge [sflag:s25], $0x8000;
	p0 =	por !p0, !p0  }
0x186: {  	[sflag:s25] =	ssyncset.done $0x0;
	p0 =	por !p2, !p0  }
0x187: {  	[sflag:s25] =	ssyncadd.s32 $0xFFFF8000;
	p0 =	por !p0, !p0  }
0x188: {  	v2 =	vld @p0 [tilespmem:$0x280];
	_ =	sdelay $0x4  }
0x189: {  	v3 =	vshll.u32 @p0 v2, $0x3  }
0x18a: {  	v4 =	vlaneseq.u32 @p0;
	v2 =	vand.u32 @p0 $0x7, v2;
	v3 =	vand.u32 @p0 $0xFFFFFFC0, v3  }
0x18b: {  	v5 =	vshrl.u32 @p0 v4, $0x3;
	v2 =	vor.u32 @p0 v2, v3;
	v3 =	vand.u32 @p0 $0x7, v4  }
0x18c: {  	v5 =	vmul.u32 @p0 $0x8, v5;
	v6 =	vperm.xlane @p0 v2, v3;
	_ =	sdelay $0x1  }
0x18d: {  	v6 =	vadd.s32 @p0 v5, v6;
	_ =	sdelay $0x3  }
0x18e: {  	vm6 =	vmmov @p0 $0xffff;
	s6 =	simm.s32 @p0 $0x0;
	s9 =	simm.s32 @p0 $0x8880  }
0x18f: {  	v4 =	vor.u32 @p0 $0x8, v4;
	[hbm4b:s3+s6] =	stream.indirect_vreg.scatter @p0 [tilespmem:s9], [sflag:$0x8], $0x80, v6, vm6, $0xb8;
	[tilespmem:$0x1C880] =	vst v63  }
0x190: {  	v2 =	vperm.xlane @p0 v2, v4;
	s9 =	simm.s32 @p0 $0x9080  }
0x191: {  	[hbm4b:s14+s6] =	stream.indirect_vreg.scatter @p0 [tilespmem:s9], [sflag:$0x8], $0x80, v6, vm6, $0xb8;
	[tilespmem:$0x1C880] =	vst v63  }
0x192: {  	v2 =	vadd.s32 @p0 v5, v2;
	s9 =	simm.s32 @p0 $0x9880  }
0x193: {  	[hbm4b:s15+s6] =	stream.indirect_vreg.scatter @p0 [tilespmem:s9], [sflag:$0x8], $0x80, v6, vm6, $0xb8;
	[tilespmem:$0x1C880] =	vst v63  }
0x194: {  	s9 =	simm.s32 @p0 $0xA080  }
0x195: {  	[hbm4b:s16+s6] =	stream.indirect_vreg.scatter @p0 [tilespmem:s9], [sflag:$0x8], $0x80, v6, vm6, $0xb8;
	[tilespmem:$0x1C880] =	vst v63  }
0x196: {  	s9 =	simm.s32 @p0 $0xA880  }
0x197: {  	[hbm4b:s3+s6] =	stream.indirect_vreg.scatter @p0 [tilespmem:s9], [sflag:$0x8], $0x80, v2, vm6, $0xb8;
	[tilespmem:$0x1C880] =	vst v63  }
0x198: {  	s9 =	simm.s32 @p0 $0xB080  }
0x199: {  	[hbm4b:s14+s6] =	stream.indirect_vreg.scatter @p0 [tilespmem:s9], [sflag:$0x8], $0x80, v2, vm6, $0xb8;
	[tilespmem:$0x1C880] =	vst v63  }
0x19a: {  	s9 =	simm.s32 @p0 $0xB880  }
0x19b: {  	[hbm4b:s15+s6] =	stream.indirect_vreg.scatter @p0 [tilespmem:s9], [sflag:$0x8], $0x80, v2, vm6, $0xb8;
	[tilespmem:$0x1C880] =	vst v63  }
0x19c: {  	s9 =	simm.s32 @p0 $0xC080  }
0x19d: {  	[hbm4b:s16+s6] =	stream.indirect_vreg.scatter @p0 [tilespmem:s9], [sflag:$0x8], $0x80, v2, vm6, $0xb8;
	[tilespmem:$0x1C880] =	vst v63  }
0x19e: {  	v2 =	vld @p0 [tilespmem:$0x290];
	_ =	sdelay $0x4  }
0x19f: {  	v6 =	vshll.u32 @p0 v2, $0x3  }
0x1a0: {  	v2 =	vand.u32 @p0 $0x7, v2;
	v6 =	vand.u32 @p0 $0xFFFFFFC0, v6  }
0x1a1: {  	v2 =	vor.u32 @p0 v2, v6  }
0x1a2: {  	v3 =	vperm.xlane @p0 v2, v3;
	_ =	sdelay $0x1  }
0x1a3: {  	v3 =	vadd.s32 @p0 v5, v3;
	_ =	sdelay $0x3  }
0x1a4: {  	s9 =	simm.s32 @p0 $0xC880  }
0x1a5: {  	[hbm4b:s3+s6] =	stream.indirect_vreg.scatter @p0 [tilespmem:s9], [sflag:$0x8], $0x80, v3, vm6, $0xb8;
	[tilespmem:$0x1C880] =	vst v63  }
0x1a6: {  	v2 =	vperm.xlane @p0 v2, v4;
	s9 =	simm.s32 @p0 $0xD080  }
0x1a7: {  	[hbm4b:s14+s6] =	stream.indirect_vreg.scatter @p0 [tilespmem:s9], [sflag:$0x8], $0x80, v3, vm6, $0xb8;
	[tilespmem:$0x1C880] =	vst v63  }
0x1a8: {  	v2 =	vadd.s32 @p0 v5, v2;
	s9 =	simm.s32 @p0 $0xD880  }
0x1a9: {  	[hbm4b:s15+s6] =	stream.indirect_vreg.scatter @p0 [tilespmem:s9], [sflag:$0x8], $0x80, v3, vm6, $0xb8;
	[tilespmem:$0x1C880] =	vst v63  }
0x1aa: {  	p5 =	sge.s32 s17, s30;
	p4 =	sle.s32 s19, s1;
	s9 =	simm.s32 @p0 $0xE080  }
0x1ab: {  	[hbm4b:s16+s6] =	stream.indirect_vreg.scatter @p0 [tilespmem:s9], [sflag:$0x8], $0x80, v3, vm6, $0xb8;
	[tilespmem:$0x1C880] =	vst v63  }
0x1ac: {  	p3 =	por !p5, !p4;
	s9 =	simm.s32 @p0 $0xE880  }
0x1ad: {  	[hbm4b:s3+s6] =	stream.indirect_vreg.scatter @p0 [tilespmem:s9], [sflag:$0x8], $0x80, v2, vm6, $0xb8;
	[tilespmem:$0x1C880] =	vst v63  }
0x1ae: {  	p3 =	por !p3, !p3;
	s9 =	simm.s32 @p0 $0xF080  }
0x1af: {  	[hbm4b:s14+s6] =	stream.indirect_vreg.scatter @p0 [tilespmem:s9], [sflag:$0x8], $0x80, v2, vm6, $0xb8;
	[tilespmem:$0x1C880] =	vst v63  }
0x1b0: {  	p3 =	por !p2, !p3;
	s9 =	simm.s32 @p0 $0xF880  }
0x1b1: {  	[hbm4b:s15+s6] =	stream.indirect_vreg.scatter @p0 [tilespmem:s9], [sflag:$0x8], $0x80, v2, vm6, $0xb8;
	[tilespmem:$0x1C880] =	vst v63  }
0x1b2: {  	p4 =	por !p3, !p3;
	s9 =	simm.s32 @p0 $0x10080  }
0x1b3: {  	[hbm4b:s16+s6] =	stream.indirect_vreg.scatter @p0 [tilespmem:s9], [sflag:$0x8], $0x80, v2, vm6, $0xb8;
	[tilespmem:$0x1C880] =	vst v63  }
0x1b4: {  	v2 =	vld @p4 [tilespmem:$0x300];
	_ =	sdelay $0x4  }
0x1b5: {  	v3 =	vshll.u32 @p4 v2, $0x3  }
0x1b6: {  	v4 =	vlaneseq.u32 @p4;
	v2 =	vand.u32 @p4 $0x7, v2;
	v3 =	vand.u32 @p4 $0xFFFFFFC0, v3  }
0x1b7: {  	v5 =	vshrl.u32 @p4 v4, $0x3;
	v2 =	vor.u32 @p4 v2, v3;
	v3 =	vand.u32 @p4 $0x7, v4  }
0x1b8: {  	v5 =	vmul.u32 @p4 $0x8, v5;
	v6 =	vperm.xlane @p4 v2, v3;
	_ =	sdelay $0x1  }
0x1b9: {  	v6 =	vadd.s32 @p4 v5, v6;
	_ =	sdelay $0x3  }
0x1ba: {  	vm6 =	vmmov @p4 $0xffff;
	s6 =	simm.s32 @p4 $0x0;
	s9 =	simm.s32 @p4 $0x8880  }
0x1bb: {  	v4 =	vor.u32 @p4 $0x8, v4;
	[hbm4b:s3+s6] =	stream.indirect_vreg.scatter @p4 [tilespmem:s9], [sflag:$0x9], $0x80, v6, vm6, $0xb8;
	[tilespmem:$0x1C880] =	vst v63  }
0x1bc: {  	v2 =	vperm.xlane @p4 v2, v4;
	s9 =	simm.s32 @p4 $0x9080  }
0x1bd: {  	[hbm4b:s14+s6] =	stream.indirect_vreg.scatter @p4 [tilespmem:s9], [sflag:$0x9], $0x80, v6, vm6, $0xb8;
	[tilespmem:$0x1C880] =	vst v63  }
0x1be: {  	v2 =	vadd.s32 @p4 v5, v2;
	s9 =	simm.s32 @p4 $0x9880  }
0x1bf: {  	[hbm4b:s15+s6] =	stream.indirect_vreg.scatter @p4 [tilespmem:s9], [sflag:$0x9], $0x80, v6, vm6, $0xb8;
	[tilespmem:$0x1C880] =	vst v63  }
0x1c0: {  	s9 =	simm.s32 @p4 $0xA080  }
0x1c1: {  	[hbm4b:s16+s6] =	stream.indirect_vreg.scatter @p4 [tilespmem:s9], [sflag:$0x9], $0x80, v6, vm6, $0xb8;
	[tilespmem:$0x1C880] =	vst v63  }
0x1c2: {  	s9 =	simm.s32 @p4 $0xA880  }
0x1c3: {  	[hbm4b:s3+s6] =	stream.indirect_vreg.scatter @p4 [tilespmem:s9], [sflag:$0x9], $0x80, v2, vm6, $0xb8;
	[tilespmem:$0x1C880] =	vst v63  }
0x1c4: {  	s9 =	simm.s32 @p4 $0xB080  }
0x1c5: {  	[hbm4b:s14+s6] =	stream.indirect_vreg.scatter @p4 [tilespmem:s9], [sflag:$0x9], $0x80, v2, vm6, $0xb8;
	[tilespmem:$0x1C880] =	vst v63  }
0x1c6: {  	s9 =	simm.s32 @p4 $0xB880  }
0x1c7: {  	[hbm4b:s15+s6] =	stream.indirect_vreg.scatter @p4 [tilespmem:s9], [sflag:$0x9], $0x80, v2, vm6, $0xb8;
	[tilespmem:$0x1C880] =	vst v63  }
0x1c8: {  	s9 =	simm.s32 @p4 $0xC080  }
0x1c9: {  	[hbm4b:s16+s6] =	stream.indirect_vreg.scatter @p4 [tilespmem:s9], [sflag:$0x9], $0x80, v2, vm6, $0xb8;
	[tilespmem:$0x1C880] =	vst v63  }
0x1ca: {  	v2 =	vld @p4 [tilespmem:$0x310];
	_ =	sdelay $0x4  }
0x1cb: {  	v6 =	vshll.u32 @p4 v2, $0x3  }
0x1cc: {  	v2 =	vand.u32 @p4 $0x7, v2;
	v6 =	vand.u32 @p4 $0xFFFFFFC0, v6  }
0x1cd: {  	v2 =	vor.u32 @p4 v2, v6  }
0x1ce: {  	v3 =	vperm.xlane @p4 v2, v3;
	_ =	sdelay $0x1  }
0x1cf: {  	v3 =	vadd.s32 @p4 v5, v3;
	_ =	sdelay $0x3  }
0x1d0: {  	s9 =	simm.s32 @p4 $0xC880  }
0x1d1: {  	[hbm4b:s3+s6] =	stream.indirect_vreg.scatter @p4 [tilespmem:s9], [sflag:$0x9], $0x80, v3, vm6, $0xb8;
	[tilespmem:$0x1C880] =	vst v63  }
0x1d2: {  	v2 =	vperm.xlane @p4 v2, v4;
	s9 =	simm.s32 @p4 $0xD080  }
0x1d3: {  	[hbm4b:s14+s6] =	stream.indirect_vreg.scatter @p4 [tilespmem:s9], [sflag:$0x9], $0x80, v3, vm6, $0xb8;
	[tilespmem:$0x1C880] =	vst v63  }
0x1d4: {  	v2 =	vadd.s32 @p4 v5, v2;
	s9 =	simm.s32 @p4 $0xD880  }
0x1d5: {  	[hbm4b:s15+s6] =	stream.indirect_vreg.scatter @p4 [tilespmem:s9], [sflag:$0x9], $0x80, v3, vm6, $0xb8;
	[tilespmem:$0x1C880] =	vst v63  }
0x1d6: {  	p6 =	sge.s32 s17, s29;
	p5 =	sle.s32 s19, s4;
	s9 =	simm.s32 @p4 $0xE080  }
0x1d7: {  	[hbm4b:s16+s6] =	stream.indirect_vreg.scatter @p4 [tilespmem:s9], [sflag:$0x9], $0x80, v3, vm6, $0xb8;
	[tilespmem:$0x1C880] =	vst v63  }
0x1d8: {  	p3 =	por !p6, !p5;
	s9 =	simm.s32 @p4 $0xE880  }
0x1d9: {  	[hbm4b:s3+s6] =	stream.indirect_vreg.scatter @p4 [tilespmem:s9], [sflag:$0x9], $0x80, v2, vm6, $0xb8;
	[tilespmem:$0x1C880] =	vst v63  }
0x1da: {  	p3 =	por !p3, !p3;
	s9 =	simm.s32 @p4 $0xF080  }
0x1db: {  	[hbm4b:s14+s6] =	stream.indirect_vreg.scatter @p4 [tilespmem:s9], [sflag:$0x9], $0x80, v2, vm6, $0xb8;
	[tilespmem:$0x1C880] =	vst v63  }
0x1dc: {  	p3 =	por !p2, !p3;
	s9 =	simm.s32 @p4 $0xF880  }
0x1dd: {  	[hbm4b:s15+s6] =	stream.indirect_vreg.scatter @p4 [tilespmem:s9], [sflag:$0x9], $0x80, v2, vm6, $0xb8;
	[tilespmem:$0x1C880] =	vst v63  }
0x1de: {  	p5 =	por !p3, !p3;
	s9 =	simm.s32 @p4 $0x10080  }
0x1df: {  	[hbm4b:s16+s6] =	stream.indirect_vreg.scatter @p4 [tilespmem:s9], [sflag:$0x9], $0x80, v2, vm6, $0xb8;
	[tilespmem:$0x1C880] =	vst v63  }
0x1e0: {  	v2 =	vld @p5 [tilespmem:$0x380];
	_ =	sdelay $0x4  }
0x1e1: {  	v3 =	vshll.u32 @p5 v2, $0x3  }
0x1e2: {  	v4 =	vlaneseq.u32 @p5;
	v2 =	vand.u32 @p5 $0x7, v2;
	v3 =	vand.u32 @p5 $0xFFFFFFC0, v3  }
0x1e3: {  	v5 =	vshrl.u32 @p5 v4, $0x3;
	v2 =	vor.u32 @p5 v2, v3;
	v3 =	vand.u32 @p5 $0x7, v4  }
0x1e4: {  	v5 =	vmul.u32 @p5 $0x8, v5;
	v6 =	vperm.xlane @p5 v2, v3;
	_ =	sdelay $0x1  }
0x1e5: {  	v6 =	vadd.s32 @p5 v5, v6;
	_ =	sdelay $0x3  }
0x1e6: {  	vm6 =	vmmov @p5 $0xffff;
	s6 =	simm.s32 @p5 $0x0;
	s9 =	simm.s32 @p5 $0x8880  }
0x1e7: {  	v4 =	vor.u32 @p5 $0x8, v4;
	[hbm4b:s3+s6] =	stream.indirect_vreg.scatter @p5 [tilespmem:s9], [sflag:$0xA], $0x80, v6, vm6, $0xb8;
	[tilespmem:$0x1C880] =	vst v63  }
0x1e8: {  	v2 =	vperm.xlane @p5 v2, v4;
	s9 =	simm.s32 @p5 $0x9080  }
0x1e9: {  	[hbm4b:s14+s6] =	stream.indirect_vreg.scatter @p5 [tilespmem:s9], [sflag:$0xA], $0x80, v6, vm6, $0xb8;
	[tilespmem:$0x1C880] =	vst v63  }
0x1ea: {  	v2 =	vadd.s32 @p5 v5, v2;
	s9 =	simm.s32 @p5 $0x9880  }
0x1eb: {  	[hbm4b:s15+s6] =	stream.indirect_vreg.scatter @p5 [tilespmem:s9], [sflag:$0xA], $0x80, v6, vm6, $0xb8;
	[tilespmem:$0x1C880] =	vst v63  }
0x1ec: {  	s9 =	simm.s32 @p5 $0xA080  }
0x1ed: {  	[hbm4b:s16+s6] =	stream.indirect_vreg.scatter @p5 [tilespmem:s9], [sflag:$0xA], $0x80, v6, vm6, $0xb8;
	[tilespmem:$0x1C880] =	vst v63  }
0x1ee: {  	s9 =	simm.s32 @p5 $0xA880  }
0x1ef: {  	[hbm4b:s3+s6] =	stream.indirect_vreg.scatter @p5 [tilespmem:s9], [sflag:$0xA], $0x80, v2, vm6, $0xb8;
	[tilespmem:$0x1C880] =	vst v63  }
0x1f0: {  	s9 =	simm.s32 @p5 $0xB080  }
0x1f1: {  	[hbm4b:s14+s6] =	stream.indirect_vreg.scatter @p5 [tilespmem:s9], [sflag:$0xA], $0x80, v2, vm6, $0xb8;
	[tilespmem:$0x1C880] =	vst v63  }
0x1f2: {  	s9 =	simm.s32 @p5 $0xB880  }
0x1f3: {  	[hbm4b:s15+s6] =	stream.indirect_vreg.scatter @p5 [tilespmem:s9], [sflag:$0xA], $0x80, v2, vm6, $0xb8;
	[tilespmem:$0x1C880] =	vst v63  }
0x1f4: {  	s9 =	simm.s32 @p5 $0xC080  }
0x1f5: {  	[hbm4b:s16+s6] =	stream.indirect_vreg.scatter @p5 [tilespmem:s9], [sflag:$0xA], $0x80, v2, vm6, $0xb8;
	[tilespmem:$0x1C880] =	vst v63  }
0x1f6: {  	v2 =	vld @p5 [tilespmem:$0x390];
	_ =	sdelay $0x4  }
0x1f7: {  	v6 =	vshll.u32 @p5 v2, $0x3  }
0x1f8: {  	v2 =	vand.u32 @p5 $0x7, v2;
	v6 =	vand.u32 @p5 $0xFFFFFFC0, v6  }
0x1f9: {  	v2 =	vor.u32 @p5 v2, v6  }
0x1fa: {  	v3 =	vperm.xlane @p5 v2, v3;
	_ =	sdelay $0x1  }
0x1fb: {  	v3 =	vadd.s32 @p5 v5, v3;
	_ =	sdelay $0x3  }
0x1fc: {  	s9 =	simm.s32 @p5 $0xC880  }
0x1fd: {  	[hbm4b:s3+s6] =	stream.indirect_vreg.scatter @p5 [tilespmem:s9], [sflag:$0xA], $0x80, v3, vm6, $0xb8;
	[tilespmem:$0x1C880] =	vst v63  }
0x1fe: {  	v2 =	vperm.xlane @p5 v2, v4;
	s9 =	simm.s32 @p5 $0xD080  }
0x1ff: {  	[hbm4b:s14+s6] =	stream.indirect_vreg.scatter @p5 [tilespmem:s9], [sflag:$0xA], $0x80, v3, vm6, $0xb8;
	[tilespmem:$0x1C880] =	vst v63  }
0x200: {  	v2 =	vadd.s32 @p5 v5, v2;
	s9 =	simm.s32 @p5 $0xD880  }
0x201: {  	[hbm4b:s15+s6] =	stream.indirect_vreg.scatter @p5 [tilespmem:s9], [sflag:$0xA], $0x80, v3, vm6, $0xb8;
	[tilespmem:$0x1C880] =	vst v63  }
0x202: {  	p1 =	sge.s32 s17, s28;
	p6 =	sle.s32 s19, s0;
	s9 =	simm.s32 @p5 $0xE080  }
0x203: {  	[hbm4b:s16+s6] =	stream.indirect_vreg.scatter @p5 [tilespmem:s9], [sflag:$0xA], $0x80, v3, vm6, $0xb8;
	[tilespmem:$0x1C880] =	vst v63  }
0x204: {  	p3 =	por !p1, !p6;
	s9 =	simm.s32 @p5 $0xE880  }
0x205: {  	[hbm4b:s3+s6] =	stream.indirect_vreg.scatter @p5 [tilespmem:s9], [sflag:$0xA], $0x80, v2, vm6, $0xb8;
	[tilespmem:$0x1C880] =	vst v63  }
0x206: {  	p3 =	por !p3, !p3;
	s9 =	simm.s32 @p5 $0xF080  }
0x207: {  	[hbm4b:s14+s6] =	stream.indirect_vreg.scatter @p5 [tilespmem:s9], [sflag:$0xA], $0x80, v2, vm6, $0xb8;
	[tilespmem:$0x1C880] =	vst v63  }
0x208: {  	p3 =	por !p2, !p3;
	s9 =	simm.s32 @p5 $0xF880  }
0x209: {  	[hbm4b:s15+s6] =	stream.indirect_vreg.scatter @p5 [tilespmem:s9], [sflag:$0xA], $0x80, v2, vm6, $0xb8;
	[tilespmem:$0x1C880] =	vst v63  }
0x20a: {  	p6 =	por !p3, !p3;
	s9 =	simm.s32 @p5 $0x10080  }
0x20b: {  	[hbm4b:s16+s6] =	stream.indirect_vreg.scatter @p5 [tilespmem:s9], [sflag:$0xA], $0x80, v2, vm6, $0xb8;
	[tilespmem:$0x1C880] =	vst v63  }
0x20c: {  	v2 =	vld @p6 [tilespmem:$0x400];
	_ =	sdelay $0x4  }
0x20d: {  	v3 =	vshll.u32 @p6 v2, $0x3  }
0x20e: {  	v4 =	vlaneseq.u32 @p6;
	v2 =	vand.u32 @p6 $0x7, v2;
	v3 =	vand.u32 @p6 $0xFFFFFFC0, v3  }
0x20f: {  	v5 =	vshrl.u32 @p6 v4, $0x3;
	v2 =	vor.u32 @p6 v2, v3;
	v3 =	vand.u32 @p6 $0x7, v4  }
0x210: {  	v5 =	vmul.u32 @p6 $0x8, v5;
	v6 =	vperm.xlane @p6 v2, v3;
	_ =	sdelay $0x1  }
0x211: {  	v6 =	vadd.s32 @p6 v5, v6;
	_ =	sdelay $0x3  }
0x212: {  	vm6 =	vmmov @p6 $0xffff;
	s6 =	simm.s32 @p6 $0x0;
	s9 =	simm.s32 @p6 $0x8880  }
0x213: {  	v4 =	vor.u32 @p6 $0x8, v4;
	[hbm4b:s3+s6] =	stream.indirect_vreg.scatter @p6 [tilespmem:s9], [sflag:$0xB], $0x80, v6, vm6, $0xb8;
	[tilespmem:$0x1C880] =	vst v63  }
0x214: {  	v2 =	vperm.xlane @p6 v2, v4;
	s9 =	simm.s32 @p6 $0x9080  }
0x215: {  	[hbm4b:s14+s6] =	stream.indirect_vreg.scatter @p6 [tilespmem:s9], [sflag:$0xB], $0x80, v6, vm6, $0xb8;
	[tilespmem:$0x1C880] =	vst v63  }
0x216: {  	v2 =	vadd.s32 @p6 v5, v2;
	s9 =	simm.s32 @p6 $0x9880  }
0x217: {  	[hbm4b:s15+s6] =	stream.indirect_vreg.scatter @p6 [tilespmem:s9], [sflag:$0xB], $0x80, v6, vm6, $0xb8;
	[tilespmem:$0x1C880] =	vst v63  }
0x218: {  	s9 =	simm.s32 @p6 $0xA080  }
0x219: {  	[hbm4b:s16+s6] =	stream.indirect_vreg.scatter @p6 [tilespmem:s9], [sflag:$0xB], $0x80, v6, vm6, $0xb8;
	[tilespmem:$0x1C880] =	vst v63  }
0x21a: {  	s9 =	simm.s32 @p6 $0xA880  }
0x21b: {  	[hbm4b:s3+s6] =	stream.indirect_vreg.scatter @p6 [tilespmem:s9], [sflag:$0xB], $0x80, v2, vm6, $0xb8;
	[tilespmem:$0x1C880] =	vst v63  }
0x21c: {  	s9 =	simm.s32 @p6 $0xB080  }
0x21d: {  	[hbm4b:s14+s6] =	stream.indirect_vreg.scatter @p6 [tilespmem:s9], [sflag:$0xB], $0x80, v2, vm6, $0xb8;
	[tilespmem:$0x1C880] =	vst v63  }
0x21e: {  	s9 =	simm.s32 @p6 $0xB880  }
0x21f: {  	[hbm4b:s15+s6] =	stream.indirect_vreg.scatter @p6 [tilespmem:s9], [sflag:$0xB], $0x80, v2, vm6, $0xb8;
	[tilespmem:$0x1C880] =	vst v63  }
0x220: {  	s9 =	simm.s32 @p6 $0xC080  }
0x221: {  	[hbm4b:s16+s6] =	stream.indirect_vreg.scatter @p6 [tilespmem:s9], [sflag:$0xB], $0x80, v2, vm6, $0xb8;
	[tilespmem:$0x1C880] =	vst v63  }
0x222: {  	v2 =	vld @p6 [tilespmem:$0x410];
	_ =	sdelay $0x4  }
0x223: {  	v6 =	vshll.u32 @p6 v2, $0x3  }
0x224: {  	v2 =	vand.u32 @p6 $0x7, v2;
	v6 =	vand.u32 @p6 $0xFFFFFFC0, v6  }
0x225: {  	v2 =	vor.u32 @p6 v2, v6  }
0x226: {  	v3 =	vperm.xlane @p6 v2, v3;
	_ =	sdelay $0x1  }
0x227: {  	v3 =	vadd.s32 @p6 v5, v3;
	_ =	sdelay $0x3  }
0x228: {  	s9 =	simm.s32 @p6 $0xC880  }
0x229: {  	[hbm4b:s3+s6] =	stream.indirect_vreg.scatter @p6 [tilespmem:s9], [sflag:$0xB], $0x80, v3, vm6, $0xb8;
	[tilespmem:$0x1C880] =	vst v63  }
0x22a: {  	v2 =	vperm.xlane @p6 v2, v4;
	s9 =	simm.s32 @p6 $0xD080  }
0x22b: {  	[hbm4b:s14+s6] =	stream.indirect_vreg.scatter @p6 [tilespmem:s9], [sflag:$0xB], $0x80, v3, vm6, $0xb8;
	[tilespmem:$0x1C880] =	vst v63  }
0x22c: {  	v2 =	vadd.s32 @p6 v5, v2;
	s9 =	simm.s32 @p6 $0xD880  }
0x22d: {  	[hbm4b:s15+s6] =	stream.indirect_vreg.scatter @p6 [tilespmem:s9], [sflag:$0xB], $0x80, v3, vm6, $0xb8;
	[tilespmem:$0x1C880] =	vst v63  }
0x22e: {  	s9 =	simm.s32 @p6 $0xE080  }
0x22f: {  	[hbm4b:s16+s6] =	stream.indirect_vreg.scatter @p6 [tilespmem:s9], [sflag:$0xB], $0x80, v3, vm6, $0xb8;
	[tilespmem:$0x1C880] =	vst v63  }
0x230: {  	s9 =	simm.s32 @p6 $0xE880  }
0x231: {  	[hbm4b:s3+s6] =	stream.indirect_vreg.scatter @p6 [tilespmem:s9], [sflag:$0xB], $0x80, v2, vm6, $0xb8;
	[tilespmem:$0x1C880] =	vst v63  }
0x232: {  	s9 =	simm.s32 @p6 $0xF080  }
0x233: {  	[hbm4b:s14+s6] =	stream.indirect_vreg.scatter @p6 [tilespmem:s9], [sflag:$0xB], $0x80, v2, vm6, $0xb8;
	[tilespmem:$0x1C880] =	vst v63  }
0x234: {  	s9 =	simm.s32 @p6 $0xF880  }
0x235: {  	[hbm4b:s15+s6] =	stream.indirect_vreg.scatter @p6 [tilespmem:s9], [sflag:$0xB], $0x80, v2, vm6, $0xb8;
	[tilespmem:$0x1C880] =	vst v63  }
0x236: {  	s9 =	simm.s32 @p6 $0x10080  }
0x237: {  	[hbm4b:s16+s6] =	stream.indirect_vreg.scatter @p6 [tilespmem:s9], [sflag:$0xB], $0x80, v2, vm6, $0xb8;
	[tilespmem:$0x1C880] =	vst v63  }
0x238: {  	s6 =	simm.s32 @p0 $0x8  }
0x239: {  	_ =	swait.ge @p0 [sflag:s6], $0x8000  }
0x23a: {  	[sflag:s6] =	ssyncset.done @p0 $0x0  }
0x23b: {  	[sflag:s6] =	ssyncadd.s32 @p0 $0xFFFF8000;
	s6 =	simm.s32 @p4 $0x9  }
0x23c: {  	_ =	swait.ge @p4 [sflag:s6], $0x8000  }
0x23d: {  	[sflag:s6] =	ssyncset.done @p4 $0x0  }
0x23e: {  	[sflag:s6] =	ssyncadd.s32 @p4 $0xFFFF8000;
	s6 =	simm.s32 @p5 $0xA  }
0x23f: {  	_ =	swait.ge @p5 [sflag:s6], $0x8000  }
0x240: {  	[sflag:s6] =	ssyncset.done @p5 $0x0  }
0x241: {  	s19 =	rddreg [dreg:$0x9];
	[sflag:s6] =	ssyncadd.s32 @p5 $0xFFFF8000;
	s6 =	simm.s32 @p6 $0xB  }
.Ltmp5:
0x242: {  	s17 =	sadd.s32 s19, s11;
	_ =	swait.ge @p6 [sflag:s6], $0x8000;
	(pc) =	sbr.rel .LBB2_7-.Ltmp5, $4  }
0x243: {  	s19 =	sadd.s32 $0x20, s17;
	s23 =	sld [smem:$0x7FC]  }
0x244: {  	p5 =	slt.s32 s17, s12;
	p4 =	slt.s32 s19, $0x2001  }
0x245: {  	[sflag:s6] =	ssyncset.done @p6 $0x0;
	p0 =	por !p5, !p4  }
0x246: {  	[sflag:s6] =	ssyncadd.s32 @p6 $0xFFFF8000;
	p2 =	por !p0, !p0;
	p1 =	seq.s32 s23, $0x1  }
.LBB2_5:
0x247: {  	s6 =	rddreg [dreg:$0x9]  }
0x248: {  	s17 =	sadd.s32 s6, s11  }
0x249: {  	s23 =	sld [smem:$0x7FC];
	s19 =	sadd.s32 $0x20, s17  }
0x24a: {  	p2 =	slt.s32 s17, s12;
	p0 =	slt.s32 s19, $0x2001  }
0x24b: {  	p0 =	por !p2, !p0  }
0x24c: {  	p1 =	seq.s32 s23, $0x1;
	p2 =	por !p0, !p0  }
.LBB2_7:
0x24d: {  	s6 =	ssub.s32 s17, s31  }
0x24e: {  	s9 =	ssub.s32 s17, s30;
	v2 =	vadd.s32 s6, v1;
	s6 =	sadd.s32 $0x10, s6  }
0x24f: {  	s23 =	sadd.s32 $0x1000, s9;
	[tilespmem:$0x280] =	vst v2;
	v2 =	vadd.s32 s6, v1  }
0x250: {  	[tilespmem:$0x290] =	vst v2;
	v2 =	vadd.s32 s23, v1;
	s23 =	sadd.s32 $0x1010, s9;
	s9 =	ssub.s32 s17, s29  }
0x251: {  	[tilespmem:$0x300] =	vst v2;
	v2 =	vadd.s32 s23, v1;
	s23 =	sadd.s32 $0x2000, s9  }
0x252: {  	[tilespmem:$0x310] =	vst v2;
	v2 =	vadd.s32 s23, v1;
	s23 =	sadd.s32 $0x2010, s9;
	s9 =	ssub.s32 s17, s28  }
.Ltmp6:
0x253: {  	[tilespmem:$0x380] =	vst v2;
	v2 =	vadd.s32 s23, v1;
	s23 =	sadd.s32 $0x3000, s9;
	(pc) =	sbr.rel @!p1 .LBB2_8-.Ltmp6, $4  }
0x254: {  	[tilespmem:$0x390] =	vst v2;
	v2 =	vadd.s32 s23, v1;
	s23 =	sadd.s32 $0x3010, s9  }
0x255: {  	s6 =	sshll.u32 @p2 s17, $0x7;
	[tilespmem:$0x400] =	vst v2;
	v2 =	vadd.s32 s23, v1  }
0x256: {  	s6 =	sadd.s32 @p2 s2, s6;
	s9 =	simm.s32 @p2 $0x0;
	s23 =	simm.s32 @p2 $0x8880;
	[tilespmem:$0x410] =	vst v2  }
0x257: {  	[tilespmem:s23], [sflag:$0x2] =	stream.linear.gather @p2 [hbm4b:s6+s9], $0x8000, $0x38;
	[tilespmem:$0x1C880] =	vst v63  }
0x258: {  	p0 =	sge.s32 s20, s31;
	p3 =	sle.s32 s21, s5  }
0x259: {  	p0 =	por !p0, !p3  }
0x25a: {  	_ =	swait.ge [sflag:s26], $0x8000;
	p0 =	por !p0, !p0  }
0x25b: {  	[sflag:s26] =	ssyncset.done $0x0;
	p0 =	por !p1, !p0  }
0x25c: {  	[sflag:s26] =	ssyncadd.s32 $0xFFFF8000;
	p0 =	por !p0, !p0  }
0x25d: {  	v2 =	vld @p0 [tilespmem:$0x480];
	_ =	sdelay $0x4  }
0x25e: {  	v3 =	vshll.u32 @p0 v2, $0x3  }
0x25f: {  	v4 =	vlaneseq.u32 @p0;
	v2 =	vand.u32 @p0 $0x7, v2;
	v3 =	vand.u32 @p0 $0xFFFFFFC0, v3  }
0x260: {  	v5 =	vshrl.u32 @p0 v4, $0x3;
	v2 =	vor.u32 @p0 v2, v3;
	v3 =	vand.u32 @p0 $0x7, v4  }
0x261: {  	v5 =	vmul.u32 @p0 $0x8, v5;
	v6 =	vperm.xlane @p0 v2, v3;
	_ =	sdelay $0x1  }
0x262: {  	v6 =	vadd.s32 @p0 v5, v6;
	_ =	sdelay $0x3  }
0x263: {  	vm6 =	vmmov @p0 $0xffff;
	s6 =	simm.s32 @p0 $0x0;
	s9 =	simm.s32 @p0 $0x10880  }
0x264: {  	v4 =	vor.u32 @p0 $0x8, v4;
	[hbm4b:s3+s6] =	stream.indirect_vreg.scatter @p0 [tilespmem:s9], [sflag:$0xC], $0x80, v6, vm6, $0xb8;
	[tilespmem:$0x1C880] =	vst v63  }
0x265: {  	v2 =	vperm.xlane @p0 v2, v4;
	s9 =	simm.s32 @p0 $0x11080  }
0x266: {  	[hbm4b:s14+s6] =	stream.indirect_vreg.scatter @p0 [tilespmem:s9], [sflag:$0xC], $0x80, v6, vm6, $0xb8;
	[tilespmem:$0x1C880] =	vst v63  }
0x267: {  	v2 =	vadd.s32 @p0 v5, v2;
	s9 =	simm.s32 @p0 $0x11880  }
0x268: {  	[hbm4b:s15+s6] =	stream.indirect_vreg.scatter @p0 [tilespmem:s9], [sflag:$0xC], $0x80, v6, vm6, $0xb8;
	[tilespmem:$0x1C880] =	vst v63  }
0x269: {  	s9 =	simm.s32 @p0 $0x12080  }
0x26a: {  	[hbm4b:s16+s6] =	stream.indirect_vreg.scatter @p0 [tilespmem:s9], [sflag:$0xC], $0x80, v6, vm6, $0xb8;
	[tilespmem:$0x1C880] =	vst v63  }
0x26b: {  	s9 =	simm.s32 @p0 $0x12880  }
0x26c: {  	[hbm4b:s3+s6] =	stream.indirect_vreg.scatter @p0 [tilespmem:s9], [sflag:$0xC], $0x80, v2, vm6, $0xb8;
	[tilespmem:$0x1C880] =	vst v63  }
0x26d: {  	s9 =	simm.s32 @p0 $0x13080  }
0x26e: {  	[hbm4b:s14+s6] =	stream.indirect_vreg.scatter @p0 [tilespmem:s9], [sflag:$0xC], $0x80, v2, vm6, $0xb8;
	[tilespmem:$0x1C880] =	vst v63  }
0x26f: {  	s9 =	simm.s32 @p0 $0x13880  }
0x270: {  	[hbm4b:s15+s6] =	stream.indirect_vreg.scatter @p0 [tilespmem:s9], [sflag:$0xC], $0x80, v2, vm6, $0xb8;
	[tilespmem:$0x1C880] =	vst v63  }
0x271: {  	s9 =	simm.s32 @p0 $0x14080  }
0x272: {  	[hbm4b:s16+s6] =	stream.indirect_vreg.scatter @p0 [tilespmem:s9], [sflag:$0xC], $0x80, v2, vm6, $0xb8;
	[tilespmem:$0x1C880] =	vst v63  }
0x273: {  	v2 =	vld @p0 [tilespmem:$0x490];
	_ =	sdelay $0x4  }
0x274: {  	v6 =	vshll.u32 @p0 v2, $0x3  }
0x275: {  	v2 =	vand.u32 @p0 $0x7, v2;
	v6 =	vand.u32 @p0 $0xFFFFFFC0, v6  }
0x276: {  	v2 =	vor.u32 @p0 v2, v6  }
0x277: {  	v3 =	vperm.xlane @p0 v2, v3;
	_ =	sdelay $0x1  }
0x278: {  	v3 =	vadd.s32 @p0 v5, v3;
	_ =	sdelay $0x3  }
0x279: {  	s9 =	simm.s32 @p0 $0x14880  }
0x27a: {  	[hbm4b:s3+s6] =	stream.indirect_vreg.scatter @p0 [tilespmem:s9], [sflag:$0xC], $0x80, v3, vm6, $0xb8;
	[tilespmem:$0x1C880] =	vst v63  }
0x27b: {  	v2 =	vperm.xlane @p0 v2, v4;
	s9 =	simm.s32 @p0 $0x15080  }
0x27c: {  	[hbm4b:s14+s6] =	stream.indirect_vreg.scatter @p0 [tilespmem:s9], [sflag:$0xC], $0x80, v3, vm6, $0xb8;
	[tilespmem:$0x1C880] =	vst v63  }
0x27d: {  	v2 =	vadd.s32 @p0 v5, v2;
	s9 =	simm.s32 @p0 $0x15880  }
0x27e: {  	[hbm4b:s15+s6] =	stream.indirect_vreg.scatter @p0 [tilespmem:s9], [sflag:$0xC], $0x80, v3, vm6, $0xb8;
	[tilespmem:$0x1C880] =	vst v63  }
0x27f: {  	p5 =	sge.s32 s20, s30;
	p4 =	sle.s32 s21, s1;
	s9 =	simm.s32 @p0 $0x16080  }
0x280: {  	[hbm4b:s16+s6] =	stream.indirect_vreg.scatter @p0 [tilespmem:s9], [sflag:$0xC], $0x80, v3, vm6, $0xb8;
	[tilespmem:$0x1C880] =	vst v63  }
0x281: {  	p3 =	por !p5, !p4;
	s9 =	simm.s32 @p0 $0x16880  }
0x282: {  	[hbm4b:s3+s6] =	stream.indirect_vreg.scatter @p0 [tilespmem:s9], [sflag:$0xC], $0x80, v2, vm6, $0xb8;
	[tilespmem:$0x1C880] =	vst v63  }
0x283: {  	p3 =	por !p3, !p3;
	s9 =	simm.s32 @p0 $0x17080  }
0x284: {  	[hbm4b:s14+s6] =	stream.indirect_vreg.scatter @p0 [tilespmem:s9], [sflag:$0xC], $0x80, v2, vm6, $0xb8;
	[tilespmem:$0x1C880] =	vst v63  }
0x285: {  	p3 =	por !p1, !p3;
	s9 =	simm.s32 @p0 $0x17880  }
0x286: {  	[hbm4b:s15+s6] =	stream.indirect_vreg.scatter @p0 [tilespmem:s9], [sflag:$0xC], $0x80, v2, vm6, $0xb8;
	[tilespmem:$0x1C880] =	vst v63  }
0x287: {  	p4 =	por !p3, !p3;
	s9 =	simm.s32 @p0 $0x18080  }
0x288: {  	[hbm4b:s16+s6] =	stream.indirect_vreg.scatter @p0 [tilespmem:s9], [sflag:$0xC], $0x80, v2, vm6, $0xb8;
	[tilespmem:$0x1C880] =	vst v63  }
0x289: {  	v2 =	vld @p4 [tilespmem:$0x500];
	_ =	sdelay $0x4  }
0x28a: {  	v3 =	vshll.u32 @p4 v2, $0x3  }
0x28b: {  	v4 =	vlaneseq.u32 @p4;
	v2 =	vand.u32 @p4 $0x7, v2;
	v3 =	vand.u32 @p4 $0xFFFFFFC0, v3  }
0x28c: {  	v5 =	vshrl.u32 @p4 v4, $0x3;
	v2 =	vor.u32 @p4 v2, v3;
	v3 =	vand.u32 @p4 $0x7, v4  }
0x28d: {  	v5 =	vmul.u32 @p4 $0x8, v5;
	v6 =	vperm.xlane @p4 v2, v3;
	_ =	sdelay $0x1  }
0x28e: {  	v6 =	vadd.s32 @p4 v5, v6;
	_ =	sdelay $0x3  }
0x28f: {  	vm6 =	vmmov @p4 $0xffff;
	s6 =	simm.s32 @p4 $0x0;
	s9 =	simm.s32 @p4 $0x10880  }
0x290: {  	v4 =	vor.u32 @p4 $0x8, v4;
	[hbm4b:s3+s6] =	stream.indirect_vreg.scatter @p4 [tilespmem:s9], [sflag:$0xD], $0x80, v6, vm6, $0xb8;
	[tilespmem:$0x1C880] =	vst v63  }
0x291: {  	v2 =	vperm.xlane @p4 v2, v4;
	s9 =	simm.s32 @p4 $0x11080  }
0x292: {  	[hbm4b:s14+s6] =	stream.indirect_vreg.scatter @p4 [tilespmem:s9], [sflag:$0xD], $0x80, v6, vm6, $0xb8;
	[tilespmem:$0x1C880] =	vst v63  }
0x293: {  	v2 =	vadd.s32 @p4 v5, v2;
	s9 =	simm.s32 @p4 $0x11880  }
0x294: {  	[hbm4b:s15+s6] =	stream.indirect_vreg.scatter @p4 [tilespmem:s9], [sflag:$0xD], $0x80, v6, vm6, $0xb8;
	[tilespmem:$0x1C880] =	vst v63  }
0x295: {  	s9 =	simm.s32 @p4 $0x12080  }
0x296: {  	[hbm4b:s16+s6] =	stream.indirect_vreg.scatter @p4 [tilespmem:s9], [sflag:$0xD], $0x80, v6, vm6, $0xb8;
	[tilespmem:$0x1C880] =	vst v63  }
0x297: {  	s9 =	simm.s32 @p4 $0x12880  }
0x298: {  	[hbm4b:s3+s6] =	stream.indirect_vreg.scatter @p4 [tilespmem:s9], [sflag:$0xD], $0x80, v2, vm6, $0xb8;
	[tilespmem:$0x1C880] =	vst v63  }
0x299: {  	s9 =	simm.s32 @p4 $0x13080  }
0x29a: {  	[hbm4b:s14+s6] =	stream.indirect_vreg.scatter @p4 [tilespmem:s9], [sflag:$0xD], $0x80, v2, vm6, $0xb8;
	[tilespmem:$0x1C880] =	vst v63  }
0x29b: {  	s9 =	simm.s32 @p4 $0x13880  }
0x29c: {  	[hbm4b:s15+s6] =	stream.indirect_vreg.scatter @p4 [tilespmem:s9], [sflag:$0xD], $0x80, v2, vm6, $0xb8;
	[tilespmem:$0x1C880] =	vst v63  }
0x29d: {  	s9 =	simm.s32 @p4 $0x14080  }
0x29e: {  	[hbm4b:s16+s6] =	stream.indirect_vreg.scatter @p4 [tilespmem:s9], [sflag:$0xD], $0x80, v2, vm6, $0xb8;
	[tilespmem:$0x1C880] =	vst v63  }
0x29f: {  	v2 =	vld @p4 [tilespmem:$0x510];
	_ =	sdelay $0x4  }
0x2a0: {  	v6 =	vshll.u32 @p4 v2, $0x3  }
0x2a1: {  	v2 =	vand.u32 @p4 $0x7, v2;
	v6 =	vand.u32 @p4 $0xFFFFFFC0, v6  }
0x2a2: {  	v2 =	vor.u32 @p4 v2, v6  }
0x2a3: {  	v3 =	vperm.xlane @p4 v2, v3;
	_ =	sdelay $0x1  }
0x2a4: {  	v3 =	vadd.s32 @p4 v5, v3;
	_ =	sdelay $0x3  }
0x2a5: {  	s9 =	simm.s32 @p4 $0x14880  }
0x2a6: {  	[hbm4b:s3+s6] =	stream.indirect_vreg.scatter @p4 [tilespmem:s9], [sflag:$0xD], $0x80, v3, vm6, $0xb8;
	[tilespmem:$0x1C880] =	vst v63  }
0x2a7: {  	v2 =	vperm.xlane @p4 v2, v4;
	s9 =	simm.s32 @p4 $0x15080  }
0x2a8: {  	[hbm4b:s14+s6] =	stream.indirect_vreg.scatter @p4 [tilespmem:s9], [sflag:$0xD], $0x80, v3, vm6, $0xb8;
	[tilespmem:$0x1C880] =	vst v63  }
0x2a9: {  	v2 =	vadd.s32 @p4 v5, v2;
	s9 =	simm.s32 @p4 $0x15880  }
0x2aa: {  	[hbm4b:s15+s6] =	stream.indirect_vreg.scatter @p4 [tilespmem:s9], [sflag:$0xD], $0x80, v3, vm6, $0xb8;
	[tilespmem:$0x1C880] =	vst v63  }
0x2ab: {  	p6 =	sge.s32 s20, s29;
	p5 =	sle.s32 s21, s4;
	s9 =	simm.s32 @p4 $0x16080  }
0x2ac: {  	[hbm4b:s16+s6] =	stream.indirect_vreg.scatter @p4 [tilespmem:s9], [sflag:$0xD], $0x80, v3, vm6, $0xb8;
	[tilespmem:$0x1C880] =	vst v63  }
0x2ad: {  	p3 =	por !p6, !p5;
	s9 =	simm.s32 @p4 $0x16880  }
0x2ae: {  	[hbm4b:s3+s6] =	stream.indirect_vreg.scatter @p4 [tilespmem:s9], [sflag:$0xD], $0x80, v2, vm6, $0xb8;
	[tilespmem:$0x1C880] =	vst v63  }
0x2af: {  	p3 =	por !p3, !p3;
	s9 =	simm.s32 @p4 $0x17080  }
0x2b0: {  	[hbm4b:s14+s6] =	stream.indirect_vreg.scatter @p4 [tilespmem:s9], [sflag:$0xD], $0x80, v2, vm6, $0xb8;
	[tilespmem:$0x1C880] =	vst v63  }
0x2b1: {  	p3 =	por !p1, !p3;
	s9 =	simm.s32 @p4 $0x17880  }
0x2b2: {  	[hbm4b:s15+s6] =	stream.indirect_vreg.scatter @p4 [tilespmem:s9], [sflag:$0xD], $0x80, v2, vm6, $0xb8;
	[tilespmem:$0x1C880] =	vst v63  }
0x2b3: {  	p5 =	por !p3, !p3;
	s9 =	simm.s32 @p4 $0x18080  }
0x2b4: {  	[hbm4b:s16+s6] =	stream.indirect_vreg.scatter @p4 [tilespmem:s9], [sflag:$0xD], $0x80, v2, vm6, $0xb8;
	[tilespmem:$0x1C880] =	vst v63  }
0x2b5: {  	v2 =	vld @p5 [tilespmem:$0x580];
	_ =	sdelay $0x4  }
0x2b6: {  	v3 =	vshll.u32 @p5 v2, $0x3  }
0x2b7: {  	v4 =	vlaneseq.u32 @p5;
	v2 =	vand.u32 @p5 $0x7, v2;
	v3 =	vand.u32 @p5 $0xFFFFFFC0, v3  }
0x2b8: {  	v5 =	vshrl.u32 @p5 v4, $0x3;
	v2 =	vor.u32 @p5 v2, v3;
	v3 =	vand.u32 @p5 $0x7, v4  }
0x2b9: {  	v5 =	vmul.u32 @p5 $0x8, v5;
	v6 =	vperm.xlane @p5 v2, v3;
	_ =	sdelay $0x1  }
0x2ba: {  	v6 =	vadd.s32 @p5 v5, v6;
	_ =	sdelay $0x3  }
0x2bb: {  	vm6 =	vmmov @p5 $0xffff;
	s6 =	simm.s32 @p5 $0x0;
	s9 =	simm.s32 @p5 $0x10880  }
0x2bc: {  	v4 =	vor.u32 @p5 $0x8, v4;
	[hbm4b:s3+s6] =	stream.indirect_vreg.scatter @p5 [tilespmem:s9], [sflag:$0xE], $0x80, v6, vm6, $0xb8;
	[tilespmem:$0x1C880] =	vst v63  }
0x2bd: {  	v2 =	vperm.xlane @p5 v2, v4;
	s9 =	simm.s32 @p5 $0x11080  }
0x2be: {  	[hbm4b:s14+s6] =	stream.indirect_vreg.scatter @p5 [tilespmem:s9], [sflag:$0xE], $0x80, v6, vm6, $0xb8;
	[tilespmem:$0x1C880] =	vst v63  }
0x2bf: {  	v2 =	vadd.s32 @p5 v5, v2;
	s9 =	simm.s32 @p5 $0x11880  }
0x2c0: {  	[hbm4b:s15+s6] =	stream.indirect_vreg.scatter @p5 [tilespmem:s9], [sflag:$0xE], $0x80, v6, vm6, $0xb8;
	[tilespmem:$0x1C880] =	vst v63  }
0x2c1: {  	s9 =	simm.s32 @p5 $0x12080  }
0x2c2: {  	[hbm4b:s16+s6] =	stream.indirect_vreg.scatter @p5 [tilespmem:s9], [sflag:$0xE], $0x80, v6, vm6, $0xb8;
	[tilespmem:$0x1C880] =	vst v63  }
0x2c3: {  	s9 =	simm.s32 @p5 $0x12880  }
0x2c4: {  	[hbm4b:s3+s6] =	stream.indirect_vreg.scatter @p5 [tilespmem:s9], [sflag:$0xE], $0x80, v2, vm6, $0xb8;
	[tilespmem:$0x1C880] =	vst v63  }
0x2c5: {  	s9 =	simm.s32 @p5 $0x13080  }
0x2c6: {  	[hbm4b:s14+s6] =	stream.indirect_vreg.scatter @p5 [tilespmem:s9], [sflag:$0xE], $0x80, v2, vm6, $0xb8;
	[tilespmem:$0x1C880] =	vst v63  }
0x2c7: {  	s9 =	simm.s32 @p5 $0x13880  }
0x2c8: {  	[hbm4b:s15+s6] =	stream.indirect_vreg.scatter @p5 [tilespmem:s9], [sflag:$0xE], $0x80, v2, vm6, $0xb8;
	[tilespmem:$0x1C880] =	vst v63  }
0x2c9: {  	s9 =	simm.s32 @p5 $0x14080  }
0x2ca: {  	[hbm4b:s16+s6] =	stream.indirect_vreg.scatter @p5 [tilespmem:s9], [sflag:$0xE], $0x80, v2, vm6, $0xb8;
	[tilespmem:$0x1C880] =	vst v63  }
0x2cb: {  	v2 =	vld @p5 [tilespmem:$0x590];
	_ =	sdelay $0x4  }
0x2cc: {  	v6 =	vshll.u32 @p5 v2, $0x3  }
0x2cd: {  	v2 =	vand.u32 @p5 $0x7, v2;
	v6 =	vand.u32 @p5 $0xFFFFFFC0, v6  }
0x2ce: {  	v2 =	vor.u32 @p5 v2, v6  }
0x2cf: {  	v3 =	vperm.xlane @p5 v2, v3;
	_ =	sdelay $0x1  }
0x2d0: {  	v3 =	vadd.s32 @p5 v5, v3;
	_ =	sdelay $0x3  }
0x2d1: {  	s9 =	simm.s32 @p5 $0x14880  }
0x2d2: {  	[hbm4b:s3+s6] =	stream.indirect_vreg.scatter @p5 [tilespmem:s9], [sflag:$0xE], $0x80, v3, vm6, $0xb8;
	[tilespmem:$0x1C880] =	vst v63  }
0x2d3: {  	v2 =	vperm.xlane @p5 v2, v4;
	s9 =	simm.s32 @p5 $0x15080  }
0x2d4: {  	[hbm4b:s14+s6] =	stream.indirect_vreg.scatter @p5 [tilespmem:s9], [sflag:$0xE], $0x80, v3, vm6, $0xb8;
	[tilespmem:$0x1C880] =	vst v63  }
0x2d5: {  	v2 =	vadd.s32 @p5 v5, v2;
	s9 =	simm.s32 @p5 $0x15880  }
0x2d6: {  	[hbm4b:s15+s6] =	stream.indirect_vreg.scatter @p5 [tilespmem:s9], [sflag:$0xE], $0x80, v3, vm6, $0xb8;
	[tilespmem:$0x1C880] =	vst v63  }
0x2d7: {  	p6 =	sle.s32 s21, s0;
	p3 =	sge.s32 s20, s28;
	s9 =	simm.s32 @p5 $0x16080  }
0x2d8: {  	[hbm4b:s16+s6] =	stream.indirect_vreg.scatter @p5 [tilespmem:s9], [sflag:$0xE], $0x80, v3, vm6, $0xb8;
	[tilespmem:$0x1C880] =	vst v63  }
0x2d9: {  	p3 =	por !p3, !p6;
	s9 =	simm.s32 @p5 $0x16880  }
0x2da: {  	[hbm4b:s3+s6] =	stream.indirect_vreg.scatter @p5 [tilespmem:s9], [sflag:$0xE], $0x80, v2, vm6, $0xb8;
	[tilespmem:$0x1C880] =	vst v63  }
0x2db: {  	p3 =	por !p3, !p3;
	s9 =	simm.s32 @p5 $0x17080  }
0x2dc: {  	[hbm4b:s14+s6] =	stream.indirect_vreg.scatter @p5 [tilespmem:s9], [sflag:$0xE], $0x80, v2, vm6, $0xb8;
	[tilespmem:$0x1C880] =	vst v63  }
0x2dd: {  	p3 =	por !p1, !p3;
	s9 =	simm.s32 @p5 $0x17880  }
0x2de: {  	[hbm4b:s15+s6] =	stream.indirect_vreg.scatter @p5 [tilespmem:s9], [sflag:$0xE], $0x80, v2, vm6, $0xb8;
	[tilespmem:$0x1C880] =	vst v63  }
0x2df: {  	p3 =	por !p3, !p3;
	s9 =	simm.s32 @p5 $0x18080  }
0x2e0: {  	[hbm4b:s16+s6] =	stream.indirect_vreg.scatter @p5 [tilespmem:s9], [sflag:$0xE], $0x80, v2, vm6, $0xb8;
	[tilespmem:$0x1C880] =	vst v63  }
0x2e1: {  	v2 =	vld @p3 [tilespmem:$0x600];
	_ =	sdelay $0x4  }
0x2e2: {  	v3 =	vshll.u32 @p3 v2, $0x3  }
0x2e3: {  	v4 =	vlaneseq.u32 @p3;
	v2 =	vand.u32 @p3 $0x7, v2;
	v3 =	vand.u32 @p3 $0xFFFFFFC0, v3  }
0x2e4: {  	v5 =	vshrl.u32 @p3 v4, $0x3;
	v2 =	vor.u32 @p3 v2, v3;
	v3 =	vand.u32 @p3 $0x7, v4  }
0x2e5: {  	v5 =	vmul.u32 @p3 $0x8, v5;
	v6 =	vperm.xlane @p3 v2, v3;
	_ =	sdelay $0x1  }
0x2e6: {  	v6 =	vadd.s32 @p3 v5, v6;
	_ =	sdelay $0x3  }
0x2e7: {  	vm6 =	vmmov @p3 $0xffff;
	s6 =	simm.s32 @p3 $0x0;
	s9 =	simm.s32 @p3 $0x10880  }
0x2e8: {  	v4 =	vor.u32 @p3 $0x8, v4;
	[hbm4b:s3+s6] =	stream.indirect_vreg.scatter @p3 [tilespmem:s9], [sflag:$0xF], $0x80, v6, vm6, $0xb8;
	[tilespmem:$0x1C880] =	vst v63  }
0x2e9: {  	v2 =	vperm.xlane @p3 v2, v4;
	s9 =	simm.s32 @p3 $0x11080  }
0x2ea: {  	[hbm4b:s14+s6] =	stream.indirect_vreg.scatter @p3 [tilespmem:s9], [sflag:$0xF], $0x80, v6, vm6, $0xb8;
	[tilespmem:$0x1C880] =	vst v63  }
0x2eb: {  	v2 =	vadd.s32 @p3 v5, v2;
	s9 =	simm.s32 @p3 $0x11880  }
0x2ec: {  	[hbm4b:s15+s6] =	stream.indirect_vreg.scatter @p3 [tilespmem:s9], [sflag:$0xF], $0x80, v6, vm6, $0xb8;
	[tilespmem:$0x1C880] =	vst v63  }
0x2ed: {  	s9 =	simm.s32 @p3 $0x12080  }
0x2ee: {  	[hbm4b:s16+s6] =	stream.indirect_vreg.scatter @p3 [tilespmem:s9], [sflag:$0xF], $0x80, v6, vm6, $0xb8;
	[tilespmem:$0x1C880] =	vst v63  }
0x2ef: {  	s9 =	simm.s32 @p3 $0x12880  }
0x2f0: {  	[hbm4b:s3+s6] =	stream.indirect_vreg.scatter @p3 [tilespmem:s9], [sflag:$0xF], $0x80, v2, vm6, $0xb8;
	[tilespmem:$0x1C880] =	vst v63  }
0x2f1: {  	s9 =	simm.s32 @p3 $0x13080  }
0x2f2: {  	[hbm4b:s14+s6] =	stream.indirect_vreg.scatter @p3 [tilespmem:s9], [sflag:$0xF], $0x80, v2, vm6, $0xb8;
	[tilespmem:$0x1C880] =	vst v63  }
0x2f3: {  	s9 =	simm.s32 @p3 $0x13880  }
0x2f4: {  	[hbm4b:s15+s6] =	stream.indirect_vreg.scatter @p3 [tilespmem:s9], [sflag:$0xF], $0x80, v2, vm6, $0xb8;
	[tilespmem:$0x1C880] =	vst v63  }
0x2f5: {  	s9 =	simm.s32 @p3 $0x14080  }
0x2f6: {  	[hbm4b:s16+s6] =	stream.indirect_vreg.scatter @p3 [tilespmem:s9], [sflag:$0xF], $0x80, v2, vm6, $0xb8;
	[tilespmem:$0x1C880] =	vst v63  }
0x2f7: {  	v2 =	vld @p3 [tilespmem:$0x610];
	_ =	sdelay $0x4  }
0x2f8: {  	v6 =	vshll.u32 @p3 v2, $0x3  }
0x2f9: {  	v2 =	vand.u32 @p3 $0x7, v2;
	v6 =	vand.u32 @p3 $0xFFFFFFC0, v6  }
0x2fa: {  	v2 =	vor.u32 @p3 v2, v6  }
0x2fb: {  	v3 =	vperm.xlane @p3 v2, v3;
	_ =	sdelay $0x1  }
0x2fc: {  	v3 =	vadd.s32 @p3 v5, v3;
	_ =	sdelay $0x3  }
0x2fd: {  	s9 =	simm.s32 @p3 $0x14880  }
0x2fe: {  	[hbm4b:s3+s6] =	stream.indirect_vreg.scatter @p3 [tilespmem:s9], [sflag:$0xF], $0x80, v3, vm6, $0xb8;
	[tilespmem:$0x1C880] =	vst v63  }
0x2ff: {  	v2 =	vperm.xlane @p3 v2, v4;
	s9 =	simm.s32 @p3 $0x15080  }
0x300: {  	[hbm4b:s14+s6] =	stream.indirect_vreg.scatter @p3 [tilespmem:s9], [sflag:$0xF], $0x80, v3, vm6, $0xb8;
	[tilespmem:$0x1C880] =	vst v63  }
0x301: {  	v2 =	vadd.s32 @p3 v5, v2;
	s9 =	simm.s32 @p3 $0x15880  }
0x302: {  	[hbm4b:s15+s6] =	stream.indirect_vreg.scatter @p3 [tilespmem:s9], [sflag:$0xF], $0x80, v3, vm6, $0xb8;
	[tilespmem:$0x1C880] =	vst v63  }
0x303: {  	s9 =	simm.s32 @p3 $0x16080  }
0x304: {  	[hbm4b:s16+s6] =	stream.indirect_vreg.scatter @p3 [tilespmem:s9], [sflag:$0xF], $0x80, v3, vm6, $0xb8;
	[tilespmem:$0x1C880] =	vst v63  }
0x305: {  	s9 =	simm.s32 @p3 $0x16880  }
0x306: {  	[hbm4b:s3+s6] =	stream.indirect_vreg.scatter @p3 [tilespmem:s9], [sflag:$0xF], $0x80, v2, vm6, $0xb8;
	[tilespmem:$0x1C880] =	vst v63  }
0x307: {  	s9 =	simm.s32 @p3 $0x17080  }
0x308: {  	[hbm4b:s14+s6] =	stream.indirect_vreg.scatter @p3 [tilespmem:s9], [sflag:$0xF], $0x80, v2, vm6, $0xb8;
	[tilespmem:$0x1C880] =	vst v63  }
0x309: {  	s9 =	simm.s32 @p3 $0x17880  }
0x30a: {  	[hbm4b:s15+s6] =	stream.indirect_vreg.scatter @p3 [tilespmem:s9], [sflag:$0xF], $0x80, v2, vm6, $0xb8;
	[tilespmem:$0x1C880] =	vst v63  }
0x30b: {  	s9 =	simm.s32 @p3 $0x18080  }
0x30c: {  	[hbm4b:s16+s6] =	stream.indirect_vreg.scatter @p3 [tilespmem:s9], [sflag:$0xF], $0x80, v2, vm6, $0xb8;
	[tilespmem:$0x1C880] =	vst v63  }
0x30d: {  	s6 =	simm.s32 @p0 $0xC  }
0x30e: {  	_ =	swait.ge @p0 [sflag:s6], $0x8000  }
0x30f: {  	[sflag:s6] =	ssyncset.done @p0 $0x0  }
0x310: {  	[sflag:s6] =	ssyncadd.s32 @p0 $0xFFFF8000;
	s6 =	simm.s32 @p4 $0xD  }
0x311: {  	_ =	swait.ge @p4 [sflag:s6], $0x8000  }
0x312: {  	[sflag:s6] =	ssyncset.done @p4 $0x0  }
0x313: {  	[sflag:s6] =	ssyncadd.s32 @p4 $0xFFFF8000;
	s6 =	simm.s32 @p5 $0xE  }
0x314: {  	_ =	swait.ge @p5 [sflag:s6], $0x8000  }
0x315: {  	s23 =	rddreg [dreg:$0xa]  }
.Ltmp7:
0x316: {  	[sflag:s6] =	ssyncset.done @p5 $0x0;
	s20 =	sadd.s32 s23, s11;
	(pc) =	sbr.rel .LBB2_10-.Ltmp7, $4  }
0x317: {  	[sflag:s6] =	ssyncadd.s32 @p5 $0xFFFF8000;
	s6 =	simm.s32 @p3 $0xF;
	s21 =	sadd.s32 $0x20, s20  }
0x318: {  	p6 =	slt.s32 s20, s12;
	_ =	swait.ge @p3 [sflag:s6], $0x8000;
	p5 =	slt.s32 s21, $0x2001  }
0x319: {  	[sflag:s6] =	ssyncset.done @p3 $0x0;
	p0 =	por !p6, !p5  }
0x31a: {  	[sflag:s6] =	ssyncadd.s32 @p3 $0xFFFF8000;
	p6 =	por !p0, !p0  }
.LBB2_8:
0x31b: {  	s6 =	rddreg [dreg:$0xa]  }
0x31c: {  	s20 =	sadd.s32 s6, s11  }
0x31d: {  	s21 =	sadd.s32 $0x20, s20  }
0x31e: {  	p3 =	slt.s32 s20, s12;
	p0 =	slt.s32 s21, $0x2001  }
0x31f: {  	p0 =	por !p3, !p0  }
0x320: {  	p6 =	por !p0, !p0  }
.LBB2_10:
0x321: {  	s6 =	ssub.s32 s20, s31  }
0x322: {  	s9 =	ssub.s32 s20, s30;
	v2 =	vadd.s32 s6, v1;
	s6 =	sadd.s32 $0x10, s6  }
0x323: {  	s23 =	sadd.s32 $0x1000, s9;
	[tilespmem:$0x480] =	vst v2;
	v2 =	vadd.s32 s6, v1  }
0x324: {  	[tilespmem:$0x490] =	vst v2;
	v2 =	vadd.s32 s23, v1;
	s23 =	sadd.s32 $0x1010, s9;
	s9 =	ssub.s32 s20, s29  }
0x325: {  	[tilespmem:$0x500] =	vst v2;
	v2 =	vadd.s32 s23, v1;
	s23 =	sadd.s32 $0x2000, s9  }
0x326: {  	[tilespmem:$0x510] =	vst v2;
	v2 =	vadd.s32 s23, v1;
	s23 =	sadd.s32 $0x2010, s9;
	s9 =	ssub.s32 s20, s28  }
0x327: {  	[tilespmem:$0x580] =	vst v2;
	v2 =	vadd.s32 s23, v1;
	s23 =	sadd.s32 $0x3000, s9  }
0x328: {  	s9 =	sadd.s32 $0x3010, s9;
	[tilespmem:$0x590] =	vst v2;
	v2 =	vadd.s32 s23, v1  }
0x329: {  	s6 =	sshll.u32 @p6 s20, $0x7;
	[tilespmem:$0x600] =	vst v2;
	v2 =	vadd.s32 s9, v1  }
0x32a: {  	s6 =	sadd.s32 @p6 s2, s6;
	s23 =	simm.s32 @p6 $0x10880;
	s9 =	simm.s32 @p6 $0x0;
	[tilespmem:$0x610] =	vst v2  }
0x32b: {  	[tilespmem:s23], [sflag:$0x3] =	stream.linear.gather @p6 [hbm4b:s6+s9], $0x8000, $0x38;
	[tilespmem:$0x1C880] =	vst v63  }
0x32c: {  	s23 =	sld [smem:$0x7FB];
	_ =	sdelay $0x2  }
0x32d: {  	p1 =	seq.s32 s23, $0x1  }
.Ltmp8:
0x32e: {  	_ = 	snop;
	(pc) =	sbr.rel @!p1 .LBB2_11-.Ltmp8, $1  }
0x32f: {  	_ =	sdelay $0x3  }
0x330: {  	p0 =	sge.s32 s13, s31;
	p3 =	sle.s32 s18, s5  }
0x331: {  	p0 =	por !p0, !p3  }
0x332: {  	_ =	swait.ge [sflag:s24], $0x8000;
	p0 =	por !p0, !p0  }
0x333: {  	[sflag:s24] =	ssyncset.done $0x0;
	p0 =	por !p1, !p0  }
0x334: {  	[sflag:s24] =	ssyncadd.s32 $0xFFFF8000;
	p0 =	por !p0, !p0  }
0x335: {  	v2 =	vld @p0 [tilespmem:$0x80];
	_ =	sdelay $0x4  }
0x336: {  	v3 =	vshll.u32 @p0 v2, $0x3  }
0x337: {  	v4 =	vlaneseq.u32 @p0;
	v2 =	vand.u32 @p0 $0x7, v2;
	v3 =	vand.u32 @p0 $0xFFFFFFC0, v3  }
0x338: {  	v5 =	vshrl.u32 @p0 v4, $0x3;
	v2 =	vor.u32 @p0 v2, v3;
	v3 =	vand.u32 @p0 $0x7, v4  }
0x339: {  	v5 =	vmul.u32 @p0 $0x8, v5;
	v6 =	vperm.xlane @p0 v2, v3;
	_ =	sdelay $0x1  }
0x33a: {  	v6 =	vadd.s32 @p0 v5, v6;
	_ =	sdelay $0x3  }
0x33b: {  	vm6 =	vmmov @p0 $0xffff;
	s6 =	simm.s32 @p0 $0x0;
	s9 =	simm.s32 @p0 $0x880  }
0x33c: {  	v4 =	vor.u32 @p0 $0x8, v4;
	[hbm4b:s3+s6] =	stream.indirect_vreg.scatter @p0 [tilespmem:s9], [sflag:$0x4], $0x80, v6, vm6, $0xb8;
	[tilespmem:$0x1C880] =	vst v63  }
0x33d: {  	v2 =	vperm.xlane @p0 v2, v4;
	s9 =	simm.s32 @p0 $0x1080  }
0x33e: {  	[hbm4b:s14+s6] =	stream.indirect_vreg.scatter @p0 [tilespmem:s9], [sflag:$0x4], $0x80, v6, vm6, $0xb8;
	[tilespmem:$0x1C880] =	vst v63  }
0x33f: {  	v2 =	vadd.s32 @p0 v5, v2;
	s9 =	simm.s32 @p0 $0x1880  }
0x340: {  	[hbm4b:s15+s6] =	stream.indirect_vreg.scatter @p0 [tilespmem:s9], [sflag:$0x4], $0x80, v6, vm6, $0xb8;
	[tilespmem:$0x1C880] =	vst v63  }
0x341: {  	s9 =	simm.s32 @p0 $0x2080  }
0x342: {  	[hbm4b:s16+s6] =	stream.indirect_vreg.scatter @p0 [tilespmem:s9], [sflag:$0x4], $0x80, v6, vm6, $0xb8;
	[tilespmem:$0x1C880] =	vst v63  }
0x343: {  	s9 =	simm.s32 @p0 $0x2880  }
0x344: {  	[hbm4b:s3+s6] =	stream.indirect_vreg.scatter @p0 [tilespmem:s9], [sflag:$0x4], $0x80, v2, vm6, $0xb8;
	[tilespmem:$0x1C880] =	vst v63  }
0x345: {  	s9 =	simm.s32 @p0 $0x3080  }
0x346: {  	[hbm4b:s14+s6] =	stream.indirect_vreg.scatter @p0 [tilespmem:s9], [sflag:$0x4], $0x80, v2, vm6, $0xb8;
	[tilespmem:$0x1C880] =	vst v63  }
0x347: {  	s9 =	simm.s32 @p0 $0x3880  }
0x348: {  	[hbm4b:s15+s6] =	stream.indirect_vreg.scatter @p0 [tilespmem:s9], [sflag:$0x4], $0x80, v2, vm6, $0xb8;
	[tilespmem:$0x1C880] =	vst v63  }
0x349: {  	s9 =	simm.s32 @p0 $0x4080  }
0x34a: {  	[hbm4b:s16+s6] =	stream.indirect_vreg.scatter @p0 [tilespmem:s9], [sflag:$0x4], $0x80, v2, vm6, $0xb8;
	[tilespmem:$0x1C880] =	vst v63  }
0x34b: {  	v2 =	vld @p0 [tilespmem:$0x90];
	_ =	sdelay $0x4  }
0x34c: {  	v6 =	vshll.u32 @p0 v2, $0x3  }
0x34d: {  	v2 =	vand.u32 @p0 $0x7, v2;
	v6 =	vand.u32 @p0 $0xFFFFFFC0, v6  }
0x34e: {  	v2 =	vor.u32 @p0 v2, v6  }
0x34f: {  	v3 =	vperm.xlane @p0 v2, v3;
	_ =	sdelay $0x1  }
0x350: {  	v3 =	vadd.s32 @p0 v5, v3;
	_ =	sdelay $0x3  }
0x351: {  	s9 =	simm.s32 @p0 $0x4880  }
0x352: {  	[hbm4b:s3+s6] =	stream.indirect_vreg.scatter @p0 [tilespmem:s9], [sflag:$0x4], $0x80, v3, vm6, $0xb8;
	[tilespmem:$0x1C880] =	vst v63  }
0x353: {  	v2 =	vperm.xlane @p0 v2, v4;
	s9 =	simm.s32 @p0 $0x5080  }
0x354: {  	[hbm4b:s14+s6] =	stream.indirect_vreg.scatter @p0 [tilespmem:s9], [sflag:$0x4], $0x80, v3, vm6, $0xb8;
	[tilespmem:$0x1C880] =	vst v63  }
0x355: {  	v2 =	vadd.s32 @p0 v5, v2;
	s9 =	simm.s32 @p0 $0x5880  }
0x356: {  	[hbm4b:s15+s6] =	stream.indirect_vreg.scatter @p0 [tilespmem:s9], [sflag:$0x4], $0x80, v3, vm6, $0xb8;
	[tilespmem:$0x1C880] =	vst v63  }
0x357: {  	p5 =	sge.s32 s13, s30;
	p4 =	sle.s32 s18, s1;
	s9 =	simm.s32 @p0 $0x6080  }
0x358: {  	[hbm4b:s16+s6] =	stream.indirect_vreg.scatter @p0 [tilespmem:s9], [sflag:$0x4], $0x80, v3, vm6, $0xb8;
	[tilespmem:$0x1C880] =	vst v63  }
0x359: {  	p3 =	por !p5, !p4;
	s9 =	simm.s32 @p0 $0x6880  }
0x35a: {  	[hbm4b:s3+s6] =	stream.indirect_vreg.scatter @p0 [tilespmem:s9], [sflag:$0x4], $0x80, v2, vm6, $0xb8;
	[tilespmem:$0x1C880] =	vst v63  }
0x35b: {  	p3 =	por !p3, !p3;
	s9 =	simm.s32 @p0 $0x7080  }
0x35c: {  	[hbm4b:s14+s6] =	stream.indirect_vreg.scatter @p0 [tilespmem:s9], [sflag:$0x4], $0x80, v2, vm6, $0xb8;
	[tilespmem:$0x1C880] =	vst v63  }
0x35d: {  	p3 =	por !p1, !p3;
	s9 =	simm.s32 @p0 $0x7880  }
0x35e: {  	[hbm4b:s15+s6] =	stream.indirect_vreg.scatter @p0 [tilespmem:s9], [sflag:$0x4], $0x80, v2, vm6, $0xb8;
	[tilespmem:$0x1C880] =	vst v63  }
0x35f: {  	p3 =	por !p3, !p3;
	s9 =	simm.s32 @p0 $0x8080  }
0x360: {  	[hbm4b:s16+s6] =	stream.indirect_vreg.scatter @p0 [tilespmem:s9], [sflag:$0x4], $0x80, v2, vm6, $0xb8;
	[tilespmem:$0x1C880] =	vst v63  }
0x361: {  	v2 =	vld @p3 [tilespmem:$0x100];
	_ =	sdelay $0x4  }
0x362: {  	v3 =	vshll.u32 @p3 v2, $0x3  }
0x363: {  	v4 =	vlaneseq.u32 @p3;
	v2 =	vand.u32 @p3 $0x7, v2;
	v3 =	vand.u32 @p3 $0xFFFFFFC0, v3  }
0x364: {  	v5 =	vshrl.u32 @p3 v4, $0x3;
	v2 =	vor.u32 @p3 v2, v3;
	v3 =	vand.u32 @p3 $0x7, v4  }
0x365: {  	v5 =	vmul.u32 @p3 $0x8, v5;
	v6 =	vperm.xlane @p3 v2, v3;
	_ =	sdelay $0x1  }
0x366: {  	v6 =	vadd.s32 @p3 v5, v6;
	_ =	sdelay $0x3  }
0x367: {  	vm6 =	vmmov @p3 $0xffff;
	s6 =	simm.s32 @p3 $0x0;
	s9 =	simm.s32 @p3 $0x880  }
0x368: {  	v4 =	vor.u32 @p3 $0x8, v4;
	[hbm4b:s3+s6] =	stream.indirect_vreg.scatter @p3 [tilespmem:s9], [sflag:$0x5], $0x80, v6, vm6, $0xb8;
	[tilespmem:$0x1C880] =	vst v63  }
0x369: {  	v2 =	vperm.xlane @p3 v2, v4;
	s9 =	simm.s32 @p3 $0x1080  }
0x36a: {  	[hbm4b:s14+s6] =	stream.indirect_vreg.scatter @p3 [tilespmem:s9], [sflag:$0x5], $0x80, v6, vm6, $0xb8;
	[tilespmem:$0x1C880] =	vst v63  }
0x36b: {  	v2 =	vadd.s32 @p3 v5, v2;
	s9 =	simm.s32 @p3 $0x1880  }
0x36c: {  	[hbm4b:s15+s6] =	stream.indirect_vreg.scatter @p3 [tilespmem:s9], [sflag:$0x5], $0x80, v6, vm6, $0xb8;
	[tilespmem:$0x1C880] =	vst v63  }
0x36d: {  	s9 =	simm.s32 @p3 $0x2080  }
0x36e: {  	[hbm4b:s16+s6] =	stream.indirect_vreg.scatter @p3 [tilespmem:s9], [sflag:$0x5], $0x80, v6, vm6, $0xb8;
	[tilespmem:$0x1C880] =	vst v63  }
0x36f: {  	s9 =	simm.s32 @p3 $0x2880  }
0x370: {  	[hbm4b:s3+s6] =	stream.indirect_vreg.scatter @p3 [tilespmem:s9], [sflag:$0x5], $0x80, v2, vm6, $0xb8;
	[tilespmem:$0x1C880] =	vst v63  }
0x371: {  	s9 =	simm.s32 @p3 $0x3080  }
0x372: {  	[hbm4b:s14+s6] =	stream.indirect_vreg.scatter @p3 [tilespmem:s9], [sflag:$0x5], $0x80, v2, vm6, $0xb8;
	[tilespmem:$0x1C880] =	vst v63  }
0x373: {  	s9 =	simm.s32 @p3 $0x3880  }
0x374: {  	[hbm4b:s15+s6] =	stream.indirect_vreg.scatter @p3 [tilespmem:s9], [sflag:$0x5], $0x80, v2, vm6, $0xb8;
	[tilespmem:$0x1C880] =	vst v63  }
0x375: {  	s9 =	simm.s32 @p3 $0x4080  }
0x376: {  	[hbm4b:s16+s6] =	stream.indirect_vreg.scatter @p3 [tilespmem:s9], [sflag:$0x5], $0x80, v2, vm6, $0xb8;
	[tilespmem:$0x1C880] =	vst v63  }
0x377: {  	v2 =	vld @p3 [tilespmem:$0x110];
	_ =	sdelay $0x4  }
0x378: {  	v6 =	vshll.u32 @p3 v2, $0x3  }
0x379: {  	v2 =	vand.u32 @p3 $0x7, v2;
	v6 =	vand.u32 @p3 $0xFFFFFFC0, v6  }
0x37a: {  	v2 =	vor.u32 @p3 v2, v6  }
0x37b: {  	v3 =	vperm.xlane @p3 v2, v3;
	_ =	sdelay $0x1  }
0x37c: {  	v3 =	vadd.s32 @p3 v5, v3;
	_ =	sdelay $0x3  }
0x37d: {  	s9 =	simm.s32 @p3 $0x4880  }
0x37e: {  	[hbm4b:s3+s6] =	stream.indirect_vreg.scatter @p3 [tilespmem:s9], [sflag:$0x5], $0x80, v3, vm6, $0xb8;
	[tilespmem:$0x1C880] =	vst v63  }
0x37f: {  	v2 =	vperm.xlane @p3 v2, v4;
	s9 =	simm.s32 @p3 $0x5080  }
0x380: {  	[hbm4b:s14+s6] =	stream.indirect_vreg.scatter @p3 [tilespmem:s9], [sflag:$0x5], $0x80, v3, vm6, $0xb8;
	[tilespmem:$0x1C880] =	vst v63  }
0x381: {  	v2 =	vadd.s32 @p3 v5, v2;
	s9 =	simm.s32 @p3 $0x5880  }
0x382: {  	[hbm4b:s15+s6] =	stream.indirect_vreg.scatter @p3 [tilespmem:s9], [sflag:$0x5], $0x80, v3, vm6, $0xb8;
	[tilespmem:$0x1C880] =	vst v63  }
0x383: {  	p4 =	sge.s32 s13, s29;
	p5 =	sle.s32 s18, s4;
	s9 =	simm.s32 @p3 $0x6080  }
0x384: {  	[hbm4b:s16+s6] =	stream.indirect_vreg.scatter @p3 [tilespmem:s9], [sflag:$0x5], $0x80, v3, vm6, $0xb8;
	[tilespmem:$0x1C880] =	vst v63  }
0x385: {  	p4 =	por !p4, !p5;
	s9 =	simm.s32 @p3 $0x6880  }
0x386: {  	[hbm4b:s3+s6] =	stream.indirect_vreg.scatter @p3 [tilespmem:s9], [sflag:$0x5], $0x80, v2, vm6, $0xb8;
	[tilespmem:$0x1C880] =	vst v63  }
0x387: {  	p4 =	por !p4, !p4;
	s9 =	simm.s32 @p3 $0x7080  }
0x388: {  	[hbm4b:s14+s6] =	stream.indirect_vreg.scatter @p3 [tilespmem:s9], [sflag:$0x5], $0x80, v2, vm6, $0xb8;
	[tilespmem:$0x1C880] =	vst v63  }
0x389: {  	p4 =	por !p1, !p4;
	s9 =	simm.s32 @p3 $0x7880  }
0x38a: {  	[hbm4b:s15+s6] =	stream.indirect_vreg.scatter @p3 [tilespmem:s9], [sflag:$0x5], $0x80, v2, vm6, $0xb8;
	[tilespmem:$0x1C880] =	vst v63  }
0x38b: {  	p4 =	por !p4, !p4;
	s9 =	simm.s32 @p3 $0x8080  }
0x38c: {  	[hbm4b:s16+s6] =	stream.indirect_vreg.scatter @p3 [tilespmem:s9], [sflag:$0x5], $0x80, v2, vm6, $0xb8;
	[tilespmem:$0x1C880] =	vst v63  }
0x38d: {  	v2 =	vld @p4 [tilespmem:$0x180];
	_ =	sdelay $0x4  }
0x38e: {  	v3 =	vshll.u32 @p4 v2, $0x3  }
0x38f: {  	v4 =	vlaneseq.u32 @p4;
	v2 =	vand.u32 @p4 $0x7, v2;
	v3 =	vand.u32 @p4 $0xFFFFFFC0, v3  }
0x390: {  	v5 =	vshrl.u32 @p4 v4, $0x3;
	v2 =	vor.u32 @p4 v2, v3;
	v3 =	vand.u32 @p4 $0x7, v4  }
0x391: {  	v5 =	vmul.u32 @p4 $0x8, v5;
	v6 =	vperm.xlane @p4 v2, v3;
	_ =	sdelay $0x1  }
0x392: {  	v6 =	vadd.s32 @p4 v5, v6;
	_ =	sdelay $0x3  }
0x393: {  	vm6 =	vmmov @p4 $0xffff;
	s6 =	simm.s32 @p4 $0x0;
	s9 =	simm.s32 @p4 $0x880  }
0x394: {  	v4 =	vor.u32 @p4 $0x8, v4;
	[hbm4b:s3+s6] =	stream.indirect_vreg.scatter @p4 [tilespmem:s9], [sflag:$0x6], $0x80, v6, vm6, $0xb8;
	[tilespmem:$0x1C880] =	vst v63  }
0x395: {  	v2 =	vperm.xlane @p4 v2, v4;
	s9 =	simm.s32 @p4 $0x1080  }
0x396: {  	[hbm4b:s14+s6] =	stream.indirect_vreg.scatter @p4 [tilespmem:s9], [sflag:$0x6], $0x80, v6, vm6, $0xb8;
	[tilespmem:$0x1C880] =	vst v63  }
0x397: {  	v2 =	vadd.s32 @p4 v5, v2;
	s9 =	simm.s32 @p4 $0x1880  }
0x398: {  	[hbm4b:s15+s6] =	stream.indirect_vreg.scatter @p4 [tilespmem:s9], [sflag:$0x6], $0x80, v6, vm6, $0xb8;
	[tilespmem:$0x1C880] =	vst v63  }
0x399: {  	s9 =	simm.s32 @p4 $0x2080  }
0x39a: {  	[hbm4b:s16+s6] =	stream.indirect_vreg.scatter @p4 [tilespmem:s9], [sflag:$0x6], $0x80, v6, vm6, $0xb8;
	[tilespmem:$0x1C880] =	vst v63  }
0x39b: {  	s9 =	simm.s32 @p4 $0x2880  }
0x39c: {  	[hbm4b:s3+s6] =	stream.indirect_vreg.scatter @p4 [tilespmem:s9], [sflag:$0x6], $0x80, v2, vm6, $0xb8;
	[tilespmem:$0x1C880] =	vst v63  }
0x39d: {  	s9 =	simm.s32 @p4 $0x3080  }
0x39e: {  	[hbm4b:s14+s6] =	stream.indirect_vreg.scatter @p4 [tilespmem:s9], [sflag:$0x6], $0x80, v2, vm6, $0xb8;
	[tilespmem:$0x1C880] =	vst v63  }
0x39f: {  	s9 =	simm.s32 @p4 $0x3880  }
0x3a0: {  	[hbm4b:s15+s6] =	stream.indirect_vreg.scatter @p4 [tilespmem:s9], [sflag:$0x6], $0x80, v2, vm6, $0xb8;
	[tilespmem:$0x1C880] =	vst v63  }
0x3a1: {  	s9 =	simm.s32 @p4 $0x4080  }
0x3a2: {  	[hbm4b:s16+s6] =	stream.indirect_vreg.scatter @p4 [tilespmem:s9], [sflag:$0x6], $0x80, v2, vm6, $0xb8;
	[tilespmem:$0x1C880] =	vst v63  }
0x3a3: {  	v2 =	vld @p4 [tilespmem:$0x190];
	_ =	sdelay $0x4  }
0x3a4: {  	v6 =	vshll.u32 @p4 v2, $0x3  }
0x3a5: {  	v2 =	vand.u32 @p4 $0x7, v2;
	v6 =	vand.u32 @p4 $0xFFFFFFC0, v6  }
0x3a6: {  	v2 =	vor.u32 @p4 v2, v6  }
0x3a7: {  	v3 =	vperm.xlane @p4 v2, v3;
	_ =	sdelay $0x1  }
0x3a8: {  	v3 =	vadd.s32 @p4 v5, v3;
	_ =	sdelay $0x3  }
0x3a9: {  	s9 =	simm.s32 @p4 $0x4880  }
0x3aa: {  	[hbm4b:s3+s6] =	stream.indirect_vreg.scatter @p4 [tilespmem:s9], [sflag:$0x6], $0x80, v3, vm6, $0xb8;
	[tilespmem:$0x1C880] =	vst v63  }
0x3ab: {  	p5 =	sge.s32 s13, s28;
	p1 =	por p2, p2;
	v2 =	vperm.xlane @p4 v2, v4;
	s9 =	simm.s32 @p4 $0x5080  }
0x3ac: {  	[hbm4b:s14+s6] =	stream.indirect_vreg.scatter @p4 [tilespmem:s9], [sflag:$0x6], $0x80, v3, vm6, $0xb8;
	[tilespmem:$0x1C880] =	vst v63  }
0x3ad: {  	p2 =	por p6, p6;
	p6 =	sle.s32 s18, s0;
	v2 =	vadd.s32 @p4 v5, v2;
	s9 =	simm.s32 @p4 $0x5880  }
0x3ae: {  	[hbm4b:s15+s6] =	stream.indirect_vreg.scatter @p4 [tilespmem:s9], [sflag:$0x6], $0x80, v3, vm6, $0xb8;
	[tilespmem:$0x1C880] =	vst v63  }
0x3af: {  	s18 =	sld [smem:$0x7FB];
	p5 =	por !p5, !p6;
	s9 =	simm.s32 @p4 $0x6080  }
0x3b0: {  	[hbm4b:s16+s6] =	stream.indirect_vreg.scatter @p4 [tilespmem:s9], [sflag:$0x6], $0x80, v3, vm6, $0xb8;
	[tilespmem:$0x1C880] =	vst v63  }
0x3b1: {  	p6 =	por p2, p2;
	p2 =	por p1, p1;
	s9 =	simm.s32 @p4 $0x6880  }
0x3b2: {  	[hbm4b:s3+s6] =	stream.indirect_vreg.scatter @p4 [tilespmem:s9], [sflag:$0x6], $0x80, v2, vm6, $0xb8;
	[tilespmem:$0x1C880] =	vst v63  }
0x3b3: {  	p5 =	por !p5, !p5;
	p1 =	seq.s32 s18, $0x1;
	s9 =	simm.s32 @p4 $0x7080  }
0x3b4: {  	[hbm4b:s14+s6] =	stream.indirect_vreg.scatter @p4 [tilespmem:s9], [sflag:$0x6], $0x80, v2, vm6, $0xb8;
	[tilespmem:$0x1C880] =	vst v63  }
0x3b5: {  	p1 =	por !p1, !p5;
	s9 =	simm.s32 @p4 $0x7880  }
0x3b6: {  	[hbm4b:s15+s6] =	stream.indirect_vreg.scatter @p4 [tilespmem:s9], [sflag:$0x6], $0x80, v2, vm6, $0xb8;
	[tilespmem:$0x1C880] =	vst v63  }
0x3b7: {  	p1 =	por !p1, !p1;
	s9 =	simm.s32 @p4 $0x8080  }
0x3b8: {  	[hbm4b:s16+s6] =	stream.indirect_vreg.scatter @p4 [tilespmem:s9], [sflag:$0x6], $0x80, v2, vm6, $0xb8;
	[tilespmem:$0x1C880] =	vst v63  }
0x3b9: {  	v2 =	vld @p1 [tilespmem:$0x200];
	_ =	sdelay $0x4  }
0x3ba: {  	v3 =	vshll.u32 @p1 v2, $0x3  }
0x3bb: {  	v4 =	vlaneseq.u32 @p1;
	v2 =	vand.u32 @p1 $0x7, v2;
	v3 =	vand.u32 @p1 $0xFFFFFFC0, v3  }
0x3bc: {  	v5 =	vshrl.u32 @p1 v4, $0x3;
	v2 =	vor.u32 @p1 v2, v3;
	v3 =	vand.u32 @p1 $0x7, v4  }
0x3bd: {  	v5 =	vmul.u32 @p1 $0x8, v5;
	v6 =	vperm.xlane @p1 v2, v3;
	_ =	sdelay $0x1  }
0x3be: {  	v6 =	vadd.s32 @p1 v5, v6;
	_ =	sdelay $0x3  }
0x3bf: {  	vm6 =	vmmov @p1 $0xffff;
	s6 =	simm.s32 @p1 $0x0;
	s9 =	simm.s32 @p1 $0x880  }
0x3c0: {  	v4 =	vor.u32 @p1 $0x8, v4;
	[hbm4b:s3+s6] =	stream.indirect_vreg.scatter @p1 [tilespmem:s9], [sflag:$0x7], $0x80, v6, vm6, $0xb8;
	[tilespmem:$0x1C880] =	vst v63  }
0x3c1: {  	v2 =	vperm.xlane @p1 v2, v4;
	s9 =	simm.s32 @p1 $0x1080  }
0x3c2: {  	[hbm4b:s14+s6] =	stream.indirect_vreg.scatter @p1 [tilespmem:s9], [sflag:$0x7], $0x80, v6, vm6, $0xb8;
	[tilespmem:$0x1C880] =	vst v63  }
0x3c3: {  	v2 =	vadd.s32 @p1 v5, v2;
	s9 =	simm.s32 @p1 $0x1880  }
0x3c4: {  	[hbm4b:s15+s6] =	stream.indirect_vreg.scatter @p1 [tilespmem:s9], [sflag:$0x7], $0x80, v6, vm6, $0xb8;
	[tilespmem:$0x1C880] =	vst v63  }
0x3c5: {  	s9 =	simm.s32 @p1 $0x2080  }
0x3c6: {  	[hbm4b:s16+s6] =	stream.indirect_vreg.scatter @p1 [tilespmem:s9], [sflag:$0x7], $0x80, v6, vm6, $0xb8;
	[tilespmem:$0x1C880] =	vst v63  }
0x3c7: {  	s9 =	simm.s32 @p1 $0x2880  }
0x3c8: {  	[hbm4b:s3+s6] =	stream.indirect_vreg.scatter @p1 [tilespmem:s9], [sflag:$0x7], $0x80, v2, vm6, $0xb8;
	[tilespmem:$0x1C880] =	vst v63  }
0x3c9: {  	s9 =	simm.s32 @p1 $0x3080  }
0x3ca: {  	[hbm4b:s14+s6] =	stream.indirect_vreg.scatter @p1 [tilespmem:s9], [sflag:$0x7], $0x80, v2, vm6, $0xb8;
	[tilespmem:$0x1C880] =	vst v63  }
0x3cb: {  	s9 =	simm.s32 @p1 $0x3880  }
0x3cc: {  	[hbm4b:s15+s6] =	stream.indirect_vreg.scatter @p1 [tilespmem:s9], [sflag:$0x7], $0x80, v2, vm6, $0xb8;
	[tilespmem:$0x1C880] =	vst v63  }
0x3cd: {  	s9 =	simm.s32 @p1 $0x4080  }
0x3ce: {  	[hbm4b:s16+s6] =	stream.indirect_vreg.scatter @p1 [tilespmem:s9], [sflag:$0x7], $0x80, v2, vm6, $0xb8;
	[tilespmem:$0x1C880] =	vst v63  }
0x3cf: {  	v2 =	vld @p1 [tilespmem:$0x210];
	_ =	sdelay $0x4  }
0x3d0: {  	v6 =	vshll.u32 @p1 v2, $0x3  }
0x3d1: {  	v2 =	vand.u32 @p1 $0x7, v2;
	v6 =	vand.u32 @p1 $0xFFFFFFC0, v6  }
0x3d2: {  	v2 =	vor.u32 @p1 v2, v6  }
0x3d3: {  	v3 =	vperm.xlane @p1 v2, v3;
	_ =	sdelay $0x1  }
0x3d4: {  	v3 =	vadd.s32 @p1 v5, v3;
	_ =	sdelay $0x3  }
0x3d5: {  	s9 =	simm.s32 @p1 $0x4880  }
0x3d6: {  	[hbm4b:s3+s6] =	stream.indirect_vreg.scatter @p1 [tilespmem:s9], [sflag:$0x7], $0x80, v3, vm6, $0xb8;
	[tilespmem:$0x1C880] =	vst v63  }
0x3d7: {  	v2 =	vperm.xlane @p1 v2, v4;
	s9 =	simm.s32 @p1 $0x5080  }
0x3d8: {  	[hbm4b:s14+s6] =	stream.indirect_vreg.scatter @p1 [tilespmem:s9], [sflag:$0x7], $0x80, v3, vm6, $0xb8;
	[tilespmem:$0x1C880] =	vst v63  }
0x3d9: {  	v2 =	vadd.s32 @p1 v5, v2;
	s9 =	simm.s32 @p1 $0x5880  }
0x3da: {  	[hbm4b:s15+s6] =	stream.indirect_vreg.scatter @p1 [tilespmem:s9], [sflag:$0x7], $0x80, v3, vm6, $0xb8;
	[tilespmem:$0x1C880] =	vst v63  }
0x3db: {  	s9 =	simm.s32 @p1 $0x6080  }
0x3dc: {  	[hbm4b:s16+s6] =	stream.indirect_vreg.scatter @p1 [tilespmem:s9], [sflag:$0x7], $0x80, v3, vm6, $0xb8;
	[tilespmem:$0x1C880] =	vst v63  }
0x3dd: {  	s9 =	simm.s32 @p1 $0x6880  }
0x3de: {  	[hbm4b:s3+s6] =	stream.indirect_vreg.scatter @p1 [tilespmem:s9], [sflag:$0x7], $0x80, v2, vm6, $0xb8;
	[tilespmem:$0x1C880] =	vst v63  }
0x3df: {  	s9 =	simm.s32 @p1 $0x7080  }
0x3e0: {  	[hbm4b:s14+s6] =	stream.indirect_vreg.scatter @p1 [tilespmem:s9], [sflag:$0x7], $0x80, v2, vm6, $0xb8;
	[tilespmem:$0x1C880] =	vst v63  }
0x3e1: {  	s9 =	simm.s32 @p1 $0x7880  }
0x3e2: {  	[hbm4b:s15+s6] =	stream.indirect_vreg.scatter @p1 [tilespmem:s9], [sflag:$0x7], $0x80, v2, vm6, $0xb8;
	[tilespmem:$0x1C880] =	vst v63  }
0x3e3: {  	s9 =	simm.s32 @p1 $0x8080  }
0x3e4: {  	[hbm4b:s16+s6] =	stream.indirect_vreg.scatter @p1 [tilespmem:s9], [sflag:$0x7], $0x80, v2, vm6, $0xb8;
	[tilespmem:$0x1C880] =	vst v63  }
0x3e5: {  	s6 =	simm.s32 @p0 $0x4  }
0x3e6: {  	_ =	swait.ge @p0 [sflag:s6], $0x8000  }
0x3e7: {  	[sflag:s6] =	ssyncset.done @p0 $0x0  }
0x3e8: {  	[sflag:s6] =	ssyncadd.s32 @p0 $0xFFFF8000;
	s6 =	simm.s32 @p3 $0x5  }
0x3e9: {  	_ =	swait.ge @p3 [sflag:s6], $0x8000  }
0x3ea: {  	[sflag:s6] =	ssyncset.done @p3 $0x0  }
0x3eb: {  	[sflag:s6] =	ssyncadd.s32 @p3 $0xFFFF8000;
	s6 =	simm.s32 @p4 $0x6  }
0x3ec: {  	_ =	swait.ge @p4 [sflag:s6], $0x8000  }
0x3ed: {  	s23 =	rddreg [dreg:$0xb]  }
.Ltmp9:
0x3ee: {  	[sflag:s6] =	ssyncset.done @p4 $0x0;
	s13 =	sadd.s32 s23, s11;
	(pc) =	sbr.rel .LBB2_13-.Ltmp9, $4  }
0x3ef: {  	[sflag:s6] =	ssyncadd.s32 @p4 $0xFFFF8000;
	s6 =	simm.s32 @p1 $0x7;
	s18 =	sadd.s32 $0x20, s13  }
0x3f0: {  	p5 =	slt.s32 s13, s12;
	_ =	swait.ge @p1 [sflag:s6], $0x8000;
	p4 =	slt.s32 s18, $0x2001  }
0x3f1: {  	[sflag:s6] =	ssyncset.done @p1 $0x0;
	p0 =	por !p5, !p4  }
0x3f2: {  	[sflag:s6] =	ssyncadd.s32 @p1 $0xFFFF8000;
	p0 =	por !p0, !p0  }
.LBB2_11:
0x3f3: {  	s6 =	rddreg [dreg:$0xb]  }
0x3f4: {  	s13 =	sadd.s32 s6, s11  }
0x3f5: {  	s18 =	sadd.s32 $0x20, s13  }
0x3f6: {  	p1 =	slt.s32 s13, s12;
	p0 =	slt.s32 s18, $0x2001  }
0x3f7: {  	p0 =	por !p1, !p0  }
0x3f8: {  	p0 =	por !p0, !p0  }
.LBB2_13:
0x3f9: {  	s6 =	ssub.s32 s13, s31  }
0x3fa: {  	s9 =	ssub.s32 s13, s30;
	v2 =	vadd.s32 s6, v1;
	s6 =	sadd.s32 $0x10, s6  }
0x3fb: {  	s23 =	sadd.s32 $0x1000, s9;
	[tilespmem:$0x80] =	vst v2;
	v2 =	vadd.s32 s6, v1  }
0x3fc: {  	[tilespmem:$0x90] =	vst v2;
	v2 =	vadd.s32 s23, v1;
	s23 =	sadd.s32 $0x1010, s9;
	s9 =	ssub.s32 s13, s29  }
0x3fd: {  	[tilespmem:$0x100] =	vst v2;
	v2 =	vadd.s32 s23, v1;
	s23 =	sadd.s32 $0x2000, s9  }
0x3fe: {  	[tilespmem:$0x110] =	vst v2;
	v2 =	vadd.s32 s23, v1;
	s23 =	sadd.s32 $0x2010, s9;
	s9 =	ssub.s32 s13, s28  }
0x3ff: {  	[tilespmem:$0x180] =	vst v2;
	v2 =	vadd.s32 s23, v1;
	s23 =	sadd.s32 $0x3000, s9  }
0x400: {  	[tilespmem:$0x190] =	vst v2;
	v2 =	vadd.s32 s23, v1;
	s23 =	sadd.s32 $0x3010, s9  }
0x401: {  	[tilespmem:$0x200] =	vst v2;
	v2 =	vadd.s32 s23, v1  }
.Ltmp10:
0x402: {  	[tilespmem:$0x210] =	vst v2;
	[smem:$0x7FA] =	sst s0;
	s0 =	simm.s32 @!p0 $0x0;
	(pc) =	sbr.rel @!p2 .LBB2_14-.Ltmp10, $4  }
0x403: {  	s6 =	sshll.u32 @p0 s13, $0x7;
	s0 =	simm.s32 @p0 $0x1  }
0x404: {  	s6 =	sadd.s32 @p0 s2, s6;
	[smem:$0x7F9] =	sst s0  }
0x405: {  	s9 =	simm.s32 @p0 $0x0;
	s23 =	simm.s32 @p0 $0x880;
	s0 =	sld [smem:$0x7FA]  }
0x406: {  	[tilespmem:s23], [sflag:$0x1] =	stream.linear.gather @p0 [hbm4b:s6+s9], $0x8000, $0x38;
	[tilespmem:$0x1C880] =	vst v63  }
0x407: {  	p0 =	sge.s32 s17, s31;
	p1 =	sle.s32 s19, s5  }
0x408: {  	p0 =	por !p0, !p1  }
0x409: {  	_ =	swait.ge [sflag:s25], $0x8000;
	p0 =	por !p0, !p0  }
0x40a: {  	[sflag:s25] =	ssyncset.done $0x0;
	p0 =	por !p2, !p0  }
0x40b: {  	[sflag:s25] =	ssyncadd.s32 $0xFFFF8000;
	p0 =	por !p0, !p0  }
0x40c: {  	v2 =	vld @p0 [tilespmem:$0x280];
	_ =	sdelay $0x4  }
0x40d: {  	v3 =	vshll.u32 @p0 v2, $0x3  }
0x40e: {  	v4 =	vlaneseq.u32 @p0;
	v2 =	vand.u32 @p0 $0x7, v2;
	v3 =	vand.u32 @p0 $0xFFFFFFC0, v3  }
0x40f: {  	v5 =	vshrl.u32 @p0 v4, $0x3;
	v2 =	vor.u32 @p0 v2, v3;
	v3 =	vand.u32 @p0 $0x7, v4  }
0x410: {  	v5 =	vmul.u32 @p0 $0x8, v5;
	v6 =	vperm.xlane @p0 v2, v3;
	_ =	sdelay $0x1  }
0x411: {  	v6 =	vadd.s32 @p0 v5, v6;
	_ =	sdelay $0x3  }
0x412: {  	vm6 =	vmmov @p0 $0xffff;
	s6 =	simm.s32 @p0 $0x0;
	s9 =	simm.s32 @p0 $0x8880  }
0x413: {  	v4 =	vor.u32 @p0 $0x8, v4;
	[hbm4b:s3+s6] =	stream.indirect_vreg.scatter @p0 [tilespmem:s9], [sflag:$0x8], $0x80, v6, vm6, $0xb8;
	[tilespmem:$0x1C880] =	vst v63  }
0x414: {  	v2 =	vperm.xlane @p0 v2, v4;
	s9 =	simm.s32 @p0 $0x9080  }
0x415: {  	[hbm4b:s14+s6] =	stream.indirect_vreg.scatter @p0 [tilespmem:s9], [sflag:$0x8], $0x80, v6, vm6, $0xb8;
	[tilespmem:$0x1C880] =	vst v63  }
0x416: {  	v2 =	vadd.s32 @p0 v5, v2;
	s9 =	simm.s32 @p0 $0x9880  }
0x417: {  	[hbm4b:s15+s6] =	stream.indirect_vreg.scatter @p0 [tilespmem:s9], [sflag:$0x8], $0x80, v6, vm6, $0xb8;
	[tilespmem:$0x1C880] =	vst v63  }
0x418: {  	s9 =	simm.s32 @p0 $0xA080  }
0x419: {  	[hbm4b:s16+s6] =	stream.indirect_vreg.scatter @p0 [tilespmem:s9], [sflag:$0x8], $0x80, v6, vm6, $0xb8;
	[tilespmem:$0x1C880] =	vst v63  }
0x41a: {  	s9 =	simm.s32 @p0 $0xA880  }
0x41b: {  	[hbm4b:s3+s6] =	stream.indirect_vreg.scatter @p0 [tilespmem:s9], [sflag:$0x8], $0x80, v2, vm6, $0xb8;
	[tilespmem:$0x1C880] =	vst v63  }
0x41c: {  	s9 =	simm.s32 @p0 $0xB080  }
0x41d: {  	[hbm4b:s14+s6] =	stream.indirect_vreg.scatter @p0 [tilespmem:s9], [sflag:$0x8], $0x80, v2, vm6, $0xb8;
	[tilespmem:$0x1C880] =	vst v63  }
0x41e: {  	s9 =	simm.s32 @p0 $0xB880  }
0x41f: {  	[hbm4b:s15+s6] =	stream.indirect_vreg.scatter @p0 [tilespmem:s9], [sflag:$0x8], $0x80, v2, vm6, $0xb8;
	[tilespmem:$0x1C880] =	vst v63  }
0x420: {  	s9 =	simm.s32 @p0 $0xC080  }
0x421: {  	[hbm4b:s16+s6] =	stream.indirect_vreg.scatter @p0 [tilespmem:s9], [sflag:$0x8], $0x80, v2, vm6, $0xb8;
	[tilespmem:$0x1C880] =	vst v63  }
0x422: {  	v2 =	vld @p0 [tilespmem:$0x290];
	_ =	sdelay $0x4  }
0x423: {  	v6 =	vshll.u32 @p0 v2, $0x3  }
0x424: {  	v2 =	vand.u32 @p0 $0x7, v2;
	v6 =	vand.u32 @p0 $0xFFFFFFC0, v6  }
0x425: {  	v2 =	vor.u32 @p0 v2, v6  }
0x426: {  	v3 =	vperm.xlane @p0 v2, v3;
	_ =	sdelay $0x1  }
0x427: {  	v3 =	vadd.s32 @p0 v5, v3;
	_ =	sdelay $0x3  }
0x428: {  	s9 =	simm.s32 @p0 $0xC880  }
0x429: {  	[hbm4b:s3+s6] =	stream.indirect_vreg.scatter @p0 [tilespmem:s9], [sflag:$0x8], $0x80, v3, vm6, $0xb8;
	[tilespmem:$0x1C880] =	vst v63  }
0x42a: {  	v2 =	vperm.xlane @p0 v2, v4;
	s9 =	simm.s32 @p0 $0xD080  }
0x42b: {  	[hbm4b:s14+s6] =	stream.indirect_vreg.scatter @p0 [tilespmem:s9], [sflag:$0x8], $0x80, v3, vm6, $0xb8;
	[tilespmem:$0x1C880] =	vst v63  }
0x42c: {  	v2 =	vadd.s32 @p0 v5, v2;
	s9 =	simm.s32 @p0 $0xD880  }
0x42d: {  	[hbm4b:s15+s6] =	stream.indirect_vreg.scatter @p0 [tilespmem:s9], [sflag:$0x8], $0x80, v3, vm6, $0xb8;
	[tilespmem:$0x1C880] =	vst v63  }
0x42e: {  	p4 =	sge.s32 s17, s30;
	p3 =	sle.s32 s19, s1;
	s9 =	simm.s32 @p0 $0xE080  }
0x42f: {  	[hbm4b:s16+s6] =	stream.indirect_vreg.scatter @p0 [tilespmem:s9], [sflag:$0x8], $0x80, v3, vm6, $0xb8;
	[tilespmem:$0x1C880] =	vst v63  }
0x430: {  	p1 =	por !p4, !p3;
	s9 =	simm.s32 @p0 $0xE880  }
0x431: {  	[hbm4b:s3+s6] =	stream.indirect_vreg.scatter @p0 [tilespmem:s9], [sflag:$0x8], $0x80, v2, vm6, $0xb8;
	[tilespmem:$0x1C880] =	vst v63  }
0x432: {  	p1 =	por !p1, !p1;
	s9 =	simm.s32 @p0 $0xF080  }
0x433: {  	[hbm4b:s14+s6] =	stream.indirect_vreg.scatter @p0 [tilespmem:s9], [sflag:$0x8], $0x80, v2, vm6, $0xb8;
	[tilespmem:$0x1C880] =	vst v63  }
0x434: {  	p1 =	por !p2, !p1;
	s9 =	simm.s32 @p0 $0xF880  }
0x435: {  	[hbm4b:s15+s6] =	stream.indirect_vreg.scatter @p0 [tilespmem:s9], [sflag:$0x8], $0x80, v2, vm6, $0xb8;
	[tilespmem:$0x1C880] =	vst v63  }
0x436: {  	p1 =	por !p1, !p1;
	s9 =	simm.s32 @p0 $0x10080  }
0x437: {  	[hbm4b:s16+s6] =	stream.indirect_vreg.scatter @p0 [tilespmem:s9], [sflag:$0x8], $0x80, v2, vm6, $0xb8;
	[tilespmem:$0x1C880] =	vst v63  }
0x438: {  	v2 =	vld @p1 [tilespmem:$0x300];
	_ =	sdelay $0x4  }
0x439: {  	v3 =	vshll.u32 @p1 v2, $0x3  }
0x43a: {  	v4 =	vlaneseq.u32 @p1;
	v2 =	vand.u32 @p1 $0x7, v2;
	v3 =	vand.u32 @p1 $0xFFFFFFC0, v3  }
0x43b: {  	v5 =	vshrl.u32 @p1 v4, $0x3;
	v2 =	vor.u32 @p1 v2, v3;
	v3 =	vand.u32 @p1 $0x7, v4  }
0x43c: {  	v5 =	vmul.u32 @p1 $0x8, v5;
	v6 =	vperm.xlane @p1 v2, v3;
	_ =	sdelay $0x1  }
0x43d: {  	v6 =	vadd.s32 @p1 v5, v6;
	_ =	sdelay $0x3  }
0x43e: {  	vm6 =	vmmov @p1 $0xffff;
	s6 =	simm.s32 @p1 $0x0;
	s9 =	simm.s32 @p1 $0x8880  }
0x43f: {  	v4 =	vor.u32 @p1 $0x8, v4;
	[hbm4b:s3+s6] =	stream.indirect_vreg.scatter @p1 [tilespmem:s9], [sflag:$0x9], $0x80, v6, vm6, $0xb8;
	[tilespmem:$0x1C880] =	vst v63  }
0x440: {  	v2 =	vperm.xlane @p1 v2, v4;
	s9 =	simm.s32 @p1 $0x9080  }
0x441: {  	[hbm4b:s14+s6] =	stream.indirect_vreg.scatter @p1 [tilespmem:s9], [sflag:$0x9], $0x80, v6, vm6, $0xb8;
	[tilespmem:$0x1C880] =	vst v63  }
0x442: {  	v2 =	vadd.s32 @p1 v5, v2;
	s9 =	simm.s32 @p1 $0x9880  }
0x443: {  	[hbm4b:s15+s6] =	stream.indirect_vreg.scatter @p1 [tilespmem:s9], [sflag:$0x9], $0x80, v6, vm6, $0xb8;
	[tilespmem:$0x1C880] =	vst v63  }
0x444: {  	s9 =	simm.s32 @p1 $0xA080  }
0x445: {  	[hbm4b:s16+s6] =	stream.indirect_vreg.scatter @p1 [tilespmem:s9], [sflag:$0x9], $0x80, v6, vm6, $0xb8;
	[tilespmem:$0x1C880] =	vst v63  }
0x446: {  	s9 =	simm.s32 @p1 $0xA880  }
0x447: {  	[hbm4b:s3+s6] =	stream.indirect_vreg.scatter @p1 [tilespmem:s9], [sflag:$0x9], $0x80, v2, vm6, $0xb8;
	[tilespmem:$0x1C880] =	vst v63  }
0x448: {  	s9 =	simm.s32 @p1 $0xB080  }
0x449: {  	[hbm4b:s14+s6] =	stream.indirect_vreg.scatter @p1 [tilespmem:s9], [sflag:$0x9], $0x80, v2, vm6, $0xb8;
	[tilespmem:$0x1C880] =	vst v63  }
0x44a: {  	s9 =	simm.s32 @p1 $0xB880  }
0x44b: {  	[hbm4b:s15+s6] =	stream.indirect_vreg.scatter @p1 [tilespmem:s9], [sflag:$0x9], $0x80, v2, vm6, $0xb8;
	[tilespmem:$0x1C880] =	vst v63  }
0x44c: {  	s9 =	simm.s32 @p1 $0xC080  }
0x44d: {  	[hbm4b:s16+s6] =	stream.indirect_vreg.scatter @p1 [tilespmem:s9], [sflag:$0x9], $0x80, v2, vm6, $0xb8;
	[tilespmem:$0x1C880] =	vst v63  }
0x44e: {  	v2 =	vld @p1 [tilespmem:$0x310];
	_ =	sdelay $0x4  }
0x44f: {  	v6 =	vshll.u32 @p1 v2, $0x3  }
0x450: {  	v2 =	vand.u32 @p1 $0x7, v2;
	v6 =	vand.u32 @p1 $0xFFFFFFC0, v6  }
0x451: {  	v2 =	vor.u32 @p1 v2, v6  }
0x452: {  	v3 =	vperm.xlane @p1 v2, v3;
	_ =	sdelay $0x1  }
0x453: {  	v3 =	vadd.s32 @p1 v5, v3;
	_ =	sdelay $0x3  }
0x454: {  	s9 =	simm.s32 @p1 $0xC880  }
0x455: {  	[hbm4b:s3+s6] =	stream.indirect_vreg.scatter @p1 [tilespmem:s9], [sflag:$0x9], $0x80, v3, vm6, $0xb8;
	[tilespmem:$0x1C880] =	vst v63  }
0x456: {  	v2 =	vperm.xlane @p1 v2, v4;
	s9 =	simm.s32 @p1 $0xD080  }
0x457: {  	[hbm4b:s14+s6] =	stream.indirect_vreg.scatter @p1 [tilespmem:s9], [sflag:$0x9], $0x80, v3, vm6, $0xb8;
	[tilespmem:$0x1C880] =	vst v63  }
0x458: {  	v2 =	vadd.s32 @p1 v5, v2;
	s9 =	simm.s32 @p1 $0xD880  }
0x459: {  	[hbm4b:s15+s6] =	stream.indirect_vreg.scatter @p1 [tilespmem:s9], [sflag:$0x9], $0x80, v3, vm6, $0xb8;
	[tilespmem:$0x1C880] =	vst v63  }
0x45a: {  	p5 =	sge.s32 s17, s29;
	p4 =	sle.s32 s19, s4;
	s9 =	simm.s32 @p1 $0xE080  }
0x45b: {  	[hbm4b:s16+s6] =	stream.indirect_vreg.scatter @p1 [tilespmem:s9], [sflag:$0x9], $0x80, v3, vm6, $0xb8;
	[tilespmem:$0x1C880] =	vst v63  }
0x45c: {  	p3 =	por !p5, !p4;
	s9 =	simm.s32 @p1 $0xE880  }
0x45d: {  	[hbm4b:s3+s6] =	stream.indirect_vreg.scatter @p1 [tilespmem:s9], [sflag:$0x9], $0x80, v2, vm6, $0xb8;
	[tilespmem:$0x1C880] =	vst v63  }
0x45e: {  	p3 =	por !p3, !p3;
	s9 =	simm.s32 @p1 $0xF080  }
0x45f: {  	[hbm4b:s14+s6] =	stream.indirect_vreg.scatter @p1 [tilespmem:s9], [sflag:$0x9], $0x80, v2, vm6, $0xb8;
	[tilespmem:$0x1C880] =	vst v63  }
0x460: {  	p3 =	por !p2, !p3;
	s9 =	simm.s32 @p1 $0xF880  }
0x461: {  	[hbm4b:s15+s6] =	stream.indirect_vreg.scatter @p1 [tilespmem:s9], [sflag:$0x9], $0x80, v2, vm6, $0xb8;
	[tilespmem:$0x1C880] =	vst v63  }
0x462: {  	p3 =	por !p3, !p3;
	s9 =	simm.s32 @p1 $0x10080  }
0x463: {  	[hbm4b:s16+s6] =	stream.indirect_vreg.scatter @p1 [tilespmem:s9], [sflag:$0x9], $0x80, v2, vm6, $0xb8;
	[tilespmem:$0x1C880] =	vst v63  }
0x464: {  	v2 =	vld @p3 [tilespmem:$0x380];
	_ =	sdelay $0x4  }
0x465: {  	v3 =	vshll.u32 @p3 v2, $0x3  }
0x466: {  	v4 =	vlaneseq.u32 @p3;
	v2 =	vand.u32 @p3 $0x7, v2;
	v3 =	vand.u32 @p3 $0xFFFFFFC0, v3  }
0x467: {  	v5 =	vshrl.u32 @p3 v4, $0x3;
	v2 =	vor.u32 @p3 v2, v3;
	v3 =	vand.u32 @p3 $0x7, v4  }
0x468: {  	v5 =	vmul.u32 @p3 $0x8, v5;
	v6 =	vperm.xlane @p3 v2, v3;
	_ =	sdelay $0x1  }
0x469: {  	v6 =	vadd.s32 @p3 v5, v6;
	_ =	sdelay $0x3  }
0x46a: {  	vm6 =	vmmov @p3 $0xffff;
	s6 =	simm.s32 @p3 $0x0;
	s9 =	simm.s32 @p3 $0x8880  }
0x46b: {  	v4 =	vor.u32 @p3 $0x8, v4;
	[hbm4b:s3+s6] =	stream.indirect_vreg.scatter @p3 [tilespmem:s9], [sflag:$0xA], $0x80, v6, vm6, $0xb8;
	[tilespmem:$0x1C880] =	vst v63  }
0x46c: {  	v2 =	vperm.xlane @p3 v2, v4;
	s9 =	simm.s32 @p3 $0x9080  }
0x46d: {  	[hbm4b:s14+s6] =	stream.indirect_vreg.scatter @p3 [tilespmem:s9], [sflag:$0xA], $0x80, v6, vm6, $0xb8;
	[tilespmem:$0x1C880] =	vst v63  }
0x46e: {  	v2 =	vadd.s32 @p3 v5, v2;
	s9 =	simm.s32 @p3 $0x9880  }
0x46f: {  	[hbm4b:s15+s6] =	stream.indirect_vreg.scatter @p3 [tilespmem:s9], [sflag:$0xA], $0x80, v6, vm6, $0xb8;
	[tilespmem:$0x1C880] =	vst v63  }
0x470: {  	s9 =	simm.s32 @p3 $0xA080  }
0x471: {  	[hbm4b:s16+s6] =	stream.indirect_vreg.scatter @p3 [tilespmem:s9], [sflag:$0xA], $0x80, v6, vm6, $0xb8;
	[tilespmem:$0x1C880] =	vst v63  }
0x472: {  	s9 =	simm.s32 @p3 $0xA880  }
0x473: {  	[hbm4b:s3+s6] =	stream.indirect_vreg.scatter @p3 [tilespmem:s9], [sflag:$0xA], $0x80, v2, vm6, $0xb8;
	[tilespmem:$0x1C880] =	vst v63  }
0x474: {  	s9 =	simm.s32 @p3 $0xB080  }
0x475: {  	[hbm4b:s14+s6] =	stream.indirect_vreg.scatter @p3 [tilespmem:s9], [sflag:$0xA], $0x80, v2, vm6, $0xb8;
	[tilespmem:$0x1C880] =	vst v63  }
0x476: {  	s9 =	simm.s32 @p3 $0xB880  }
0x477: {  	[hbm4b:s15+s6] =	stream.indirect_vreg.scatter @p3 [tilespmem:s9], [sflag:$0xA], $0x80, v2, vm6, $0xb8;
	[tilespmem:$0x1C880] =	vst v63  }
0x478: {  	s9 =	simm.s32 @p3 $0xC080  }
0x479: {  	[hbm4b:s16+s6] =	stream.indirect_vreg.scatter @p3 [tilespmem:s9], [sflag:$0xA], $0x80, v2, vm6, $0xb8;
	[tilespmem:$0x1C880] =	vst v63  }
0x47a: {  	v2 =	vld @p3 [tilespmem:$0x390];
	_ =	sdelay $0x4  }
0x47b: {  	v6 =	vshll.u32 @p3 v2, $0x3  }
0x47c: {  	v2 =	vand.u32 @p3 $0x7, v2;
	v6 =	vand.u32 @p3 $0xFFFFFFC0, v6  }
0x47d: {  	v2 =	vor.u32 @p3 v2, v6  }
0x47e: {  	v3 =	vperm.xlane @p3 v2, v3;
	_ =	sdelay $0x1  }
0x47f: {  	v3 =	vadd.s32 @p3 v5, v3;
	_ =	sdelay $0x3  }
0x480: {  	s9 =	simm.s32 @p3 $0xC880  }
0x481: {  	[hbm4b:s3+s6] =	stream.indirect_vreg.scatter @p3 [tilespmem:s9], [sflag:$0xA], $0x80, v3, vm6, $0xb8;
	[tilespmem:$0x1C880] =	vst v63  }
0x482: {  	v2 =	vperm.xlane @p3 v2, v4;
	s9 =	simm.s32 @p3 $0xD080  }
0x483: {  	[hbm4b:s14+s6] =	stream.indirect_vreg.scatter @p3 [tilespmem:s9], [sflag:$0xA], $0x80, v3, vm6, $0xb8;
	[tilespmem:$0x1C880] =	vst v63  }
0x484: {  	v2 =	vadd.s32 @p3 v5, v2;
	s9 =	simm.s32 @p3 $0xD880  }
0x485: {  	[hbm4b:s15+s6] =	stream.indirect_vreg.scatter @p3 [tilespmem:s9], [sflag:$0xA], $0x80, v3, vm6, $0xb8;
	[tilespmem:$0x1C880] =	vst v63  }
0x486: {  	p4 =	sge.s32 s17, s28;
	p5 =	sle.s32 s19, s0;
	s9 =	simm.s32 @p3 $0xE080  }
0x487: {  	[hbm4b:s16+s6] =	stream.indirect_vreg.scatter @p3 [tilespmem:s9], [sflag:$0xA], $0x80, v3, vm6, $0xb8;
	[tilespmem:$0x1C880] =	vst v63  }
0x488: {  	p4 =	por !p4, !p5;
	s9 =	simm.s32 @p3 $0xE880  }
0x489: {  	[hbm4b:s3+s6] =	stream.indirect_vreg.scatter @p3 [tilespmem:s9], [sflag:$0xA], $0x80, v2, vm6, $0xb8;
	[tilespmem:$0x1C880] =	vst v63  }
0x48a: {  	p4 =	por !p4, !p4;
	s9 =	simm.s32 @p3 $0xF080  }
0x48b: {  	[hbm4b:s14+s6] =	stream.indirect_vreg.scatter @p3 [tilespmem:s9], [sflag:$0xA], $0x80, v2, vm6, $0xb8;
	[tilespmem:$0x1C880] =	vst v63  }
0x48c: {  	p5 =	por !p2, !p4;
	s9 =	simm.s32 @p3 $0xF880  }
0x48d: {  	[hbm4b:s15+s6] =	stream.indirect_vreg.scatter @p3 [tilespmem:s9], [sflag:$0xA], $0x80, v2, vm6, $0xb8;
	[tilespmem:$0x1C880] =	vst v63  }
0x48e: {  	p2 =	por !p5, !p5;
	s9 =	simm.s32 @p3 $0x10080  }
0x48f: {  	[hbm4b:s16+s6] =	stream.indirect_vreg.scatter @p3 [tilespmem:s9], [sflag:$0xA], $0x80, v2, vm6, $0xb8;
	[tilespmem:$0x1C880] =	vst v63  }
0x490: {  	v2 =	vld @p2 [tilespmem:$0x400];
	_ =	sdelay $0x4  }
0x491: {  	v3 =	vshll.u32 @p2 v2, $0x3  }
0x492: {  	v4 =	vlaneseq.u32 @p2;
	v2 =	vand.u32 @p2 $0x7, v2;
	v3 =	vand.u32 @p2 $0xFFFFFFC0, v3  }
0x493: {  	v5 =	vshrl.u32 @p2 v4, $0x3;
	v2 =	vor.u32 @p2 v2, v3;
	v3 =	vand.u32 @p2 $0x7, v4  }
0x494: {  	v5 =	vmul.u32 @p2 $0x8, v5;
	v6 =	vperm.xlane @p2 v2, v3;
	_ =	sdelay $0x1  }
0x495: {  	v6 =	vadd.s32 @p2 v5, v6;
	_ =	sdelay $0x3  }
0x496: {  	vm6 =	vmmov @p2 $0xffff;
	s6 =	simm.s32 @p2 $0x0;
	s9 =	simm.s32 @p2 $0x8880  }
0x497: {  	v4 =	vor.u32 @p2 $0x8, v4;
	[hbm4b:s3+s6] =	stream.indirect_vreg.scatter @p2 [tilespmem:s9], [sflag:$0xB], $0x80, v6, vm6, $0xb8;
	[tilespmem:$0x1C880] =	vst v63  }
0x498: {  	v2 =	vperm.xlane @p2 v2, v4;
	s9 =	simm.s32 @p2 $0x9080  }
0x499: {  	[hbm4b:s14+s6] =	stream.indirect_vreg.scatter @p2 [tilespmem:s9], [sflag:$0xB], $0x80, v6, vm6, $0xb8;
	[tilespmem:$0x1C880] =	vst v63  }
0x49a: {  	v2 =	vadd.s32 @p2 v5, v2;
	s9 =	simm.s32 @p2 $0x9880  }
0x49b: {  	[hbm4b:s15+s6] =	stream.indirect_vreg.scatter @p2 [tilespmem:s9], [sflag:$0xB], $0x80, v6, vm6, $0xb8;
	[tilespmem:$0x1C880] =	vst v63  }
0x49c: {  	s9 =	simm.s32 @p2 $0xA080  }
0x49d: {  	[hbm4b:s16+s6] =	stream.indirect_vreg.scatter @p2 [tilespmem:s9], [sflag:$0xB], $0x80, v6, vm6, $0xb8;
	[tilespmem:$0x1C880] =	vst v63  }
0x49e: {  	s9 =	simm.s32 @p2 $0xA880  }
0x49f: {  	[hbm4b:s3+s6] =	stream.indirect_vreg.scatter @p2 [tilespmem:s9], [sflag:$0xB], $0x80, v2, vm6, $0xb8;
	[tilespmem:$0x1C880] =	vst v63  }
0x4a0: {  	s9 =	simm.s32 @p2 $0xB080  }
0x4a1: {  	[hbm4b:s14+s6] =	stream.indirect_vreg.scatter @p2 [tilespmem:s9], [sflag:$0xB], $0x80, v2, vm6, $0xb8;
	[tilespmem:$0x1C880] =	vst v63  }
0x4a2: {  	s9 =	simm.s32 @p2 $0xB880  }
0x4a3: {  	[hbm4b:s15+s6] =	stream.indirect_vreg.scatter @p2 [tilespmem:s9], [sflag:$0xB], $0x80, v2, vm6, $0xb8;
	[tilespmem:$0x1C880] =	vst v63  }
0x4a4: {  	s9 =	simm.s32 @p2 $0xC080  }
0x4a5: {  	[hbm4b:s16+s6] =	stream.indirect_vreg.scatter @p2 [tilespmem:s9], [sflag:$0xB], $0x80, v2, vm6, $0xb8;
	[tilespmem:$0x1C880] =	vst v63  }
0x4a6: {  	v2 =	vld @p2 [tilespmem:$0x410];
	_ =	sdelay $0x4  }
0x4a7: {  	v6 =	vshll.u32 @p2 v2, $0x3  }
0x4a8: {  	v2 =	vand.u32 @p2 $0x7, v2;
	v6 =	vand.u32 @p2 $0xFFFFFFC0, v6  }
0x4a9: {  	v2 =	vor.u32 @p2 v2, v6  }
0x4aa: {  	v3 =	vperm.xlane @p2 v2, v3;
	_ =	sdelay $0x1  }
0x4ab: {  	v3 =	vadd.s32 @p2 v5, v3;
	_ =	sdelay $0x3  }
0x4ac: {  	s9 =	simm.s32 @p2 $0xC880  }
0x4ad: {  	[hbm4b:s3+s6] =	stream.indirect_vreg.scatter @p2 [tilespmem:s9], [sflag:$0xB], $0x80, v3, vm6, $0xb8;
	[tilespmem:$0x1C880] =	vst v63  }
0x4ae: {  	v2 =	vperm.xlane @p2 v2, v4;
	s9 =	simm.s32 @p2 $0xD080  }
0x4af: {  	[hbm4b:s14+s6] =	stream.indirect_vreg.scatter @p2 [tilespmem:s9], [sflag:$0xB], $0x80, v3, vm6, $0xb8;
	[tilespmem:$0x1C880] =	vst v63  }
0x4b0: {  	v2 =	vadd.s32 @p2 v5, v2;
	s9 =	simm.s32 @p2 $0xD880  }
0x4b1: {  	[hbm4b:s15+s6] =	stream.indirect_vreg.scatter @p2 [tilespmem:s9], [sflag:$0xB], $0x80, v3, vm6, $0xb8;
	[tilespmem:$0x1C880] =	vst v63  }
0x4b2: {  	s9 =	simm.s32 @p2 $0xE080  }
0x4b3: {  	[hbm4b:s16+s6] =	stream.indirect_vreg.scatter @p2 [tilespmem:s9], [sflag:$0xB], $0x80, v3, vm6, $0xb8;
	[tilespmem:$0x1C880] =	vst v63  }
0x4b4: {  	s9 =	simm.s32 @p2 $0xE880  }
0x4b5: {  	[hbm4b:s3+s6] =	stream.indirect_vreg.scatter @p2 [tilespmem:s9], [sflag:$0xB], $0x80, v2, vm6, $0xb8;
	[tilespmem:$0x1C880] =	vst v63  }
0x4b6: {  	s9 =	simm.s32 @p2 $0xF080  }
0x4b7: {  	[hbm4b:s14+s6] =	stream.indirect_vreg.scatter @p2 [tilespmem:s9], [sflag:$0xB], $0x80, v2, vm6, $0xb8;
	[tilespmem:$0x1C880] =	vst v63  }
0x4b8: {  	s9 =	simm.s32 @p2 $0xF880  }
0x4b9: {  	[hbm4b:s15+s6] =	stream.indirect_vreg.scatter @p2 [tilespmem:s9], [sflag:$0xB], $0x80, v2, vm6, $0xb8;
	[tilespmem:$0x1C880] =	vst v63  }
0x4ba: {  	s9 =	simm.s32 @p2 $0x10080  }
0x4bb: {  	[hbm4b:s16+s6] =	stream.indirect_vreg.scatter @p2 [tilespmem:s9], [sflag:$0xB], $0x80, v2, vm6, $0xb8;
	[tilespmem:$0x1C880] =	vst v63  }
0x4bc: {  	s6 =	simm.s32 @p0 $0x8  }
0x4bd: {  	_ =	swait.ge @p0 [sflag:s6], $0x8000  }
0x4be: {  	[sflag:s6] =	ssyncset.done @p0 $0x0  }
0x4bf: {  	[sflag:s6] =	ssyncadd.s32 @p0 $0xFFFF8000;
	s6 =	simm.s32 @p1 $0x9  }
0x4c0: {  	_ =	swait.ge @p1 [sflag:s6], $0x8000  }
0x4c1: {  	[sflag:s6] =	ssyncset.done @p1 $0x0  }
0x4c2: {  	[sflag:s6] =	ssyncadd.s32 @p1 $0xFFFF8000;
	s6 =	simm.s32 @p3 $0xA  }
0x4c3: {  	_ =	swait.ge @p3 [sflag:s6], $0x8000  }
0x4c4: {  	s23 =	rddreg [dreg:$0xc]  }
.Ltmp11:
0x4c5: {  	[sflag:s6] =	ssyncset.done @p3 $0x0;
	s11 =	sadd.s32 s23, s11;
	(pc) =	sbr.rel .LBB2_16-.Ltmp11, $4  }
0x4c6: {  	[sflag:s6] =	ssyncadd.s32 @p3 $0xFFFF8000;
	s6 =	simm.s32 @p2 $0xB;
	s17 =	sadd.s32 $0x20, s11  }
0x4c7: {  	p5 =	slt.s32 s11, s12;
	_ =	swait.ge @p2 [sflag:s6], $0x8000;
	p4 =	slt.s32 s17, $0x2001  }
0x4c8: {  	[sflag:s6] =	ssyncset.done @p2 $0x0;
	p0 =	por !p5, !p4  }
0x4c9: {  	[sflag:s6] =	ssyncadd.s32 @p2 $0xFFFF8000;
	p0 =	por !p0, !p0  }
.LBB2_14:
0x4ca: {  	s6 =	rddreg [dreg:$0xc]  }
0x4cb: {  	s11 =	sadd.s32 s6, s11  }
0x4cc: {  	s17 =	sadd.s32 $0x20, s11  }
0x4cd: {  	p1 =	slt.s32 s11, s12;
	p0 =	slt.s32 s17, $0x2001  }
0x4ce: {  	p0 =	por !p1, !p0  }
0x4cf: {  	p0 =	por !p0, !p0  }
.LBB2_16:
0x4d0: {  	s6 =	ssub.s32 s11, s31  }
0x4d1: {  	s9 =	ssub.s32 s11, s30;
	v2 =	vadd.s32 s6, v1;
	s6 =	sadd.s32 $0x10, s6  }
0x4d2: {  	s23 =	sadd.s32 $0x1000, s9;
	[tilespmem:$0x280] =	vst v2;
	v2 =	vadd.s32 s6, v1  }
0x4d3: {  	s19 =	ssub.s32 s11, s29;
	s12 =	sadd.s32 $0x1010, s9;
	[tilespmem:$0x290] =	vst v2;
	v2 =	vadd.s32 s23, v1  }
0x4d4: {  	s23 =	sadd.s32 $0x2000, s19;
	[tilespmem:$0x300] =	vst v2;
	v2 =	vadd.s32 s12, v1  }
0x4d5: {  	p3 =	sge.s32 s20, s31;
	s9 =	sadd.s32 $0x2010, s19;
	s12 =	ssub.s32 s11, s28;
	[tilespmem:$0x310] =	vst v2;
	v2 =	vadd.s32 s23, v1  }
0x4d6: {  	p1 =	sle.s32 s21, s5;
	p4 =	sge.s32 s20, s30;
	s19 =	sadd.s32 $0x3000, s12;
	[tilespmem:$0x380] =	vst v2;
	v2 =	vadd.s32 s9, v1  }
0x4d7: {  	p2 =	sle.s32 s21, s1;
	s6 =	sshll.u32 @p0 s11, $0x7;
	s23 =	sadd.s32 $0x3010, s12;
	[tilespmem:$0x390] =	vst v2;
	v2 =	vadd.s32 s19, v1  }
0x4d8: {  	p5 =	sle.s32 s21, s0;
	s6 =	sadd.s32 @p0 s2, s6;
	s19 =	simm.s32 @!p0 $0x0;
	[tilespmem:$0x400] =	vst v2;
	v2 =	vadd.s32 s23, v1  }
0x4d9: {  	s12 =	simm.s32 @p0 $0x8880;
	s9 =	simm.s32 @p0 $0x0;
	s19 =	simm.s32 @p0 $0x1;
	[tilespmem:$0x410] =	vst v2  }
0x4da: {  	[tilespmem:s12], [sflag:$0x2] =	stream.linear.gather @p0 [hbm4b:s6+s9], $0x8000, $0x38;
	[tilespmem:$0x1C880] =	vst v63  }
0x4db: {  	[smem:$0x7F8] =	sst s19;
	p0 =	por !p3, !p1;
	p1 =	por !p4, !p2  }
0x4dc: {  	p2 =	sge.s32 s20, s29;
	p3 =	sle.s32 s21, s4;
	p4 =	sge.s32 s20, s28  }
.Ltmp12:
0x4dd: {  	p0 =	por !p0, !p0;
	p2 =	por !p2, !p3;
	(pc) =	sbr.rel @!p6 .LBB2_18-.Ltmp12, $4  }
0x4de: {  	p5 =	por !p4, !p5;
	p1 =	por !p1, !p1;
	p0 =	por !p6, !p0  }
0x4df: {  	p2 =	por !p2, !p2;
	p3 =	por !p0, !p0;
	p0 =	por !p5, !p5  }
0x4e0: {  	p1 =	por !p6, !p1;
	p2 =	por !p6, !p2;
	p0 =	por !p6, !p0  }
0x4e1: {  	p4 =	por !p1, !p1;
	p1 =	por !p2, !p2;
	p0 =	por !p0, !p0  }
0x4e2: {  	_ =	swait.ge [sflag:s26], $0x8000  }
0x4e3: {  	[sflag:s26] =	ssyncset.done $0x0  }
0x4e4: {  	[sflag:s26] =	ssyncadd.s32 $0xFFFF8000  }
0x4e5: {  	v2 =	vld @p3 [tilespmem:$0x480];
	_ =	sdelay $0x4  }
0x4e6: {  	v3 =	vshll.u32 @p3 v2, $0x3  }
0x4e7: {  	v4 =	vlaneseq.u32 @p3;
	v2 =	vand.u32 @p3 $0x7, v2;
	v3 =	vand.u32 @p3 $0xFFFFFFC0, v3  }
0x4e8: {  	v5 =	vshrl.u32 @p3 v4, $0x3;
	v2 =	vor.u32 @p3 v2, v3;
	v3 =	vand.u32 @p3 $0x7, v4  }
0x4e9: {  	v5 =	vmul.u32 @p3 $0x8, v5;
	v6 =	vperm.xlane @p3 v2, v3;
	_ =	sdelay $0x1  }
0x4ea: {  	v6 =	vadd.s32 @p3 v5, v6;
	_ =	sdelay $0x3  }
0x4eb: {  	vm6 =	vmmov @p3 $0xffff;
	s6 =	simm.s32 @p3 $0x0;
	s9 =	simm.s32 @p3 $0x10880  }
0x4ec: {  	v4 =	vor.u32 @p3 $0x8, v4;
	[hbm4b:s3+s6] =	stream.indirect_vreg.scatter @p3 [tilespmem:s9], [sflag:$0xC], $0x80, v6, vm6, $0xb8;
	[tilespmem:$0x1C880] =	vst v63  }
0x4ed: {  	v2 =	vperm.xlane @p3 v2, v4;
	s9 =	simm.s32 @p3 $0x11080  }
0x4ee: {  	[hbm4b:s14+s6] =	stream.indirect_vreg.scatter @p3 [tilespmem:s9], [sflag:$0xC], $0x80, v6, vm6, $0xb8;
	[tilespmem:$0x1C880] =	vst v63  }
0x4ef: {  	v2 =	vadd.s32 @p3 v5, v2;
	s9 =	simm.s32 @p3 $0x11880  }
0x4f0: {  	[hbm4b:s15+s6] =	stream.indirect_vreg.scatter @p3 [tilespmem:s9], [sflag:$0xC], $0x80, v6, vm6, $0xb8;
	[tilespmem:$0x1C880] =	vst v63  }
0x4f1: {  	s9 =	simm.s32 @p3 $0x12080  }
0x4f2: {  	[hbm4b:s16+s6] =	stream.indirect_vreg.scatter @p3 [tilespmem:s9], [sflag:$0xC], $0x80, v6, vm6, $0xb8;
	[tilespmem:$0x1C880] =	vst v63  }
0x4f3: {  	s9 =	simm.s32 @p3 $0x12880  }
0x4f4: {  	[hbm4b:s3+s6] =	stream.indirect_vreg.scatter @p3 [tilespmem:s9], [sflag:$0xC], $0x80, v2, vm6, $0xb8;
	[tilespmem:$0x1C880] =	vst v63  }
0x4f5: {  	s9 =	simm.s32 @p3 $0x13080  }
0x4f6: {  	[hbm4b:s14+s6] =	stream.indirect_vreg.scatter @p3 [tilespmem:s9], [sflag:$0xC], $0x80, v2, vm6, $0xb8;
	[tilespmem:$0x1C880] =	vst v63  }
0x4f7: {  	s9 =	simm.s32 @p3 $0x13880  }
0x4f8: {  	[hbm4b:s15+s6] =	stream.indirect_vreg.scatter @p3 [tilespmem:s9], [sflag:$0xC], $0x80, v2, vm6, $0xb8;
	[tilespmem:$0x1C880] =	vst v63  }
0x4f9: {  	s9 =	simm.s32 @p3 $0x14080  }
0x4fa: {  	[hbm4b:s16+s6] =	stream.indirect_vreg.scatter @p3 [tilespmem:s9], [sflag:$0xC], $0x80, v2, vm6, $0xb8;
	[tilespmem:$0x1C880] =	vst v63  }
0x4fb: {  	v2 =	vld @p3 [tilespmem:$0x490];
	_ =	sdelay $0x4  }
0x4fc: {  	v6 =	vshll.u32 @p3 v2, $0x3  }
0x4fd: {  	v2 =	vand.u32 @p3 $0x7, v2;
	v6 =	vand.u32 @p3 $0xFFFFFFC0, v6  }
0x4fe: {  	v2 =	vor.u32 @p3 v2, v6  }
0x4ff: {  	v3 =	vperm.xlane @p3 v2, v3;
	_ =	sdelay $0x1  }
0x500: {  	v3 =	vadd.s32 @p3 v5, v3;
	_ =	sdelay $0x3  }
0x501: {  	s9 =	simm.s32 @p3 $0x14880  }
0x502: {  	[hbm4b:s3+s6] =	stream.indirect_vreg.scatter @p3 [tilespmem:s9], [sflag:$0xC], $0x80, v3, vm6, $0xb8;
	[tilespmem:$0x1C880] =	vst v63  }
0x503: {  	v2 =	vperm.xlane @p3 v2, v4;
	s9 =	simm.s32 @p3 $0x15080  }
0x504: {  	[hbm4b:s14+s6] =	stream.indirect_vreg.scatter @p3 [tilespmem:s9], [sflag:$0xC], $0x80, v3, vm6, $0xb8;
	[tilespmem:$0x1C880] =	vst v63  }
0x505: {  	v2 =	vadd.s32 @p3 v5, v2;
	s9 =	simm.s32 @p3 $0x15880  }
0x506: {  	[hbm4b:s15+s6] =	stream.indirect_vreg.scatter @p3 [tilespmem:s9], [sflag:$0xC], $0x80, v3, vm6, $0xb8;
	[tilespmem:$0x1C880] =	vst v63  }
0x507: {  	s9 =	simm.s32 @p3 $0x16080  }
0x508: {  	[hbm4b:s16+s6] =	stream.indirect_vreg.scatter @p3 [tilespmem:s9], [sflag:$0xC], $0x80, v3, vm6, $0xb8;
	[tilespmem:$0x1C880] =	vst v63  }
0x509: {  	s9 =	simm.s32 @p3 $0x16880  }
0x50a: {  	[hbm4b:s3+s6] =	stream.indirect_vreg.scatter @p3 [tilespmem:s9], [sflag:$0xC], $0x80, v2, vm6, $0xb8;
	[tilespmem:$0x1C880] =	vst v63  }
0x50b: {  	s9 =	simm.s32 @p3 $0x17080  }
0x50c: {  	[hbm4b:s14+s6] =	stream.indirect_vreg.scatter @p3 [tilespmem:s9], [sflag:$0xC], $0x80, v2, vm6, $0xb8;
	[tilespmem:$0x1C880] =	vst v63  }
0x50d: {  	s9 =	simm.s32 @p3 $0x17880  }
0x50e: {  	[hbm4b:s15+s6] =	stream.indirect_vreg.scatter @p3 [tilespmem:s9], [sflag:$0xC], $0x80, v2, vm6, $0xb8;
	[tilespmem:$0x1C880] =	vst v63  }
0x50f: {  	s9 =	simm.s32 @p3 $0x18080  }
0x510: {  	[hbm4b:s16+s6] =	stream.indirect_vreg.scatter @p3 [tilespmem:s9], [sflag:$0xC], $0x80, v2, vm6, $0xb8;
	[tilespmem:$0x1C880] =	vst v63  }
0x511: {  	v2 =	vld @p4 [tilespmem:$0x500];
	_ =	sdelay $0x4  }
0x512: {  	v3 =	vshll.u32 @p4 v2, $0x3  }
0x513: {  	v4 =	vlaneseq.u32 @p4;
	v2 =	vand.u32 @p4 $0x7, v2;
	v3 =	vand.u32 @p4 $0xFFFFFFC0, v3  }
0x514: {  	v5 =	vshrl.u32 @p4 v4, $0x3;
	v2 =	vor.u32 @p4 v2, v3;
	v3 =	vand.u32 @p4 $0x7, v4  }
0x515: {  	v5 =	vmul.u32 @p4 $0x8, v5;
	v6 =	vperm.xlane @p4 v2, v3;
	_ =	sdelay $0x1  }
0x516: {  	v6 =	vadd.s32 @p4 v5, v6;
	_ =	sdelay $0x3  }
0x517: {  	vm6 =	vmmov @p4 $0xffff;
	s6 =	simm.s32 @p4 $0x0;
	s9 =	simm.s32 @p4 $0x10880  }
0x518: {  	v4 =	vor.u32 @p4 $0x8, v4;
	[hbm4b:s3+s6] =	stream.indirect_vreg.scatter @p4 [tilespmem:s9], [sflag:$0xD], $0x80, v6, vm6, $0xb8;
	[tilespmem:$0x1C880] =	vst v63  }
0x519: {  	v2 =	vperm.xlane @p4 v2, v4;
	s9 =	simm.s32 @p4 $0x11080  }
0x51a: {  	[hbm4b:s14+s6] =	stream.indirect_vreg.scatter @p4 [tilespmem:s9], [sflag:$0xD], $0x80, v6, vm6, $0xb8;
	[tilespmem:$0x1C880] =	vst v63  }
0x51b: {  	v2 =	vadd.s32 @p4 v5, v2;
	s9 =	simm.s32 @p4 $0x11880  }
0x51c: {  	[hbm4b:s15+s6] =	stream.indirect_vreg.scatter @p4 [tilespmem:s9], [sflag:$0xD], $0x80, v6, vm6, $0xb8;
	[tilespmem:$0x1C880] =	vst v63  }
0x51d: {  	s9 =	simm.s32 @p4 $0x12080  }
0x51e: {  	[hbm4b:s16+s6] =	stream.indirect_vreg.scatter @p4 [tilespmem:s9], [sflag:$0xD], $0x80, v6, vm6, $0xb8;
	[tilespmem:$0x1C880] =	vst v63  }
0x51f: {  	s9 =	simm.s32 @p4 $0x12880  }
0x520: {  	[hbm4b:s3+s6] =	stream.indirect_vreg.scatter @p4 [tilespmem:s9], [sflag:$0xD], $0x80, v2, vm6, $0xb8;
	[tilespmem:$0x1C880] =	vst v63  }
0x521: {  	s9 =	simm.s32 @p4 $0x13080  }
0x522: {  	[hbm4b:s14+s6] =	stream.indirect_vreg.scatter @p4 [tilespmem:s9], [sflag:$0xD], $0x80, v2, vm6, $0xb8;
	[tilespmem:$0x1C880] =	vst v63  }
0x523: {  	s9 =	simm.s32 @p4 $0x13880  }
0x524: {  	[hbm4b:s15+s6] =	stream.indirect_vreg.scatter @p4 [tilespmem:s9], [sflag:$0xD], $0x80, v2, vm6, $0xb8;
	[tilespmem:$0x1C880] =	vst v63  }
0x525: {  	s9 =	simm.s32 @p4 $0x14080  }
0x526: {  	[hbm4b:s16+s6] =	stream.indirect_vreg.scatter @p4 [tilespmem:s9], [sflag:$0xD], $0x80, v2, vm6, $0xb8;
	[tilespmem:$0x1C880] =	vst v63  }
0x527: {  	v2 =	vld @p4 [tilespmem:$0x510];
	_ =	sdelay $0x4  }
0x528: {  	v6 =	vshll.u32 @p4 v2, $0x3  }
0x529: {  	v2 =	vand.u32 @p4 $0x7, v2;
	v6 =	vand.u32 @p4 $0xFFFFFFC0, v6  }
0x52a: {  	v2 =	vor.u32 @p4 v2, v6  }
0x52b: {  	v3 =	vperm.xlane @p4 v2, v3;
	_ =	sdelay $0x1  }
0x52c: {  	v3 =	vadd.s32 @p4 v5, v3;
	_ =	sdelay $0x3  }
0x52d: {  	s9 =	simm.s32 @p4 $0x14880  }
0x52e: {  	[hbm4b:s3+s6] =	stream.indirect_vreg.scatter @p4 [tilespmem:s9], [sflag:$0xD], $0x80, v3, vm6, $0xb8;
	[tilespmem:$0x1C880] =	vst v63  }
0x52f: {  	v2 =	vperm.xlane @p4 v2, v4;
	s9 =	simm.s32 @p4 $0x15080  }
0x530: {  	[hbm4b:s14+s6] =	stream.indirect_vreg.scatter @p4 [tilespmem:s9], [sflag:$0xD], $0x80, v3, vm6, $0xb8;
	[tilespmem:$0x1C880] =	vst v63  }
0x531: {  	v2 =	vadd.s32 @p4 v5, v2;
	s9 =	simm.s32 @p4 $0x15880  }
0x532: {  	[hbm4b:s15+s6] =	stream.indirect_vreg.scatter @p4 [tilespmem:s9], [sflag:$0xD], $0x80, v3, vm6, $0xb8;
	[tilespmem:$0x1C880] =	vst v63  }
0x533: {  	s9 =	simm.s32 @p4 $0x16080  }
0x534: {  	[hbm4b:s16+s6] =	stream.indirect_vreg.scatter @p4 [tilespmem:s9], [sflag:$0xD], $0x80, v3, vm6, $0xb8;
	[tilespmem:$0x1C880] =	vst v63  }
0x535: {  	s9 =	simm.s32 @p4 $0x16880  }
0x536: {  	[hbm4b:s3+s6] =	stream.indirect_vreg.scatter @p4 [tilespmem:s9], [sflag:$0xD], $0x80, v2, vm6, $0xb8;
	[tilespmem:$0x1C880] =	vst v63  }
0x537: {  	s9 =	simm.s32 @p4 $0x17080  }
0x538: {  	[hbm4b:s14+s6] =	stream.indirect_vreg.scatter @p4 [tilespmem:s9], [sflag:$0xD], $0x80, v2, vm6, $0xb8;
	[tilespmem:$0x1C880] =	vst v63  }
0x539: {  	s9 =	simm.s32 @p4 $0x17880  }
0x53a: {  	[hbm4b:s15+s6] =	stream.indirect_vreg.scatter @p4 [tilespmem:s9], [sflag:$0xD], $0x80, v2, vm6, $0xb8;
	[tilespmem:$0x1C880] =	vst v63  }
0x53b: {  	s9 =	simm.s32 @p4 $0x18080  }
0x53c: {  	[hbm4b:s16+s6] =	stream.indirect_vreg.scatter @p4 [tilespmem:s9], [sflag:$0xD], $0x80, v2, vm6, $0xb8;
	[tilespmem:$0x1C880] =	vst v63  }
0x53d: {  	v2 =	vld @p1 [tilespmem:$0x580];
	_ =	sdelay $0x4  }
0x53e: {  	v3 =	vshll.u32 @p1 v2, $0x3  }
0x53f: {  	v4 =	vlaneseq.u32 @p1;
	v2 =	vand.u32 @p1 $0x7, v2;
	v3 =	vand.u32 @p1 $0xFFFFFFC0, v3  }
0x540: {  	v5 =	vshrl.u32 @p1 v4, $0x3;
	v2 =	vor.u32 @p1 v2, v3;
	v3 =	vand.u32 @p1 $0x7, v4  }
0x541: {  	v5 =	vmul.u32 @p1 $0x8, v5;
	v6 =	vperm.xlane @p1 v2, v3;
	_ =	sdelay $0x1  }
0x542: {  	v6 =	vadd.s32 @p1 v5, v6;
	_ =	sdelay $0x3  }
0x543: {  	vm6 =	vmmov @p1 $0xffff;
	s6 =	simm.s32 @p1 $0x0;
	s9 =	simm.s32 @p1 $0x10880  }
0x544: {  	v4 =	vor.u32 @p1 $0x8, v4;
	[hbm4b:s3+s6] =	stream.indirect_vreg.scatter @p1 [tilespmem:s9], [sflag:$0xE], $0x80, v6, vm6, $0xb8;
	[tilespmem:$0x1C880] =	vst v63  }
0x545: {  	v2 =	vperm.xlane @p1 v2, v4;
	s9 =	simm.s32 @p1 $0x11080  }
0x546: {  	[hbm4b:s14+s6] =	stream.indirect_vreg.scatter @p1 [tilespmem:s9], [sflag:$0xE], $0x80, v6, vm6, $0xb8;
	[tilespmem:$0x1C880] =	vst v63  }
0x547: {  	v2 =	vadd.s32 @p1 v5, v2;
	s9 =	simm.s32 @p1 $0x11880  }
0x548: {  	[hbm4b:s15+s6] =	stream.indirect_vreg.scatter @p1 [tilespmem:s9], [sflag:$0xE], $0x80, v6, vm6, $0xb8;
	[tilespmem:$0x1C880] =	vst v63  }
0x549: {  	s9 =	simm.s32 @p1 $0x12080  }
0x54a: {  	[hbm4b:s16+s6] =	stream.indirect_vreg.scatter @p1 [tilespmem:s9], [sflag:$0xE], $0x80, v6, vm6, $0xb8;
	[tilespmem:$0x1C880] =	vst v63  }
0x54b: {  	s9 =	simm.s32 @p1 $0x12880  }
0x54c: {  	[hbm4b:s3+s6] =	stream.indirect_vreg.scatter @p1 [tilespmem:s9], [sflag:$0xE], $0x80, v2, vm6, $0xb8;
	[tilespmem:$0x1C880] =	vst v63  }
0x54d: {  	s9 =	simm.s32 @p1 $0x13080  }
0x54e: {  	[hbm4b:s14+s6] =	stream.indirect_vreg.scatter @p1 [tilespmem:s9], [sflag:$0xE], $0x80, v2, vm6, $0xb8;
	[tilespmem:$0x1C880] =	vst v63  }
0x54f: {  	s9 =	simm.s32 @p1 $0x13880  }
0x550: {  	[hbm4b:s15+s6] =	stream.indirect_vreg.scatter @p1 [tilespmem:s9], [sflag:$0xE], $0x80, v2, vm6, $0xb8;
	[tilespmem:$0x1C880] =	vst v63  }
0x551: {  	s9 =	simm.s32 @p1 $0x14080  }
0x552: {  	[hbm4b:s16+s6] =	stream.indirect_vreg.scatter @p1 [tilespmem:s9], [sflag:$0xE], $0x80, v2, vm6, $0xb8;
	[tilespmem:$0x1C880] =	vst v63  }
0x553: {  	v2 =	vld @p1 [tilespmem:$0x590];
	_ =	sdelay $0x4  }
0x554: {  	v6 =	vshll.u32 @p1 v2, $0x3  }
0x555: {  	v2 =	vand.u32 @p1 $0x7, v2;
	v6 =	vand.u32 @p1 $0xFFFFFFC0, v6  }
0x556: {  	v2 =	vor.u32 @p1 v2, v6  }
0x557: {  	v3 =	vperm.xlane @p1 v2, v3;
	_ =	sdelay $0x1  }
0x558: {  	v3 =	vadd.s32 @p1 v5, v3;
	_ =	sdelay $0x3  }
0x559: {  	s9 =	simm.s32 @p1 $0x14880  }
0x55a: {  	[hbm4b:s3+s6] =	stream.indirect_vreg.scatter @p1 [tilespmem:s9], [sflag:$0xE], $0x80, v3, vm6, $0xb8;
	[tilespmem:$0x1C880] =	vst v63  }
0x55b: {  	v2 =	vperm.xlane @p1 v2, v4;
	s9 =	simm.s32 @p1 $0x15080  }
0x55c: {  	[hbm4b:s14+s6] =	stream.indirect_vreg.scatter @p1 [tilespmem:s9], [sflag:$0xE], $0x80, v3, vm6, $0xb8;
	[tilespmem:$0x1C880] =	vst v63  }
0x55d: {  	v2 =	vadd.s32 @p1 v5, v2;
	s9 =	simm.s32 @p1 $0x15880  }
0x55e: {  	[hbm4b:s15+s6] =	stream.indirect_vreg.scatter @p1 [tilespmem:s9], [sflag:$0xE], $0x80, v3, vm6, $0xb8;
	[tilespmem:$0x1C880] =	vst v63  }
0x55f: {  	s9 =	simm.s32 @p1 $0x16080  }
0x560: {  	[hbm4b:s16+s6] =	stream.indirect_vreg.scatter @p1 [tilespmem:s9], [sflag:$0xE], $0x80, v3, vm6, $0xb8;
	[tilespmem:$0x1C880] =	vst v63  }
0x561: {  	s9 =	simm.s32 @p1 $0x16880  }
0x562: {  	[hbm4b:s3+s6] =	stream.indirect_vreg.scatter @p1 [tilespmem:s9], [sflag:$0xE], $0x80, v2, vm6, $0xb8;
	[tilespmem:$0x1C880] =	vst v63  }
0x563: {  	s9 =	simm.s32 @p1 $0x17080  }
0x564: {  	[hbm4b:s14+s6] =	stream.indirect_vreg.scatter @p1 [tilespmem:s9], [sflag:$0xE], $0x80, v2, vm6, $0xb8;
	[tilespmem:$0x1C880] =	vst v63  }
0x565: {  	s9 =	simm.s32 @p1 $0x17880  }
0x566: {  	[hbm4b:s15+s6] =	stream.indirect_vreg.scatter @p1 [tilespmem:s9], [sflag:$0xE], $0x80, v2, vm6, $0xb8;
	[tilespmem:$0x1C880] =	vst v63  }
0x567: {  	s9 =	simm.s32 @p1 $0x18080  }
0x568: {  	[hbm4b:s16+s6] =	stream.indirect_vreg.scatter @p1 [tilespmem:s9], [sflag:$0xE], $0x80, v2, vm6, $0xb8;
	[tilespmem:$0x1C880] =	vst v63  }
0x569: {  	v2 =	vld @p0 [tilespmem:$0x600];
	_ =	sdelay $0x4  }
0x56a: {  	v3 =	vshll.u32 @p0 v2, $0x3  }
0x56b: {  	v4 =	vlaneseq.u32 @p0;
	v2 =	vand.u32 @p0 $0x7, v2;
	v3 =	vand.u32 @p0 $0xFFFFFFC0, v3  }
0x56c: {  	v5 =	vshrl.u32 @p0 v4, $0x3;
	v2 =	vor.u32 @p0 v2, v3;
	v3 =	vand.u32 @p0 $0x7, v4  }
0x56d: {  	v5 =	vmul.u32 @p0 $0x8, v5;
	v6 =	vperm.xlane @p0 v2, v3;
	_ =	sdelay $0x1  }
0x56e: {  	v6 =	vadd.s32 @p0 v5, v6;
	_ =	sdelay $0x3  }
0x56f: {  	vm6 =	vmmov @p0 $0xffff;
	s6 =	simm.s32 @p0 $0x0;
	s9 =	simm.s32 @p0 $0x10880  }
0x570: {  	v4 =	vor.u32 @p0 $0x8, v4;
	[hbm4b:s3+s6] =	stream.indirect_vreg.scatter @p0 [tilespmem:s9], [sflag:$0xF], $0x80, v6, vm6, $0xb8;
	[tilespmem:$0x1C880] =	vst v63  }
0x571: {  	v2 =	vperm.xlane @p0 v2, v4;
	s9 =	simm.s32 @p0 $0x11080  }
0x572: {  	[hbm4b:s14+s6] =	stream.indirect_vreg.scatter @p0 [tilespmem:s9], [sflag:$0xF], $0x80, v6, vm6, $0xb8;
	[tilespmem:$0x1C880] =	vst v63  }
0x573: {  	v2 =	vadd.s32 @p0 v5, v2;
	s9 =	simm.s32 @p0 $0x11880  }
0x574: {  	[hbm4b:s15+s6] =	stream.indirect_vreg.scatter @p0 [tilespmem:s9], [sflag:$0xF], $0x80, v6, vm6, $0xb8;
	[tilespmem:$0x1C880] =	vst v63  }
0x575: {  	s9 =	simm.s32 @p0 $0x12080  }
0x576: {  	[hbm4b:s16+s6] =	stream.indirect_vreg.scatter @p0 [tilespmem:s9], [sflag:$0xF], $0x80, v6, vm6, $0xb8;
	[tilespmem:$0x1C880] =	vst v63  }
0x577: {  	s9 =	simm.s32 @p0 $0x12880  }
0x578: {  	[hbm4b:s3+s6] =	stream.indirect_vreg.scatter @p0 [tilespmem:s9], [sflag:$0xF], $0x80, v2, vm6, $0xb8;
	[tilespmem:$0x1C880] =	vst v63  }
0x579: {  	s9 =	simm.s32 @p0 $0x13080  }
0x57a: {  	[hbm4b:s14+s6] =	stream.indirect_vreg.scatter @p0 [tilespmem:s9], [sflag:$0xF], $0x80, v2, vm6, $0xb8;
	[tilespmem:$0x1C880] =	vst v63  }
0x57b: {  	s9 =	simm.s32 @p0 $0x13880  }
0x57c: {  	[hbm4b:s15+s6] =	stream.indirect_vreg.scatter @p0 [tilespmem:s9], [sflag:$0xF], $0x80, v2, vm6, $0xb8;
	[tilespmem:$0x1C880] =	vst v63  }
0x57d: {  	s9 =	simm.s32 @p0 $0x14080  }
0x57e: {  	[hbm4b:s16+s6] =	stream.indirect_vreg.scatter @p0 [tilespmem:s9], [sflag:$0xF], $0x80, v2, vm6, $0xb8;
	[tilespmem:$0x1C880] =	vst v63  }
0x57f: {  	v2 =	vld @p0 [tilespmem:$0x610];
	_ =	sdelay $0x4  }
0x580: {  	v6 =	vshll.u32 @p0 v2, $0x3  }
0x581: {  	v2 =	vand.u32 @p0 $0x7, v2;
	v6 =	vand.u32 @p0 $0xFFFFFFC0, v6  }
0x582: {  	v2 =	vor.u32 @p0 v2, v6  }
0x583: {  	v3 =	vperm.xlane @p0 v2, v3;
	_ =	sdelay $0x1  }
0x584: {  	v3 =	vadd.s32 @p0 v5, v3;
	_ =	sdelay $0x3  }
0x585: {  	s9 =	simm.s32 @p0 $0x14880  }
0x586: {  	[hbm4b:s3+s6] =	stream.indirect_vreg.scatter @p0 [tilespmem:s9], [sflag:$0xF], $0x80, v3, vm6, $0xb8;
	[tilespmem:$0x1C880] =	vst v63  }
0x587: {  	v2 =	vperm.xlane @p0 v2, v4;
	s9 =	simm.s32 @p0 $0x15080  }
0x588: {  	[hbm4b:s14+s6] =	stream.indirect_vreg.scatter @p0 [tilespmem:s9], [sflag:$0xF], $0x80, v3, vm6, $0xb8;
	[tilespmem:$0x1C880] =	vst v63  }
0x589: {  	v2 =	vadd.s32 @p0 v5, v2;
	s9 =	simm.s32 @p0 $0x15880  }
0x58a: {  	[hbm4b:s15+s6] =	stream.indirect_vreg.scatter @p0 [tilespmem:s9], [sflag:$0xF], $0x80, v3, vm6, $0xb8;
	[tilespmem:$0x1C880] =	vst v63  }
0x58b: {  	s9 =	simm.s32 @p0 $0x16080  }
0x58c: {  	[hbm4b:s16+s6] =	stream.indirect_vreg.scatter @p0 [tilespmem:s9], [sflag:$0xF], $0x80, v3, vm6, $0xb8;
	[tilespmem:$0x1C880] =	vst v63  }
0x58d: {  	s9 =	simm.s32 @p0 $0x16880  }
0x58e: {  	[hbm4b:s3+s6] =	stream.indirect_vreg.scatter @p0 [tilespmem:s9], [sflag:$0xF], $0x80, v2, vm6, $0xb8;
	[tilespmem:$0x1C880] =	vst v63  }
0x58f: {  	s9 =	simm.s32 @p0 $0x17080  }
0x590: {  	[hbm4b:s14+s6] =	stream.indirect_vreg.scatter @p0 [tilespmem:s9], [sflag:$0xF], $0x80, v2, vm6, $0xb8;
	[tilespmem:$0x1C880] =	vst v63  }
0x591: {  	s9 =	simm.s32 @p0 $0x17880  }
0x592: {  	[hbm4b:s15+s6] =	stream.indirect_vreg.scatter @p0 [tilespmem:s9], [sflag:$0xF], $0x80, v2, vm6, $0xb8;
	[tilespmem:$0x1C880] =	vst v63  }
0x593: {  	s9 =	simm.s32 @p0 $0x18080  }
0x594: {  	[hbm4b:s16+s6] =	stream.indirect_vreg.scatter @p0 [tilespmem:s9], [sflag:$0xF], $0x80, v2, vm6, $0xb8;
	[tilespmem:$0x1C880] =	vst v63  }
.LBB2_18:
0x595: {  	s6 =	simm.s32 @!p4 $0x0  }
0x596: {  	s23 =	sld [smem:$0x7F9];
	s6 =	simm.s32 @p4 $0x1  }
0x597: {  	p2 =	sle.s32 s18, s5;
	[smem:$0x7F3] =	sst s6;
	s6 =	simm.s32 @!p1 $0x0  }
0x598: {  	p6 =	sle.s32 s18, s0;
	p4 =	sge.s32 s13, s28;
	s6 =	simm.s32 @p1 $0x1  }
0x599: {  	p4 =	por !p4, !p6;
	[smem:$0x7F4] =	sst s6;
	s6 =	simm.s32 @!p3 $0x0  }
0x59a: {  	p1 =	sge.s32 s13, s31;
	p5 =	seq.s32 s23, $0x1;
	s6 =	simm.s32 @p3 $0x1  }
0x59b: {  	p3 =	sge.s32 s13, s30;
	[smem:$0x7F5] =	sst s6;
	s6 =	simm.s32 @!p0 $0x0  }
0x59c: {  	s6 =	simm.s32 @p0 $0x1;
	p0 =	por !p1, !p2;
	p2 =	sle.s32 s18, s1  }
0x59d: {  	[smem:$0x7F6] =	sst s6;
	p0 =	por !p0, !p0;
	p1 =	por !p3, !p2  }
0x59e: {  	p2 =	sge.s32 s13, s29;
	p3 =	sle.s32 s18, s4;
	p0 =	por !p5, !p0  }
.Ltmp13:
0x59f: {  	p2 =	por !p2, !p3;
	p0 =	por !p0, !p0;
	(pc) =	sbr.rel @!p5 .LBB2_20-.Ltmp13, $4  }
0x5a0: {  	p1 =	por !p1, !p1;
	p2 =	por !p2, !p2;
	s6 =	simm.s32 @!p0 $0x0  }
0x5a1: {  	p1 =	por !p5, !p1;
	s6 =	simm.s32 @p0 $0x1;
	p0 =	por !p4, !p4  }
0x5a2: {  	p2 =	por !p5, !p2;
	p4 =	por !p1, !p1;
	p6 =	por !p5, !p0  }
0x5a3: {  	p2 =	por !p2, !p2;
	[smem:$0x7F7] =	sst s6;
	p0 =	por !p6, !p6  }
0x5a4: {  	_ =	swait.ge [sflag:s24], $0x8000  }
0x5a5: {  	s6 =	sld [smem:$0x7F7];
	_ =	sdelay $0x1  }
0x5a6: {  	[sflag:s24] =	ssyncset.done $0x0  }
0x5a7: {  	[sflag:s24] =	ssyncadd.s32 $0xFFFF8000;
	p1 =	seq.s32 s6, $0x1  }
0x5a8: {  	v2 =	vld @p1 [tilespmem:$0x80];
	_ =	sdelay $0x4  }
0x5a9: {  	v3 =	vshll.u32 @p1 v2, $0x3  }
0x5aa: {  	v4 =	vlaneseq.u32 @p1;
	v2 =	vand.u32 @p1 $0x7, v2;
	v3 =	vand.u32 @p1 $0xFFFFFFC0, v3  }
0x5ab: {  	v5 =	vshrl.u32 @p1 v4, $0x3;
	v2 =	vor.u32 @p1 v2, v3;
	v3 =	vand.u32 @p1 $0x7, v4  }
0x5ac: {  	v5 =	vmul.u32 @p1 $0x8, v5;
	v6 =	vperm.xlane @p1 v2, v3;
	_ =	sdelay $0x1  }
0x5ad: {  	v6 =	vadd.s32 @p1 v5, v6;
	_ =	sdelay $0x3  }
0x5ae: {  	vm6 =	vmmov @p1 $0xffff;
	s6 =	simm.s32 @p1 $0x0;
	s9 =	simm.s32 @p1 $0x880  }
0x5af: {  	v4 =	vor.u32 @p1 $0x8, v4;
	[hbm4b:s3+s6] =	stream.indirect_vreg.scatter @p1 [tilespmem:s9], [sflag:$0x4], $0x80, v6, vm6, $0xb8;
	[tilespmem:$0x1C880] =	vst v63  }
0x5b0: {  	v2 =	vperm.xlane @p1 v2, v4;
	s9 =	simm.s32 @p1 $0x1080  }
0x5b1: {  	[hbm4b:s14+s6] =	stream.indirect_vreg.scatter @p1 [tilespmem:s9], [sflag:$0x4], $0x80, v6, vm6, $0xb8;
	[tilespmem:$0x1C880] =	vst v63  }
0x5b2: {  	v2 =	vadd.s32 @p1 v5, v2;
	s9 =	simm.s32 @p1 $0x1880  }
0x5b3: {  	[hbm4b:s15+s6] =	stream.indirect_vreg.scatter @p1 [tilespmem:s9], [sflag:$0x4], $0x80, v6, vm6, $0xb8;
	[tilespmem:$0x1C880] =	vst v63  }
0x5b4: {  	s9 =	simm.s32 @p1 $0x2080  }
0x5b5: {  	[hbm4b:s16+s6] =	stream.indirect_vreg.scatter @p1 [tilespmem:s9], [sflag:$0x4], $0x80, v6, vm6, $0xb8;
	[tilespmem:$0x1C880] =	vst v63  }
0x5b6: {  	s9 =	simm.s32 @p1 $0x2880  }
0x5b7: {  	[hbm4b:s3+s6] =	stream.indirect_vreg.scatter @p1 [tilespmem:s9], [sflag:$0x4], $0x80, v2, vm6, $0xb8;
	[tilespmem:$0x1C880] =	vst v63  }
0x5b8: {  	s9 =	simm.s32 @p1 $0x3080  }
0x5b9: {  	[hbm4b:s14+s6] =	stream.indirect_vreg.scatter @p1 [tilespmem:s9], [sflag:$0x4], $0x80, v2, vm6, $0xb8;
	[tilespmem:$0x1C880] =	vst v63  }
0x5ba: {  	s9 =	simm.s32 @p1 $0x3880  }
0x5bb: {  	[hbm4b:s15+s6] =	stream.indirect_vreg.scatter @p1 [tilespmem:s9], [sflag:$0x4], $0x80, v2, vm6, $0xb8;
	[tilespmem:$0x1C880] =	vst v63  }
0x5bc: {  	s9 =	simm.s32 @p1 $0x4080  }
0x5bd: {  	[hbm4b:s16+s6] =	stream.indirect_vreg.scatter @p1 [tilespmem:s9], [sflag:$0x4], $0x80, v2, vm6, $0xb8;
	[tilespmem:$0x1C880] =	vst v63  }
0x5be: {  	v2 =	vld @p1 [tilespmem:$0x90];
	_ =	sdelay $0x4  }
0x5bf: {  	v6 =	vshll.u32 @p1 v2, $0x3  }
0x5c0: {  	v2 =	vand.u32 @p1 $0x7, v2;
	v6 =	vand.u32 @p1 $0xFFFFFFC0, v6  }
0x5c1: {  	v2 =	vor.u32 @p1 v2, v6  }
0x5c2: {  	v3 =	vperm.xlane @p1 v2, v3;
	_ =	sdelay $0x1  }
0x5c3: {  	v3 =	vadd.s32 @p1 v5, v3;
	_ =	sdelay $0x3  }
0x5c4: {  	s9 =	simm.s32 @p1 $0x4880  }
0x5c5: {  	[hbm4b:s3+s6] =	stream.indirect_vreg.scatter @p1 [tilespmem:s9], [sflag:$0x4], $0x80, v3, vm6, $0xb8;
	[tilespmem:$0x1C880] =	vst v63  }
0x5c6: {  	v2 =	vperm.xlane @p1 v2, v4;
	s9 =	simm.s32 @p1 $0x5080  }
0x5c7: {  	[hbm4b:s14+s6] =	stream.indirect_vreg.scatter @p1 [tilespmem:s9], [sflag:$0x4], $0x80, v3, vm6, $0xb8;
	[tilespmem:$0x1C880] =	vst v63  }
0x5c8: {  	v2 =	vadd.s32 @p1 v5, v2;
	s9 =	simm.s32 @p1 $0x5880  }
0x5c9: {  	[hbm4b:s15+s6] =	stream.indirect_vreg.scatter @p1 [tilespmem:s9], [sflag:$0x4], $0x80, v3, vm6, $0xb8;
	[tilespmem:$0x1C880] =	vst v63  }
0x5ca: {  	s9 =	simm.s32 @p1 $0x6080  }
0x5cb: {  	[hbm4b:s16+s6] =	stream.indirect_vreg.scatter @p1 [tilespmem:s9], [sflag:$0x4], $0x80, v3, vm6, $0xb8;
	[tilespmem:$0x1C880] =	vst v63  }
0x5cc: {  	s9 =	simm.s32 @p1 $0x6880  }
0x5cd: {  	[hbm4b:s3+s6] =	stream.indirect_vreg.scatter @p1 [tilespmem:s9], [sflag:$0x4], $0x80, v2, vm6, $0xb8;
	[tilespmem:$0x1C880] =	vst v63  }
0x5ce: {  	s9 =	simm.s32 @p1 $0x7080  }
0x5cf: {  	[hbm4b:s14+s6] =	stream.indirect_vreg.scatter @p1 [tilespmem:s9], [sflag:$0x4], $0x80, v2, vm6, $0xb8;
	[tilespmem:$0x1C880] =	vst v63  }
0x5d0: {  	s9 =	simm.s32 @p1 $0x7880  }
0x5d1: {  	[hbm4b:s15+s6] =	stream.indirect_vreg.scatter @p1 [tilespmem:s9], [sflag:$0x4], $0x80, v2, vm6, $0xb8;
	[tilespmem:$0x1C880] =	vst v63  }
0x5d2: {  	s9 =	simm.s32 @p1 $0x8080  }
0x5d3: {  	[hbm4b:s16+s6] =	stream.indirect_vreg.scatter @p1 [tilespmem:s9], [sflag:$0x4], $0x80, v2, vm6, $0xb8;
	[tilespmem:$0x1C880] =	vst v63  }
0x5d4: {  	v2 =	vld @p4 [tilespmem:$0x100];
	_ =	sdelay $0x4  }
0x5d5: {  	v3 =	vshll.u32 @p4 v2, $0x3  }
0x5d6: {  	v4 =	vlaneseq.u32 @p4;
	v2 =	vand.u32 @p4 $0x7, v2;
	v3 =	vand.u32 @p4 $0xFFFFFFC0, v3  }
0x5d7: {  	v5 =	vshrl.u32 @p4 v4, $0x3;
	v2 =	vor.u32 @p4 v2, v3;
	v3 =	vand.u32 @p4 $0x7, v4  }
0x5d8: {  	v5 =	vmul.u32 @p4 $0x8, v5;
	v6 =	vperm.xlane @p4 v2, v3;
	_ =	sdelay $0x1  }
0x5d9: {  	v6 =	vadd.s32 @p4 v5, v6;
	_ =	sdelay $0x3  }
0x5da: {  	vm6 =	vmmov @p4 $0xffff;
	s6 =	simm.s32 @p4 $0x0;
	s9 =	simm.s32 @p4 $0x880  }
0x5db: {  	v4 =	vor.u32 @p4 $0x8, v4;
	[hbm4b:s3+s6] =	stream.indirect_vreg.scatter @p4 [tilespmem:s9], [sflag:$0x5], $0x80, v6, vm6, $0xb8;
	[tilespmem:$0x1C880] =	vst v63  }
0x5dc: {  	v2 =	vperm.xlane @p4 v2, v4;
	s9 =	simm.s32 @p4 $0x1080  }
0x5dd: {  	[hbm4b:s14+s6] =	stream.indirect_vreg.scatter @p4 [tilespmem:s9], [sflag:$0x5], $0x80, v6, vm6, $0xb8;
	[tilespmem:$0x1C880] =	vst v63  }
0x5de: {  	v2 =	vadd.s32 @p4 v5, v2;
	s9 =	simm.s32 @p4 $0x1880  }
0x5df: {  	[hbm4b:s15+s6] =	stream.indirect_vreg.scatter @p4 [tilespmem:s9], [sflag:$0x5], $0x80, v6, vm6, $0xb8;
	[tilespmem:$0x1C880] =	vst v63  }
0x5e0: {  	s9 =	simm.s32 @p4 $0x2080  }
0x5e1: {  	[hbm4b:s16+s6] =	stream.indirect_vreg.scatter @p4 [tilespmem:s9], [sflag:$0x5], $0x80, v6, vm6, $0xb8;
	[tilespmem:$0x1C880] =	vst v63  }
0x5e2: {  	s9 =	simm.s32 @p4 $0x2880  }
0x5e3: {  	[hbm4b:s3+s6] =	stream.indirect_vreg.scatter @p4 [tilespmem:s9], [sflag:$0x5], $0x80, v2, vm6, $0xb8;
	[tilespmem:$0x1C880] =	vst v63  }
0x5e4: {  	s9 =	simm.s32 @p4 $0x3080  }
0x5e5: {  	[hbm4b:s14+s6] =	stream.indirect_vreg.scatter @p4 [tilespmem:s9], [sflag:$0x5], $0x80, v2, vm6, $0xb8;
	[tilespmem:$0x1C880] =	vst v63  }
0x5e6: {  	s9 =	simm.s32 @p4 $0x3880  }
0x5e7: {  	[hbm4b:s15+s6] =	stream.indirect_vreg.scatter @p4 [tilespmem:s9], [sflag:$0x5], $0x80, v2, vm6, $0xb8;
	[tilespmem:$0x1C880] =	vst v63  }
0x5e8: {  	s9 =	simm.s32 @p4 $0x4080  }
0x5e9: {  	[hbm4b:s16+s6] =	stream.indirect_vreg.scatter @p4 [tilespmem:s9], [sflag:$0x5], $0x80, v2, vm6, $0xb8;
	[tilespmem:$0x1C880] =	vst v63  }
0x5ea: {  	v2 =	vld @p4 [tilespmem:$0x110];
	_ =	sdelay $0x4  }
0x5eb: {  	v6 =	vshll.u32 @p4 v2, $0x3  }
0x5ec: {  	v2 =	vand.u32 @p4 $0x7, v2;
	v6 =	vand.u32 @p4 $0xFFFFFFC0, v6  }
0x5ed: {  	v2 =	vor.u32 @p4 v2, v6  }
0x5ee: {  	v3 =	vperm.xlane @p4 v2, v3;
	_ =	sdelay $0x1  }
0x5ef: {  	v3 =	vadd.s32 @p4 v5, v3;
	_ =	sdelay $0x3  }
0x5f0: {  	s9 =	simm.s32 @p4 $0x4880  }
0x5f1: {  	[hbm4b:s3+s6] =	stream.indirect_vreg.scatter @p4 [tilespmem:s9], [sflag:$0x5], $0x80, v3, vm6, $0xb8;
	[tilespmem:$0x1C880] =	vst v63  }
0x5f2: {  	v2 =	vperm.xlane @p4 v2, v4;
	s9 =	simm.s32 @p4 $0x5080  }
0x5f3: {  	[hbm4b:s14+s6] =	stream.indirect_vreg.scatter @p4 [tilespmem:s9], [sflag:$0x5], $0x80, v3, vm6, $0xb8;
	[tilespmem:$0x1C880] =	vst v63  }
0x5f4: {  	v2 =	vadd.s32 @p4 v5, v2;
	s9 =	simm.s32 @p4 $0x5880  }
0x5f5: {  	[hbm4b:s15+s6] =	stream.indirect_vreg.scatter @p4 [tilespmem:s9], [sflag:$0x5], $0x80, v3, vm6, $0xb8;
	[tilespmem:$0x1C880] =	vst v63  }
0x5f6: {  	s9 =	simm.s32 @p4 $0x6080  }
0x5f7: {  	[hbm4b:s16+s6] =	stream.indirect_vreg.scatter @p4 [tilespmem:s9], [sflag:$0x5], $0x80, v3, vm6, $0xb8;
	[tilespmem:$0x1C880] =	vst v63  }
0x5f8: {  	s9 =	simm.s32 @p4 $0x6880  }
0x5f9: {  	[hbm4b:s3+s6] =	stream.indirect_vreg.scatter @p4 [tilespmem:s9], [sflag:$0x5], $0x80, v2, vm6, $0xb8;
	[tilespmem:$0x1C880] =	vst v63  }
0x5fa: {  	s9 =	simm.s32 @p4 $0x7080  }
0x5fb: {  	[hbm4b:s14+s6] =	stream.indirect_vreg.scatter @p4 [tilespmem:s9], [sflag:$0x5], $0x80, v2, vm6, $0xb8;
	[tilespmem:$0x1C880] =	vst v63  }
0x5fc: {  	s9 =	simm.s32 @p4 $0x7880  }
0x5fd: {  	[hbm4b:s15+s6] =	stream.indirect_vreg.scatter @p4 [tilespmem:s9], [sflag:$0x5], $0x80, v2, vm6, $0xb8;
	[tilespmem:$0x1C880] =	vst v63  }
0x5fe: {  	s9 =	simm.s32 @p4 $0x8080  }
0x5ff: {  	[hbm4b:s16+s6] =	stream.indirect_vreg.scatter @p4 [tilespmem:s9], [sflag:$0x5], $0x80, v2, vm6, $0xb8;
	[tilespmem:$0x1C880] =	vst v63  }
0x600: {  	v2 =	vld @p2 [tilespmem:$0x180];
	_ =	sdelay $0x4  }
0x601: {  	v3 =	vshll.u32 @p2 v2, $0x3  }
0x602: {  	v4 =	vlaneseq.u32 @p2;
	v2 =	vand.u32 @p2 $0x7, v2;
	v3 =	vand.u32 @p2 $0xFFFFFFC0, v3  }
0x603: {  	v5 =	vshrl.u32 @p2 v4, $0x3;
	v2 =	vor.u32 @p2 v2, v3;
	v3 =	vand.u32 @p2 $0x7, v4  }
0x604: {  	v5 =	vmul.u32 @p2 $0x8, v5;
	v6 =	vperm.xlane @p2 v2, v3;
	_ =	sdelay $0x1  }
0x605: {  	v6 =	vadd.s32 @p2 v5, v6;
	_ =	sdelay $0x3  }
0x606: {  	vm6 =	vmmov @p2 $0xffff;
	s6 =	simm.s32 @p2 $0x0;
	s9 =	simm.s32 @p2 $0x880  }
0x607: {  	v4 =	vor.u32 @p2 $0x8, v4;
	[hbm4b:s3+s6] =	stream.indirect_vreg.scatter @p2 [tilespmem:s9], [sflag:$0x6], $0x80, v6, vm6, $0xb8;
	[tilespmem:$0x1C880] =	vst v63  }
0x608: {  	v2 =	vperm.xlane @p2 v2, v4;
	s9 =	simm.s32 @p2 $0x1080  }
0x609: {  	[hbm4b:s14+s6] =	stream.indirect_vreg.scatter @p2 [tilespmem:s9], [sflag:$0x6], $0x80, v6, vm6, $0xb8;
	[tilespmem:$0x1C880] =	vst v63  }
0x60a: {  	v2 =	vadd.s32 @p2 v5, v2;
	s9 =	simm.s32 @p2 $0x1880  }
0x60b: {  	[hbm4b:s15+s6] =	stream.indirect_vreg.scatter @p2 [tilespmem:s9], [sflag:$0x6], $0x80, v6, vm6, $0xb8;
	[tilespmem:$0x1C880] =	vst v63  }
0x60c: {  	s9 =	simm.s32 @p2 $0x2080  }
0x60d: {  	[hbm4b:s16+s6] =	stream.indirect_vreg.scatter @p2 [tilespmem:s9], [sflag:$0x6], $0x80, v6, vm6, $0xb8;
	[tilespmem:$0x1C880] =	vst v63  }
0x60e: {  	s9 =	simm.s32 @p2 $0x2880  }
0x60f: {  	[hbm4b:s3+s6] =	stream.indirect_vreg.scatter @p2 [tilespmem:s9], [sflag:$0x6], $0x80, v2, vm6, $0xb8;
	[tilespmem:$0x1C880] =	vst v63  }
0x610: {  	s9 =	simm.s32 @p2 $0x3080  }
0x611: {  	[hbm4b:s14+s6] =	stream.indirect_vreg.scatter @p2 [tilespmem:s9], [sflag:$0x6], $0x80, v2, vm6, $0xb8;
	[tilespmem:$0x1C880] =	vst v63  }
0x612: {  	s9 =	simm.s32 @p2 $0x3880  }
0x613: {  	[hbm4b:s15+s6] =	stream.indirect_vreg.scatter @p2 [tilespmem:s9], [sflag:$0x6], $0x80, v2, vm6, $0xb8;
	[tilespmem:$0x1C880] =	vst v63  }
0x614: {  	s9 =	simm.s32 @p2 $0x4080  }
0x615: {  	[hbm4b:s16+s6] =	stream.indirect_vreg.scatter @p2 [tilespmem:s9], [sflag:$0x6], $0x80, v2, vm6, $0xb8;
	[tilespmem:$0x1C880] =	vst v63  }
0x616: {  	v2 =	vld @p2 [tilespmem:$0x190];
	_ =	sdelay $0x4  }
0x617: {  	v6 =	vshll.u32 @p2 v2, $0x3  }
0x618: {  	v2 =	vand.u32 @p2 $0x7, v2;
	v6 =	vand.u32 @p2 $0xFFFFFFC0, v6  }
0x619: {  	v2 =	vor.u32 @p2 v2, v6  }
0x61a: {  	v3 =	vperm.xlane @p2 v2, v3;
	_ =	sdelay $0x1  }
0x61b: {  	v3 =	vadd.s32 @p2 v5, v3;
	_ =	sdelay $0x3  }
0x61c: {  	s9 =	simm.s32 @p2 $0x4880  }
0x61d: {  	[hbm4b:s3+s6] =	stream.indirect_vreg.scatter @p2 [tilespmem:s9], [sflag:$0x6], $0x80, v3, vm6, $0xb8;
	[tilespmem:$0x1C880] =	vst v63  }
0x61e: {  	v2 =	vperm.xlane @p2 v2, v4;
	s9 =	simm.s32 @p2 $0x5080  }
0x61f: {  	[hbm4b:s14+s6] =	stream.indirect_vreg.scatter @p2 [tilespmem:s9], [sflag:$0x6], $0x80, v3, vm6, $0xb8;
	[tilespmem:$0x1C880] =	vst v63  }
0x620: {  	v2 =	vadd.s32 @p2 v5, v2;
	s9 =	simm.s32 @p2 $0x5880  }
0x621: {  	[hbm4b:s15+s6] =	stream.indirect_vreg.scatter @p2 [tilespmem:s9], [sflag:$0x6], $0x80, v3, vm6, $0xb8;
	[tilespmem:$0x1C880] =	vst v63  }
0x622: {  	s9 =	simm.s32 @p2 $0x6080  }
0x623: {  	[hbm4b:s16+s6] =	stream.indirect_vreg.scatter @p2 [tilespmem:s9], [sflag:$0x6], $0x80, v3, vm6, $0xb8;
	[tilespmem:$0x1C880] =	vst v63  }
0x624: {  	s9 =	simm.s32 @p2 $0x6880  }
0x625: {  	[hbm4b:s3+s6] =	stream.indirect_vreg.scatter @p2 [tilespmem:s9], [sflag:$0x6], $0x80, v2, vm6, $0xb8;
	[tilespmem:$0x1C880] =	vst v63  }
0x626: {  	s9 =	simm.s32 @p2 $0x7080  }
0x627: {  	[hbm4b:s14+s6] =	stream.indirect_vreg.scatter @p2 [tilespmem:s9], [sflag:$0x6], $0x80, v2, vm6, $0xb8;
	[tilespmem:$0x1C880] =	vst v63  }
0x628: {  	s9 =	simm.s32 @p2 $0x7880  }
0x629: {  	[hbm4b:s15+s6] =	stream.indirect_vreg.scatter @p2 [tilespmem:s9], [sflag:$0x6], $0x80, v2, vm6, $0xb8;
	[tilespmem:$0x1C880] =	vst v63  }
0x62a: {  	s9 =	simm.s32 @p2 $0x8080  }
0x62b: {  	[hbm4b:s16+s6] =	stream.indirect_vreg.scatter @p2 [tilespmem:s9], [sflag:$0x6], $0x80, v2, vm6, $0xb8;
	[tilespmem:$0x1C880] =	vst v63  }
0x62c: {  	v2 =	vld @p0 [tilespmem:$0x200];
	_ =	sdelay $0x4  }
0x62d: {  	v3 =	vshll.u32 @p0 v2, $0x3  }
0x62e: {  	v4 =	vlaneseq.u32 @p0;
	v2 =	vand.u32 @p0 $0x7, v2;
	v3 =	vand.u32 @p0 $0xFFFFFFC0, v3  }
0x62f: {  	v5 =	vshrl.u32 @p0 v4, $0x3;
	v2 =	vor.u32 @p0 v2, v3;
	v3 =	vand.u32 @p0 $0x7, v4  }
0x630: {  	v5 =	vmul.u32 @p0 $0x8, v5;
	v6 =	vperm.xlane @p0 v2, v3;
	_ =	sdelay $0x1  }
0x631: {  	v6 =	vadd.s32 @p0 v5, v6;
	_ =	sdelay $0x3  }
0x632: {  	vm6 =	vmmov @p0 $0xffff;
	s6 =	simm.s32 @p0 $0x0;
	s9 =	simm.s32 @p0 $0x880  }
0x633: {  	v4 =	vor.u32 @p0 $0x8, v4;
	[hbm4b:s3+s6] =	stream.indirect_vreg.scatter @p0 [tilespmem:s9], [sflag:$0x7], $0x80, v6, vm6, $0xb8;
	[tilespmem:$0x1C880] =	vst v63  }
0x634: {  	v2 =	vperm.xlane @p0 v2, v4;
	s9 =	simm.s32 @p0 $0x1080  }
0x635: {  	[hbm4b:s14+s6] =	stream.indirect_vreg.scatter @p0 [tilespmem:s9], [sflag:$0x7], $0x80, v6, vm6, $0xb8;
	[tilespmem:$0x1C880] =	vst v63  }
0x636: {  	v2 =	vadd.s32 @p0 v5, v2;
	s9 =	simm.s32 @p0 $0x1880  }
0x637: {  	[hbm4b:s15+s6] =	stream.indirect_vreg.scatter @p0 [tilespmem:s9], [sflag:$0x7], $0x80, v6, vm6, $0xb8;
	[tilespmem:$0x1C880] =	vst v63  }
0x638: {  	s9 =	simm.s32 @p0 $0x2080  }
0x639: {  	[hbm4b:s16+s6] =	stream.indirect_vreg.scatter @p0 [tilespmem:s9], [sflag:$0x7], $0x80, v6, vm6, $0xb8;
	[tilespmem:$0x1C880] =	vst v63  }
0x63a: {  	s9 =	simm.s32 @p0 $0x2880  }
0x63b: {  	[hbm4b:s3+s6] =	stream.indirect_vreg.scatter @p0 [tilespmem:s9], [sflag:$0x7], $0x80, v2, vm6, $0xb8;
	[tilespmem:$0x1C880] =	vst v63  }
0x63c: {  	s9 =	simm.s32 @p0 $0x3080  }
0x63d: {  	[hbm4b:s14+s6] =	stream.indirect_vreg.scatter @p0 [tilespmem:s9], [sflag:$0x7], $0x80, v2, vm6, $0xb8;
	[tilespmem:$0x1C880] =	vst v63  }
0x63e: {  	s9 =	simm.s32 @p0 $0x3880  }
0x63f: {  	[hbm4b:s15+s6] =	stream.indirect_vreg.scatter @p0 [tilespmem:s9], [sflag:$0x7], $0x80, v2, vm6, $0xb8;
	[tilespmem:$0x1C880] =	vst v63  }
0x640: {  	s9 =	simm.s32 @p0 $0x4080  }
0x641: {  	[hbm4b:s16+s6] =	stream.indirect_vreg.scatter @p0 [tilespmem:s9], [sflag:$0x7], $0x80, v2, vm6, $0xb8;
	[tilespmem:$0x1C880] =	vst v63  }
0x642: {  	v2 =	vld @p0 [tilespmem:$0x210];
	_ =	sdelay $0x4  }
0x643: {  	v6 =	vshll.u32 @p0 v2, $0x3  }
0x644: {  	v2 =	vand.u32 @p0 $0x7, v2;
	v6 =	vand.u32 @p0 $0xFFFFFFC0, v6  }
0x645: {  	v2 =	vor.u32 @p0 v2, v6  }
0x646: {  	v3 =	vperm.xlane @p0 v2, v3;
	_ =	sdelay $0x1  }
0x647: {  	v3 =	vadd.s32 @p0 v5, v3;
	_ =	sdelay $0x3  }
0x648: {  	s9 =	simm.s32 @p0 $0x4880  }
0x649: {  	[hbm4b:s3+s6] =	stream.indirect_vreg.scatter @p0 [tilespmem:s9], [sflag:$0x7], $0x80, v3, vm6, $0xb8;
	[tilespmem:$0x1C880] =	vst v63  }
0x64a: {  	v2 =	vperm.xlane @p0 v2, v4;
	s9 =	simm.s32 @p0 $0x5080  }
0x64b: {  	[hbm4b:s14+s6] =	stream.indirect_vreg.scatter @p0 [tilespmem:s9], [sflag:$0x7], $0x80, v3, vm6, $0xb8;
	[tilespmem:$0x1C880] =	vst v63  }
0x64c: {  	v2 =	vadd.s32 @p0 v5, v2;
	s9 =	simm.s32 @p0 $0x5880  }
0x64d: {  	[hbm4b:s15+s6] =	stream.indirect_vreg.scatter @p0 [tilespmem:s9], [sflag:$0x7], $0x80, v3, vm6, $0xb8;
	[tilespmem:$0x1C880] =	vst v63  }
0x64e: {  	s9 =	simm.s32 @p0 $0x6080  }
0x64f: {  	[hbm4b:s16+s6] =	stream.indirect_vreg.scatter @p0 [tilespmem:s9], [sflag:$0x7], $0x80, v3, vm6, $0xb8;
	[tilespmem:$0x1C880] =	vst v63  }
0x650: {  	s9 =	simm.s32 @p0 $0x6880  }
0x651: {  	[hbm4b:s3+s6] =	stream.indirect_vreg.scatter @p0 [tilespmem:s9], [sflag:$0x7], $0x80, v2, vm6, $0xb8;
	[tilespmem:$0x1C880] =	vst v63  }
0x652: {  	s9 =	simm.s32 @p0 $0x7080  }
0x653: {  	[hbm4b:s14+s6] =	stream.indirect_vreg.scatter @p0 [tilespmem:s9], [sflag:$0x7], $0x80, v2, vm6, $0xb8;
	[tilespmem:$0x1C880] =	vst v63  }
0x654: {  	s9 =	simm.s32 @p0 $0x7880  }
0x655: {  	[hbm4b:s15+s6] =	stream.indirect_vreg.scatter @p0 [tilespmem:s9], [sflag:$0x7], $0x80, v2, vm6, $0xb8;
	[tilespmem:$0x1C880] =	vst v63  }
0x656: {  	s9 =	simm.s32 @p0 $0x8080  }
0x657: {  	[hbm4b:s16+s6] =	stream.indirect_vreg.scatter @p0 [tilespmem:s9], [sflag:$0x7], $0x80, v2, vm6, $0xb8;
	[tilespmem:$0x1C880] =	vst v63  }
.LBB2_20:
0x658: {  	s6 =	simm.s32 @!p4 $0x0  }
0x659: {  	p5 =	sge.s32 s11, s31;
	s31 =	sld [smem:$0x7F8];
	s6 =	simm.s32 @p4 $0x1  }
0x65a: {  	[smem:$0x7F0] =	sst s6;
	s6 =	simm.s32 @!p2 $0x0  }
0x65b: {  	p3 =	sle.s32 s17, s5;
	p6 =	sge.s32 s11, s30;
	s6 =	simm.s32 @p2 $0x1  }
0x65c: {  	p2 =	por !p5, !p3;
	p1 =	seq.s32 s31, $0x1;
	p3 =	sge.s32 s11, s29  }
0x65d: {  	p5 =	sge.s32 s11, s28;
	[smem:$0x7F1] =	sst s6;
	s6 =	simm.s32 @!p0 $0x0  }
0x65e: {  	p2 =	por !p2, !p2;
	s6 =	simm.s32 @p0 $0x1;
	p0 =	sle.s32 s17, s1  }
0x65f: {  	p2 =	por !p1, !p2;
	[smem:$0x7F2] =	sst s6;
	p4 =	por !p6, !p0  }
.Ltmp14:
0x660: {  	p6 =	sle.s32 s17, s4;
	p0 =	sle.s32 s17, s0;
	(pc) =	sbr.rel @!p1 .LBB2_22-.Ltmp14, $4  }
0x661: {  	p6 =	por !p3, !p6;
	p3 =	por !p2, !p2;
	p0 =	por !p5, !p0  }
0x662: {  	p5 =	por !p4, !p4;
	p6 =	por !p6, !p6;
	p0 =	por !p0, !p0  }
0x663: {  	p2 =	por !p1, !p5;
	p4 =	por !p1, !p6;
	p0 =	por !p1, !p0  }
0x664: {  	p6 =	por !p2, !p2;
	p4 =	por !p4, !p4;
	p2 =	por !p0, !p0  }
0x665: {  	_ =	swait.ge [sflag:s25], $0x8000  }
0x666: {  	[sflag:s25] =	ssyncset.done $0x0  }
0x667: {  	[sflag:s25] =	ssyncadd.s32 $0xFFFF8000  }
0x668: {  	v2 =	vld @p3 [tilespmem:$0x280];
	_ =	sdelay $0x4  }
0x669: {  	v3 =	vshll.u32 @p3 v2, $0x3  }
0x66a: {  	v4 =	vlaneseq.u32 @p3;
	v2 =	vand.u32 @p3 $0x7, v2;
	v3 =	vand.u32 @p3 $0xFFFFFFC0, v3  }
0x66b: {  	v5 =	vshrl.u32 @p3 v4, $0x3;
	v2 =	vor.u32 @p3 v2, v3;
	v3 =	vand.u32 @p3 $0x7, v4  }
0x66c: {  	v5 =	vmul.u32 @p3 $0x8, v5;
	v6 =	vperm.xlane @p3 v2, v3;
	_ =	sdelay $0x1  }
0x66d: {  	v6 =	vadd.s32 @p3 v5, v6;
	_ =	sdelay $0x3  }
0x66e: {  	vm6 =	vmmov @p3 $0xffff;
	s0 =	simm.s32 @p3 $0x0;
	s1 =	simm.s32 @p3 $0x8880  }
0x66f: {  	v4 =	vor.u32 @p3 $0x8, v4;
	[hbm4b:s3+s0] =	stream.indirect_vreg.scatter @p3 [tilespmem:s1], [sflag:$0x8], $0x80, v6, vm6, $0xb8;
	[tilespmem:$0x1C880] =	vst v63  }
0x670: {  	v2 =	vperm.xlane @p3 v2, v4;
	s1 =	simm.s32 @p3 $0x9080  }
0x671: {  	[hbm4b:s14+s0] =	stream.indirect_vreg.scatter @p3 [tilespmem:s1], [sflag:$0x8], $0x80, v6, vm6, $0xb8;
	[tilespmem:$0x1C880] =	vst v63  }
0x672: {  	v2 =	vadd.s32 @p3 v5, v2;
	s1 =	simm.s32 @p3 $0x9880  }
0x673: {  	[hbm4b:s15+s0] =	stream.indirect_vreg.scatter @p3 [tilespmem:s1], [sflag:$0x8], $0x80, v6, vm6, $0xb8;
	[tilespmem:$0x1C880] =	vst v63  }
0x674: {  	s1 =	simm.s32 @p3 $0xA080  }
0x675: {  	[hbm4b:s16+s0] =	stream.indirect_vreg.scatter @p3 [tilespmem:s1], [sflag:$0x8], $0x80, v6, vm6, $0xb8;
	[tilespmem:$0x1C880] =	vst v63  }
0x676: {  	s1 =	simm.s32 @p3 $0xA880  }
0x677: {  	[hbm4b:s3+s0] =	stream.indirect_vreg.scatter @p3 [tilespmem:s1], [sflag:$0x8], $0x80, v2, vm6, $0xb8;
	[tilespmem:$0x1C880] =	vst v63  }
0x678: {  	s1 =	simm.s32 @p3 $0xB080  }
0x679: {  	[hbm4b:s14+s0] =	stream.indirect_vreg.scatter @p3 [tilespmem:s1], [sflag:$0x8], $0x80, v2, vm6, $0xb8;
	[tilespmem:$0x1C880] =	vst v63  }
0x67a: {  	s1 =	simm.s32 @p3 $0xB880  }
0x67b: {  	[hbm4b:s15+s0] =	stream.indirect_vreg.scatter @p3 [tilespmem:s1], [sflag:$0x8], $0x80, v2, vm6, $0xb8;
	[tilespmem:$0x1C880] =	vst v63  }
0x67c: {  	s1 =	simm.s32 @p3 $0xC080  }
0x67d: {  	[hbm4b:s16+s0] =	stream.indirect_vreg.scatter @p3 [tilespmem:s1], [sflag:$0x8], $0x80, v2, vm6, $0xb8;
	[tilespmem:$0x1C880] =	vst v63  }
0x67e: {  	v2 =	vld @p3 [tilespmem:$0x290];
	_ =	sdelay $0x4  }
0x67f: {  	v6 =	vshll.u32 @p3 v2, $0x3  }
0x680: {  	v2 =	vand.u32 @p3 $0x7, v2;
	v6 =	vand.u32 @p3 $0xFFFFFFC0, v6  }
0x681: {  	v2 =	vor.u32 @p3 v2, v6  }
0x682: {  	v3 =	vperm.xlane @p3 v2, v3;
	_ =	sdelay $0x1  }
0x683: {  	v3 =	vadd.s32 @p3 v5, v3;
	_ =	sdelay $0x3  }
0x684: {  	s1 =	simm.s32 @p3 $0xC880  }
0x685: {  	[hbm4b:s3+s0] =	stream.indirect_vreg.scatter @p3 [tilespmem:s1], [sflag:$0x8], $0x80, v3, vm6, $0xb8;
	[tilespmem:$0x1C880] =	vst v63  }
0x686: {  	v2 =	vperm.xlane @p3 v2, v4;
	s1 =	simm.s32 @p3 $0xD080  }
0x687: {  	[hbm4b:s14+s0] =	stream.indirect_vreg.scatter @p3 [tilespmem:s1], [sflag:$0x8], $0x80, v3, vm6, $0xb8;
	[tilespmem:$0x1C880] =	vst v63  }
0x688: {  	v2 =	vadd.s32 @p3 v5, v2;
	s1 =	simm.s32 @p3 $0xD880  }
0x689: {  	[hbm4b:s15+s0] =	stream.indirect_vreg.scatter @p3 [tilespmem:s1], [sflag:$0x8], $0x80, v3, vm6, $0xb8;
	[tilespmem:$0x1C880] =	vst v63  }
0x68a: {  	s1 =	simm.s32 @p3 $0xE080  }
0x68b: {  	[hbm4b:s16+s0] =	stream.indirect_vreg.scatter @p3 [tilespmem:s1], [sflag:$0x8], $0x80, v3, vm6, $0xb8;
	[tilespmem:$0x1C880] =	vst v63  }
0x68c: {  	s1 =	simm.s32 @p3 $0xE880  }
0x68d: {  	[hbm4b:s3+s0] =	stream.indirect_vreg.scatter @p3 [tilespmem:s1], [sflag:$0x8], $0x80, v2, vm6, $0xb8;
	[tilespmem:$0x1C880] =	vst v63  }
0x68e: {  	s1 =	simm.s32 @p3 $0xF080  }
0x68f: {  	[hbm4b:s14+s0] =	stream.indirect_vreg.scatter @p3 [tilespmem:s1], [sflag:$0x8], $0x80, v2, vm6, $0xb8;
	[tilespmem:$0x1C880] =	vst v63  }
0x690: {  	s1 =	simm.s32 @p3 $0xF880  }
0x691: {  	[hbm4b:s15+s0] =	stream.indirect_vreg.scatter @p3 [tilespmem:s1], [sflag:$0x8], $0x80, v2, vm6, $0xb8;
	[tilespmem:$0x1C880] =	vst v63  }
0x692: {  	s1 =	simm.s32 @p3 $0x10080  }
0x693: {  	[hbm4b:s16+s0] =	stream.indirect_vreg.scatter @p3 [tilespmem:s1], [sflag:$0x8], $0x80, v2, vm6, $0xb8;
	[tilespmem:$0x1C880] =	vst v63  }
0x694: {  	v2 =	vld @p6 [tilespmem:$0x300];
	_ =	sdelay $0x4  }
0x695: {  	v3 =	vshll.u32 @p6 v2, $0x3  }
0x696: {  	v4 =	vlaneseq.u32 @p6;
	v2 =	vand.u32 @p6 $0x7, v2;
	v3 =	vand.u32 @p6 $0xFFFFFFC0, v3  }
0x697: {  	v5 =	vshrl.u32 @p6 v4, $0x3;
	v2 =	vor.u32 @p6 v2, v3;
	v3 =	vand.u32 @p6 $0x7, v4  }
0x698: {  	v5 =	vmul.u32 @p6 $0x8, v5;
	v6 =	vperm.xlane @p6 v2, v3;
	_ =	sdelay $0x1  }
0x699: {  	v6 =	vadd.s32 @p6 v5, v6;
	_ =	sdelay $0x3  }
0x69a: {  	vm6 =	vmmov @p6 $0xffff;
	s0 =	simm.s32 @p6 $0x0;
	s1 =	simm.s32 @p6 $0x8880  }
0x69b: {  	v4 =	vor.u32 @p6 $0x8, v4;
	[hbm4b:s3+s0] =	stream.indirect_vreg.scatter @p6 [tilespmem:s1], [sflag:$0x9], $0x80, v6, vm6, $0xb8;
	[tilespmem:$0x1C880] =	vst v63  }
0x69c: {  	v2 =	vperm.xlane @p6 v2, v4;
	s1 =	simm.s32 @p6 $0x9080  }
0x69d: {  	[hbm4b:s14+s0] =	stream.indirect_vreg.scatter @p6 [tilespmem:s1], [sflag:$0x9], $0x80, v6, vm6, $0xb8;
	[tilespmem:$0x1C880] =	vst v63  }
0x69e: {  	v2 =	vadd.s32 @p6 v5, v2;
	s1 =	simm.s32 @p6 $0x9880  }
0x69f: {  	[hbm4b:s15+s0] =	stream.indirect_vreg.scatter @p6 [tilespmem:s1], [sflag:$0x9], $0x80, v6, vm6, $0xb8;
	[tilespmem:$0x1C880] =	vst v63  }
0x6a0: {  	s1 =	simm.s32 @p6 $0xA080  }
0x6a1: {  	[hbm4b:s16+s0] =	stream.indirect_vreg.scatter @p6 [tilespmem:s1], [sflag:$0x9], $0x80, v6, vm6, $0xb8;
	[tilespmem:$0x1C880] =	vst v63  }
0x6a2: {  	s1 =	simm.s32 @p6 $0xA880  }
0x6a3: {  	[hbm4b:s3+s0] =	stream.indirect_vreg.scatter @p6 [tilespmem:s1], [sflag:$0x9], $0x80, v2, vm6, $0xb8;
	[tilespmem:$0x1C880] =	vst v63  }
0x6a4: {  	s1 =	simm.s32 @p6 $0xB080  }
0x6a5: {  	[hbm4b:s14+s0] =	stream.indirect_vreg.scatter @p6 [tilespmem:s1], [sflag:$0x9], $0x80, v2, vm6, $0xb8;
	[tilespmem:$0x1C880] =	vst v63  }
0x6a6: {  	s1 =	simm.s32 @p6 $0xB880  }
0x6a7: {  	[hbm4b:s15+s0] =	stream.indirect_vreg.scatter @p6 [tilespmem:s1], [sflag:$0x9], $0x80, v2, vm6, $0xb8;
	[tilespmem:$0x1C880] =	vst v63  }
0x6a8: {  	s1 =	simm.s32 @p6 $0xC080  }
0x6a9: {  	[hbm4b:s16+s0] =	stream.indirect_vreg.scatter @p6 [tilespmem:s1], [sflag:$0x9], $0x80, v2, vm6, $0xb8;
	[tilespmem:$0x1C880] =	vst v63  }
0x6aa: {  	v2 =	vld @p6 [tilespmem:$0x310];
	_ =	sdelay $0x4  }
0x6ab: {  	v6 =	vshll.u32 @p6 v2, $0x3  }
0x6ac: {  	v2 =	vand.u32 @p6 $0x7, v2;
	v6 =	vand.u32 @p6 $0xFFFFFFC0, v6  }
0x6ad: {  	v2 =	vor.u32 @p6 v2, v6  }
0x6ae: {  	v3 =	vperm.xlane @p6 v2, v3;
	_ =	sdelay $0x1  }
0x6af: {  	v3 =	vadd.s32 @p6 v5, v3;
	_ =	sdelay $0x3  }
0x6b0: {  	s1 =	simm.s32 @p6 $0xC880  }
0x6b1: {  	[hbm4b:s3+s0] =	stream.indirect_vreg.scatter @p6 [tilespmem:s1], [sflag:$0x9], $0x80, v3, vm6, $0xb8;
	[tilespmem:$0x1C880] =	vst v63  }
0x6b2: {  	v2 =	vperm.xlane @p6 v2, v4;
	s1 =	simm.s32 @p6 $0xD080  }
0x6b3: {  	[hbm4b:s14+s0] =	stream.indirect_vreg.scatter @p6 [tilespmem:s1], [sflag:$0x9], $0x80, v3, vm6, $0xb8;
	[tilespmem:$0x1C880] =	vst v63  }
0x6b4: {  	v2 =	vadd.s32 @p6 v5, v2;
	s1 =	simm.s32 @p6 $0xD880  }
0x6b5: {  	[hbm4b:s15+s0] =	stream.indirect_vreg.scatter @p6 [tilespmem:s1], [sflag:$0x9], $0x80, v3, vm6, $0xb8;
	[tilespmem:$0x1C880] =	vst v63  }
0x6b6: {  	s1 =	simm.s32 @p6 $0xE080  }
0x6b7: {  	[hbm4b:s16+s0] =	stream.indirect_vreg.scatter @p6 [tilespmem:s1], [sflag:$0x9], $0x80, v3, vm6, $0xb8;
	[tilespmem:$0x1C880] =	vst v63  }
0x6b8: {  	s1 =	simm.s32 @p6 $0xE880  }
0x6b9: {  	[hbm4b:s3+s0] =	stream.indirect_vreg.scatter @p6 [tilespmem:s1], [sflag:$0x9], $0x80, v2, vm6, $0xb8;
	[tilespmem:$0x1C880] =	vst v63  }
0x6ba: {  	s1 =	simm.s32 @p6 $0xF080  }
0x6bb: {  	[hbm4b:s14+s0] =	stream.indirect_vreg.scatter @p6 [tilespmem:s1], [sflag:$0x9], $0x80, v2, vm6, $0xb8;
	[tilespmem:$0x1C880] =	vst v63  }
0x6bc: {  	s1 =	simm.s32 @p6 $0xF880  }
0x6bd: {  	[hbm4b:s15+s0] =	stream.indirect_vreg.scatter @p6 [tilespmem:s1], [sflag:$0x9], $0x80, v2, vm6, $0xb8;
	[tilespmem:$0x1C880] =	vst v63  }
0x6be: {  	s1 =	simm.s32 @p6 $0x10080  }
0x6bf: {  	[hbm4b:s16+s0] =	stream.indirect_vreg.scatter @p6 [tilespmem:s1], [sflag:$0x9], $0x80, v2, vm6, $0xb8;
	[tilespmem:$0x1C880] =	vst v63  }
0x6c0: {  	v2 =	vld @p4 [tilespmem:$0x380];
	_ =	sdelay $0x4  }
0x6c1: {  	v3 =	vshll.u32 @p4 v2, $0x3  }
0x6c2: {  	v4 =	vlaneseq.u32 @p4;
	v2 =	vand.u32 @p4 $0x7, v2;
	v3 =	vand.u32 @p4 $0xFFFFFFC0, v3  }
0x6c3: {  	v5 =	vshrl.u32 @p4 v4, $0x3;
	v2 =	vor.u32 @p4 v2, v3;
	v3 =	vand.u32 @p4 $0x7, v4  }
0x6c4: {  	v5 =	vmul.u32 @p4 $0x8, v5;
	v6 =	vperm.xlane @p4 v2, v3;
	_ =	sdelay $0x1  }
0x6c5: {  	v6 =	vadd.s32 @p4 v5, v6;
	_ =	sdelay $0x3  }
0x6c6: {  	vm6 =	vmmov @p4 $0xffff;
	s0 =	simm.s32 @p4 $0x0;
	s1 =	simm.s32 @p4 $0x8880  }
0x6c7: {  	v4 =	vor.u32 @p4 $0x8, v4;
	[hbm4b:s3+s0] =	stream.indirect_vreg.scatter @p4 [tilespmem:s1], [sflag:$0xA], $0x80, v6, vm6, $0xb8;
	[tilespmem:$0x1C880] =	vst v63  }
0x6c8: {  	v2 =	vperm.xlane @p4 v2, v4;
	s1 =	simm.s32 @p4 $0x9080  }
0x6c9: {  	[hbm4b:s14+s0] =	stream.indirect_vreg.scatter @p4 [tilespmem:s1], [sflag:$0xA], $0x80, v6, vm6, $0xb8;
	[tilespmem:$0x1C880] =	vst v63  }
0x6ca: {  	v2 =	vadd.s32 @p4 v5, v2;
	s1 =	simm.s32 @p4 $0x9880  }
0x6cb: {  	[hbm4b:s15+s0] =	stream.indirect_vreg.scatter @p4 [tilespmem:s1], [sflag:$0xA], $0x80, v6, vm6, $0xb8;
	[tilespmem:$0x1C880] =	vst v63  }
0x6cc: {  	s1 =	simm.s32 @p4 $0xA080  }
0x6cd: {  	[hbm4b:s16+s0] =	stream.indirect_vreg.scatter @p4 [tilespmem:s1], [sflag:$0xA], $0x80, v6, vm6, $0xb8;
	[tilespmem:$0x1C880] =	vst v63  }
0x6ce: {  	s1 =	simm.s32 @p4 $0xA880  }
0x6cf: {  	[hbm4b:s3+s0] =	stream.indirect_vreg.scatter @p4 [tilespmem:s1], [sflag:$0xA], $0x80, v2, vm6, $0xb8;
	[tilespmem:$0x1C880] =	vst v63  }
0x6d0: {  	s1 =	simm.s32 @p4 $0xB080  }
0x6d1: {  	[hbm4b:s14+s0] =	stream.indirect_vreg.scatter @p4 [tilespmem:s1], [sflag:$0xA], $0x80, v2, vm6, $0xb8;
	[tilespmem:$0x1C880] =	vst v63  }
0x6d2: {  	s1 =	simm.s32 @p4 $0xB880  }
0x6d3: {  	[hbm4b:s15+s0] =	stream.indirect_vreg.scatter @p4 [tilespmem:s1], [sflag:$0xA], $0x80, v2, vm6, $0xb8;
	[tilespmem:$0x1C880] =	vst v63  }
0x6d4: {  	s1 =	simm.s32 @p4 $0xC080  }
0x6d5: {  	[hbm4b:s16+s0] =	stream.indirect_vreg.scatter @p4 [tilespmem:s1], [sflag:$0xA], $0x80, v2, vm6, $0xb8;
	[tilespmem:$0x1C880] =	vst v63  }
0x6d6: {  	v2 =	vld @p4 [tilespmem:$0x390];
	_ =	sdelay $0x4  }
0x6d7: {  	v6 =	vshll.u32 @p4 v2, $0x3  }
0x6d8: {  	v2 =	vand.u32 @p4 $0x7, v2;
	v6 =	vand.u32 @p4 $0xFFFFFFC0, v6  }
0x6d9: {  	v2 =	vor.u32 @p4 v2, v6  }
0x6da: {  	v3 =	vperm.xlane @p4 v2, v3;
	_ =	sdelay $0x1  }
0x6db: {  	v3 =	vadd.s32 @p4 v5, v3;
	_ =	sdelay $0x3  }
0x6dc: {  	s1 =	simm.s32 @p4 $0xC880  }
0x6dd: {  	[hbm4b:s3+s0] =	stream.indirect_vreg.scatter @p4 [tilespmem:s1], [sflag:$0xA], $0x80, v3, vm6, $0xb8;
	[tilespmem:$0x1C880] =	vst v63  }
0x6de: {  	v2 =	vperm.xlane @p4 v2, v4;
	s1 =	simm.s32 @p4 $0xD080  }
0x6df: {  	[hbm4b:s14+s0] =	stream.indirect_vreg.scatter @p4 [tilespmem:s1], [sflag:$0xA], $0x80, v3, vm6, $0xb8;
	[tilespmem:$0x1C880] =	vst v63  }
0x6e0: {  	v2 =	vadd.s32 @p4 v5, v2;
	s1 =	simm.s32 @p4 $0xD880  }
0x6e1: {  	[hbm4b:s15+s0] =	stream.indirect_vreg.scatter @p4 [tilespmem:s1], [sflag:$0xA], $0x80, v3, vm6, $0xb8;
	[tilespmem:$0x1C880] =	vst v63  }
0x6e2: {  	s1 =	simm.s32 @p4 $0xE080  }
0x6e3: {  	[hbm4b:s16+s0] =	stream.indirect_vreg.scatter @p4 [tilespmem:s1], [sflag:$0xA], $0x80, v3, vm6, $0xb8;
	[tilespmem:$0x1C880] =	vst v63  }
0x6e4: {  	s1 =	simm.s32 @p4 $0xE880  }
0x6e5: {  	[hbm4b:s3+s0] =	stream.indirect_vreg.scatter @p4 [tilespmem:s1], [sflag:$0xA], $0x80, v2, vm6, $0xb8;
	[tilespmem:$0x1C880] =	vst v63  }
0x6e6: {  	s1 =	simm.s32 @p4 $0xF080  }
0x6e7: {  	[hbm4b:s14+s0] =	stream.indirect_vreg.scatter @p4 [tilespmem:s1], [sflag:$0xA], $0x80, v2, vm6, $0xb8;
	[tilespmem:$0x1C880] =	vst v63  }
0x6e8: {  	s1 =	simm.s32 @p4 $0xF880  }
0x6e9: {  	[hbm4b:s15+s0] =	stream.indirect_vreg.scatter @p4 [tilespmem:s1], [sflag:$0xA], $0x80, v2, vm6, $0xb8;
	[tilespmem:$0x1C880] =	vst v63  }
0x6ea: {  	s1 =	simm.s32 @p4 $0x10080  }
0x6eb: {  	[hbm4b:s16+s0] =	stream.indirect_vreg.scatter @p4 [tilespmem:s1], [sflag:$0xA], $0x80, v2, vm6, $0xb8;
	[tilespmem:$0x1C880] =	vst v63  }
0x6ec: {  	v2 =	vld @p2 [tilespmem:$0x400];
	_ =	sdelay $0x4  }
0x6ed: {  	v3 =	vshll.u32 @p2 v2, $0x3  }
0x6ee: {  	v4 =	vlaneseq.u32 @p2;
	v2 =	vand.u32 @p2 $0x7, v2;
	v3 =	vand.u32 @p2 $0xFFFFFFC0, v3  }
0x6ef: {  	v5 =	vshrl.u32 @p2 v4, $0x3;
	v2 =	vor.u32 @p2 v2, v3;
	v3 =	vand.u32 @p2 $0x7, v4  }
0x6f0: {  	v5 =	vmul.u32 @p2 $0x8, v5;
	v6 =	vperm.xlane @p2 v2, v3;
	_ =	sdelay $0x1  }
0x6f1: {  	v6 =	vadd.s32 @p2 v5, v6;
	_ =	sdelay $0x3  }
0x6f2: {  	vm6 =	vmmov @p2 $0xffff;
	s0 =	simm.s32 @p2 $0x0;
	s1 =	simm.s32 @p2 $0x8880  }
0x6f3: {  	v4 =	vor.u32 @p2 $0x8, v4;
	[hbm4b:s3+s0] =	stream.indirect_vreg.scatter @p2 [tilespmem:s1], [sflag:$0xB], $0x80, v6, vm6, $0xb8;
	[tilespmem:$0x1C880] =	vst v63  }
0x6f4: {  	v2 =	vperm.xlane @p2 v2, v4;
	s1 =	simm.s32 @p2 $0x9080  }
0x6f5: {  	[hbm4b:s14+s0] =	stream.indirect_vreg.scatter @p2 [tilespmem:s1], [sflag:$0xB], $0x80, v6, vm6, $0xb8;
	[tilespmem:$0x1C880] =	vst v63  }
0x6f6: {  	v2 =	vadd.s32 @p2 v5, v2;
	s1 =	simm.s32 @p2 $0x9880  }
0x6f7: {  	[hbm4b:s15+s0] =	stream.indirect_vreg.scatter @p2 [tilespmem:s1], [sflag:$0xB], $0x80, v6, vm6, $0xb8;
	[tilespmem:$0x1C880] =	vst v63  }
0x6f8: {  	s1 =	simm.s32 @p2 $0xA080  }
0x6f9: {  	[hbm4b:s16+s0] =	stream.indirect_vreg.scatter @p2 [tilespmem:s1], [sflag:$0xB], $0x80, v6, vm6, $0xb8;
	[tilespmem:$0x1C880] =	vst v63  }
0x6fa: {  	s1 =	simm.s32 @p2 $0xA880  }
0x6fb: {  	[hbm4b:s3+s0] =	stream.indirect_vreg.scatter @p2 [tilespmem:s1], [sflag:$0xB], $0x80, v2, vm6, $0xb8;
	[tilespmem:$0x1C880] =	vst v63  }
0x6fc: {  	s1 =	simm.s32 @p2 $0xB080  }
0x6fd: {  	[hbm4b:s14+s0] =	stream.indirect_vreg.scatter @p2 [tilespmem:s1], [sflag:$0xB], $0x80, v2, vm6, $0xb8;
	[tilespmem:$0x1C880] =	vst v63  }
0x6fe: {  	s1 =	simm.s32 @p2 $0xB880  }
0x6ff: {  	[hbm4b:s15+s0] =	stream.indirect_vreg.scatter @p2 [tilespmem:s1], [sflag:$0xB], $0x80, v2, vm6, $0xb8;
	[tilespmem:$0x1C880] =	vst v63  }
0x700: {  	s1 =	simm.s32 @p2 $0xC080  }
0x701: {  	[hbm4b:s16+s0] =	stream.indirect_vreg.scatter @p2 [tilespmem:s1], [sflag:$0xB], $0x80, v2, vm6, $0xb8;
	[tilespmem:$0x1C880] =	vst v63  }
0x702: {  	v2 =	vld @p2 [tilespmem:$0x410];
	_ =	sdelay $0x4  }
0x703: {  	v6 =	vshll.u32 @p2 v2, $0x3  }
0x704: {  	v2 =	vand.u32 @p2 $0x7, v2;
	v6 =	vand.u32 @p2 $0xFFFFFFC0, v6  }
0x705: {  	v2 =	vor.u32 @p2 v2, v6  }
0x706: {  	v3 =	vperm.xlane @p2 v2, v3;
	_ =	sdelay $0x1  }
0x707: {  	v3 =	vadd.s32 @p2 v5, v3;
	_ =	sdelay $0x3  }
0x708: {  	s1 =	simm.s32 @p2 $0xC880  }
0x709: {  	[hbm4b:s3+s0] =	stream.indirect_vreg.scatter @p2 [tilespmem:s1], [sflag:$0xB], $0x80, v3, vm6, $0xb8;
	[tilespmem:$0x1C880] =	vst v63  }
0x70a: {  	v2 =	vperm.xlane @p2 v2, v4;
	s1 =	simm.s32 @p2 $0xD080  }
0x70b: {  	[hbm4b:s14+s0] =	stream.indirect_vreg.scatter @p2 [tilespmem:s1], [sflag:$0xB], $0x80, v3, vm6, $0xb8;
	[tilespmem:$0x1C880] =	vst v63  }
0x70c: {  	v2 =	vadd.s32 @p2 v5, v2;
	s1 =	simm.s32 @p2 $0xD880  }
0x70d: {  	[hbm4b:s15+s0] =	stream.indirect_vreg.scatter @p2 [tilespmem:s1], [sflag:$0xB], $0x80, v3, vm6, $0xb8;
	[tilespmem:$0x1C880] =	vst v63  }
0x70e: {  	s1 =	simm.s32 @p2 $0xE080  }
0x70f: {  	[hbm4b:s16+s0] =	stream.indirect_vreg.scatter @p2 [tilespmem:s1], [sflag:$0xB], $0x80, v3, vm6, $0xb8;
	[tilespmem:$0x1C880] =	vst v63  }
0x710: {  	s1 =	simm.s32 @p2 $0xE880  }
0x711: {  	[hbm4b:s3+s0] =	stream.indirect_vreg.scatter @p2 [tilespmem:s1], [sflag:$0xB], $0x80, v2, vm6, $0xb8;
	[tilespmem:$0x1C880] =	vst v63  }
0x712: {  	s1 =	simm.s32 @p2 $0xF080  }
0x713: {  	[hbm4b:s14+s0] =	stream.indirect_vreg.scatter @p2 [tilespmem:s1], [sflag:$0xB], $0x80, v2, vm6, $0xb8;
	[tilespmem:$0x1C880] =	vst v63  }
.Ltmp15:
0x714: {  	_ = 	snop;
	(pc) =	sbr.rel .LBB2_22-.Ltmp15, $4  }
0x715: {  	s1 =	simm.s32 @p2 $0xF880  }
0x716: {  	[hbm4b:s15+s0] =	stream.indirect_vreg.scatter @p2 [tilespmem:s1], [sflag:$0xB], $0x80, v2, vm6, $0xb8;
	[tilespmem:$0x1C880] =	vst v63  }
0x717: {  	s1 =	simm.s32 @p2 $0x10080  }
0x718: {  	[hbm4b:s16+s0] =	stream.indirect_vreg.scatter @p2 [tilespmem:s1], [sflag:$0xB], $0x80, v2, vm6, $0xb8;
	[tilespmem:$0x1C880] =	vst v63  }
.LBB2_23:
0x719: {  	_ =	sfence.sel $0x180000  }
0x71a: {  	[bflag:$0x0] =	sbarrier.arrive $0xFFFF  }
0x71b: {  	_ =	strace $0x90000047  }
0x71c: {  	s0 =	stileid.u32;
	[bflag:$0x2] =	sbarrier.arrive $0xFFFF  }
0x71d: {  	p0 =	sne.s32 s0, $0x0;
	s0 =	rddreg [dreg:$0x3]  }
0x71e: {  	s0 =	sadd.s32 @!p0 $0x100000, s0  }
0x71f: {  	[sflag:s0] =	ssyncadd.tile.s32 @!p0 $0x1;
	_ =	shalt  }
.Lfunc_end2:
_tile_overlayer_lowered:
.L_overlay_start_2:
0x720: {  	(tag) =	ssettag $0x2  }
0x721: {  	s0 =	rddreg [dreg:$0x0];
	s2 =	stileid.u32  }
0x722: {  	s1 =	rddreg [dreg:$0x1];
	p0 =	sne.s32 s2, $0x0  }
0x723: {  	s3 =	rddreg [dreg:$0x2];
	[bflag:$0x3] =	sbarrier.arrive $0xFFFF;
	s2 =	simm.s32 @!p0 $0x1C12  }
0x724: {  	[timem:s3], [sflag:s2] =	dma.local @!p0 [hbm:s0], s1  }
0x725: {  	s0 =	simm.s32 @!p0 $0x12  }
0x726: {  	_ =	swait.ge @!p0 [sflag:s0], s1  }
0x727: {  	s1 =	ssub.s32 @!p0 $0x0, s1;
	[sflag:s0] =	ssyncset.done @!p0 $0x0  }
0x728: {  	[sflag:s0] =	ssyncadd.s32 @!p0 s1  }
0x729: {  	[bflag:$0x3] =	sbarrier.arrive $0xFFFF  }
0x72a: {  	_ =	shalt  }

</sc_bundles>
